<compile_context>
chip_gen: v7x
topology: tpu7x:2x2x1
jax: 0.10.2.dev20260603
libtpu: 0.0.44.dev20260713+nightly
codegen_flags: <defaults>
</compile_context>

<pallas_src>
import functools

import jax
import jax.numpy as jnp
from jax import lax
from jax.experimental import pallas as pl
from jax.experimental.pallas import tpu as pltpu
from jax.experimental.pallas import tpu_sc as plsc

NC = 2
NS = 16

_MESH = plsc.VectorSubcoreMesh(
    core_axis_name="c", subcore_axis_name="s", num_cores=NC, num_subcores=NS)

_DOT = functools.partial(jnp.dot, preferred_element_type=jnp.float32)
_DOTX = functools.partial(
    jnp.dot, preferred_element_type=jnp.float32,
    precision=jax.lax.Precision.HIGHEST)



def _sc_degree(dst, zeros_n):
  e = dst.shape[0]
  n = zeros_n.shape[0]
  per_w = e // (NC * NS)
  chunk = 80
  nch = per_w // chunk
  assert per_w % chunk == 0 and per_w % 8 == 0

  assert nch % 2 == 1

  @functools.partial(
      pl.kernel,
      out_type=[jax.ShapeDtypeStruct((n,), jnp.float32),
                jax.ShapeDtypeStruct((n,), jnp.float32)],
      mesh=_MESH,
      scratch_types=[
          pltpu.VMEM((chunk,), jnp.int32),
          pltpu.VMEM((chunk,), jnp.int32),
          pltpu.VMEM((chunk,), jnp.float32),
          pltpu.VMEM_SHARED((n,), jnp.float32),
          pltpu.SemaphoreType.DMA,
          pltpu.SemaphoreType.DMA,
      ],
  )
  def deg_kernel(dst_hbm, z_hbm, out0_hbm, out1_hbm, ia_v, ib_v, ones_v,
                 acc_sh, sema, semb):
    c = lax.axis_index("c")
    s = lax.axis_index("s")
    for j in range(chunk // 16):
      ones_v[pl.ds(j * 16, 16)] = jnp.full((16,), 1.0, jnp.float32)

    @pl.when(s == 0)
    def _():
      pltpu.sync_copy(z_hbm, acc_sh)
    plsc.subcore_barrier()

    wbase = (c * NS + s) * per_w
    pltpu.sync_copy(dst_hbm.at[pl.ds(pl.multiple_of(wbase, 8), chunk)], ia_v)
    pltpu.sync_copy(ones_v, acc_sh.at[ia_v], add=True)
    pltpu.async_copy(dst_hbm.at[pl.ds(pl.multiple_of(wbase + chunk, 8), chunk)],
                     ia_v, sema)

    def body(k, carry):
      j = 1 + 2 * k
      ba = pl.multiple_of(wbase + j * chunk, 8)
      bb = pl.multiple_of(wbase + (j + 1) * chunk, 8)
      bn2 = pl.multiple_of(wbase + (j + 2) * chunk, 8)
      pltpu.make_async_copy(dst_hbm.at[pl.ds(ba, chunk)], ia_v, sema).wait()
      pltpu.async_copy(dst_hbm.at[pl.ds(bb, chunk)], ib_v, semb)
      pltpu.sync_copy(ones_v, acc_sh.at[ia_v], add=True)
      pltpu.make_async_copy(dst_hbm.at[pl.ds(bb, chunk)], ib_v, semb).wait()

      @pl.when(k < (nch - 1) // 2 - 1)
      def _():
        pltpu.async_copy(dst_hbm.at[pl.ds(bn2, chunk)], ia_v, sema)
      pltpu.sync_copy(ones_v, acc_sh.at[ib_v], add=True)
      return carry

    lax.fori_loop(0, (nch - 1) // 2, body, 0)
    plsc.subcore_barrier()

    @pl.when((s == 0) & (c == 0))
    def _():
      pltpu.sync_copy(acc_sh, out0_hbm)

    @pl.when((s == 0) & (c == 1))
    def _():
      pltpu.sync_copy(acc_sh, out1_hbm)

  return deg_kernel(dst, zeros_n)


def _sc_agg(y, src, dst, zeros_nh):
  n, h = y.shape
  nrow, _, chunk = src.shape
  per_w = nrow // (NC * NS)
  assert per_w % 2 == 0
  nh = per_w // 2
  rows_pt = n // NS

  @functools.partial(
      pl.kernel,
      out_type=[jax.ShapeDtypeStruct((n, h), jnp.float32),
                jax.ShapeDtypeStruct((n, h), jnp.float32)],
      mesh=_MESH,
      scratch_types=[
          pltpu.VMEM((4, 1, chunk), jnp.int32),
          pltpu.VMEM((4, 1, chunk), jnp.int32),
          pltpu.VMEM((chunk, h), jnp.float32),
          pltpu.VMEM((chunk, h), jnp.float32),
          pltpu.VMEM_SHARED((n, h), jnp.float32),
          pltpu.SemaphoreType.DMA,
          pltpu.SemaphoreType.DMA,
          pltpu.SemaphoreType.DMA,
          pltpu.SemaphoreType.DMA,
          pltpu.SemaphoreType.DMA,
      ],
  )
  def agg_kernel(y_hbm, src_hbm, dst_hbm, z_hbm, out0_hbm, out1_hbm,
                 si_v, di_v, rows0_v, rows1_v, acc_sh, sem0, sem1, semi,
                 sems0, sems1):
    c = lax.axis_index("c")
    s = lax.axis_index("s")
    rw = (rows_pt // 8 + 1) * 8
    r0 = pl.multiple_of(s * rows_pt // 8 * 8, 8)
    pltpu.sync_copy(z_hbm.at[pl.ds(r0, rw)], acc_sh.at[pl.ds(r0, rw)])

    wr = (c * NS + s) * per_w
    pltpu.sync_copy(src_hbm.at[pl.ds(wr, 2)], si_v.at[pl.ds(0, 2)])
    pltpu.sync_copy(dst_hbm.at[pl.ds(wr, 2)], di_v.at[pl.ds(0, 2)])
    plsc.subcore_barrier()

    pltpu.async_copy(y_hbm.at[si_v.at[0, 0]], rows0_v, sem0)

    def body(k, carry):
      j = 2 * k
      s0 = j % 4
      s1 = (j + 1) % 4
      sp = (j + 2) % 4

      @pl.when(k > 0)
      def _():
        pltpu.make_async_copy(rows1_v, acc_sh.at[di_v.at[s1, 0]],
                              sems1).wait()

      pltpu.make_async_copy(y_hbm.at[si_v.at[s0, 0]], rows0_v, sem0).wait()
      pltpu.async_copy(y_hbm.at[si_v.at[s1, 0]], rows1_v, sem1)

      @pl.when(k < nh - 1)
      def _():
        pltpu.async_copy(src_hbm.at[pl.ds(wr + j + 2, 2)],
                         si_v.at[pl.ds(sp, 2)], semi)
        pltpu.async_copy(dst_hbm.at[pl.ds(wr + j + 2, 2)],
                         di_v.at[pl.ds(sp, 2)], semi)

      pltpu.async_copy(rows0_v, acc_sh.at[di_v.at[s0, 0]], sems0, add=True)
      pltpu.make_async_copy(y_hbm.at[si_v.at[s1, 0]], rows1_v, sem1).wait()

      @pl.when(k < nh - 1)
      def _():
        pltpu.make_async_copy(src_hbm.at[pl.ds(wr + j + 2, 2)],
                              si_v.at[pl.ds(sp, 2)], semi).wait()
        pltpu.make_async_copy(dst_hbm.at[pl.ds(wr + j + 2, 2)],
                              di_v.at[pl.ds(sp, 2)], semi).wait()

      pltpu.make_async_copy(rows0_v, acc_sh.at[di_v.at[s0, 0]], sems0).wait()

      @pl.when(k < nh - 1)
      def _():
        pltpu.async_copy(y_hbm.at[si_v.at[sp, 0]], rows0_v, sem0)

      pltpu.async_copy(rows1_v, acc_sh.at[di_v.at[s1, 0]], sems1, add=True)
      return carry

    lax.fori_loop(0, nh, body, 0)
    pltpu.make_async_copy(rows1_v, acc_sh.at[di_v.at[1, 0]], sems1).wait()
    plsc.subcore_barrier()

    @pl.when(c == 0)
    def _():
      pltpu.sync_copy(acc_sh.at[pl.ds(r0, rw)], out0_hbm.at[pl.ds(r0, rw)])

    @pl.when(c == 1)
    def _():
      pltpu.sync_copy(acc_sh.at[pl.ds(r0, rw)], out1_hbm.at[pl.ds(r0, rw)])

  return agg_kernel(y, src, dst, zeros_nh)



def _tc_first(x, d0, d1, w1, bat3, bn):
  n, d = x.shape
  h = w1.shape[1]
  g = 64
  nb = n // bn

  def body(x_ref, d0_ref, d1_ref, w_ref, b3_ref, y_ref, dis_ref, cnt_ref):
    i = pl.program_id(0)
    dd = lax.rsqrt(1.0 + d0_ref[0, 0, :] + d1_ref[0, 0, :])[:, None]
    dis_ref[...] = dd
    y_ref[...] = dd * _DOT(x_ref[...], w_ref[...])
    bb = b3_ref[0, 0, :]
    ids = lax.broadcasted_iota(jnp.int32, (g, bn), 0)
    m = (ids == bb[None, :]).astype(jnp.float32)

    @pl.when(i == 0)
    def _():
      cnt_ref[...] = jnp.zeros_like(cnt_ref)
    cnt_ref[...] += jnp.sum(m, axis=1, keepdims=True)

  return pl.pallas_call(
      body,
      grid=(nb,),
      in_specs=[
          pl.BlockSpec((bn, d), lambda i: (i, 0)),
          pl.BlockSpec((1, 1, bn), lambda i: (i, 0, 0)),
          pl.BlockSpec((1, 1, bn), lambda i: (i, 0, 0)),
          pl.BlockSpec((d, h), lambda i: (0, 0)),
          pl.BlockSpec((1, 1, bn), lambda i: (i, 0, 0)),
      ],
      out_specs=[
          pl.BlockSpec((bn, h), lambda i: (i, 0)),
          pl.BlockSpec((bn, 1), lambda i: (i, 0)),
          pl.BlockSpec((g, 1), lambda i: (0, 0)),
      ],
      out_shape=[
          jax.ShapeDtypeStruct((n, h), jnp.float32),
          jax.ShapeDtypeStruct((n, 1), jnp.float32),
          jax.ShapeDtypeStruct((g, 1), jnp.float32),
      ],
  )(x, d0.reshape(nb, 1, bn), d1.reshape(nb, 1, bn), w1, bat3)


def _tc_mid(a0, a1, y, dis, bias, w_next, bat3, bn):
  n, h = y.shape
  g = 64
  nb = n // bn

  def body(a0_ref, a1_ref, y_ref, dis_ref, b_ref, w_ref, b3_ref,
           y2_ref, ps_ref):
    i = pl.program_id(0)
    dd = dis_ref[...]
    hh = jnp.maximum(
        dd * (a0_ref[...] + a1_ref[...] + y_ref[...]) + b_ref[...], 0.0)
    bb = b3_ref[0, 0, :]
    ids = lax.broadcasted_iota(jnp.int32, (g, bn), 0)
    m = (ids == bb[None, :]).astype(jnp.float32)

    @pl.when(i == 0)
    def _():
      ps_ref[...] = jnp.zeros_like(ps_ref)
    ps_ref[...] += _DOTX(m, hh)

    y2_ref[...] = dd * _DOT(hh, w_ref[...])

  return pl.pallas_call(
      body,
      grid=(nb,),
      in_specs=[
          pl.BlockSpec((bn, h), lambda i: (i, 0)),
          pl.BlockSpec((bn, h), lambda i: (i, 0)),
          pl.BlockSpec((bn, h), lambda i: (i, 0)),
          pl.BlockSpec((bn, 1), lambda i: (i, 0)),
          pl.BlockSpec((1, h), lambda i: (0, 0)),
          pl.BlockSpec((h, h), lambda i: (0, 0)),
          pl.BlockSpec((1, 1, bn), lambda i: (i, 0, 0)),
      ],
      out_specs=[
          pl.BlockSpec((bn, h), lambda i: (i, 0)),
          pl.BlockSpec((g, h), lambda i: (0, 0)),
      ],
      out_shape=[
          jax.ShapeDtypeStruct((n, h), jnp.float32),
          jax.ShapeDtypeStruct((g, h), jnp.float32),
      ],
  )(a0, a1, y, dis, bias, w_next, bat3)


def _tc_last_mlp(a0, a1, y, dis, bias, bat3, psums, cnt, l1w, l1b, l2w, l2b,
                 bn):
  n, h = y.shape
  g = 64
  nb = n // bn

  def body(a0_ref, a1_ref, y_ref, dis_ref, b_ref, b3_ref,
           p1_ref, p2_ref, p3_ref, p4_ref, cnt_ref,
           w1_ref, b1_ref, w2_ref, b2_ref, o_ref, ps_ref):
    i = pl.program_id(0)
    hh = jnp.maximum(
        dis_ref[...] * (a0_ref[...] + a1_ref[...] + y_ref[...]) + b_ref[...],
        0.0)
    bb = b3_ref[0, 0, :]
    ids = lax.broadcasted_iota(jnp.int32, (g, bn), 0)
    m = (ids == bb[None, :]).astype(jnp.float32)

    @pl.when(i == 0)
    def _():
      ps_ref[...] = jnp.zeros_like(ps_ref)
    ps_ref[...] += _DOTX(m, hh)

    @pl.when(i == nb - 1)
    def _():
      inv = 1.0 / jnp.maximum(cnt_ref[...], 1.0)
      hcat = jnp.concatenate(
          [p1_ref[...], p2_ref[...], p3_ref[...], p4_ref[...], ps_ref[...]],
          axis=1) * inv
      t = jnp.maximum(_DOT(hcat, w1_ref[...]) + b1_ref[...], 0.0)
      o_ref[...] = _DOT(t, w2_ref[...]) + b2_ref[...]

  return pl.pallas_call(
      body,
      grid=(nb,),
      in_specs=[
          pl.BlockSpec((bn, h), lambda i: (i, 0)),
          pl.BlockSpec((bn, h), lambda i: (i, 0)),
          pl.BlockSpec((bn, h), lambda i: (i, 0)),
          pl.BlockSpec((bn, 1), lambda i: (i, 0)),
          pl.BlockSpec((1, h), lambda i: (0, 0)),
          pl.BlockSpec((1, 1, bn), lambda i: (i, 0, 0)),
          pl.BlockSpec((g, h), lambda i: (0, 0)),
          pl.BlockSpec((g, h), lambda i: (0, 0)),
          pl.BlockSpec((g, h), lambda i: (0, 0)),
          pl.BlockSpec((g, h), lambda i: (0, 0)),
          pl.BlockSpec((g, 1), lambda i: (0, 0)),
          pl.BlockSpec((5 * h, 5 * h), lambda i: (0, 0)),
          pl.BlockSpec((1, 5 * h), lambda i: (0, 0)),
          pl.BlockSpec((5 * h, 1), lambda i: (0, 0)),
          pl.BlockSpec((1, 1), lambda i: (0, 0)),
      ],
      out_specs=pl.BlockSpec((g, 1), lambda i: (0, 0)),
      out_shape=jax.ShapeDtypeStruct((g, 1), jnp.float32),
      scratch_shapes=[pltpu.VMEM((g, h), jnp.float32)],
  )(a0, a1, y, dis, bias, bat3, *psums, cnt, l1w, l1b, l2w, l2b)



def kernel(x, edge_index, batch, W1, b1, W2, b2, W3, b3, W4, b4,
           L1W, L1b, L2W, L2b):
  n, d = x.shape
  h = W1.shape[1]
  bn = 2000
  src = edge_index[0]
  dst = edge_index[1]
  bat3 = batch.reshape(n // bn, 1, bn)
  zeros_n = jnp.zeros((n,), jnp.float32)
  zeros_nh = jnp.zeros((n, h), jnp.float32)
  chunk = 125
  srcm = src.reshape(-1, 1, chunk)
  dstm = dst.reshape(-1, 1, chunk)

  d0, d1 = _sc_degree(dst, zeros_n)
  y, dis, cnt = _tc_first(x, d0, d1, W1, bat3, bn)

  biases = [b1.reshape(1, h), b2.reshape(1, h), b3.reshape(1, h),
            b4.reshape(1, h), b4.reshape(1, h)]
  wnexts = [W2, W3, W4, W4]

  psums = []
  for l in range(4):
    a0, a1 = _sc_agg(y, srcm, dstm, zeros_nh)
    y, ps = _tc_mid(a0, a1, y, dis, biases[l], wnexts[l], bat3, bn)
    psums.append(ps)

  a0, a1 = _sc_agg(y, srcm, dstm, zeros_nh)
  out = _tc_last_mlp(a0, a1, y, dis, biases[4], bat3, psums, cnt,
                     L1W, L1b.reshape(1, -1), L2W, L2b.reshape(1, 1), bn)
  return out.reshape(-1)

# --- scband reference (transcript-rebuilt; emitter-appended) ---
"""Pipeline reference for scband-gcnmodel-51668456571568 (READ-ONLY COPY).

The authoritative reference and input builder live on the scoring server;
editing this copy changes nothing except your own understanding.
"""

import jax, jax.numpy as jnp
import numpy as np

N = 10000
E = 320000
D = 128
H = 128
G = 64

def setup_inputs(seed: int = 0) -> dict:
    key = jax.random.key(seed)
    ks = jax.random.split(key, 16)
    x = jax.random.normal(ks[0], (N, D), dtype=jnp.float32)
    edge_index = jax.random.randint(ks[1], (2, E), 0, N, dtype=jnp.int32)
    batch = jnp.sort(jax.random.randint(ks[2], (N,), 0, G, dtype=jnp.int32))
    s = 0.05
    W1 = jax.random.normal(ks[3], (D, H), dtype=jnp.float32) * s
    b1 = jnp.zeros((H,), dtype=jnp.float32)
    W2 = jax.random.normal(ks[4], (H, H), dtype=jnp.float32) * s
    b2 = jnp.zeros((H,), dtype=jnp.float32)
    W3 = jax.random.normal(ks[5], (H, H), dtype=jnp.float32) * s
    b3 = jnp.zeros((H,), dtype=jnp.float32)
    W4 = jax.random.normal(ks[6], (H, H), dtype=jnp.float32) * s
    b4 = jnp.zeros((H,), dtype=jnp.float32)
    L1W = jax.random.normal(ks[7], (5 * H, 5 * H), dtype=jnp.float32) * s
    L1b = jnp.zeros((5 * H,), dtype=jnp.float32)
    L2W = jax.random.normal(ks[8], (5 * H, 1), dtype=jnp.float32) * s
    L2b = jnp.zeros((1,), dtype=jnp.float32)
    return {"x": x, "edge_index": edge_index, "batch": batch,
            "W1": W1, "b1": b1, "W2": W2, "b2": b2, "W3": W3, "b3": b3,
            "W4": W4, "b4": b4, "L1W": L1W, "L1b": L1b, "L2W": L2W, "L2b": L2b}

def _gcn_conv(x, src, dst, W, b):
    # PyG GCNConv: lin(x) then symmetric-normalized propagation with self-loops, bias after aggregation
    n = x.shape[0]
    loop = jnp.arange(n, dtype=src.dtype)
    s = jnp.concatenate([src, loop])
    d = jnp.concatenate([dst, loop])
    deg = jax.ops.segment_sum(jnp.ones(s.shape[0], dtype=x.dtype), d, num_segments=n)
    dis = jnp.where(deg > 0, jax.lax.rsqrt(jnp.maximum(deg, 1e-12)), 0.0)
    norm = dis[s] * dis[d]
    xw = x @ W
    out = jax.ops.segment_sum(xw[s] * norm[:, None], d, num_segments=n)
    return out + b

def _global_mean_pool(h, batch, num_graphs):
    tot = jax.ops.segment_sum(h, batch, num_segments=num_graphs)
    cnt = jax.ops.segment_sum(jnp.ones(h.shape[0], dtype=h.dtype), batch, num_segments=num_graphs)
    return tot / jnp.maximum(cnt, 1.0)[:, None]

def reference(x, edge_index, batch, W1, b1, W2, b2, W3, b3, W4, b4, L1W, L1b, L2W, L2b):
    src = edge_index[0]
    dst = edge_index[1]
    h1 = jax.nn.relu(_gcn_conv(x, src, dst, W1, b1))
    h2 = jax.nn.relu(_gcn_conv(h1, src, dst, W2, b2))
    h3 = jax.nn.relu(_gcn_conv(h2, src, dst, W3, b3))
    h4 = jax.nn.relu(_gcn_conv(h3, src, dst, W4, b4))
    # NOTE: original code calls self.conv4 again for h5 (conv5 is unused)
    h5 = jax.nn.relu(_gcn_conv(h4, src, dst, W4, b4))
    p1 = _global_mean_pool(h1, batch, G)
    p2 = _global_mean_pool(h2, batch, G)
    p3 = _global_mean_pool(h3, batch, G)
    p4 = _global_mean_pool(h4, batch, G)
    p5 = _global_mean_pool(h5, batch, G)
    h = jnp.concatenate([p1, p2, p3, p4, p5], axis=1)
    h = jax.nn.relu(h @ L1W + L1b)
    # dropout p=0.5 treated as identity (eval mode / deterministic reference)
    h = h @ L2W + L2b
    return h.flatten()

if __name__ == "__main__":
    import jax
    _d = setup_inputs()
    print(jax.jit(kernel)(*tuple(_d.values())))

</pallas_src>

<mosaic_0001>
#map = affine_map<(d0, d1) -> (0, 0)>
#map1 = affine_map<(d0, d1) -> (0, 0, 0)>
module attributes {stable_mosaic.version = 14 : i64} {
  func.func @agg_kernel(%arg0: i32, %arg1: i32, %arg2: memref<10000x128xf32, #tpu.memory_space<hbm>>, %arg3: memref<2560x1x125xi32, #tpu.memory_space<hbm>>, %arg4: memref<2560x1x125xi32, #tpu.memory_space<hbm>>, %arg5: memref<10000x128xf32, #tpu.memory_space<hbm>>, %arg6: memref<10000x128xf32, #tpu.memory_space<hbm>>, %arg7: memref<10000x128xf32, #tpu.memory_space<hbm>>, %arg8: memref<4x1x125xi32, #tpu.memory_space<vmem>>, %arg9: memref<4x1x125xi32, #tpu.memory_space<vmem>>, %arg10: memref<125x128xf32, #tpu.memory_space<vmem>>, %arg11: memref<125x128xf32, #tpu.memory_space<vmem>>, %arg12: memref<10000x128xf32, #tpu.memory_space<vmem_shared>>, %arg13: memref<!tpu.dma_semaphore, #tpu.memory_space<semaphore_mem>>, %arg14: memref<!tpu.dma_semaphore, #tpu.memory_space<semaphore_mem>>, %arg15: memref<!tpu.dma_semaphore, #tpu.memory_space<semaphore_mem>>, %arg16: memref<!tpu.dma_semaphore, #tpu.memory_space<semaphore_mem>>, %arg17: memref<!tpu.dma_semaphore, #tpu.memory_space<semaphore_mem>>) attributes {dimension_semantics = [#tpu.dimension_semantics<core_parallel>, #tpu.dimension_semantics<subcore_parallel>], iteration_bounds = array<i64: 2, 16>, scalar_prefetch = 0 : i64, scratch_operands = 10 : i64, tpu.core_type = #tpu.core_type<sc_vector_subcore>, window_params = [{transform_indices = #map}, {transform_indices = #map1}, {transform_indices = #map1}, {transform_indices = #map}, {transform_indices = #map}, {transform_indices = #map}]} {
    %mul3A = arith.constant 625 : i32
    %mul3A_0 = arith.muli %arg1, %mul3A : i32
    %jit3A = arith.constant 8 : i32
    %div3A = arith.divsi %mul3A_0, %jit3A : i32
    %sign3A = arith.constant 0 : i32
    %sign3A_1 = arith.cmpi sgt, %mul3A_0, %sign3A : i32
    %sign3A_2 = arith.extui %sign3A_1 : i1 to i32
    %sign3A_3 = arith.constant 0 : i32
    %sign3A_4 = arith.cmpi slt, %mul3A_0, %sign3A_3 : i32
    %sign3A_5 = arith.extui %sign3A_4 : i1 to i32
    %sign3A_6 = arith.subi %sign3A_2, %sign3A_5 : i32
    %sign3A_7 = arith.constant 0 : i32
    %sign3A_8 = arith.cmpi sgt, %jit3A, %sign3A_7 : i32
    %sign3A_9 = arith.extui %sign3A_8 : i1 to i32
    %sign3A_10 = arith.constant 0 : i32
    %sign3A_11 = arith.cmpi slt, %jit3A, %sign3A_10 : i32
    %sign3A_12 = arith.extui %sign3A_11 : i1 to i32
    %sign3A_13 = arith.subi %sign3A_9, %sign3A_12 : i32
    %ne3A = arith.cmpi ne, %sign3A_6, %sign3A_13 : i32
    %rem3A = arith.remsi %mul3A_0, %jit3A : i32
    %ne3A_14 = arith.constant 0 : i32
    %ne3A_15 = arith.cmpi ne, %rem3A, %ne3A_14 : i32
    %and3A = arith.andi %ne3A, %ne3A_15 : i1
    %sub3A = arith.constant 1 : i32
    %sub3A_16 = arith.subi %div3A, %sub3A : i32
    %select_n3A = arith.select %and3A, %sub3A_16, %div3A : i32
    %mul3A_17 = arith.constant 8 : i32
    %mul3A_18 = arith.muli %select_n3A, %mul3A_17 : i32
    %multiple_of3A = tpu.assume_multiple %mul3A_18, 8 : i32
    "tpu.region"() ({
      %run_scoped3A = tpu.sem_alloc : memref<!tpu.dma_semaphore, #tpu.memory_space<semaphore_mem>>
      %dma_start3A_50 = arith.constant 0 : i32
      %dma_start3A_51 = tpu.memref_slice %arg12[%multiple_of3A, %dma_start3A_50] : memref<10000x128xf32, #tpu.memory_space<vmem_shared>> -> memref<632x128xf32, #tpu.memory_space<vmem_shared>>
      %dma_start3A_52 = arith.constant 0 : i32
      %dma_start3A_53 = tpu.memref_slice %arg5[%multiple_of3A, %dma_start3A_52] : memref<10000x128xf32, #tpu.memory_space<hbm>> -> memref<632x128xf32, #tpu.memory_space<hbm>>
      tpu.enqueue_dma source(%dma_start3A_53 : memref<632x128xf32, #tpu.memory_space<hbm>>) target(%dma_start3A_51 : memref<632x128xf32, #tpu.memory_space<vmem_shared>>) target_semaphore(%run_scoped3A : memref<!tpu.dma_semaphore, #tpu.memory_space<semaphore_mem>>)
      %dma_wait3A_54 = arith.constant 0 : i32
      %dma_wait3A_55 = tpu.memref_slice %arg12[%multiple_of3A, %dma_wait3A_54] : memref<10000x128xf32, #tpu.memory_space<vmem_shared>> -> memref<632x128xf32, #tpu.memory_space<vmem_shared>>
      %dma_wait3A_56 = arith.constant 0 : i32
      %dma_wait3A_57 = tpu.memref_slice %arg5[%multiple_of3A, %dma_wait3A_56] : memref<10000x128xf32, #tpu.memory_space<hbm>> -> memref<632x128xf32, #tpu.memory_space<hbm>>
      tpu.wait_dma2 semaphore(%run_scoped3A : memref<!tpu.dma_semaphore, #tpu.memory_space<semaphore_mem>>) src(%dma_wait3A_57 : memref<632x128xf32, #tpu.memory_space<hbm>>) dst(%dma_wait3A_55 : memref<632x128xf32, #tpu.memory_space<vmem_shared>>)
      tpu.yield
    }) : () -> ()
    %mul3A_19 = arith.constant 16 : i32
    %mul3A_20 = arith.muli %arg0, %mul3A_19 : i32
    %add3A = arith.addi %mul3A_20, %arg1 : i32
    %mul3A_21 = arith.constant 80 : i32
    %mul3A_22 = arith.muli %add3A, %mul3A_21 : i32
    "tpu.region"() ({
      %run_scoped3A = tpu.sem_alloc : memref<!tpu.dma_semaphore, #tpu.memory_space<semaphore_mem>>
      %dma_start3A_50 = arith.constant 0 : i32
      %dma_start3A_51 = arith.constant 0 : i32
      %dma_start3A_52 = arith.constant 0 : i32
      %dma_start3A_53 = tpu.memref_slice %arg8[%dma_start3A_50, %dma_start3A_51, %dma_start3A_52] : memref<4x1x125xi32, #tpu.memory_space<vmem>> -> memref<2x1x125xi32, #tpu.memory_space<vmem>>
      %dma_start3A_54 = arith.constant 0 : i32
      %dma_start3A_55 = arith.constant 0 : i32
      %dma_start3A_56 = tpu.memref_slice %arg3[%mul3A_22, %dma_start3A_54, %dma_start3A_55] : memref<2560x1x125xi32, #tpu.memory_space<hbm>> -> memref<2x1x125xi32, #tpu.memory_space<hbm>>
      %dma_start3A_57 = arith.constant 0 : i32
      %dma_start3A_58 = arith.constant 0 : i32
      %dma_start3A_59 = arith.constant 0 : i32
      %dma_start3A_60 = tpu.memref_slice %arg8[%dma_start3A_57, %dma_start3A_58, %dma_start3A_59] : memref<4x1x125xi32, #tpu.memory_space<vmem>> -> memref<2x1x125xi32, #tpu.memory_space<vmem>>
      %dma_start3A_61 = arith.constant 0 : i32
      %dma_start3A_62 = arith.constant 0 : i32
      %dma_start3A_63 = tpu.memref_slice %arg3[%mul3A_22, %dma_start3A_61, %dma_start3A_62] : memref<2560x1x125xi32, #tpu.memory_space<hbm>> -> memref<2x1x125xi32, #tpu.memory_space<hbm>>
      tpu.enqueue_dma source(%dma_start3A_63 : memref<2x1x125xi32, #tpu.memory_space<hbm>>) target(%dma_start3A_60 : memref<2x1x125xi32, #tpu.memory_space<vmem>>) target_semaphore(%run_scoped3A : memref<!tpu.dma_semaphore, #tpu.memory_space<semaphore_mem>>)
      %dma_wait3A_64 = arith.constant 0 : i32
      %dma_wait3A_65 = arith.constant 0 : i32
      %dma_wait3A_66 = arith.constant 0 : i32
      %dma_wait3A_67 = tpu.memref_slice %arg8[%dma_wait3A_64, %dma_wait3A_65, %dma_wait3A_66] : memref<4x1x125xi32, #tpu.memory_space<vmem>> -> memref<2x1x125xi32, #tpu.memory_space<vmem>>
      %dma_wait3A_68 = arith.constant 0 : i32
      %dma_wait3A_69 = arith.constant 0 : i32
      %dma_wait3A_70 = tpu.memref_slice %arg3[%mul3A_22, %dma_wait3A_68, %dma_wait3A_69] : memref<2560x1x125xi32, #tpu.memory_space<hbm>> -> memref<2x1x125xi32, #tpu.memory_space<hbm>>
      %dma_wait3A_71 = arith.constant 0 : i32
      %dma_wait3A_72 = arith.constant 0 : i32
      %dma_wait3A_73 = arith.constant 0 : i32
      %dma_wait3A_74 = tpu.memref_slice %arg8[%dma_wait3A_71, %dma_wait3A_72, %dma_wait3A_73] : memref<4x1x125xi32, #tpu.memory_space<vmem>> -> memref<2x1x125xi32, #tpu.memory_space<vmem>>
      %dma_wait3A_75 = arith.constant 0 : i32
      %dma_wait3A_76 = arith.constant 0 : i32
      %dma_wait3A_77 = tpu.memref_slice %arg3[%mul3A_22, %dma_wait3A_75, %dma_wait3A_76] : memref<2560x1x125xi32, #tpu.memory_space<hbm>> -> memref<2x1x125xi32, #tpu.memory_space<hbm>>
      tpu.wait_dma2 semaphore(%run_scoped3A : memref<!tpu.dma_semaphore, #tpu.memory_space<semaphore_mem>>) src(%dma_wait3A_77 : memref<2x1x125xi32, #tpu.memory_space<hbm>>) dst(%dma_wait3A_74 : memref<2x1x125xi32, #tpu.memory_space<vmem>>)
      tpu.yield
    }) : () -> ()
    "tpu.region"() ({
      %run_scoped3A = tpu.sem_alloc : memref<!tpu.dma_semaphore, #tpu.memory_space<semaphore_mem>>
      %dma_start3A_50 = arith.constant 0 : i32
      %dma_start3A_51 = arith.constant 0 : i32
      %dma_start3A_52 = arith.constant 0 : i32
      %dma_start3A_53 = tpu.memref_slice %arg9[%dma_start3A_50, %dma_start3A_51, %dma_start3A_52] : memref<4x1x125xi32, #tpu.memory_space<vmem>> -> memref<2x1x125xi32, #tpu.memory_space<vmem>>
      %dma_start3A_54 = arith.constant 0 : i32
      %dma_start3A_55 = arith.constant 0 : i32
      %dma_start3A_56 = tpu.memref_slice %arg4[%mul3A_22, %dma_start3A_54, %dma_start3A_55] : memref<2560x1x125xi32, #tpu.memory_space<hbm>> -> memref<2x1x125xi32, #tpu.memory_space<hbm>>
      %dma_start3A_57 = arith.constant 0 : i32
      %dma_start3A_58 = arith.constant 0 : i32
      %dma_start3A_59 = arith.constant 0 : i32
      %dma_start3A_60 = tpu.memref_slice %arg9[%dma_start3A_57, %dma_start3A_58, %dma_start3A_59] : memref<4x1x125xi32, #tpu.memory_space<vmem>> -> memref<2x1x125xi32, #tpu.memory_space<vmem>>
      %dma_start3A_61 = arith.constant 0 : i32
      %dma_start3A_62 = arith.constant 0 : i32
      %dma_start3A_63 = tpu.memref_slice %arg4[%mul3A_22, %dma_start3A_61, %dma_start3A_62] : memref<2560x1x125xi32, #tpu.memory_space<hbm>> -> memref<2x1x125xi32, #tpu.memory_space<hbm>>
      tpu.enqueue_dma source(%dma_start3A_63 : memref<2x1x125xi32, #tpu.memory_space<hbm>>) target(%dma_start3A_60 : memref<2x1x125xi32, #tpu.memory_space<vmem>>) target_semaphore(%run_scoped3A : memref<!tpu.dma_semaphore, #tpu.memory_space<semaphore_mem>>)
      %dma_wait3A_64 = arith.constant 0 : i32
      %dma_wait3A_65 = arith.constant 0 : i32
      %dma_wait3A_66 = arith.constant 0 : i32
      %dma_wait3A_67 = tpu.memref_slice %arg9[%dma_wait3A_64, %dma_wait3A_65, %dma_wait3A_66] : memref<4x1x125xi32, #tpu.memory_space<vmem>> -> memref<2x1x125xi32, #tpu.memory_space<vmem>>
      %dma_wait3A_68 = arith.constant 0 : i32
      %dma_wait3A_69 = arith.constant 0 : i32
      %dma_wait3A_70 = tpu.memref_slice %arg4[%mul3A_22, %dma_wait3A_68, %dma_wait3A_69] : memref<2560x1x125xi32, #tpu.memory_space<hbm>> -> memref<2x1x125xi32, #tpu.memory_space<hbm>>
      %dma_wait3A_71 = arith.constant 0 : i32
      %dma_wait3A_72 = arith.constant 0 : i32
      %dma_wait3A_73 = arith.constant 0 : i32
      %dma_wait3A_74 = tpu.memref_slice %arg9[%dma_wait3A_71, %dma_wait3A_72, %dma_wait3A_73] : memref<4x1x125xi32, #tpu.memory_space<vmem>> -> memref<2x1x125xi32, #tpu.memory_space<vmem>>
      %dma_wait3A_75 = arith.constant 0 : i32
      %dma_wait3A_76 = arith.constant 0 : i32
      %dma_wait3A_77 = tpu.memref_slice %arg4[%mul3A_22, %dma_wait3A_75, %dma_wait3A_76] : memref<2560x1x125xi32, #tpu.memory_space<hbm>> -> memref<2x1x125xi32, #tpu.memory_space<hbm>>
      tpu.wait_dma2 semaphore(%run_scoped3A : memref<!tpu.dma_semaphore, #tpu.memory_space<semaphore_mem>>) src(%dma_wait3A_77 : memref<2x1x125xi32, #tpu.memory_space<hbm>>) dst(%dma_wait3A_74 : memref<2x1x125xi32, #tpu.memory_space<vmem>>)
      tpu.yield
    }) : () -> ()
    %barrier3A = arith.constant 0 : index
    tpu.barrier barrier_id(%barrier3A)
    %dma_start3A = arith.constant 0 : i32
    %dma_start3A_23 = arith.constant 0 : i32
    %dma_start3A_24 = arith.constant 0 : i32
    %dma_start3A_25 = tpu.memref_slice %arg8[%dma_start3A, %dma_start3A_23, %dma_start3A_24] : memref<4x1x125xi32, #tpu.memory_space<vmem>> -> memref<1x1x125xi32, #tpu.memory_space<vmem>>
    %dma_start3A_26 = tpu.memref_squeeze %dma_start3A_25 : memref<1x1x125xi32, #tpu.memory_space<vmem>> -> memref<125xi32, #tpu.memory_space<vmem>>
    %dma_start3A_27 = arith.constant 0 : i32
    %dma_start3A_28 = arith.constant 0 : i32
    %dma_start3A_29 = tpu.memref_slice %arg2[%dma_start3A_27, %dma_start3A_28] : memref<10000x128xf32, #tpu.memory_space<hbm>> -> memref<10000x128xf32, #tpu.memory_space<hbm>>
    tpu.enqueue_indirect_dma source(%dma_start3A_29 : memref<10000x128xf32, #tpu.memory_space<hbm>>) target(%arg10 : memref<125x128xf32, #tpu.memory_space<vmem>>) offsets(%dma_start3A_26 : memref<125xi32, #tpu.memory_space<vmem>>) semaphore(%arg13 : memref<!tpu.dma_semaphore, #tpu.memory_space<semaphore_mem>>)
    %scan3A = arith.constant 0 : i32
    %scan3A_30 = arith.constant 0 : i32
    %scan3A_31 = arith.constant 40 : i32
    %scan3A_32 = arith.addi %scan3A_30, %scan3A_31 : i32
    %scan3A_33 = arith.constant 1 : i32
    scf.for %scan3A_50 = %scan3A_30 to %scan3A_32 step %scan3A_33  : i32 {
      %mul3A_51 = arith.constant 2 : i32
      %mul3A_52 = arith.muli %mul3A_51, %scan3A_50 : i32
      %jit3A_53 = arith.constant 4 : i32
      %eq3A_54 = arith.constant 0 : i32
      %eq3A_55 = arith.cmpi eq, %jit3A_53, %eq3A_54 : i32
      %jit3A_56 = arith.constant 1 : i32
      %select_n3A_57 = arith.select %eq3A_55, %jit3A_56, %jit3A_53 : i32
      %rem3A_58 = arith.remsi %mul3A_52, %select_n3A_57 : i32
      %ne3A_59 = arith.constant 0 : i32
      %ne3A_60 = arith.cmpi ne, %rem3A_58, %ne3A_59 : i32
      %lt3A = arith.constant 0 : i32
      %lt3A_61 = arith.cmpi slt, %rem3A_58, %lt3A : i32
      %lt3A_62 = arith.constant 0 : i32
      %lt3A_63 = arith.cmpi slt, %select_n3A_57, %lt3A_62 : i32
      %ne3A_64 = arith.xori %lt3A_61, %lt3A_63 : i1
      %and3A_65 = arith.andi %ne3A_64, %ne3A_60 : i1
      %add3A_66 = arith.addi %rem3A_58, %select_n3A_57 : i32
      %select_n3A_67 = arith.select %and3A_65, %add3A_66, %rem3A_58 : i32
      %add3A_68 = arith.constant 1 : i32
      %add3A_69 = arith.addi %mul3A_52, %add3A_68 : i32
      %jit3A_70 = arith.constant 4 : i32
      %eq3A_71 = arith.constant 0 : i32
      %eq3A_72 = arith.cmpi eq, %jit3A_70, %eq3A_71 : i32
      %jit3A_73 = arith.constant 1 : i32
      %select_n3A_74 = arith.select %eq3A_72, %jit3A_73, %jit3A_70 : i32
      %rem3A_75 = arith.remsi %add3A_69, %select_n3A_74 : i32
      %ne3A_76 = arith.constant 0 : i32
      %ne3A_77 = arith.cmpi ne, %rem3A_75, %ne3A_76 : i32
      %lt3A_78 = arith.constant 0 : i32
      %lt3A_79 = arith.cmpi slt, %rem3A_75, %lt3A_78 : i32
      %lt3A_80 = arith.constant 0 : i32
      %lt3A_81 = arith.cmpi slt, %select_n3A_74, %lt3A_80 : i32
      %ne3A_82 = arith.xori %lt3A_79, %lt3A_81 : i1
      %and3A_83 = arith.andi %ne3A_82, %ne3A_77 : i1
      %add3A_84 = arith.addi %rem3A_75, %select_n3A_74 : i32
      %select_n3A_85 = arith.select %and3A_83, %add3A_84, %rem3A_75 : i32
      %add3A_86 = arith.constant 2 : i32
      %add3A_87 = arith.addi %mul3A_52, %add3A_86 : i32
      %jit3A_88 = arith.constant 4 : i32
      %eq3A_89 = arith.constant 0 : i32
      %eq3A_90 = arith.cmpi eq, %jit3A_88, %eq3A_89 : i32
      %jit3A_91 = arith.constant 1 : i32
      %select_n3A_92 = arith.select %eq3A_90, %jit3A_91, %jit3A_88 : i32
      %rem3A_93 = arith.remsi %add3A_87, %select_n3A_92 : i32
      %ne3A_94 = arith.constant 0 : i32
      %ne3A_95 = arith.cmpi ne, %rem3A_93, %ne3A_94 : i32
      %lt3A_96 = arith.constant 0 : i32
      %lt3A_97 = arith.cmpi slt, %rem3A_93, %lt3A_96 : i32
      %lt3A_98 = arith.constant 0 : i32
      %lt3A_99 = arith.cmpi slt, %select_n3A_92, %lt3A_98 : i32
      %ne3A_100 = arith.xori %lt3A_97, %lt3A_99 : i1
      %and3A_101 = arith.andi %ne3A_100, %ne3A_95 : i1
      %add3A_102 = arith.addi %rem3A_93, %select_n3A_92 : i32
      %select_n3A_103 = arith.select %and3A_101, %add3A_102, %rem3A_93 : i32
      %gt3A = arith.constant 0 : i32
      %gt3A_104 = arith.cmpi sgt, %scan3A_50, %gt3A : i32
      %convert_element_type3A_105 = arith.extui %gt3A_104 : i1 to i32
      %cond3A_106 = arith.constant 0 : i32
      %cond3A_107 = arith.cmpi ne, %convert_element_type3A_105, %cond3A_106 : i32
      scf.if %cond3A_107 {
        %dma_wait3A_165 = arith.constant 0 : i32
        %dma_wait3A_166 = arith.constant 0 : i32
        %dma_wait3A_167 = tpu.memref_slice %arg9[%select_n3A_85, %dma_wait3A_165, %dma_wait3A_166] : memref<4x1x125xi32, #tpu.memory_space<vmem>> -> memref<1x1x125xi32, #tpu.memory_space<vmem>>
        %dma_wait3A_168 = tpu.memref_squeeze %dma_wait3A_167 : memref<1x1x125xi32, #tpu.memory_space<vmem>> -> memref<125xi32, #tpu.memory_space<vmem>>
        %dma_wait3A_169 = arith.constant 0 : i32
        %dma_wait3A_170 = arith.constant 0 : i32
        %dma_wait3A_171 = tpu.memref_slice %arg12[%dma_wait3A_169, %dma_wait3A_170] : memref<10000x128xf32, #tpu.memory_space<vmem_shared>> -> memref<10000x128xf32, #tpu.memory_space<vmem_shared>>
        tpu.wait_indirect_dma semaphore(%arg17 : memref<!tpu.dma_semaphore, #tpu.memory_space<semaphore_mem>>) src(%arg11 : memref<125x128xf32, #tpu.memory_space<vmem>>) dst(%dma_wait3A_171 : memref<10000x128xf32, #tpu.memory_space<vmem_shared>>)
      } else {
      }
      %dma_wait3A_108 = arith.constant 0 : i32
      %dma_wait3A_109 = arith.constant 0 : i32
      %dma_wait3A_110 = tpu.memref_slice %arg8[%select_n3A_67, %dma_wait3A_108, %dma_wait3A_109] : memref<4x1x125xi32, #tpu.memory_space<vmem>> -> memref<1x1x125xi32, #tpu.memory_space<vmem>>
      %dma_wait3A_111 = tpu.memref_squeeze %dma_wait3A_110 : memref<1x1x125xi32, #tpu.memory_space<vmem>> -> memref<125xi32, #tpu.memory_space<vmem>>
      %dma_wait3A_112 = arith.constant 0 : i32
      %dma_wait3A_113 = arith.constant 0 : i32
      %dma_wait3A_114 = tpu.memref_slice %arg2[%dma_wait3A_112, %dma_wait3A_113] : memref<10000x128xf32, #tpu.memory_space<hbm>> -> memref<10000x128xf32, #tpu.memory_space<hbm>>
      tpu.wait_indirect_dma semaphore(%arg13 : memref<!tpu.dma_semaphore, #tpu.memory_space<semaphore_mem>>) src(%dma_wait3A_114 : memref<10000x128xf32, #tpu.memory_space<hbm>>) dst(%arg10 : memref<125x128xf32, #tpu.memory_space<vmem>>)
      %dma_start3A_115 = arith.constant 0 : i32
      %dma_start3A_116 = arith.constant 0 : i32
      %dma_start3A_117 = tpu.memref_slice %arg8[%select_n3A_85, %dma_start3A_115, %dma_start3A_116] : memref<4x1x125xi32, #tpu.memory_space<vmem>> -> memref<1x1x125xi32, #tpu.memory_space<vmem>>
      %dma_start3A_118 = tpu.memref_squeeze %dma_start3A_117 : memref<1x1x125xi32, #tpu.memory_space<vmem>> -> memref<125xi32, #tpu.memory_space<vmem>>
      %dma_start3A_119 = arith.constant 0 : i32
      %dma_start3A_120 = arith.constant 0 : i32
      %dma_start3A_121 = tpu.memref_slice %arg2[%dma_start3A_119, %dma_start3A_120] : memref<10000x128xf32, #tpu.memory_space<hbm>> -> memref<10000x128xf32, #tpu.memory_space<hbm>>
      tpu.enqueue_indirect_dma source(%dma_start3A_121 : memref<10000x128xf32, #tpu.memory_space<hbm>>) target(%arg11 : memref<125x128xf32, #tpu.memory_space<vmem>>) offsets(%dma_start3A_118 : memref<125xi32, #tpu.memory_space<vmem>>) semaphore(%arg14 : memref<!tpu.dma_semaphore, #tpu.memory_space<semaphore_mem>>)
      %lt3A_122 = arith.constant 39 : i32
      %lt3A_123 = arith.cmpi slt, %scan3A_50, %lt3A_122 : i32
      %convert_element_type3A_124 = arith.extui %lt3A_123 : i1 to i32
      %cond3A_125 = arith.constant 0 : i32
      %cond3A_126 = arith.cmpi ne, %convert_element_type3A_124, %cond3A_125 : i32
      scf.if %cond3A_126 {
        %add3A_165 = arith.addi %mul3A_22, %mul3A_52 : i32
        %add3A_166 = arith.constant 2 : i32
        %add3A_167 = arith.addi %add3A_165, %add3A_166 : i32
        %dma_start3A_168 = arith.constant 0 : i32
        %dma_start3A_169 = arith.constant 0 : i32
        %dma_start3A_170 = tpu.memref_slice %arg8[%select_n3A_103, %dma_start3A_168, %dma_start3A_169] : memref<4x1x125xi32, #tpu.memory_space<vmem>> -> memref<2x1x125xi32, #tpu.memory_space<vmem>>
        %dma_start3A_171 = arith.constant 0 : i32
        %dma_start3A_172 = arith.constant 0 : i32
        %dma_start3A_173 = tpu.memref_slice %arg3[%add3A_167, %dma_start3A_171, %dma_start3A_172] : memref<2560x1x125xi32, #tpu.memory_space<hbm>> -> memref<2x1x125xi32, #tpu.memory_space<hbm>>
        %dma_start3A_174 = arith.constant 0 : i32
        %dma_start3A_175 = arith.constant 0 : i32
        %dma_start3A_176 = tpu.memref_slice %arg8[%select_n3A_103, %dma_start3A_174, %dma_start3A_175] : memref<4x1x125xi32, #tpu.memory_space<vmem>> -> memref<2x1x125xi32, #tpu.memory_space<vmem>>
        %dma_start3A_177 = arith.constant 0 : i32
        %dma_start3A_178 = arith.constant 0 : i32
        %dma_start3A_179 = tpu.memref_slice %arg3[%add3A_167, %dma_start3A_177, %dma_start3A_178] : memref<2560x1x125xi32, #tpu.memory_space<hbm>> -> memref<2x1x125xi32, #tpu.memory_space<hbm>>
        tpu.enqueue_dma source(%dma_start3A_179 : memref<2x1x125xi32, #tpu.memory_space<hbm>>) target(%dma_start3A_176 : memref<2x1x125xi32, #tpu.memory_space<vmem>>) target_semaphore(%arg15 : memref<!tpu.dma_semaphore, #tpu.memory_space<semaphore_mem>>)
        %add3A_180 = arith.addi %mul3A_22, %mul3A_52 : i32
        %add3A_181 = arith.constant 2 : i32
        %add3A_182 = arith.addi %add3A_180, %add3A_181 : i32
        %dma_start3A_183 = arith.constant 0 : i32
        %dma_start3A_184 = arith.constant 0 : i32
        %dma_start3A_185 = tpu.memref_slice %arg9[%select_n3A_103, %dma_start3A_183, %dma_start3A_184] : memref<4x1x125xi32, #tpu.memory_space<vmem>> -> memref<2x1x125xi32, #tpu.memory_space<vmem>>
        %dma_start3A_186 = arith.constant 0 : i32
        %dma_start3A_187 = arith.constant 0 : i32
        %dma_start3A_188 = tpu.memref_slice %arg4[%add3A_182, %dma_start3A_186, %dma_start3A_187] : memref<2560x1x125xi32, #tpu.memory_space<hbm>> -> memref<2x1x125xi32, #tpu.memory_space<hbm>>
        %dma_start3A_189 = arith.constant 0 : i32
        %dma_start3A_190 = arith.constant 0 : i32
        %dma_start3A_191 = tpu.memref_slice %arg9[%select_n3A_103, %dma_start3A_189, %dma_start3A_190] : memref<4x1x125xi32, #tpu.memory_space<vmem>> -> memref<2x1x125xi32, #tpu.memory_space<vmem>>
        %dma_start3A_192 = arith.constant 0 : i32
        %dma_start3A_193 = arith.constant 0 : i32
        %dma_start3A_194 = tpu.memref_slice %arg4[%add3A_182, %dma_start3A_192, %dma_start3A_193] : memref<2560x1x125xi32, #tpu.memory_space<hbm>> -> memref<2x1x125xi32, #tpu.memory_space<hbm>>
        tpu.enqueue_dma source(%dma_start3A_194 : memref<2x1x125xi32, #tpu.memory_space<hbm>>) target(%dma_start3A_191 : memref<2x1x125xi32, #tpu.memory_space<vmem>>) target_semaphore(%arg15 : memref<!tpu.dma_semaphore, #tpu.memory_space<semaphore_mem>>)
      } else {
      }
      %dma_start3A_127 = arith.constant 0 : i32
      %dma_start3A_128 = arith.constant 0 : i32
      %dma_start3A_129 = tpu.memref_slice %arg9[%select_n3A_67, %dma_start3A_127, %dma_start3A_128] : memref<4x1x125xi32, #tpu.memory_space<vmem>> -> memref<1x1x125xi32, #tpu.memory_space<vmem>>
      %dma_start3A_130 = tpu.memref_squeeze %dma_start3A_129 : memref<1x1x125xi32, #tpu.memory_space<vmem>> -> memref<125xi32, #tpu.memory_space<vmem>>
      %dma_start3A_131 = arith.constant 0 : i32
      %dma_start3A_132 = arith.constant 0 : i32
      %dma_start3A_133 = tpu.memref_slice %arg12[%dma_start3A_131, %dma_start3A_132] : memref<10000x128xf32, #tpu.memory_space<vmem_shared>> -> memref<10000x128xf32, #tpu.memory_space<vmem_shared>>
      tpu.enqueue_indirect_dma source(%arg10 : memref<125x128xf32, #tpu.memory_space<vmem>>) target(%dma_start3A_133 : memref<10000x128xf32, #tpu.memory_space<vmem_shared>>) offsets(%dma_start3A_130 : memref<125xi32, #tpu.memory_space<vmem>>) semaphore(%arg16 : memref<!tpu.dma_semaphore, #tpu.memory_space<semaphore_mem>>) {add = true}
      %dma_wait3A_134 = arith.constant 0 : i32
      %dma_wait3A_135 = arith.constant 0 : i32
      %dma_wait3A_136 = tpu.memref_slice %arg8[%select_n3A_85, %dma_wait3A_134, %dma_wait3A_135] : memref<4x1x125xi32, #tpu.memory_space<vmem>> -> memref<1x1x125xi32, #tpu.memory_space<vmem>>
      %dma_wait3A_137 = tpu.memref_squeeze %dma_wait3A_136 : memref<1x1x125xi32, #tpu.memory_space<vmem>> -> memref<125xi32, #tpu.memory_space<vmem>>
      %dma_wait3A_138 = arith.constant 0 : i32
      %dma_wait3A_139 = arith.constant 0 : i32
      %dma_wait3A_140 = tpu.memref_slice %arg2[%dma_wait3A_138, %dma_wait3A_139] : memref<10000x128xf32, #tpu.memory_space<hbm>> -> memref<10000x128xf32, #tpu.memory_space<hbm>>
      tpu.wait_indirect_dma semaphore(%arg14 : memref<!tpu.dma_semaphore, #tpu.memory_space<semaphore_mem>>) src(%dma_wait3A_140 : memref<10000x128xf32, #tpu.memory_space<hbm>>) dst(%arg11 : memref<125x128xf32, #tpu.memory_space<vmem>>)
      %lt3A_141 = arith.constant 39 : i32
      %lt3A_142 = arith.cmpi slt, %scan3A_50, %lt3A_141 : i32
      %convert_element_type3A_143 = arith.extui %lt3A_142 : i1 to i32
      %cond3A_144 = arith.constant 0 : i32
      %cond3A_145 = arith.cmpi ne, %convert_element_type3A_143, %cond3A_144 : i32
      scf.if %cond3A_145 {
        %add3A_165 = arith.addi %mul3A_22, %mul3A_52 : i32
        %add3A_166 = arith.constant 2 : i32
        %add3A_167 = arith.addi %add3A_165, %add3A_166 : i32
        %dma_wait3A_168 = arith.constant 0 : i32
        %dma_wait3A_169 = arith.constant 0 : i32
        %dma_wait3A_170 = tpu.memref_slice %arg8[%select_n3A_103, %dma_wait3A_168, %dma_wait3A_169] : memref<4x1x125xi32, #tpu.memory_space<vmem>> -> memref<2x1x125xi32, #tpu.memory_space<vmem>>
        %dma_wait3A_171 = arith.constant 0 : i32
        %dma_wait3A_172 = arith.constant 0 : i32
        %dma_wait3A_173 = tpu.memref_slice %arg3[%add3A_167, %dma_wait3A_171, %dma_wait3A_172] : memref<2560x1x125xi32, #tpu.memory_space<hbm>> -> memref<2x1x125xi32, #tpu.memory_space<hbm>>
        %dma_wait3A_174 = arith.constant 0 : i32
        %dma_wait3A_175 = arith.constant 0 : i32
        %dma_wait3A_176 = tpu.memref_slice %arg8[%select_n3A_103, %dma_wait3A_174, %dma_wait3A_175] : memref<4x1x125xi32, #tpu.memory_space<vmem>> -> memref<2x1x125xi32, #tpu.memory_space<vmem>>
        %dma_wait3A_177 = arith.constant 0 : i32
        %dma_wait3A_178 = arith.constant 0 : i32
        %dma_wait3A_179 = tpu.memref_slice %arg3[%add3A_167, %dma_wait3A_177, %dma_wait3A_178] : memref<2560x1x125xi32, #tpu.memory_space<hbm>> -> memref<2x1x125xi32, #tpu.memory_space<hbm>>
        tpu.wait_dma2 semaphore(%arg15 : memref<!tpu.dma_semaphore, #tpu.memory_space<semaphore_mem>>) src(%dma_wait3A_179 : memref<2x1x125xi32, #tpu.memory_space<hbm>>) dst(%dma_wait3A_176 : memref<2x1x125xi32, #tpu.memory_space<vmem>>)
        %add3A_180 = arith.addi %mul3A_22, %mul3A_52 : i32
        %add3A_181 = arith.constant 2 : i32
        %add3A_182 = arith.addi %add3A_180, %add3A_181 : i32
        %dma_wait3A_183 = arith.constant 0 : i32
        %dma_wait3A_184 = arith.constant 0 : i32
        %dma_wait3A_185 = tpu.memref_slice %arg9[%select_n3A_103, %dma_wait3A_183, %dma_wait3A_184] : memref<4x1x125xi32, #tpu.memory_space<vmem>> -> memref<2x1x125xi32, #tpu.memory_space<vmem>>
        %dma_wait3A_186 = arith.constant 0 : i32
        %dma_wait3A_187 = arith.constant 0 : i32
        %dma_wait3A_188 = tpu.memref_slice %arg4[%add3A_182, %dma_wait3A_186, %dma_wait3A_187] : memref<2560x1x125xi32, #tpu.memory_space<hbm>> -> memref<2x1x125xi32, #tpu.memory_space<hbm>>
        %dma_wait3A_189 = arith.constant 0 : i32
        %dma_wait3A_190 = arith.constant 0 : i32
        %dma_wait3A_191 = tpu.memref_slice %arg9[%select_n3A_103, %dma_wait3A_189, %dma_wait3A_190] : memref<4x1x125xi32, #tpu.memory_space<vmem>> -> memref<2x1x125xi32, #tpu.memory_space<vmem>>
        %dma_wait3A_192 = arith.constant 0 : i32
        %dma_wait3A_193 = arith.constant 0 : i32
        %dma_wait3A_194 = tpu.memref_slice %arg4[%add3A_182, %dma_wait3A_192, %dma_wait3A_193] : memref<2560x1x125xi32, #tpu.memory_space<hbm>> -> memref<2x1x125xi32, #tpu.memory_space<hbm>>
        tpu.wait_dma2 semaphore(%arg15 : memref<!tpu.dma_semaphore, #tpu.memory_space<semaphore_mem>>) src(%dma_wait3A_194 : memref<2x1x125xi32, #tpu.memory_space<hbm>>) dst(%dma_wait3A_191 : memref<2x1x125xi32, #tpu.memory_space<vmem>>)
      } else {
      }
      %dma_wait3A_146 = arith.constant 0 : i32
      %dma_wait3A_147 = arith.constant 0 : i32
      %dma_wait3A_148 = tpu.memref_slice %arg9[%select_n3A_67, %dma_wait3A_146, %dma_wait3A_147] : memref<4x1x125xi32, #tpu.memory_space<vmem>> -> memref<1x1x125xi32, #tpu.memory_space<vmem>>
      %dma_wait3A_149 = tpu.memref_squeeze %dma_wait3A_148 : memref<1x1x125xi32, #tpu.memory_space<vmem>> -> memref<125xi32, #tpu.memory_space<vmem>>
      %dma_wait3A_150 = arith.constant 0 : i32
      %dma_wait3A_151 = arith.constant 0 : i32
      %dma_wait3A_152 = tpu.memref_slice %arg12[%dma_wait3A_150, %dma_wait3A_151] : memref<10000x128xf32, #tpu.memory_space<vmem_shared>> -> memref<10000x128xf32, #tpu.memory_space<vmem_shared>>
      tpu.wait_indirect_dma semaphore(%arg16 : memref<!tpu.dma_semaphore, #tpu.memory_space<semaphore_mem>>) src(%arg10 : memref<125x128xf32, #tpu.memory_space<vmem>>) dst(%dma_wait3A_152 : memref<10000x128xf32, #tpu.memory_space<vmem_shared>>)
      %lt3A_153 = arith.constant 39 : i32
      %lt3A_154 = arith.cmpi slt, %scan3A_50, %lt3A_153 : i32
      %convert_element_type3A_155 = arith.extui %lt3A_154 : i1 to i32
      %cond3A_156 = arith.constant 0 : i32
      %cond3A_157 = arith.cmpi ne, %convert_element_type3A_155, %cond3A_156 : i32
      scf.if %cond3A_157 {
        %dma_start3A_165 = arith.constant 0 : i32
        %dma_start3A_166 = arith.constant 0 : i32
        %dma_start3A_167 = tpu.memref_slice %arg8[%select_n3A_103, %dma_start3A_165, %dma_start3A_166] : memref<4x1x125xi32, #tpu.memory_space<vmem>> -> memref<1x1x125xi32, #tpu.memory_space<vmem>>
        %dma_start3A_168 = tpu.memref_squeeze %dma_start3A_167 : memref<1x1x125xi32, #tpu.memory_space<vmem>> -> memref<125xi32, #tpu.memory_space<vmem>>
        %dma_start3A_169 = arith.constant 0 : i32
        %dma_start3A_170 = arith.constant 0 : i32
        %dma_start3A_171 = tpu.memref_slice %arg2[%dma_start3A_169, %dma_start3A_170] : memref<10000x128xf32, #tpu.memory_space<hbm>> -> memref<10000x128xf32, #tpu.memory_space<hbm>>
        tpu.enqueue_indirect_dma source(%dma_start3A_171 : memref<10000x128xf32, #tpu.memory_space<hbm>>) target(%arg10 : memref<125x128xf32, #tpu.memory_space<vmem>>) offsets(%dma_start3A_168 : memref<125xi32, #tpu.memory_space<vmem>>) semaphore(%arg13 : memref<!tpu.dma_semaphore, #tpu.memory_space<semaphore_mem>>)
      } else {
      }
      %dma_start3A_158 = arith.constant 0 : i32
      %dma_start3A_159 = arith.constant 0 : i32
      %dma_start3A_160 = tpu.memref_slice %arg9[%select_n3A_85, %dma_start3A_158, %dma_start3A_159] : memref<4x1x125xi32, #tpu.memory_space<vmem>> -> memref<1x1x125xi32, #tpu.memory_space<vmem>>
      %dma_start3A_161 = tpu.memref_squeeze %dma_start3A_160 : memref<1x1x125xi32, #tpu.memory_space<vmem>> -> memref<125xi32, #tpu.memory_space<vmem>>
      %dma_start3A_162 = arith.constant 0 : i32
      %dma_start3A_163 = arith.constant 0 : i32
      %dma_start3A_164 = tpu.memref_slice %arg12[%dma_start3A_162, %dma_start3A_163] : memref<10000x128xf32, #tpu.memory_space<vmem_shared>> -> memref<10000x128xf32, #tpu.memory_space<vmem_shared>>
      tpu.enqueue_indirect_dma source(%arg11 : memref<125x128xf32, #tpu.memory_space<vmem>>) target(%dma_start3A_164 : memref<10000x128xf32, #tpu.memory_space<vmem_shared>>) offsets(%dma_start3A_161 : memref<125xi32, #tpu.memory_space<vmem>>) semaphore(%arg17 : memref<!tpu.dma_semaphore, #tpu.memory_space<semaphore_mem>>) {add = true}
    }
    %scan3A_34 = arith.constant 40 : i32
    %dma_wait3A = arith.constant 1 : i32
    %dma_wait3A_35 = arith.constant 0 : i32
    %dma_wait3A_36 = arith.constant 0 : i32
    %dma_wait3A_37 = tpu.memref_slice %arg9[%dma_wait3A, %dma_wait3A_35, %dma_wait3A_36] : memref<4x1x125xi32, #tpu.memory_space<vmem>> -> memref<1x1x125xi32, #tpu.memory_space<vmem>>
    %dma_wait3A_38 = tpu.memref_squeeze %dma_wait3A_37 : memref<1x1x125xi32, #tpu.memory_space<vmem>> -> memref<125xi32, #tpu.memory_space<vmem>>
    %dma_wait3A_39 = arith.constant 0 : i32
    %dma_wait3A_40 = arith.constant 0 : i32
    %dma_wait3A_41 = tpu.memref_slice %arg12[%dma_wait3A_39, %dma_wait3A_40] : memref<10000x128xf32, #tpu.memory_space<vmem_shared>> -> memref<10000x128xf32, #tpu.memory_space<vmem_shared>>
    tpu.wait_indirect_dma semaphore(%arg17 : memref<!tpu.dma_semaphore, #tpu.memory_space<semaphore_mem>>) src(%arg11 : memref<125x128xf32, #tpu.memory_space<vmem>>) dst(%dma_wait3A_41 : memref<10000x128xf32, #tpu.memory_space<vmem_shared>>)
    %barrier3A_42 = arith.constant 0 : index
    tpu.barrier barrier_id(%barrier3A_42)
    %eq3A = arith.constant 0 : i32
    %eq3A_43 = arith.cmpi eq, %arg0, %eq3A : i32
    %convert_element_type3A = arith.extui %eq3A_43 : i1 to i32
    %cond3A = arith.constant 0 : i32
    %cond3A_44 = arith.cmpi ne, %convert_element_type3A, %cond3A : i32
    scf.if %cond3A_44 {
      "tpu.region"() ({
        %run_scoped3A = tpu.sem_alloc : memref<!tpu.dma_semaphore, #tpu.memory_space<semaphore_mem>>
        %dma_start3A_50 = arith.constant 0 : i32
        %dma_start3A_51 = tpu.memref_slice %arg6[%multiple_of3A, %dma_start3A_50] : memref<10000x128xf32, #tpu.memory_space<hbm>> -> memref<632x128xf32, #tpu.memory_space<hbm>>
        %dma_start3A_52 = arith.constant 0 : i32
        %dma_start3A_53 = tpu.memref_slice %arg12[%multiple_of3A, %dma_start3A_52] : memref<10000x128xf32, #tpu.memory_space<vmem_shared>> -> memref<632x128xf32, #tpu.memory_space<vmem_shared>>
        tpu.enqueue_dma source(%dma_start3A_53 : memref<632x128xf32, #tpu.memory_space<vmem_shared>>) target(%dma_start3A_51 : memref<632x128xf32, #tpu.memory_space<hbm>>) target_semaphore(%run_scoped3A : memref<!tpu.dma_semaphore, #tpu.memory_space<semaphore_mem>>)
        %dma_wait3A_54 = arith.constant 0 : i32
        %dma_wait3A_55 = tpu.memref_slice %arg6[%multiple_of3A, %dma_wait3A_54] : memref<10000x128xf32, #tpu.memory_space<hbm>> -> memref<632x128xf32, #tpu.memory_space<hbm>>
        %dma_wait3A_56 = arith.constant 0 : i32
        %dma_wait3A_57 = tpu.memref_slice %arg12[%multiple_of3A, %dma_wait3A_56] : memref<10000x128xf32, #tpu.memory_space<vmem_shared>> -> memref<632x128xf32, #tpu.memory_space<vmem_shared>>
        tpu.wait_dma2 semaphore(%run_scoped3A : memref<!tpu.dma_semaphore, #tpu.memory_space<semaphore_mem>>) src(%dma_wait3A_57 : memref<632x128xf32, #tpu.memory_space<vmem_shared>>) dst(%dma_wait3A_55 : memref<632x128xf32, #tpu.memory_space<hbm>>)
        tpu.yield
      }) : () -> ()
    } else {
    }
    %eq3A_45 = arith.constant 1 : i32
    %eq3A_46 = arith.cmpi eq, %arg0, %eq3A_45 : i32
    %convert_element_type3A_47 = arith.extui %eq3A_46 : i1 to i32
    %cond3A_48 = arith.constant 0 : i32
    %cond3A_49 = arith.cmpi ne, %convert_element_type3A_47, %cond3A_48 : i32
    scf.if %cond3A_49 {
      "tpu.region"() ({
        %run_scoped3A = tpu.sem_alloc : memref<!tpu.dma_semaphore, #tpu.memory_space<semaphore_mem>>
        %dma_start3A_50 = arith.constant 0 : i32
        %dma_start3A_51 = tpu.memref_slice %arg7[%multiple_of3A, %dma_start3A_50] : memref<10000x128xf32, #tpu.memory_space<hbm>> -> memref<632x128xf32, #tpu.memory_space<hbm>>
        %dma_start3A_52 = arith.constant 0 : i32
        %dma_start3A_53 = tpu.memref_slice %arg12[%multiple_of3A, %dma_start3A_52] : memref<10000x128xf32, #tpu.memory_space<vmem_shared>> -> memref<632x128xf32, #tpu.memory_space<vmem_shared>>
        tpu.enqueue_dma source(%dma_start3A_53 : memref<632x128xf32, #tpu.memory_space<vmem_shared>>) target(%dma_start3A_51 : memref<632x128xf32, #tpu.memory_space<hbm>>) target_semaphore(%run_scoped3A : memref<!tpu.dma_semaphore, #tpu.memory_space<semaphore_mem>>)
        %dma_wait3A_54 = arith.constant 0 : i32
        %dma_wait3A_55 = tpu.memref_slice %arg7[%multiple_of3A, %dma_wait3A_54] : memref<10000x128xf32, #tpu.memory_space<hbm>> -> memref<632x128xf32, #tpu.memory_space<hbm>>
        %dma_wait3A_56 = arith.constant 0 : i32
        %dma_wait3A_57 = tpu.memref_slice %arg12[%multiple_of3A, %dma_wait3A_56] : memref<10000x128xf32, #tpu.memory_space<vmem_shared>> -> memref<632x128xf32, #tpu.memory_space<vmem_shared>>
        tpu.wait_dma2 semaphore(%run_scoped3A : memref<!tpu.dma_semaphore, #tpu.memory_space<semaphore_mem>>) src(%dma_wait3A_57 : memref<632x128xf32, #tpu.memory_space<vmem_shared>>) dst(%dma_wait3A_55 : memref<632x128xf32, #tpu.memory_space<hbm>>)
        tpu.yield
      }) : () -> ()
    } else {
    }
    return
  }
}

#map = affine_map<(d0, d1) -> (0, 0)>
#map1 = affine_map<(d0, d1) -> (0, 0, 0)>
module attributes {stable_mosaic.version = 14 : i64} {
  func.func @agg_kernel(%arg0: i32, %arg1: i32, %arg2: memref<10000x128xf32, #tpu.memory_space<hbm>>, %arg3: memref<2560x1x125xi32, #tpu.memory_space<hbm>>, %arg4: memref<2560x1x125xi32, #tpu.memory_space<hbm>>, %arg5: memref<10000x128xf32, #tpu.memory_space<hbm>>, %arg6: memref<10000x128xf32, #tpu.memory_space<hbm>>, %arg7: memref<10000x128xf32, #tpu.memory_space<hbm>>, %arg8: memref<4x1x125xi32, #tpu.memory_space<vmem>>, %arg9: memref<4x1x125xi32, #tpu.memory_space<vmem>>, %arg10: memref<125x128xf32, #tpu.memory_space<vmem>>, %arg11: memref<125x128xf32, #tpu.memory_space<vmem>>, %arg12: memref<10000x128xf32, #tpu.memory_space<vmem_shared>>, %arg13: memref<!tpu.dma_semaphore, #tpu.memory_space<semaphore_mem>>, %arg14: memref<!tpu.dma_semaphore, #tpu.memory_space<semaphore_mem>>, %arg15: memref<!tpu.dma_semaphore, #tpu.memory_space<semaphore_mem>>, %arg16: memref<!tpu.dma_semaphore, #tpu.memory_space<semaphore_mem>>, %arg17: memref<!tpu.dma_semaphore, #tpu.memory_space<semaphore_mem>>) attributes {dimension_semantics = [#tpu.dimension_semantics<core_parallel>, #tpu.dimension_semantics<subcore_parallel>], iteration_bounds = array<i64: 2, 16>, scalar_prefetch = 0 : i64, scratch_operands = 10 : i64, tpu.core_type = #tpu.core_type<sc_vector_subcore>, window_params = [{transform_indices = #map}, {transform_indices = #map1}, {transform_indices = #map1}, {transform_indices = #map}, {transform_indices = #map}, {transform_indices = #map}]} {
    %mul3A = arith.constant 625 : i32
    %mul3A_0 = arith.muli %arg1, %mul3A : i32
    %jit3A = arith.constant 8 : i32
    %div3A = arith.divsi %mul3A_0, %jit3A : i32
    %sign3A = arith.constant 0 : i32
    %sign3A_1 = arith.cmpi sgt, %mul3A_0, %sign3A : i32
    %sign3A_2 = arith.extui %sign3A_1 : i1 to i32
    %sign3A_3 = arith.constant 0 : i32
    %sign3A_4 = arith.cmpi slt, %mul3A_0, %sign3A_3 : i32
    %sign3A_5 = arith.extui %sign3A_4 : i1 to i32
    %sign3A_6 = arith.subi %sign3A_2, %sign3A_5 : i32
    %sign3A_7 = arith.constant 0 : i32
    %sign3A_8 = arith.cmpi sgt, %jit3A, %sign3A_7 : i32
    %sign3A_9 = arith.extui %sign3A_8 : i1 to i32
    %sign3A_10 = arith.constant 0 : i32
    %sign3A_11 = arith.cmpi slt, %jit3A, %sign3A_10 : i32
    %sign3A_12 = arith.extui %sign3A_11 : i1 to i32
    %sign3A_13 = arith.subi %sign3A_9, %sign3A_12 : i32
    %ne3A = arith.cmpi ne, %sign3A_6, %sign3A_13 : i32
    %rem3A = arith.remsi %mul3A_0, %jit3A : i32
    %ne3A_14 = arith.constant 0 : i32
    %ne3A_15 = arith.cmpi ne, %rem3A, %ne3A_14 : i32
    %and3A = arith.andi %ne3A, %ne3A_15 : i1
    %sub3A = arith.constant 1 : i32
    %sub3A_16 = arith.subi %div3A, %sub3A : i32
    %select_n3A = arith.select %and3A, %sub3A_16, %div3A : i32
    %mul3A_17 = arith.constant 8 : i32
    %mul3A_18 = arith.muli %select_n3A, %mul3A_17 : i32
    %multiple_of3A = tpu.assume_multiple %mul3A_18, 8 : i32
    "tpu.region"() ({
      %run_scoped3A = tpu.sem_alloc : memref<!tpu.dma_semaphore, #tpu.memory_space<semaphore_mem>>
      %dma_start3A_50 = arith.constant 0 : i32
      %dma_start3A_51 = tpu.memref_slice %arg12[%multiple_of3A, %dma_start3A_50] : memref<10000x128xf32, #tpu.memory_space<vmem_shared>> -> memref<632x128xf32, #tpu.memory_space<vmem_shared>>
      %dma_start3A_52 = arith.constant 0 : i32
      %dma_start3A_53 = tpu.memref_slice %arg5[%multiple_of3A, %dma_start3A_52] : memref<10000x128xf32, #tpu.memory_space<hbm>> -> memref<632x128xf32, #tpu.memory_space<hbm>>
      tpu.enqueue_dma source(%dma_start3A_53 : memref<632x128xf32, #tpu.memory_space<hbm>>) target(%dma_start3A_51 : memref<632x128xf32, #tpu.memory_space<vmem_shared>>) target_semaphore(%run_scoped3A : memref<!tpu.dma_semaphore, #tpu.memory_space<semaphore_mem>>)
      %dma_wait3A_54 = arith.constant 0 : i32
      %dma_wait3A_55 = tpu.memref_slice %arg12[%multiple_of3A, %dma_wait3A_54] : memref<10000x128xf32, #tpu.memory_space<vmem_shared>> -> memref<632x128xf32, #tpu.memory_space<vmem_shared>>
      %dma_wait3A_56 = arith.constant 0 : i32
      %dma_wait3A_57 = tpu.memref_slice %arg5[%multiple_of3A, %dma_wait3A_56] : memref<10000x128xf32, #tpu.memory_space<hbm>> -> memref<632x128xf32, #tpu.memory_space<hbm>>
      tpu.wait_dma2 semaphore(%run_scoped3A : memref<!tpu.dma_semaphore, #tpu.memory_space<semaphore_mem>>) src(%dma_wait3A_57 : memref<632x128xf32, #tpu.memory_space<hbm>>) dst(%dma_wait3A_55 : memref<632x128xf32, #tpu.memory_space<vmem_shared>>)
      tpu.yield
    }) : () -> ()
    %mul3A_19 = arith.constant 16 : i32
    %mul3A_20 = arith.muli %arg0, %mul3A_19 : i32
    %add3A = arith.addi %mul3A_20, %arg1 : i32
    %mul3A_21 = arith.constant 80 : i32
    %mul3A_22 = arith.muli %add3A, %mul3A_21 : i32
    "tpu.region"() ({
      %run_scoped3A = tpu.sem_alloc : memref<!tpu.dma_semaphore, #tpu.memory_space<semaphore_mem>>
      %dma_start3A_50 = arith.constant 0 : i32
      %dma_start3A_51 = arith.constant 0 : i32
      %dma_start3A_52 = arith.constant 0 : i32
      %dma_start3A_53 = tpu.memref_slice %arg8[%dma_start3A_50, %dma_start3A_51, %dma_start3A_52] : memref<4x1x125xi32, #tpu.memory_space<vmem>> -> memref<2x1x125xi32, #tpu.memory_space<vmem>>
      %dma_start3A_54 = arith.constant 0 : i32
      %dma_start3A_55 = arith.constant 0 : i32
      %dma_start3A_56 = tpu.memref_slice %arg3[%mul3A_22, %dma_start3A_54, %dma_start3A_55] : memref<2560x1x125xi32, #tpu.memory_space<hbm>> -> memref<2x1x125xi32, #tpu.memory_space<hbm>>
      %dma_start3A_57 = arith.constant 0 : i32
      %dma_start3A_58 = arith.constant 0 : i32
      %dma_start3A_59 = arith.constant 0 : i32
      %dma_start3A_60 = tpu.memref_slice %arg8[%dma_start3A_57, %dma_start3A_58, %dma_start3A_59] : memref<4x1x125xi32, #tpu.memory_space<vmem>> -> memref<2x1x125xi32, #tpu.memory_space<vmem>>
      %dma_start3A_61 = arith.constant 0 : i32
      %dma_start3A_62 = arith.constant 0 : i32
      %dma_start3A_63 = tpu.memref_slice %arg3[%mul3A_22, %dma_start3A_61, %dma_start3A_62] : memref<2560x1x125xi32, #tpu.memory_space<hbm>> -> memref<2x1x125xi32, #tpu.memory_space<hbm>>
      tpu.enqueue_dma source(%dma_start3A_63 : memref<2x1x125xi32, #tpu.memory_space<hbm>>) target(%dma_start3A_60 : memref<2x1x125xi32, #tpu.memory_space<vmem>>) target_semaphore(%run_scoped3A : memref<!tpu.dma_semaphore, #tpu.memory_space<semaphore_mem>>)
      %dma_wait3A_64 = arith.constant 0 : i32
      %dma_wait3A_65 = arith.constant 0 : i32
      %dma_wait3A_66 = arith.constant 0 : i32
      %dma_wait3A_67 = tpu.memref_slice %arg8[%dma_wait3A_64, %dma_wait3A_65, %dma_wait3A_66] : memref<4x1x125xi32, #tpu.memory_space<vmem>> -> memref<2x1x125xi32, #tpu.memory_space<vmem>>
      %dma_wait3A_68 = arith.constant 0 : i32
      %dma_wait3A_69 = arith.constant 0 : i32
      %dma_wait3A_70 = tpu.memref_slice %arg3[%mul3A_22, %dma_wait3A_68, %dma_wait3A_69] : memref<2560x1x125xi32, #tpu.memory_space<hbm>> -> memref<2x1x125xi32, #tpu.memory_space<hbm>>
      %dma_wait3A_71 = arith.constant 0 : i32
      %dma_wait3A_72 = arith.constant 0 : i32
      %dma_wait3A_73 = arith.constant 0 : i32
      %dma_wait3A_74 = tpu.memref_slice %arg8[%dma_wait3A_71, %dma_wait3A_72, %dma_wait3A_73] : memref<4x1x125xi32, #tpu.memory_space<vmem>> -> memref<2x1x125xi32, #tpu.memory_space<vmem>>
      %dma_wait3A_75 = arith.constant 0 : i32
      %dma_wait3A_76 = arith.constant 0 : i32
      %dma_wait3A_77 = tpu.memref_slice %arg3[%mul3A_22, %dma_wait3A_75, %dma_wait3A_76] : memref<2560x1x125xi32, #tpu.memory_space<hbm>> -> memref<2x1x125xi32, #tpu.memory_space<hbm>>
      tpu.wait_dma2 semaphore(%run_scoped3A : memref<!tpu.dma_semaphore, #tpu.memory_space<semaphore_mem>>) src(%dma_wait3A_77 : memref<2x1x125xi32, #tpu.memory_space<hbm>>) dst(%dma_wait3A_74 : memref<2x1x125xi32, #tpu.memory_space<vmem>>)
      tpu.yield
    }) : () -> ()
    "tpu.region"() ({
      %run_scoped3A = tpu.sem_alloc : memref<!tpu.dma_semaphore, #tpu.memory_space<semaphore_mem>>
      %dma_start3A_50 = arith.constant 0 : i32
      %dma_start3A_51 = arith.constant 0 : i32
      %dma_start3A_52 = arith.constant 0 : i32
      %dma_start3A_53 = tpu.memref_slice %arg9[%dma_start3A_50, %dma_start3A_51, %dma_start3A_52] : memref<4x1x125xi32, #tpu.memory_space<vmem>> -> memref<2x1x125xi32, #tpu.memory_space<vmem>>
      %dma_start3A_54 = arith.constant 0 : i32
      %dma_start3A_55 = arith.constant 0 : i32
      %dma_start3A_56 = tpu.memref_slice %arg4[%mul3A_22, %dma_start3A_54, %dma_start3A_55] : memref<2560x1x125xi32, #tpu.memory_space<hbm>> -> memref<2x1x125xi32, #tpu.memory_space<hbm>>
      %dma_start3A_57 = arith.constant 0 : i32
      %dma_start3A_58 = arith.constant 0 : i32
      %dma_start3A_59 = arith.constant 0 : i32
      %dma_start3A_60 = tpu.memref_slice %arg9[%dma_start3A_57, %dma_start3A_58, %dma_start3A_59] : memref<4x1x125xi32, #tpu.memory_space<vmem>> -> memref<2x1x125xi32, #tpu.memory_space<vmem>>
      %dma_start3A_61 = arith.constant 0 : i32
      %dma_start3A_62 = arith.constant 0 : i32
      %dma_start3A_63 = tpu.memref_slice %arg4[%mul3A_22, %dma_start3A_61, %dma_start3A_62] : memref<2560x1x125xi32, #tpu.memory_space<hbm>> -> memref<2x1x125xi32, #tpu.memory_space<hbm>>
      tpu.enqueue_dma source(%dma_start3A_63 : memref<2x1x125xi32, #tpu.memory_space<hbm>>) target(%dma_start3A_60 : memref<2x1x125xi32, #tpu.memory_space<vmem>>) target_semaphore(%run_scoped3A : memref<!tpu.dma_semaphore, #tpu.memory_space<semaphore_mem>>)
      %dma_wait3A_64 = arith.constant 0 : i32
      %dma_wait3A_65 = arith.constant 0 : i32
      %dma_wait3A_66 = arith.constant 0 : i32
      %dma_wait3A_67 = tpu.memref_slice %arg9[%dma_wait3A_64, %dma_wait3A_65, %dma_wait3A_66] : memref<4x1x125xi32, #tpu.memory_space<vmem>> -> memref<2x1x125xi32, #tpu.memory_space<vmem>>
      %dma_wait3A_68 = arith.constant 0 : i32
      %dma_wait3A_69 = arith.constant 0 : i32
      %dma_wait3A_70 = tpu.memref_slice %arg4[%mul3A_22, %dma_wait3A_68, %dma_wait3A_69] : memref<2560x1x125xi32, #tpu.memory_space<hbm>> -> memref<2x1x125xi32, #tpu.memory_space<hbm>>
      %dma_wait3A_71 = arith.constant 0 : i32
      %dma_wait3A_72 = arith.constant 0 : i32
      %dma_wait3A_73 = arith.constant 0 : i32
      %dma_wait3A_74 = tpu.memref_slice %arg9[%dma_wait3A_71, %dma_wait3A_72, %dma_wait3A_73] : memref<4x1x125xi32, #tpu.memory_space<vmem>> -> memref<2x1x125xi32, #tpu.memory_space<vmem>>
      %dma_wait3A_75 = arith.constant 0 : i32
      %dma_wait3A_76 = arith.constant 0 : i32
      %dma_wait3A_77 = tpu.memref_slice %arg4[%mul3A_22, %dma_wait3A_75, %dma_wait3A_76] : memref<2560x1x125xi32, #tpu.memory_space<hbm>> -> memref<2x1x125xi32, #tpu.memory_space<hbm>>
      tpu.wait_dma2 semaphore(%run_scoped3A : memref<!tpu.dma_semaphore, #tpu.memory_space<semaphore_mem>>) src(%dma_wait3A_77 : memref<2x1x125xi32, #tpu.memory_space<hbm>>) dst(%dma_wait3A_74 : memref<2x1x125xi32, #tpu.memory_space<vmem>>)
      tpu.yield
    }) : () -> ()
    %barrier3A = arith.constant 0 : index
    tpu.barrier barrier_id(%barrier3A)
    %dma_start3A = arith.constant 0 : i32
    %dma_start3A_23 = arith.constant 0 : i32
    %dma_start3A_24 = arith.constant 0 : i32
    %dma_start3A_25 = tpu.memref_slice %arg8[%dma_start3A, %dma_start3A_23, %dma_start3A_24] : memref<4x1x125xi32, #tpu.memory_space<vmem>> -> memref<1x1x125xi32, #tpu.memory_space<vmem>>
    %dma_start3A_26 = tpu.memref_squeeze %dma_start3A_25 : memref<1x1x125xi32, #tpu.memory_space<vmem>> -> memref<125xi32, #tpu.memory_space<vmem>>
    %dma_start3A_27 = arith.constant 0 : i32
    %dma_start3A_28 = arith.constant 0 : i32
    %dma_start3A_29 = tpu.memref_slice %arg2[%dma_start3A_27, %dma_start3A_28] : memref<10000x128xf32, #tpu.memory_space<hbm>> -> memref<10000x128xf32, #tpu.memory_space<hbm>>
    tpu.enqueue_indirect_dma source(%dma_start3A_29 : memref<10000x128xf32, #tpu.memory_space<hbm>>) target(%arg10 : memref<125x128xf32, #tpu.memory_space<vmem>>) offsets(%dma_start3A_26 : memref<125xi32, #tpu.memory_space<vmem>>) semaphore(%arg13 : memref<!tpu.dma_semaphore, #tpu.memory_space<semaphore_mem>>)
    %scan3A = arith.constant 0 : i32
    %scan3A_30 = arith.constant 0 : i32
    %scan3A_31 = arith.constant 40 : i32
    %scan3A_32 = arith.addi %scan3A_30, %scan3A_31 : i32
    %scan3A_33 = arith.constant 1 : i32
    scf.for %scan3A_50 = %scan3A_30 to %scan3A_32 step %scan3A_33  : i32 {
      %mul3A_51 = arith.constant 2 : i32
      %mul3A_52 = arith.muli %mul3A_51, %scan3A_50 : i32
      %jit3A_53 = arith.constant 4 : i32
      %eq3A_54 = arith.constant 0 : i32
      %eq3A_55 = arith.cmpi eq, %jit3A_53, %eq3A_54 : i32
      %jit3A_56 = arith.constant 1 : i32
      %select_n3A_57 = arith.select %eq3A_55, %jit3A_56, %jit3A_53 : i32
      %rem3A_58 = arith.remsi %mul3A_52, %select_n3A_57 : i32
      %ne3A_59 = arith.constant 0 : i32
      %ne3A_60 = arith.cmpi ne, %rem3A_58, %ne3A_59 : i32
      %lt3A = arith.constant 0 : i32
      %lt3A_61 = arith.cmpi slt, %rem3A_58, %lt3A : i32
      %lt3A_62 = arith.constant 0 : i32
      %lt3A_63 = arith.cmpi slt, %select_n3A_57, %lt3A_62 : i32
      %ne3A_64 = arith.xori %lt3A_61, %lt3A_63 : i1
      %and3A_65 = arith.andi %ne3A_64, %ne3A_60 : i1
      %add3A_66 = arith.addi %rem3A_58, %select_n3A_57 : i32
      %select_n3A_67 = arith.select %and3A_65, %add3A_66, %rem3A_58 : i32
      %add3A_68 = arith.constant 1 : i32
      %add3A_69 = arith.addi %mul3A_52, %add3A_68 : i32
      %jit3A_70 = arith.constant 4 : i32
      %eq3A_71 = arith.constant 0 : i32
      %eq3A_72 = arith.cmpi eq, %jit3A_70, %eq3A_71 : i32
      %jit3A_73 = arith.constant 1 : i32
      %select_n3A_74 = arith.select %eq3A_72, %jit3A_73, %jit3A_70 : i32
      %rem3A_75 = arith.remsi %add3A_69, %select_n3A_74 : i32
      %ne3A_76 = arith.constant 0 : i32
      %ne3A_77 = arith.cmpi ne, %rem3A_75, %ne3A_76 : i32
      %lt3A_78 = arith.constant 0 : i32
      %lt3A_79 = arith.cmpi slt, %rem3A_75, %lt3A_78 : i32
      %lt3A_80 = arith.constant 0 : i32
      %lt3A_81 = arith.cmpi slt, %select_n3A_74, %lt3A_80 : i32
      %ne3A_82 = arith.xori %lt3A_79, %lt3A_81 : i1
      %and3A_83 = arith.andi %ne3A_82, %ne3A_77 : i1
      %add3A_84 = arith.addi %rem3A_75, %select_n3A_74 : i32
      %select_n3A_85 = arith.select %and3A_83, %add3A_84, %rem3A_75 : i32
      %add3A_86 = arith.constant 2 : i32
      %add3A_87 = arith.addi %mul3A_52, %add3A_86 : i32
      %jit3A_88 = arith.constant 4 : i32
      %eq3A_89 = arith.constant 0 : i32
      %eq3A_90 = arith.cmpi eq, %jit3A_88, %eq3A_89 : i32
      %jit3A_91 = arith.constant 1 : i32
      %select_n3A_92 = arith.select %eq3A_90, %jit3A_91, %jit3A_88 : i32
      %rem3A_93 = arith.remsi %add3A_87, %select_n3A_92 : i32
      %ne3A_94 = arith.constant 0 : i32
      %ne3A_95 = arith.cmpi ne, %rem3A_93, %ne3A_94 : i32
      %lt3A_96 = arith.constant 0 : i32
      %lt3A_97 = arith.cmpi slt, %rem3A_93, %lt3A_96 : i32
      %lt3A_98 = arith.constant 0 : i32
      %lt3A_99 = arith.cmpi slt, %select_n3A_92, %lt3A_98 : i32
      %ne3A_100 = arith.xori %lt3A_97, %lt3A_99 : i1
      %and3A_101 = arith.andi %ne3A_100, %ne3A_95 : i1
      %add3A_102 = arith.addi %rem3A_93, %select_n3A_92 : i32
      %select_n3A_103 = arith.select %and3A_101, %add3A_102, %rem3A_93 : i32
      %gt3A = arith.constant 0 : i32
      %gt3A_104 = arith.cmpi sgt, %scan3A_50, %gt3A : i32
      %convert_element_type3A_105 = arith.extui %gt3A_104 : i1 to i32
      %cond3A_106 = arith.constant 0 : i32
      %cond3A_107 = arith.cmpi ne, %convert_element_type3A_105, %cond3A_106 : i32
      scf.if %cond3A_107 {
        %dma_wait3A_165 = arith.constant 0 : i32
        %dma_wait3A_166 = arith.constant 0 : i32
        %dma_wait3A_167 = tpu.memref_slice %arg9[%select_n3A_85, %dma_wait3A_165, %dma_wait3A_166] : memref<4x1x125xi32, #tpu.memory_space<vmem>> -> memref<1x1x125xi32, #tpu.memory_space<vmem>>
        %dma_wait3A_168 = tpu.memref_squeeze %dma_wait3A_167 : memref<1x1x125xi32, #tpu.memory_space<vmem>> -> memref<125xi32, #tpu.memory_space<vmem>>
        %dma_wait3A_169 = arith.constant 0 : i32
        %dma_wait3A_170 = arith.constant 0 : i32
        %dma_wait3A_171 = tpu.memref_slice %arg12[%dma_wait3A_169, %dma_wait3A_170] : memref<10000x128xf32, #tpu.memory_space<vmem_shared>> -> memref<10000x128xf32, #tpu.memory_space<vmem_shared>>
        tpu.wait_indirect_dma semaphore(%arg17 : memref<!tpu.dma_semaphore, #tpu.memory_space<semaphore_mem>>) src(%arg11 : memref<125x128xf32, #tpu.memory_space<vmem>>) dst(%dma_wait3A_171 : memref<10000x128xf32, #tpu.memory_space<vmem_shared>>)
      } else {
      }
      %dma_wait3A_108 = arith.constant 0 : i32
      %dma_wait3A_109 = arith.constant 0 : i32
      %dma_wait3A_110 = tpu.memref_slice %arg8[%select_n3A_67, %dma_wait3A_108, %dma_wait3A_109] : memref<4x1x125xi32, #tpu.memory_space<vmem>> -> memref<1x1x125xi32, #tpu.memory_space<vmem>>
      %dma_wait3A_111 = tpu.memref_squeeze %dma_wait3A_110 : memref<1x1x125xi32, #tpu.memory_space<vmem>> -> memref<125xi32, #tpu.memory_space<vmem>>
      %dma_wait3A_112 = arith.constant 0 : i32
      %dma_wait3A_113 = arith.constant 0 : i32
      %dma_wait3A_114 = tpu.memref_slice %arg2[%dma_wait3A_112, %dma_wait3A_113] : memref<10000x128xf32, #tpu.memory_space<hbm>> -> memref<10000x128xf32, #tpu.memory_space<hbm>>
      tpu.wait_indirect_dma semaphore(%arg13 : memref<!tpu.dma_semaphore, #tpu.memory_space<semaphore_mem>>) src(%dma_wait3A_114 : memref<10000x128xf32, #tpu.memory_space<hbm>>) dst(%arg10 : memref<125x128xf32, #tpu.memory_space<vmem>>)
      %dma_start3A_115 = arith.constant 0 : i32
      %dma_start3A_116 = arith.constant 0 : i32
      %dma_start3A_117 = tpu.memref_slice %arg8[%select_n3A_85, %dma_start3A_115, %dma_start3A_116] : memref<4x1x125xi32, #tpu.memory_space<vmem>> -> memref<1x1x125xi32, #tpu.memory_space<vmem>>
      %dma_start3A_118 = tpu.memref_squeeze %dma_start3A_117 : memref<1x1x125xi32, #tpu.memory_space<vmem>> -> memref<125xi32, #tpu.memory_space<vmem>>
      %dma_start3A_119 = arith.constant 0 : i32
      %dma_start3A_120 = arith.constant 0 : i32
      %dma_start3A_121 = tpu.memref_slice %arg2[%dma_start3A_119, %dma_start3A_120] : memref<10000x128xf32, #tpu.memory_space<hbm>> -> memref<10000x128xf32, #tpu.memory_space<hbm>>
      tpu.enqueue_indirect_dma source(%dma_start3A_121 : memref<10000x128xf32, #tpu.memory_space<hbm>>) target(%arg11 : memref<125x128xf32, #tpu.memory_space<vmem>>) offsets(%dma_start3A_118 : memref<125xi32, #tpu.memory_space<vmem>>) semaphore(%arg14 : memref<!tpu.dma_semaphore, #tpu.memory_space<semaphore_mem>>)
      %lt3A_122 = arith.constant 39 : i32
      %lt3A_123 = arith.cmpi slt, %scan3A_50, %lt3A_122 : i32
      %convert_element_type3A_124 = arith.extui %lt3A_123 : i1 to i32
      %cond3A_125 = arith.constant 0 : i32
      %cond3A_126 = arith.cmpi ne, %convert_element_type3A_124, %cond3A_125 : i32
      scf.if %cond3A_126 {
        %add3A_165 = arith.addi %mul3A_22, %mul3A_52 : i32
        %add3A_166 = arith.constant 2 : i32
        %add3A_167 = arith.addi %add3A_165, %add3A_166 : i32
        %dma_start3A_168 = arith.constant 0 : i32
        %dma_start3A_169 = arith.constant 0 : i32
        %dma_start3A_170 = tpu.memref_slice %arg8[%select_n3A_103, %dma_start3A_168, %dma_start3A_169] : memref<4x1x125xi32, #tpu.memory_space<vmem>> -> memref<2x1x125xi32, #tpu.memory_space<vmem>>
        %dma_start3A_171 = arith.constant 0 : i32
        %dma_start3A_172 = arith.constant 0 : i32
        %dma_start3A_173 = tpu.memref_slice %arg3[%add3A_167, %dma_start3A_171, %dma_start3A_172] : memref<2560x1x125xi32, #tpu.memory_space<hbm>> -> memref<2x1x125xi32, #tpu.memory_space<hbm>>
        %dma_start3A_174 = arith.constant 0 : i32
        %dma_start3A_175 = arith.constant 0 : i32
        %dma_start3A_176 = tpu.memref_slice %arg8[%select_n3A_103, %dma_start3A_174, %dma_start3A_175] : memref<4x1x125xi32, #tpu.memory_space<vmem>> -> memref<2x1x125xi32, #tpu.memory_space<vmem>>
        %dma_start3A_177 = arith.constant 0 : i32
        %dma_start3A_178 = arith.constant 0 : i32
        %dma_start3A_179 = tpu.memref_slice %arg3[%add3A_167, %dma_start3A_177, %dma_start3A_178] : memref<2560x1x125xi32, #tpu.memory_space<hbm>> -> memref<2x1x125xi32, #tpu.memory_space<hbm>>
        tpu.enqueue_dma source(%dma_start3A_179 : memref<2x1x125xi32, #tpu.memory_space<hbm>>) target(%dma_start3A_176 : memref<2x1x125xi32, #tpu.memory_space<vmem>>) target_semaphore(%arg15 : memref<!tpu.dma_semaphore, #tpu.memory_space<semaphore_mem>>)
        %add3A_180 = arith.addi %mul3A_22, %mul3A_52 : i32
        %add3A_181 = arith.constant 2 : i32
        %add3A_182 = arith.addi %add3A_180, %add3A_181 : i32
        %dma_start3A_183 = arith.constant 0 : i32
        %dma_start3A_184 = arith.constant 0 : i32
        %dma_start3A_185 = tpu.memref_slice %arg9[%select_n3A_103, %dma_start3A_183, %dma_start3A_184] : memref<4x1x125xi32, #tpu.memory_space<vmem>> -> memref<2x1x125xi32, #tpu.memory_space<vmem>>
        %dma_start3A_186 = arith.constant 0 : i32
        %dma_start3A_187 = arith.constant 0 : i32
        %dma_start3A_188 = tpu.memref_slice %arg4[%add3A_182, %dma_start3A_186, %dma_start3A_187] : memref<2560x1x125xi32, #tpu.memory_space<hbm>> -> memref<2x1x125xi32, #tpu.memory_space<hbm>>
        %dma_start3A_189 = arith.constant 0 : i32
        %dma_start3A_190 = arith.constant 0 : i32
        %dma_start3A_191 = tpu.memref_slice %arg9[%select_n3A_103, %dma_start3A_189, %dma_start3A_190] : memref<4x1x125xi32, #tpu.memory_space<vmem>> -> memref<2x1x125xi32, #tpu.memory_space<vmem>>
        %dma_start3A_192 = arith.constant 0 : i32
        %dma_start3A_193 = arith.constant 0 : i32
        %dma_start3A_194 = tpu.memref_slice %arg4[%add3A_182, %dma_start3A_192, %dma_start3A_193] : memref<2560x1x125xi32, #tpu.memory_space<hbm>> -> memref<2x1x125xi32, #tpu.memory_space<hbm>>
        tpu.enqueue_dma source(%dma_start3A_194 : memref<2x1x125xi32, #tpu.memory_space<hbm>>) target(%dma_start3A_191 : memref<2x1x125xi32, #tpu.memory_space<vmem>>) target_semaphore(%arg15 : memref<!tpu.dma_semaphore, #tpu.memory_space<semaphore_mem>>)
      } else {
      }
      %dma_start3A_127 = arith.constant 0 : i32
      %dma_start3A_128 = arith.constant 0 : i32
      %dma_start3A_129 = tpu.memref_slice %arg9[%select_n3A_67, %dma_start3A_127, %dma_start3A_128] : memref<4x1x125xi32, #tpu.memory_space<vmem>> -> memref<1x1x125xi32, #tpu.memory_space<vmem>>
      %dma_start3A_130 = tpu.memref_squeeze %dma_start3A_129 : memref<1x1x125xi32, #tpu.memory_space<vmem>> -> memref<125xi32, #tpu.memory_space<vmem>>
      %dma_start3A_131 = arith.constant 0 : i32
      %dma_start3A_132 = arith.constant 0 : i32
      %dma_start3A_133 = tpu.memref_slice %arg12[%dma_start3A_131, %dma_start3A_132] : memref<10000x128xf32, #tpu.memory_space<vmem_shared>> -> memref<10000x128xf32, #tpu.memory_space<vmem_shared>>
      tpu.enqueue_indirect_dma source(%arg10 : memref<125x128xf32, #tpu.memory_space<vmem>>) target(%dma_start3A_133 : memref<10000x128xf32, #tpu.memory_space<vmem_shared>>) offsets(%dma_start3A_130 : memref<125xi32, #tpu.memory_space<vmem>>) semaphore(%arg16 : memref<!tpu.dma_semaphore, #tpu.memory_space<semaphore_mem>>) {add = true}
      %dma_wait3A_134 = arith.constant 0 : i32
      %dma_wait3A_135 = arith.constant 0 : i32
      %dma_wait3A_136 = tpu.memref_slice %arg8[%select_n3A_85, %dma_wait3A_134, %dma_wait3A_135] : memref<4x1x125xi32, #tpu.memory_space<vmem>> -> memref<1x1x125xi32, #tpu.memory_space<vmem>>
      %dma_wait3A_137 = tpu.memref_squeeze %dma_wait3A_136 : memref<1x1x125xi32, #tpu.memory_space<vmem>> -> memref<125xi32, #tpu.memory_space<vmem>>
      %dma_wait3A_138 = arith.constant 0 : i32
      %dma_wait3A_139 = arith.constant 0 : i32
      %dma_wait3A_140 = tpu.memref_slice %arg2[%dma_wait3A_138, %dma_wait3A_139] : memref<10000x128xf32, #tpu.memory_space<hbm>> -> memref<10000x128xf32, #tpu.memory_space<hbm>>
      tpu.wait_indirect_dma semaphore(%arg14 : memref<!tpu.dma_semaphore, #tpu.memory_space<semaphore_mem>>) src(%dma_wait3A_140 : memref<10000x128xf32, #tpu.memory_space<hbm>>) dst(%arg11 : memref<125x128xf32, #tpu.memory_space<vmem>>)
      %lt3A_141 = arith.constant 39 : i32
      %lt3A_142 = arith.cmpi slt, %scan3A_50, %lt3A_141 : i32
      %convert_element_type3A_143 = arith.extui %lt3A_142 : i1 to i32
      %cond3A_144 = arith.constant 0 : i32
      %cond3A_145 = arith.cmpi ne, %convert_element_type3A_143, %cond3A_144 : i32
      scf.if %cond3A_145 {
        %add3A_165 = arith.addi %mul3A_22, %mul3A_52 : i32
        %add3A_166 = arith.constant 2 : i32
        %add3A_167 = arith.addi %add3A_165, %add3A_166 : i32
        %dma_wait3A_168 = arith.constant 0 : i32
        %dma_wait3A_169 = arith.constant 0 : i32
        %dma_wait3A_170 = tpu.memref_slice %arg8[%select_n3A_103, %dma_wait3A_168, %dma_wait3A_169] : memref<4x1x125xi32, #tpu.memory_space<vmem>> -> memref<2x1x125xi32, #tpu.memory_space<vmem>>
        %dma_wait3A_171 = arith.constant 0 : i32
        %dma_wait3A_172 = arith.constant 0 : i32
        %dma_wait3A_173 = tpu.memref_slice %arg3[%add3A_167, %dma_wait3A_171, %dma_wait3A_172] : memref<2560x1x125xi32, #tpu.memory_space<hbm>> -> memref<2x1x125xi32, #tpu.memory_space<hbm>>
        %dma_wait3A_174 = arith.constant 0 : i32
        %dma_wait3A_175 = arith.constant 0 : i32
        %dma_wait3A_176 = tpu.memref_slice %arg8[%select_n3A_103, %dma_wait3A_174, %dma_wait3A_175] : memref<4x1x125xi32, #tpu.memory_space<vmem>> -> memref<2x1x125xi32, #tpu.memory_space<vmem>>
        %dma_wait3A_177 = arith.constant 0 : i32
        %dma_wait3A_178 = arith.constant 0 : i32
        %dma_wait3A_179 = tpu.memref_slice %arg3[%add3A_167, %dma_wait3A_177, %dma_wait3A_178] : memref<2560x1x125xi32, #tpu.memory_space<hbm>> -> memref<2x1x125xi32, #tpu.memory_space<hbm>>
        tpu.wait_dma2 semaphore(%arg15 : memref<!tpu.dma_semaphore, #tpu.memory_space<semaphore_mem>>) src(%dma_wait3A_179 : memref<2x1x125xi32, #tpu.memory_space<hbm>>) dst(%dma_wait3A_176 : memref<2x1x125xi32, #tpu.memory_space<vmem>>)
        %add3A_180 = arith.addi %mul3A_22, %mul3A_52 : i32
        %add3A_181 = arith.constant 2 : i32
        %add3A_182 = arith.addi %add3A_180, %add3A_181 : i32
        %dma_wait3A_183 = arith.constant 0 : i32
        %dma_wait3A_184 = arith.constant 0 : i32
        %dma_wait3A_185 = tpu.memref_slice %arg9[%select_n3A_103, %dma_wait3A_183, %dma_wait3A_184] : memref<4x1x125xi32, #tpu.memory_space<vmem>> -> memref<2x1x125xi32, #tpu.memory_space<vmem>>
        %dma_wait3A_186 = arith.constant 0 : i32
        %dma_wait3A_187 = arith.constant 0 : i32
        %dma_wait3A_188 = tpu.memref_slice %arg4[%add3A_182, %dma_wait3A_186, %dma_wait3A_187] : memref<2560x1x125xi32, #tpu.memory_space<hbm>> -> memref<2x1x125xi32, #tpu.memory_space<hbm>>
        %dma_wait3A_189 = arith.constant 0 : i32
        %dma_wait3A_190 = arith.constant 0 : i32
        %dma_wait3A_191 = tpu.memref_slice %arg9[%select_n3A_103, %dma_wait3A_189, %dma_wait3A_190] : memref<4x1x125xi32, #tpu.memory_space<vmem>> -> memref<2x1x125xi32, #tpu.memory_space<vmem>>
        %dma_wait3A_192 = arith.constant 0 : i32
        %dma_wait3A_193 = arith.constant 0 : i32
        %dma_wait3A_194 = tpu.memref_slice %arg4[%add3A_182, %dma_wait3A_192, %dma_wait3A_193] : memref<2560x1x125xi32, #tpu.memory_space<hbm>> -> memref<2x1x125xi32, #tpu.memory_space<hbm>>
        tpu.wait_dma2 semaphore(%arg15 : memref<!tpu.dma_semaphore, #tpu.memory_space<semaphore_mem>>) src(%dma_wait3A_194 : memref<2x1x125xi32, #tpu.memory_space<hbm>>) dst(%dma_wait3A_191 : memref<2x1x125xi32, #tpu.memory_space<vmem>>)
      } else {
      }
      %dma_wait3A_146 = arith.constant 0 : i32
      %dma_wait3A_147 = arith.constant 0 : i32
      %dma_wait3A_148 = tpu.memref_slice %arg9[%select_n3A_67, %dma_wait3A_146, %dma_wait3A_147] : memref<4x1x125xi32, #tpu.memory_space<vmem>> -> memref<1x1x125xi32, #tpu.memory_space<vmem>>
      %dma_wait3A_149 = tpu.memref_squeeze %dma_wait3A_148 : memref<1x1x125xi32, #tpu.memory_space<vmem>> -> memref<125xi32, #tpu.memory_space<vmem>>
      %dma_wait3A_150 = arith.constant 0 : i32
      %dma_wait3A_151 = arith.constant 0 : i32
      %dma_wait3A_152 = tpu.memref_slice %arg12[%dma_wait3A_150, %dma_wait3A_151] : memref<10000x128xf32, #tpu.memory_space<vmem_shared>> -> memref<10000x128xf32, #tpu.memory_space<vmem_shared>>
      tpu.wait_indirect_dma semaphore(%arg16 : memref<!tpu.dma_semaphore, #tpu.memory_space<semaphore_mem>>) src(%arg10 : memref<125x128xf32, #tpu.memory_space<vmem>>) dst(%dma_wait3A_152 : memref<10000x128xf32, #tpu.memory_space<vmem_shared>>)
      %lt3A_153 = arith.constant 39 : i32
      %lt3A_154 = arith.cmpi slt, %scan3A_50, %lt3A_153 : i32
      %convert_element_type3A_155 = arith.extui %lt3A_154 : i1 to i32
      %cond3A_156 = arith.constant 0 : i32
      %cond3A_157 = arith.cmpi ne, %convert_element_type3A_155, %cond3A_156 : i32
      scf.if %cond3A_157 {
        %dma_start3A_165 = arith.constant 0 : i32
        %dma_start3A_166 = arith.constant 0 : i32
        %dma_start3A_167 = tpu.memref_slice %arg8[%select_n3A_103, %dma_start3A_165, %dma_start3A_166] : memref<4x1x125xi32, #tpu.memory_space<vmem>> -> memref<1x1x125xi32, #tpu.memory_space<vmem>>
        %dma_start3A_168 = tpu.memref_squeeze %dma_start3A_167 : memref<1x1x125xi32, #tpu.memory_space<vmem>> -> memref<125xi32, #tpu.memory_space<vmem>>
        %dma_start3A_169 = arith.constant 0 : i32
        %dma_start3A_170 = arith.constant 0 : i32
        %dma_start3A_171 = tpu.memref_slice %arg2[%dma_start3A_169, %dma_start3A_170] : memref<10000x128xf32, #tpu.memory_space<hbm>> -> memref<10000x128xf32, #tpu.memory_space<hbm>>
        tpu.enqueue_indirect_dma source(%dma_start3A_171 : memref<10000x128xf32, #tpu.memory_space<hbm>>) target(%arg10 : memref<125x128xf32, #tpu.memory_space<vmem>>) offsets(%dma_start3A_168 : memref<125xi32, #tpu.memory_space<vmem>>) semaphore(%arg13 : memref<!tpu.dma_semaphore, #tpu.memory_space<semaphore_mem>>)
      } else {
      }
      %dma_start3A_158 = arith.constant 0 : i32
      %dma_start3A_159 = arith.constant 0 : i32
      %dma_start3A_160 = tpu.memref_slice %arg9[%select_n3A_85, %dma_start3A_158, %dma_start3A_159] : memref<4x1x125xi32, #tpu.memory_space<vmem>> -> memref<1x1x125xi32, #tpu.memory_space<vmem>>
      %dma_start3A_161 = tpu.memref_squeeze %dma_start3A_160 : memref<1x1x125xi32, #tpu.memory_space<vmem>> -> memref<125xi32, #tpu.memory_space<vmem>>
      %dma_start3A_162 = arith.constant 0 : i32
      %dma_start3A_163 = arith.constant 0 : i32
      %dma_start3A_164 = tpu.memref_slice %arg12[%dma_start3A_162, %dma_start3A_163] : memref<10000x128xf32, #tpu.memory_space<vmem_shared>> -> memref<10000x128xf32, #tpu.memory_space<vmem_shared>>
      tpu.enqueue_indirect_dma source(%arg11 : memref<125x128xf32, #tpu.memory_space<vmem>>) target(%dma_start3A_164 : memref<10000x128xf32, #tpu.memory_space<vmem_shared>>) offsets(%dma_start3A_161 : memref<125xi32, #tpu.memory_space<vmem>>) semaphore(%arg17 : memref<!tpu.dma_semaphore, #tpu.memory_space<semaphore_mem>>) {add = true}
    }
    %scan3A_34 = arith.constant 40 : i32
    %dma_wait3A = arith.constant 1 : i32
    %dma_wait3A_35 = arith.constant 0 : i32
    %dma_wait3A_36 = arith.constant 0 : i32
    %dma_wait3A_37 = tpu.memref_slice %arg9[%dma_wait3A, %dma_wait3A_35, %dma_wait3A_36] : memref<4x1x125xi32, #tpu.memory_space<vmem>> -> memref<1x1x125xi32, #tpu.memory_space<vmem>>
    %dma_wait3A_38 = tpu.memref_squeeze %dma_wait3A_37 : memref<1x1x125xi32, #tpu.memory_space<vmem>> -> memref<125xi32, #tpu.memory_space<vmem>>
    %dma_wait3A_39 = arith.constant 0 : i32
    %dma_wait3A_40 = arith.constant 0 : i32
    %dma_wait3A_41 = tpu.memref_slice %arg12[%dma_wait3A_39, %dma_wait3A_40] : memref<10000x128xf32, #tpu.memory_space<vmem_shared>> -> memref<10000x128xf32, #tpu.memory_space<vmem_shared>>
    tpu.wait_indirect_dma semaphore(%arg17 : memref<!tpu.dma_semaphore, #tpu.memory_space<semaphore_mem>>) src(%arg11 : memref<125x128xf32, #tpu.memory_space<vmem>>) dst(%dma_wait3A_41 : memref<10000x128xf32, #tpu.memory_space<vmem_shared>>)
    %barrier3A_42 = arith.constant 0 : index
    tpu.barrier barrier_id(%barrier3A_42)
    %eq3A = arith.constant 0 : i32
    %eq3A_43 = arith.cmpi eq, %arg0, %eq3A : i32
    %convert_element_type3A = arith.extui %eq3A_43 : i1 to i32
    %cond3A = arith.constant 0 : i32
    %cond3A_44 = arith.cmpi ne, %convert_element_type3A, %cond3A : i32
    scf.if %cond3A_44 {
      "tpu.region"() ({
        %run_scoped3A = tpu.sem_alloc : memref<!tpu.dma_semaphore, #tpu.memory_space<semaphore_mem>>
        %dma_start3A_50 = arith.constant 0 : i32
        %dma_start3A_51 = tpu.memref_slice %arg6[%multiple_of3A, %dma_start3A_50] : memref<10000x128xf32, #tpu.memory_space<hbm>> -> memref<632x128xf32, #tpu.memory_space<hbm>>
        %dma_start3A_52 = arith.constant 0 : i32
        %dma_start3A_53 = tpu.memref_slice %arg12[%multiple_of3A, %dma_start3A_52] : memref<10000x128xf32, #tpu.memory_space<vmem_shared>> -> memref<632x128xf32, #tpu.memory_space<vmem_shared>>
        tpu.enqueue_dma source(%dma_start3A_53 : memref<632x128xf32, #tpu.memory_space<vmem_shared>>) target(%dma_start3A_51 : memref<632x128xf32, #tpu.memory_space<hbm>>) target_semaphore(%run_scoped3A : memref<!tpu.dma_semaphore, #tpu.memory_space<semaphore_mem>>)
        %dma_wait3A_54 = arith.constant 0 : i32
        %dma_wait3A_55 = tpu.memref_slice %arg6[%multiple_of3A, %dma_wait3A_54] : memref<10000x128xf32, #tpu.memory_space<hbm>> -> memref<632x128xf32, #tpu.memory_space<hbm>>
        %dma_wait3A_56 = arith.constant 0 : i32
        %dma_wait3A_57 = tpu.memref_slice %arg12[%multiple_of3A, %dma_wait3A_56] : memref<10000x128xf32, #tpu.memory_space<vmem_shared>> -> memref<632x128xf32, #tpu.memory_space<vmem_shared>>
        tpu.wait_dma2 semaphore(%run_scoped3A : memref<!tpu.dma_semaphore, #tpu.memory_space<semaphore_mem>>) src(%dma_wait3A_57 : memref<632x128xf32, #tpu.memory_space<vmem_shared>>) dst(%dma_wait3A_55 : memref<632x128xf32, #tpu.memory_space<hbm>>)
        tpu.yield
      }) : () -> ()
    } else {
    }
    %eq3A_45 = arith.constant 1 : i32
    %eq3A_46 = arith.cmpi eq, %arg0, %eq3A_45 : i32
    %convert_element_type3A_47 = arith.extui %eq3A_46 : i1 to i32
    %cond3A_48 = arith.constant 0 : i32
    %cond3A_49 = arith.cmpi ne, %convert_element_type3A_47, %cond3A_48 : i32
    scf.if %cond3A_49 {
      "tpu.region"() ({
        %run_scoped3A = tpu.sem_alloc : memref<!tpu.dma_semaphore, #tpu.memory_space<semaphore_mem>>
        %dma_start3A_50 = arith.constant 0 : i32
        %dma_start3A_51 = tpu.memref_slice %arg7[%multiple_of3A, %dma_start3A_50] : memref<10000x128xf32, #tpu.memory_space<hbm>> -> memref<632x128xf32, #tpu.memory_space<hbm>>
        %dma_start3A_52 = arith.constant 0 : i32
        %dma_start3A_53 = tpu.memref_slice %arg12[%multiple_of3A, %dma_start3A_52] : memref<10000x128xf32, #tpu.memory_space<vmem_shared>> -> memref<632x128xf32, #tpu.memory_space<vmem_shared>>
        tpu.enqueue_dma source(%dma_start3A_53 : memref<632x128xf32, #tpu.memory_space<vmem_shared>>) target(%dma_start3A_51 : memref<632x128xf32, #tpu.memory_space<hbm>>) target_semaphore(%run_scoped3A : memref<!tpu.dma_semaphore, #tpu.memory_space<semaphore_mem>>)
        %dma_wait3A_54 = arith.constant 0 : i32
        %dma_wait3A_55 = tpu.memref_slice %arg7[%multiple_of3A, %dma_wait3A_54] : memref<10000x128xf32, #tpu.memory_space<hbm>> -> memref<632x128xf32, #tpu.memory_space<hbm>>
        %dma_wait3A_56 = arith.constant 0 : i32
        %dma_wait3A_57 = tpu.memref_slice %arg12[%multiple_of3A, %dma_wait3A_56] : memref<10000x128xf32, #tpu.memory_space<vmem_shared>> -> memref<632x128xf32, #tpu.memory_space<vmem_shared>>
        tpu.wait_dma2 semaphore(%run_scoped3A : memref<!tpu.dma_semaphore, #tpu.memory_space<semaphore_mem>>) src(%dma_wait3A_57 : memref<632x128xf32, #tpu.memory_space<vmem_shared>>) dst(%dma_wait3A_55 : memref<632x128xf32, #tpu.memory_space<hbm>>)
        tpu.yield
      }) : () -> ()
    } else {
    }
    return
  }
}

#map = affine_map<(d0, d1) -> (0)>
module attributes {stable_mosaic.version = 14 : i64} {
  func.func @deg_kernel(%arg0: i32, %arg1: i32, %arg2: memref<320000xi32, #tpu.memory_space<hbm>>, %arg3: memref<10000xf32, #tpu.memory_space<hbm>>, %arg4: memref<10000xf32, #tpu.memory_space<hbm>>, %arg5: memref<10000xf32, #tpu.memory_space<hbm>>, %arg6: memref<80xi32, #tpu.memory_space<vmem>>, %arg7: memref<80xi32, #tpu.memory_space<vmem>>, %arg8: memref<80xf32, #tpu.memory_space<vmem>>, %arg9: memref<10000xf32, #tpu.memory_space<vmem_shared>>, %arg10: memref<!tpu.dma_semaphore, #tpu.memory_space<semaphore_mem>>, %arg11: memref<!tpu.dma_semaphore, #tpu.memory_space<semaphore_mem>>) attributes {dimension_semantics = [#tpu.dimension_semantics<core_parallel>, #tpu.dimension_semantics<subcore_parallel>], iteration_bounds = array<i64: 2, 16>, scalar_prefetch = 0 : i64, scratch_operands = 6 : i64, tpu.core_type = #tpu.core_type<sc_vector_subcore>, window_params = [{transform_indices = #map}, {transform_indices = #map}, {transform_indices = #map}, {transform_indices = #map}]} {
    %broadcast_in_dim3A = arith.constant 1.000000e+00 : f32
    %broadcast_in_dim3A_0 = vector.broadcast %broadcast_in_dim3A : f32 to vector<16xf32>
    %swap3A = arith.constant 0 : index
    %swap3A_1 = tpu.vector_load %arg8[%swap3A] {strides = array<i32>} : memref<80xf32, #tpu.memory_space<vmem>>, vector<16xf32>,
    %swap3A_2 = vector.shape_cast %swap3A_1 : vector<16xf32> to vector<16xf32>
    %swap3A_3 = vector.shape_cast %broadcast_in_dim3A_0 : vector<16xf32> to vector<16xf32>
    tpu.vector_store %arg8[%swap3A], %swap3A_3 {strides = array<i32>} : memref<80xf32, #tpu.memory_space<vmem>>, vector<16xf32>,
    %broadcast_in_dim3A_4 = arith.constant 1.000000e+00 : f32
    %broadcast_in_dim3A_5 = vector.broadcast %broadcast_in_dim3A_4 : f32 to vector<16xf32>
    %swap3A_6 = arith.constant 16 : index
    %swap3A_7 = tpu.vector_load %arg8[%swap3A_6] {strides = array<i32>} : memref<80xf32, #tpu.memory_space<vmem>>, vector<16xf32>,
    %swap3A_8 = vector.shape_cast %swap3A_7 : vector<16xf32> to vector<16xf32>
    %swap3A_9 = vector.shape_cast %broadcast_in_dim3A_5 : vector<16xf32> to vector<16xf32>
    tpu.vector_store %arg8[%swap3A_6], %swap3A_9 {strides = array<i32>} : memref<80xf32, #tpu.memory_space<vmem>>, vector<16xf32>,
    %broadcast_in_dim3A_10 = arith.constant 1.000000e+00 : f32
    %broadcast_in_dim3A_11 = vector.broadcast %broadcast_in_dim3A_10 : f32 to vector<16xf32>
    %swap3A_12 = arith.constant 32 : index
    %swap3A_13 = tpu.vector_load %arg8[%swap3A_12] {strides = array<i32>} : memref<80xf32, #tpu.memory_space<vmem>>, vector<16xf32>,
    %swap3A_14 = vector.shape_cast %swap3A_13 : vector<16xf32> to vector<16xf32>
    %swap3A_15 = vector.shape_cast %broadcast_in_dim3A_11 : vector<16xf32> to vector<16xf32>
    tpu.vector_store %arg8[%swap3A_12], %swap3A_15 {strides = array<i32>} : memref<80xf32, #tpu.memory_space<vmem>>, vector<16xf32>,
    %broadcast_in_dim3A_16 = arith.constant 1.000000e+00 : f32
    %broadcast_in_dim3A_17 = vector.broadcast %broadcast_in_dim3A_16 : f32 to vector<16xf32>
    %swap3A_18 = arith.constant 48 : index
    %swap3A_19 = tpu.vector_load %arg8[%swap3A_18] {strides = array<i32>} : memref<80xf32, #tpu.memory_space<vmem>>, vector<16xf32>,
    %swap3A_20 = vector.shape_cast %swap3A_19 : vector<16xf32> to vector<16xf32>
    %swap3A_21 = vector.shape_cast %broadcast_in_dim3A_17 : vector<16xf32> to vector<16xf32>
    tpu.vector_store %arg8[%swap3A_18], %swap3A_21 {strides = array<i32>} : memref<80xf32, #tpu.memory_space<vmem>>, vector<16xf32>,
    %broadcast_in_dim3A_22 = arith.constant 1.000000e+00 : f32
    %broadcast_in_dim3A_23 = vector.broadcast %broadcast_in_dim3A_22 : f32 to vector<16xf32>
    %swap3A_24 = arith.constant 64 : index
    %swap3A_25 = tpu.vector_load %arg8[%swap3A_24] {strides = array<i32>} : memref<80xf32, #tpu.memory_space<vmem>>, vector<16xf32>,
    %swap3A_26 = vector.shape_cast %swap3A_25 : vector<16xf32> to vector<16xf32>
    %swap3A_27 = vector.shape_cast %broadcast_in_dim3A_23 : vector<16xf32> to vector<16xf32>
    tpu.vector_store %arg8[%swap3A_24], %swap3A_27 {strides = array<i32>} : memref<80xf32, #tpu.memory_space<vmem>>, vector<16xf32>,
    %eq3A = arith.constant 0 : i32
    %eq3A_28 = arith.cmpi eq, %arg1, %eq3A : i32
    %convert_element_type3A = arith.extui %eq3A_28 : i1 to i32
    %cond3A = arith.constant 0 : i32
    %cond3A_29 = arith.cmpi ne, %convert_element_type3A, %cond3A : i32
    scf.if %cond3A_29 {
      "tpu.region"() ({
        %run_scoped3A = tpu.sem_alloc : memref<!tpu.dma_semaphore, #tpu.memory_space<semaphore_mem>>
        tpu.enqueue_dma source(%arg3 : memref<10000xf32, #tpu.memory_space<hbm>>) target(%arg9 : memref<10000xf32, #tpu.memory_space<vmem_shared>>) target_semaphore(%run_scoped3A : memref<!tpu.dma_semaphore, #tpu.memory_space<semaphore_mem>>)
        tpu.wait_dma2 semaphore(%run_scoped3A : memref<!tpu.dma_semaphore, #tpu.memory_space<semaphore_mem>>) src(%arg3 : memref<10000xf32, #tpu.memory_space<hbm>>) dst(%arg9 : memref<10000xf32, #tpu.memory_space<vmem_shared>>)
        tpu.yield
      }) : () -> ()
    } else {
    }
    %barrier3A = arith.constant 0 : index
    tpu.barrier barrier_id(%barrier3A)
    %mul3A = arith.constant 16 : i32
    %mul3A_30 = arith.muli %arg0, %mul3A : i32
    %add3A = arith.addi %mul3A_30, %arg1 : i32
    %mul3A_31 = arith.constant 10000 : i32
    %mul3A_32 = arith.muli %add3A, %mul3A_31 : i32
    %multiple_of3A = tpu.assume_multiple %mul3A_32, 8 : i32
    "tpu.region"() ({
      %run_scoped3A = tpu.sem_alloc : memref<!tpu.dma_semaphore, #tpu.memory_space<semaphore_mem>>
      %dma_start3A_58 = tpu.memref_slice %arg2[%multiple_of3A] : memref<320000xi32, #tpu.memory_space<hbm>> -> memref<80xi32, #tpu.memory_space<hbm>>
      %dma_start3A_59 = tpu.memref_slice %arg2[%multiple_of3A] : memref<320000xi32, #tpu.memory_space<hbm>> -> memref<80xi32, #tpu.memory_space<hbm>>
      tpu.enqueue_dma source(%dma_start3A_59 : memref<80xi32, #tpu.memory_space<hbm>>) target(%arg6 : memref<80xi32, #tpu.memory_space<vmem>>) target_semaphore(%run_scoped3A : memref<!tpu.dma_semaphore, #tpu.memory_space<semaphore_mem>>)
      %dma_wait3A = tpu.memref_slice %arg2[%multiple_of3A] : memref<320000xi32, #tpu.memory_space<hbm>> -> memref<80xi32, #tpu.memory_space<hbm>>
      %dma_wait3A_60 = tpu.memref_slice %arg2[%multiple_of3A] : memref<320000xi32, #tpu.memory_space<hbm>> -> memref<80xi32, #tpu.memory_space<hbm>>
      tpu.wait_dma2 semaphore(%run_scoped3A : memref<!tpu.dma_semaphore, #tpu.memory_space<semaphore_mem>>) src(%dma_wait3A_60 : memref<80xi32, #tpu.memory_space<hbm>>) dst(%arg6 : memref<80xi32, #tpu.memory_space<vmem>>)
      tpu.yield
    }) : () -> ()
    "tpu.region"() ({
      %run_scoped3A = tpu.sem_alloc : memref<!tpu.dma_semaphore, #tpu.memory_space<semaphore_mem>>
      %dma_start3A_58 = arith.constant 0 : i32
      %dma_start3A_59 = tpu.memref_slice %arg9[%dma_start3A_58] : memref<10000xf32, #tpu.memory_space<vmem_shared>> -> memref<10000xf32, #tpu.memory_space<vmem_shared>>
      tpu.enqueue_indirect_dma source(%arg8 : memref<80xf32, #tpu.memory_space<vmem>>) target(%dma_start3A_59 : memref<10000xf32, #tpu.memory_space<vmem_shared>>) offsets(%arg6 : memref<80xi32, #tpu.memory_space<vmem>>) semaphore(%run_scoped3A : memref<!tpu.dma_semaphore, #tpu.memory_space<semaphore_mem>>) {add = true}
      %dma_wait3A = arith.constant 0 : i32
      %dma_wait3A_60 = tpu.memref_slice %arg9[%dma_wait3A] : memref<10000xf32, #tpu.memory_space<vmem_shared>> -> memref<10000xf32, #tpu.memory_space<vmem_shared>>
      tpu.wait_indirect_dma semaphore(%run_scoped3A : memref<!tpu.dma_semaphore, #tpu.memory_space<semaphore_mem>>) src(%arg8 : memref<80xf32, #tpu.memory_space<vmem>>) dst(%dma_wait3A_60 : memref<10000xf32, #tpu.memory_space<vmem_shared>>)
      tpu.yield
    }) : () -> ()
    %add3A_33 = arith.constant 80 : i32
    %add3A_34 = arith.addi %mul3A_32, %add3A_33 : i32
    %multiple_of3A_35 = tpu.assume_multiple %add3A_34, 8 : i32
    %dma_start3A = tpu.memref_slice %arg2[%multiple_of3A_35] : memref<320000xi32, #tpu.memory_space<hbm>> -> memref<80xi32, #tpu.memory_space<hbm>>
    %dma_start3A_36 = tpu.memref_slice %arg2[%multiple_of3A_35] : memref<320000xi32, #tpu.memory_space<hbm>> -> memref<80xi32, #tpu.memory_space<hbm>>
    tpu.enqueue_dma source(%dma_start3A_36 : memref<80xi32, #tpu.memory_space<hbm>>) target(%arg6 : memref<80xi32, #tpu.memory_space<vmem>>) target_semaphore(%arg10 : memref<!tpu.dma_semaphore, #tpu.memory_space<semaphore_mem>>)
    %scan3A = arith.constant 0 : i32
    %scan3A_37 = arith.constant 0 : i32
    %scan3A_38 = arith.constant 62 : i32
    %scan3A_39 = arith.addi %scan3A_37, %scan3A_38 : i32
    %scan3A_40 = arith.constant 1 : i32
    scf.for %scan3A_58 = %scan3A_37 to %scan3A_39 step %scan3A_40  : i32 {
      %mul3A_59 = arith.constant 2 : i32
      %mul3A_60 = arith.muli %mul3A_59, %scan3A_58 : i32
      %add3A_61 = arith.constant 1 : i32
      %add3A_62 = arith.addi %add3A_61, %mul3A_60 : i32
      %mul3A_63 = arith.constant 80 : i32
      %mul3A_64 = arith.muli %add3A_62, %mul3A_63 : i32
      %add3A_65 = arith.addi %mul3A_32, %mul3A_64 : i32
      %multiple_of3A_66 = tpu.assume_multiple %add3A_65, 8 : i32
      %add3A_67 = arith.constant 1 : i32
      %add3A_68 = arith.addi %add3A_62, %add3A_67 : i32
      %mul3A_69 = arith.constant 80 : i32
      %mul3A_70 = arith.muli %add3A_68, %mul3A_69 : i32
      %add3A_71 = arith.addi %mul3A_32, %mul3A_70 : i32
      %multiple_of3A_72 = tpu.assume_multiple %add3A_71, 8 : i32
      %add3A_73 = arith.constant 2 : i32
      %add3A_74 = arith.addi %add3A_62, %add3A_73 : i32
      %mul3A_75 = arith.constant 80 : i32
      %mul3A_76 = arith.muli %add3A_74, %mul3A_75 : i32
      %add3A_77 = arith.addi %mul3A_32, %mul3A_76 : i32
      %multiple_of3A_78 = tpu.assume_multiple %add3A_77, 8 : i32
      %dma_wait3A = tpu.memref_slice %arg2[%multiple_of3A_66] : memref<320000xi32, #tpu.memory_space<hbm>> -> memref<80xi32, #tpu.memory_space<hbm>>
      %dma_wait3A_79 = tpu.memref_slice %arg2[%multiple_of3A_66] : memref<320000xi32, #tpu.memory_space<hbm>> -> memref<80xi32, #tpu.memory_space<hbm>>
      tpu.wait_dma2 semaphore(%arg10 : memref<!tpu.dma_semaphore, #tpu.memory_space<semaphore_mem>>) src(%dma_wait3A_79 : memref<80xi32, #tpu.memory_space<hbm>>) dst(%arg6 : memref<80xi32, #tpu.memory_space<vmem>>)
      %dma_start3A_80 = tpu.memref_slice %arg2[%multiple_of3A_72] : memref<320000xi32, #tpu.memory_space<hbm>> -> memref<80xi32, #tpu.memory_space<hbm>>
      %dma_start3A_81 = tpu.memref_slice %arg2[%multiple_of3A_72] : memref<320000xi32, #tpu.memory_space<hbm>> -> memref<80xi32, #tpu.memory_space<hbm>>
      tpu.enqueue_dma source(%dma_start3A_81 : memref<80xi32, #tpu.memory_space<hbm>>) target(%arg7 : memref<80xi32, #tpu.memory_space<vmem>>) target_semaphore(%arg11 : memref<!tpu.dma_semaphore, #tpu.memory_space<semaphore_mem>>)
      "tpu.region"() ({
        %run_scoped3A = tpu.sem_alloc : memref<!tpu.dma_semaphore, #tpu.memory_space<semaphore_mem>>
        %dma_start3A_88 = arith.constant 0 : i32
        %dma_start3A_89 = tpu.memref_slice %arg9[%dma_start3A_88] : memref<10000xf32, #tpu.memory_space<vmem_shared>> -> memref<10000xf32, #tpu.memory_space<vmem_shared>>
        tpu.enqueue_indirect_dma source(%arg8 : memref<80xf32, #tpu.memory_space<vmem>>) target(%dma_start3A_89 : memref<10000xf32, #tpu.memory_space<vmem_shared>>) offsets(%arg6 : memref<80xi32, #tpu.memory_space<vmem>>) semaphore(%run_scoped3A : memref<!tpu.dma_semaphore, #tpu.memory_space<semaphore_mem>>) {add = true}
        %dma_wait3A_90 = arith.constant 0 : i32
        %dma_wait3A_91 = tpu.memref_slice %arg9[%dma_wait3A_90] : memref<10000xf32, #tpu.memory_space<vmem_shared>> -> memref<10000xf32, #tpu.memory_space<vmem_shared>>
        tpu.wait_indirect_dma semaphore(%run_scoped3A : memref<!tpu.dma_semaphore, #tpu.memory_space<semaphore_mem>>) src(%arg8 : memref<80xf32, #tpu.memory_space<vmem>>) dst(%dma_wait3A_91 : memref<10000xf32, #tpu.memory_space<vmem_shared>>)
        tpu.yield
      }) : () -> ()
      %dma_wait3A_82 = tpu.memref_slice %arg2[%multiple_of3A_72] : memref<320000xi32, #tpu.memory_space<hbm>> -> memref<80xi32, #tpu.memory_space<hbm>>
      %dma_wait3A_83 = tpu.memref_slice %arg2[%multiple_of3A_72] : memref<320000xi32, #tpu.memory_space<hbm>> -> memref<80xi32, #tpu.memory_space<hbm>>
      tpu.wait_dma2 semaphore(%arg11 : memref<!tpu.dma_semaphore, #tpu.memory_space<semaphore_mem>>) src(%dma_wait3A_83 : memref<80xi32, #tpu.memory_space<hbm>>) dst(%arg7 : memref<80xi32, #tpu.memory_space<vmem>>)
      %lt3A = arith.constant 61 : i32
      %lt3A_84 = arith.cmpi slt, %scan3A_58, %lt3A : i32
      %convert_element_type3A_85 = arith.extui %lt3A_84 : i1 to i32
      %cond3A_86 = arith.constant 0 : i32
      %cond3A_87 = arith.cmpi ne, %convert_element_type3A_85, %cond3A_86 : i32
      scf.if %cond3A_87 {
        %dma_start3A_88 = tpu.memref_slice %arg2[%multiple_of3A_78] : memref<320000xi32, #tpu.memory_space<hbm>> -> memref<80xi32, #tpu.memory_space<hbm>>
        %dma_start3A_89 = tpu.memref_slice %arg2[%multiple_of3A_78] : memref<320000xi32, #tpu.memory_space<hbm>> -> memref<80xi32, #tpu.memory_space<hbm>>
        tpu.enqueue_dma source(%dma_start3A_89 : memref<80xi32, #tpu.memory_space<hbm>>) target(%arg6 : memref<80xi32, #tpu.memory_space<vmem>>) target_semaphore(%arg10 : memref<!tpu.dma_semaphore, #tpu.memory_space<semaphore_mem>>)
      } else {
      }
      "tpu.region"() ({
        %run_scoped3A = tpu.sem_alloc : memref<!tpu.dma_semaphore, #tpu.memory_space<semaphore_mem>>
        %dma_start3A_88 = arith.constant 0 : i32
        %dma_start3A_89 = tpu.memref_slice %arg9[%dma_start3A_88] : memref<10000xf32, #tpu.memory_space<vmem_shared>> -> memref<10000xf32, #tpu.memory_space<vmem_shared>>
        tpu.enqueue_indirect_dma source(%arg8 : memref<80xf32, #tpu.memory_space<vmem>>) target(%dma_start3A_89 : memref<10000xf32, #tpu.memory_space<vmem_shared>>) offsets(%arg7 : memref<80xi32, #tpu.memory_space<vmem>>) semaphore(%run_scoped3A : memref<!tpu.dma_semaphore, #tpu.memory_space<semaphore_mem>>) {add = true}
        %dma_wait3A_90 = arith.constant 0 : i32
        %dma_wait3A_91 = tpu.memref_slice %arg9[%dma_wait3A_90] : memref<10000xf32, #tpu.memory_space<vmem_shared>> -> memref<10000xf32, #tpu.memory_space<vmem_shared>>
        tpu.wait_indirect_dma semaphore(%run_scoped3A : memref<!tpu.dma_semaphore, #tpu.memory_space<semaphore_mem>>) src(%arg8 : memref<80xf32, #tpu.memory_space<vmem>>) dst(%dma_wait3A_91 : memref<10000xf32, #tpu.memory_space<vmem_shared>>)
        tpu.yield
      }) : () -> ()
    }
    %scan3A_41 = arith.constant 62 : i32
    %barrier3A_42 = arith.constant 0 : index
    tpu.barrier barrier_id(%barrier3A_42)
    %eq3A_43 = arith.constant 0 : i32
    %eq3A_44 = arith.cmpi eq, %arg1, %eq3A_43 : i32
    %eq3A_45 = arith.constant 0 : i32
    %eq3A_46 = arith.cmpi eq, %arg0, %eq3A_45 : i32
    %and3A = arith.andi %eq3A_44, %eq3A_46 : i1
    %convert_element_type3A_47 = arith.extui %and3A : i1 to i32
    %cond3A_48 = arith.constant 0 : i32
    %cond3A_49 = arith.cmpi ne, %convert_element_type3A_47, %cond3A_48 : i32
    scf.if %cond3A_49 {
      "tpu.region"() ({
        %run_scoped3A = tpu.sem_alloc : memref<!tpu.dma_semaphore, #tpu.memory_space<semaphore_mem>>
        tpu.enqueue_dma source(%arg9 : memref<10000xf32, #tpu.memory_space<vmem_shared>>) target(%arg4 : memref<10000xf32, #tpu.memory_space<hbm>>) target_semaphore(%run_scoped3A : memref<!tpu.dma_semaphore, #tpu.memory_space<semaphore_mem>>)
        tpu.wait_dma2 semaphore(%run_scoped3A : memref<!tpu.dma_semaphore, #tpu.memory_space<semaphore_mem>>) src(%arg9 : memref<10000xf32, #tpu.memory_space<vmem_shared>>) dst(%arg4 : memref<10000xf32, #tpu.memory_space<hbm>>)
        tpu.yield
      }) : () -> ()
    } else {
    }
    %eq3A_50 = arith.constant 0 : i32
    %eq3A_51 = arith.cmpi eq, %arg1, %eq3A_50 : i32
    %eq3A_52 = arith.constant 1 : i32
    %eq3A_53 = arith.cmpi eq, %arg0, %eq3A_52 : i32
    %and3A_54 = arith.andi %eq3A_51, %eq3A_53 : i1
    %convert_element_type3A_55 = arith.extui %and3A_54 : i1 to i32
    %cond3A_56 = arith.constant 0 : i32
    %cond3A_57 = arith.cmpi ne, %convert_element_type3A_55, %cond3A_56 : i32
    scf.if %cond3A_57 {
      "tpu.region"() ({
        %run_scoped3A = tpu.sem_alloc : memref<!tpu.dma_semaphore, #tpu.memory_space<semaphore_mem>>
        tpu.enqueue_dma source(%arg9 : memref<10000xf32, #tpu.memory_space<vmem_shared>>) target(%arg5 : memref<10000xf32, #tpu.memory_space<hbm>>) target_semaphore(%run_scoped3A : memref<!tpu.dma_semaphore, #tpu.memory_space<semaphore_mem>>)
        tpu.wait_dma2 semaphore(%run_scoped3A : memref<!tpu.dma_semaphore, #tpu.memory_space<semaphore_mem>>) src(%arg9 : memref<10000xf32, #tpu.memory_space<vmem_shared>>) dst(%arg5 : memref<10000xf32, #tpu.memory_space<hbm>>)
        tpu.yield
      }) : () -> ()
    } else {
    }
    return
  }
}

#map = affine_map<(d0, d1) -> (0, 0)>
#map1 = affine_map<(d0, d1) -> (0, 0, 0)>
module attributes {stable_mosaic.version = 14 : i64} {
  func.func @agg_kernel(%arg0: i32, %arg1: i32, %arg2: memref<10000x128xf32, #tpu.memory_space<hbm>>, %arg3: memref<2560x1x125xi32, #tpu.memory_space<hbm>>, %arg4: memref<2560x1x125xi32, #tpu.memory_space<hbm>>, %arg5: memref<10000x128xf32, #tpu.memory_space<hbm>>, %arg6: memref<10000x128xf32, #tpu.memory_space<hbm>>, %arg7: memref<10000x128xf32, #tpu.memory_space<hbm>>, %arg8: memref<4x1x125xi32, #tpu.memory_space<vmem>>, %arg9: memref<4x1x125xi32, #tpu.memory_space<vmem>>, %arg10: memref<125x128xf32, #tpu.memory_space<vmem>>, %arg11: memref<125x128xf32, #tpu.memory_space<vmem>>, %arg12: memref<10000x128xf32, #tpu.memory_space<vmem_shared>>, %arg13: memref<!tpu.dma_semaphore, #tpu.memory_space<semaphore_mem>>, %arg14: memref<!tpu.dma_semaphore, #tpu.memory_space<semaphore_mem>>, %arg15: memref<!tpu.dma_semaphore, #tpu.memory_space<semaphore_mem>>, %arg16: memref<!tpu.dma_semaphore, #tpu.memory_space<semaphore_mem>>, %arg17: memref<!tpu.dma_semaphore, #tpu.memory_space<semaphore_mem>>) attributes {dimension_semantics = [#tpu.dimension_semantics<core_parallel>, #tpu.dimension_semantics<subcore_parallel>], iteration_bounds = array<i64: 2, 16>, scalar_prefetch = 0 : i64, scratch_operands = 10 : i64, tpu.core_type = #tpu.core_type<sc_vector_subcore>, window_params = [{transform_indices = #map}, {transform_indices = #map1}, {transform_indices = #map1}, {transform_indices = #map}, {transform_indices = #map}, {transform_indices = #map}]} {
    %mul3A = arith.constant 625 : i32
    %mul3A_0 = arith.muli %arg1, %mul3A : i32
    %jit3A = arith.constant 8 : i32
    %div3A = arith.divsi %mul3A_0, %jit3A : i32
    %sign3A = arith.constant 0 : i32
    %sign3A_1 = arith.cmpi sgt, %mul3A_0, %sign3A : i32
    %sign3A_2 = arith.extui %sign3A_1 : i1 to i32
    %sign3A_3 = arith.constant 0 : i32
    %sign3A_4 = arith.cmpi slt, %mul3A_0, %sign3A_3 : i32
    %sign3A_5 = arith.extui %sign3A_4 : i1 to i32
    %sign3A_6 = arith.subi %sign3A_2, %sign3A_5 : i32
    %sign3A_7 = arith.constant 0 : i32
    %sign3A_8 = arith.cmpi sgt, %jit3A, %sign3A_7 : i32
    %sign3A_9 = arith.extui %sign3A_8 : i1 to i32
    %sign3A_10 = arith.constant 0 : i32
    %sign3A_11 = arith.cmpi slt, %jit3A, %sign3A_10 : i32
    %sign3A_12 = arith.extui %sign3A_11 : i1 to i32
    %sign3A_13 = arith.subi %sign3A_9, %sign3A_12 : i32
    %ne3A = arith.cmpi ne, %sign3A_6, %sign3A_13 : i32
    %rem3A = arith.remsi %mul3A_0, %jit3A : i32
    %ne3A_14 = arith.constant 0 : i32
    %ne3A_15 = arith.cmpi ne, %rem3A, %ne3A_14 : i32
    %and3A = arith.andi %ne3A, %ne3A_15 : i1
    %sub3A = arith.constant 1 : i32
    %sub3A_16 = arith.subi %div3A, %sub3A : i32
    %select_n3A = arith.select %and3A, %sub3A_16, %div3A : i32
    %mul3A_17 = arith.constant 8 : i32
    %mul3A_18 = arith.muli %select_n3A, %mul3A_17 : i32
    %multiple_of3A = tpu.assume_multiple %mul3A_18, 8 : i32
    "tpu.region"() ({
      %run_scoped3A = tpu.sem_alloc : memref<!tpu.dma_semaphore, #tpu.memory_space<semaphore_mem>>
      %dma_start3A_50 = arith.constant 0 : i32
      %dma_start3A_51 = tpu.memref_slice %arg12[%multiple_of3A, %dma_start3A_50] : memref<10000x128xf32, #tpu.memory_space<vmem_shared>> -> memref<632x128xf32, #tpu.memory_space<vmem_shared>>
      %dma_start3A_52 = arith.constant 0 : i32
      %dma_start3A_53 = tpu.memref_slice %arg5[%multiple_of3A, %dma_start3A_52] : memref<10000x128xf32, #tpu.memory_space<hbm>> -> memref<632x128xf32, #tpu.memory_space<hbm>>
      tpu.enqueue_dma source(%dma_start3A_53 : memref<632x128xf32, #tpu.memory_space<hbm>>) target(%dma_start3A_51 : memref<632x128xf32, #tpu.memory_space<vmem_shared>>) target_semaphore(%run_scoped3A : memref<!tpu.dma_semaphore, #tpu.memory_space<semaphore_mem>>)
      %dma_wait3A_54 = arith.constant 0 : i32
      %dma_wait3A_55 = tpu.memref_slice %arg12[%multiple_of3A, %dma_wait3A_54] : memref<10000x128xf32, #tpu.memory_space<vmem_shared>> -> memref<632x128xf32, #tpu.memory_space<vmem_shared>>
      %dma_wait3A_56 = arith.constant 0 : i32
      %dma_wait3A_57 = tpu.memref_slice %arg5[%multiple_of3A, %dma_wait3A_56] : memref<10000x128xf32, #tpu.memory_space<hbm>> -> memref<632x128xf32, #tpu.memory_space<hbm>>
      tpu.wait_dma2 semaphore(%run_scoped3A : memref<!tpu.dma_semaphore, #tpu.memory_space<semaphore_mem>>) src(%dma_wait3A_57 : memref<632x128xf32, #tpu.memory_space<hbm>>) dst(%dma_wait3A_55 : memref<632x128xf32, #tpu.memory_space<vmem_shared>>)
      tpu.yield
    }) : () -> ()
    %mul3A_19 = arith.constant 16 : i32
    %mul3A_20 = arith.muli %arg0, %mul3A_19 : i32
    %add3A = arith.addi %mul3A_20, %arg1 : i32
    %mul3A_21 = arith.constant 80 : i32
    %mul3A_22 = arith.muli %add3A, %mul3A_21 : i32
    "tpu.region"() ({
      %run_scoped3A = tpu.sem_alloc : memref<!tpu.dma_semaphore, #tpu.memory_space<semaphore_mem>>
      %dma_start3A_50 = arith.constant 0 : i32
      %dma_start3A_51 = arith.constant 0 : i32
      %dma_start3A_52 = arith.constant 0 : i32
      %dma_start3A_53 = tpu.memref_slice %arg8[%dma_start3A_50, %dma_start3A_51, %dma_start3A_52] : memref<4x1x125xi32, #tpu.memory_space<vmem>> -> memref<2x1x125xi32, #tpu.memory_space<vmem>>
      %dma_start3A_54 = arith.constant 0 : i32
      %dma_start3A_55 = arith.constant 0 : i32
      %dma_start3A_56 = tpu.memref_slice %arg3[%mul3A_22, %dma_start3A_54, %dma_start3A_55] : memref<2560x1x125xi32, #tpu.memory_space<hbm>> -> memref<2x1x125xi32, #tpu.memory_space<hbm>>
      %dma_start3A_57 = arith.constant 0 : i32
      %dma_start3A_58 = arith.constant 0 : i32
      %dma_start3A_59 = arith.constant 0 : i32
      %dma_start3A_60 = tpu.memref_slice %arg8[%dma_start3A_57, %dma_start3A_58, %dma_start3A_59] : memref<4x1x125xi32, #tpu.memory_space<vmem>> -> memref<2x1x125xi32, #tpu.memory_space<vmem>>
      %dma_start3A_61 = arith.constant 0 : i32
      %dma_start3A_62 = arith.constant 0 : i32
      %dma_start3A_63 = tpu.memref_slice %arg3[%mul3A_22, %dma_start3A_61, %dma_start3A_62] : memref<2560x1x125xi32, #tpu.memory_space<hbm>> -> memref<2x1x125xi32, #tpu.memory_space<hbm>>
      tpu.enqueue_dma source(%dma_start3A_63 : memref<2x1x125xi32, #tpu.memory_space<hbm>>) target(%dma_start3A_60 : memref<2x1x125xi32, #tpu.memory_space<vmem>>) target_semaphore(%run_scoped3A : memref<!tpu.dma_semaphore, #tpu.memory_space<semaphore_mem>>)
      %dma_wait3A_64 = arith.constant 0 : i32
      %dma_wait3A_65 = arith.constant 0 : i32
      %dma_wait3A_66 = arith.constant 0 : i32
      %dma_wait3A_67 = tpu.memref_slice %arg8[%dma_wait3A_64, %dma_wait3A_65, %dma_wait3A_66] : memref<4x1x125xi32, #tpu.memory_space<vmem>> -> memref<2x1x125xi32, #tpu.memory_space<vmem>>
      %dma_wait3A_68 = arith.constant 0 : i32
      %dma_wait3A_69 = arith.constant 0 : i32
      %dma_wait3A_70 = tpu.memref_slice %arg3[%mul3A_22, %dma_wait3A_68, %dma_wait3A_69] : memref<2560x1x125xi32, #tpu.memory_space<hbm>> -> memref<2x1x125xi32, #tpu.memory_space<hbm>>
      %dma_wait3A_71 = arith.constant 0 : i32
      %dma_wait3A_72 = arith.constant 0 : i32
      %dma_wait3A_73 = arith.constant 0 : i32
      %dma_wait3A_74 = tpu.memref_slice %arg8[%dma_wait3A_71, %dma_wait3A_72, %dma_wait3A_73] : memref<4x1x125xi32, #tpu.memory_space<vmem>> -> memref<2x1x125xi32, #tpu.memory_space<vmem>>
      %dma_wait3A_75 = arith.constant 0 : i32
      %dma_wait3A_76 = arith.constant 0 : i32
      %dma_wait3A_77 = tpu.memref_slice %arg3[%mul3A_22, %dma_wait3A_75, %dma_wait3A_76] : memref<2560x1x125xi32, #tpu.memory_space<hbm>> -> memref<2x1x125xi32, #tpu.memory_space<hbm>>
      tpu.wait_dma2 semaphore(%run_scoped3A : memref<!tpu.dma_semaphore, #tpu.memory_space<semaphore_mem>>) src(%dma_wait3A_77 : memref<2x1x125xi32, #tpu.memory_space<hbm>>) dst(%dma_wait3A_74 : memref<2x1x125xi32, #tpu.memory_space<vmem>>)
      tpu.yield
    }) : () -> ()
    "tpu.region"() ({
      %run_scoped3A = tpu.sem_alloc : memref<!tpu.dma_semaphore, #tpu.memory_space<semaphore_mem>>
      %dma_start3A_50 = arith.constant 0 : i32
      %dma_start3A_51 = arith.constant 0 : i32
      %dma_start3A_52 = arith.constant 0 : i32
      %dma_start3A_53 = tpu.memref_slice %arg9[%dma_start3A_50, %dma_start3A_51, %dma_start3A_52] : memref<4x1x125xi32, #tpu.memory_space<vmem>> -> memref<2x1x125xi32, #tpu.memory_space<vmem>>
      %dma_start3A_54 = arith.constant 0 : i32
      %dma_start3A_55 = arith.constant 0 : i32
      %dma_start3A_56 = tpu.memref_slice %arg4[%mul3A_22, %dma_start3A_54, %dma_start3A_55] : memref<2560x1x125xi32, #tpu.memory_space<hbm>> -> memref<2x1x125xi32, #tpu.memory_space<hbm>>
      %dma_start3A_57 = arith.constant 0 : i32
      %dma_start3A_58 = arith.constant 0 : i32
      %dma_start3A_59 = arith.constant 0 : i32
      %dma_start3A_60 = tpu.memref_slice %arg9[%dma_start3A_57, %dma_start3A_58, %dma_start3A_59] : memref<4x1x125xi32, #tpu.memory_space<vmem>> -> memref<2x1x125xi32, #tpu.memory_space<vmem>>
      %dma_start3A_61 = arith.constant 0 : i32
      %dma_start3A_62 = arith.constant 0 : i32
      %dma_start3A_63 = tpu.memref_slice %arg4[%mul3A_22, %dma_start3A_61, %dma_start3A_62] : memref<2560x1x125xi32, #tpu.memory_space<hbm>> -> memref<2x1x125xi32, #tpu.memory_space<hbm>>
      tpu.enqueue_dma source(%dma_start3A_63 : memref<2x1x125xi32, #tpu.memory_space<hbm>>) target(%dma_start3A_60 : memref<2x1x125xi32, #tpu.memory_space<vmem>>) target_semaphore(%run_scoped3A : memref<!tpu.dma_semaphore, #tpu.memory_space<semaphore_mem>>)
      %dma_wait3A_64 = arith.constant 0 : i32
      %dma_wait3A_65 = arith.constant 0 : i32
      %dma_wait3A_66 = arith.constant 0 : i32
      %dma_wait3A_67 = tpu.memref_slice %arg9[%dma_wait3A_64, %dma_wait3A_65, %dma_wait3A_66] : memref<4x1x125xi32, #tpu.memory_space<vmem>> -> memref<2x1x125xi32, #tpu.memory_space<vmem>>
      %dma_wait3A_68 = arith.constant 0 : i32
      %dma_wait3A_69 = arith.constant 0 : i32
      %dma_wait3A_70 = tpu.memref_slice %arg4[%mul3A_22, %dma_wait3A_68, %dma_wait3A_69] : memref<2560x1x125xi32, #tpu.memory_space<hbm>> -> memref<2x1x125xi32, #tpu.memory_space<hbm>>
      %dma_wait3A_71 = arith.constant 0 : i32
      %dma_wait3A_72 = arith.constant 0 : i32
      %dma_wait3A_73 = arith.constant 0 : i32
      %dma_wait3A_74 = tpu.memref_slice %arg9[%dma_wait3A_71, %dma_wait3A_72, %dma_wait3A_73] : memref<4x1x125xi32, #tpu.memory_space<vmem>> -> memref<2x1x125xi32, #tpu.memory_space<vmem>>
      %dma_wait3A_75 = arith.constant 0 : i32
      %dma_wait3A_76 = arith.constant 0 : i32
      %dma_wait3A_77 = tpu.memref_slice %arg4[%mul3A_22, %dma_wait3A_75, %dma_wait3A_76] : memref<2560x1x125xi32, #tpu.memory_space<hbm>> -> memref<2x1x125xi32, #tpu.memory_space<hbm>>
      tpu.wait_dma2 semaphore(%run_scoped3A : memref<!tpu.dma_semaphore, #tpu.memory_space<semaphore_mem>>) src(%dma_wait3A_77 : memref<2x1x125xi32, #tpu.memory_space<hbm>>) dst(%dma_wait3A_74 : memref<2x1x125xi32, #tpu.memory_space<vmem>>)
      tpu.yield
    }) : () -> ()
    %barrier3A = arith.constant 0 : index
    tpu.barrier barrier_id(%barrier3A)
    %dma_start3A = arith.constant 0 : i32
    %dma_start3A_23 = arith.constant 0 : i32
    %dma_start3A_24 = arith.constant 0 : i32
    %dma_start3A_25 = tpu.memref_slice %arg8[%dma_start3A, %dma_start3A_23, %dma_start3A_24] : memref<4x1x125xi32, #tpu.memory_space<vmem>> -> memref<1x1x125xi32, #tpu.memory_space<vmem>>
    %dma_start3A_26 = tpu.memref_squeeze %dma_start3A_25 : memref<1x1x125xi32, #tpu.memory_space<vmem>> -> memref<125xi32, #tpu.memory_space<vmem>>
    %dma_start3A_27 = arith.constant 0 : i32
    %dma_start3A_28 = arith.constant 0 : i32
    %dma_start3A_29 = tpu.memref_slice %arg2[%dma_start3A_27, %dma_start3A_28] : memref<10000x128xf32, #tpu.memory_space<hbm>> -> memref<10000x128xf32, #tpu.memory_space<hbm>>
    tpu.enqueue_indirect_dma source(%dma_start3A_29 : memref<10000x128xf32, #tpu.memory_space<hbm>>) target(%arg10 : memref<125x128xf32, #tpu.memory_space<vmem>>) offsets(%dma_start3A_26 : memref<125xi32, #tpu.memory_space<vmem>>) semaphore(%arg13 : memref<!tpu.dma_semaphore, #tpu.memory_space<semaphore_mem>>)
    %scan3A = arith.constant 0 : i32
    %scan3A_30 = arith.constant 0 : i32
    %scan3A_31 = arith.constant 40 : i32
    %scan3A_32 = arith.addi %scan3A_30, %scan3A_31 : i32
    %scan3A_33 = arith.constant 1 : i32
    scf.for %scan3A_50 = %scan3A_30 to %scan3A_32 step %scan3A_33  : i32 {
      %mul3A_51 = arith.constant 2 : i32
      %mul3A_52 = arith.muli %mul3A_51, %scan3A_50 : i32
      %jit3A_53 = arith.constant 4 : i32
      %eq3A_54 = arith.constant 0 : i32
      %eq3A_55 = arith.cmpi eq, %jit3A_53, %eq3A_54 : i32
      %jit3A_56 = arith.constant 1 : i32
      %select_n3A_57 = arith.select %eq3A_55, %jit3A_56, %jit3A_53 : i32
      %rem3A_58 = arith.remsi %mul3A_52, %select_n3A_57 : i32
      %ne3A_59 = arith.constant 0 : i32
      %ne3A_60 = arith.cmpi ne, %rem3A_58, %ne3A_59 : i32
      %lt3A = arith.constant 0 : i32
      %lt3A_61 = arith.cmpi slt, %rem3A_58, %lt3A : i32
      %lt3A_62 = arith.constant 0 : i32
      %lt3A_63 = arith.cmpi slt, %select_n3A_57, %lt3A_62 : i32
      %ne3A_64 = arith.xori %lt3A_61, %lt3A_63 : i1
      %and3A_65 = arith.andi %ne3A_64, %ne3A_60 : i1
      %add3A_66 = arith.addi %rem3A_58, %select_n3A_57 : i32
      %select_n3A_67 = arith.select %and3A_65, %add3A_66, %rem3A_58 : i32
      %add3A_68 = arith.constant 1 : i32
      %add3A_69 = arith.addi %mul3A_52, %add3A_68 : i32
      %jit3A_70 = arith.constant 4 : i32
      %eq3A_71 = arith.constant 0 : i32
      %eq3A_72 = arith.cmpi eq, %jit3A_70, %eq3A_71 : i32
      %jit3A_73 = arith.constant 1 : i32
      %select_n3A_74 = arith.select %eq3A_72, %jit3A_73, %jit3A_70 : i32
      %rem3A_75 = arith.remsi %add3A_69, %select_n3A_74 : i32
      %ne3A_76 = arith.constant 0 : i32
      %ne3A_77 = arith.cmpi ne, %rem3A_75, %ne3A_76 : i32
      %lt3A_78 = arith.constant 0 : i32
      %lt3A_79 = arith.cmpi slt, %rem3A_75, %lt3A_78 : i32
      %lt3A_80 = arith.constant 0 : i32
      %lt3A_81 = arith.cmpi slt, %select_n3A_74, %lt3A_80 : i32
      %ne3A_82 = arith.xori %lt3A_79, %lt3A_81 : i1
      %and3A_83 = arith.andi %ne3A_82, %ne3A_77 : i1
      %add3A_84 = arith.addi %rem3A_75, %select_n3A_74 : i32
      %select_n3A_85 = arith.select %and3A_83, %add3A_84, %rem3A_75 : i32
      %add3A_86 = arith.constant 2 : i32
      %add3A_87 = arith.addi %mul3A_52, %add3A_86 : i32
      %jit3A_88 = arith.constant 4 : i32
      %eq3A_89 = arith.constant 0 : i32
      %eq3A_90 = arith.cmpi eq, %jit3A_88, %eq3A_89 : i32
      %jit3A_91 = arith.constant 1 : i32
      %select_n3A_92 = arith.select %eq3A_90, %jit3A_91, %jit3A_88 : i32
      %rem3A_93 = arith.remsi %add3A_87, %select_n3A_92 : i32
      %ne3A_94 = arith.constant 0 : i32
      %ne3A_95 = arith.cmpi ne, %rem3A_93, %ne3A_94 : i32
      %lt3A_96 = arith.constant 0 : i32
      %lt3A_97 = arith.cmpi slt, %rem3A_93, %lt3A_96 : i32
      %lt3A_98 = arith.constant 0 : i32
      %lt3A_99 = arith.cmpi slt, %select_n3A_92, %lt3A_98 : i32
      %ne3A_100 = arith.xori %lt3A_97, %lt3A_99 : i1
      %and3A_101 = arith.andi %ne3A_100, %ne3A_95 : i1
      %add3A_102 = arith.addi %rem3A_93, %select_n3A_92 : i32
      %select_n3A_103 = arith.select %and3A_101, %add3A_102, %rem3A_93 : i32
      %gt3A = arith.constant 0 : i32
      %gt3A_104 = arith.cmpi sgt, %scan3A_50, %gt3A : i32
      %convert_element_type3A_105 = arith.extui %gt3A_104 : i1 to i32
      %cond3A_106 = arith.constant 0 : i32
      %cond3A_107 = arith.cmpi ne, %convert_element_type3A_105, %cond3A_106 : i32
      scf.if %cond3A_107 {
        %dma_wait3A_165 = arith.constant 0 : i32
        %dma_wait3A_166 = arith.constant 0 : i32
        %dma_wait3A_167 = tpu.memref_slice %arg9[%select_n3A_85, %dma_wait3A_165, %dma_wait3A_166] : memref<4x1x125xi32, #tpu.memory_space<vmem>> -> memref<1x1x125xi32, #tpu.memory_space<vmem>>
        %dma_wait3A_168 = tpu.memref_squeeze %dma_wait3A_167 : memref<1x1x125xi32, #tpu.memory_space<vmem>> -> memref<125xi32, #tpu.memory_space<vmem>>
        %dma_wait3A_169 = arith.constant 0 : i32
        %dma_wait3A_170 = arith.constant 0 : i32
        %dma_wait3A_171 = tpu.memref_slice %arg12[%dma_wait3A_169, %dma_wait3A_170] : memref<10000x128xf32, #tpu.memory_space<vmem_shared>> -> memref<10000x128xf32, #tpu.memory_space<vmem_shared>>
        tpu.wait_indirect_dma semaphore(%arg17 : memref<!tpu.dma_semaphore, #tpu.memory_space<semaphore_mem>>) src(%arg11 : memref<125x128xf32, #tpu.memory_space<vmem>>) dst(%dma_wait3A_171 : memref<10000x128xf32, #tpu.memory_space<vmem_shared>>)
      } else {
      }
      %dma_wait3A_108 = arith.constant 0 : i32
      %dma_wait3A_109 = arith.constant 0 : i32
      %dma_wait3A_110 = tpu.memref_slice %arg8[%select_n3A_67, %dma_wait3A_108, %dma_wait3A_109] : memref<4x1x125xi32, #tpu.memory_space<vmem>> -> memref<1x1x125xi32, #tpu.memory_space<vmem>>
      %dma_wait3A_111 = tpu.memref_squeeze %dma_wait3A_110 : memref<1x1x125xi32, #tpu.memory_space<vmem>> -> memref<125xi32, #tpu.memory_space<vmem>>
      %dma_wait3A_112 = arith.constant 0 : i32
      %dma_wait3A_113 = arith.constant 0 : i32
      %dma_wait3A_114 = tpu.memref_slice %arg2[%dma_wait3A_112, %dma_wait3A_113] : memref<10000x128xf32, #tpu.memory_space<hbm>> -> memref<10000x128xf32, #tpu.memory_space<hbm>>
      tpu.wait_indirect_dma semaphore(%arg13 : memref<!tpu.dma_semaphore, #tpu.memory_space<semaphore_mem>>) src(%dma_wait3A_114 : memref<10000x128xf32, #tpu.memory_space<hbm>>) dst(%arg10 : memref<125x128xf32, #tpu.memory_space<vmem>>)
      %dma_start3A_115 = arith.constant 0 : i32
      %dma_start3A_116 = arith.constant 0 : i32
      %dma_start3A_117 = tpu.memref_slice %arg8[%select_n3A_85, %dma_start3A_115, %dma_start3A_116] : memref<4x1x125xi32, #tpu.memory_space<vmem>> -> memref<1x1x125xi32, #tpu.memory_space<vmem>>
      %dma_start3A_118 = tpu.memref_squeeze %dma_start3A_117 : memref<1x1x125xi32, #tpu.memory_space<vmem>> -> memref<125xi32, #tpu.memory_space<vmem>>
      %dma_start3A_119 = arith.constant 0 : i32
      %dma_start3A_120 = arith.constant 0 : i32
      %dma_start3A_121 = tpu.memref_slice %arg2[%dma_start3A_119, %dma_start3A_120] : memref<10000x128xf32, #tpu.memory_space<hbm>> -> memref<10000x128xf32, #tpu.memory_space<hbm>>
      tpu.enqueue_indirect_dma source(%dma_start3A_121 : memref<10000x128xf32, #tpu.memory_space<hbm>>) target(%arg11 : memref<125x128xf32, #tpu.memory_space<vmem>>) offsets(%dma_start3A_118 : memref<125xi32, #tpu.memory_space<vmem>>) semaphore(%arg14 : memref<!tpu.dma_semaphore, #tpu.memory_space<semaphore_mem>>)
      %lt3A_122 = arith.constant 39 : i32
      %lt3A_123 = arith.cmpi slt, %scan3A_50, %lt3A_122 : i32
      %convert_element_type3A_124 = arith.extui %lt3A_123 : i1 to i32
      %cond3A_125 = arith.constant 0 : i32
      %cond3A_126 = arith.cmpi ne, %convert_element_type3A_124, %cond3A_125 : i32
      scf.if %cond3A_126 {
        %add3A_165 = arith.addi %mul3A_22, %mul3A_52 : i32
        %add3A_166 = arith.constant 2 : i32
        %add3A_167 = arith.addi %add3A_165, %add3A_166 : i32
        %dma_start3A_168 = arith.constant 0 : i32
        %dma_start3A_169 = arith.constant 0 : i32
        %dma_start3A_170 = tpu.memref_slice %arg8[%select_n3A_103, %dma_start3A_168, %dma_start3A_169] : memref<4x1x125xi32, #tpu.memory_space<vmem>> -> memref<2x1x125xi32, #tpu.memory_space<vmem>>
        %dma_start3A_171 = arith.constant 0 : i32
        %dma_start3A_172 = arith.constant 0 : i32
        %dma_start3A_173 = tpu.memref_slice %arg3[%add3A_167, %dma_start3A_171, %dma_start3A_172] : memref<2560x1x125xi32, #tpu.memory_space<hbm>> -> memref<2x1x125xi32, #tpu.memory_space<hbm>>
        %dma_start3A_174 = arith.constant 0 : i32
        %dma_start3A_175 = arith.constant 0 : i32
        %dma_start3A_176 = tpu.memref_slice %arg8[%select_n3A_103, %dma_start3A_174, %dma_start3A_175] : memref<4x1x125xi32, #tpu.memory_space<vmem>> -> memref<2x1x125xi32, #tpu.memory_space<vmem>>
        %dma_start3A_177 = arith.constant 0 : i32
        %dma_start3A_178 = arith.constant 0 : i32
        %dma_start3A_179 = tpu.memref_slice %arg3[%add3A_167, %dma_start3A_177, %dma_start3A_178] : memref<2560x1x125xi32, #tpu.memory_space<hbm>> -> memref<2x1x125xi32, #tpu.memory_space<hbm>>
        tpu.enqueue_dma source(%dma_start3A_179 : memref<2x1x125xi32, #tpu.memory_space<hbm>>) target(%dma_start3A_176 : memref<2x1x125xi32, #tpu.memory_space<vmem>>) target_semaphore(%arg15 : memref<!tpu.dma_semaphore, #tpu.memory_space<semaphore_mem>>)
        %add3A_180 = arith.addi %mul3A_22, %mul3A_52 : i32
        %add3A_181 = arith.constant 2 : i32
        %add3A_182 = arith.addi %add3A_180, %add3A_181 : i32
        %dma_start3A_183 = arith.constant 0 : i32
        %dma_start3A_184 = arith.constant 0 : i32
        %dma_start3A_185 = tpu.memref_slice %arg9[%select_n3A_103, %dma_start3A_183, %dma_start3A_184] : memref<4x1x125xi32, #tpu.memory_space<vmem>> -> memref<2x1x125xi32, #tpu.memory_space<vmem>>
        %dma_start3A_186 = arith.constant 0 : i32
        %dma_start3A_187 = arith.constant 0 : i32
        %dma_start3A_188 = tpu.memref_slice %arg4[%add3A_182, %dma_start3A_186, %dma_start3A_187] : memref<2560x1x125xi32, #tpu.memory_space<hbm>> -> memref<2x1x125xi32, #tpu.memory_space<hbm>>
        %dma_start3A_189 = arith.constant 0 : i32
        %dma_start3A_190 = arith.constant 0 : i32
        %dma_start3A_191 = tpu.memref_slice %arg9[%select_n3A_103, %dma_start3A_189, %dma_start3A_190] : memref<4x1x125xi32, #tpu.memory_space<vmem>> -> memref<2x1x125xi32, #tpu.memory_space<vmem>>
        %dma_start3A_192 = arith.constant 0 : i32
        %dma_start3A_193 = arith.constant 0 : i32
        %dma_start3A_194 = tpu.memref_slice %arg4[%add3A_182, %dma_start3A_192, %dma_start3A_193] : memref<2560x1x125xi32, #tpu.memory_space<hbm>> -> memref<2x1x125xi32, #tpu.memory_space<hbm>>
        tpu.enqueue_dma source(%dma_start3A_194 : memref<2x1x125xi32, #tpu.memory_space<hbm>>) target(%dma_start3A_191 : memref<2x1x125xi32, #tpu.memory_space<vmem>>) target_semaphore(%arg15 : memref<!tpu.dma_semaphore, #tpu.memory_space<semaphore_mem>>)
      } else {
      }
      %dma_start3A_127 = arith.constant 0 : i32
      %dma_start3A_128 = arith.constant 0 : i32
      %dma_start3A_129 = tpu.memref_slice %arg9[%select_n3A_67, %dma_start3A_127, %dma_start3A_128] : memref<4x1x125xi32, #tpu.memory_space<vmem>> -> memref<1x1x125xi32, #tpu.memory_space<vmem>>
      %dma_start3A_130 = tpu.memref_squeeze %dma_start3A_129 : memref<1x1x125xi32, #tpu.memory_space<vmem>> -> memref<125xi32, #tpu.memory_space<vmem>>
      %dma_start3A_131 = arith.constant 0 : i32
      %dma_start3A_132 = arith.constant 0 : i32
      %dma_start3A_133 = tpu.memref_slice %arg12[%dma_start3A_131, %dma_start3A_132] : memref<10000x128xf32, #tpu.memory_space<vmem_shared>> -> memref<10000x128xf32, #tpu.memory_space<vmem_shared>>
      tpu.enqueue_indirect_dma source(%arg10 : memref<125x128xf32, #tpu.memory_space<vmem>>) target(%dma_start3A_133 : memref<10000x128xf32, #tpu.memory_space<vmem_shared>>) offsets(%dma_start3A_130 : memref<125xi32, #tpu.memory_space<vmem>>) semaphore(%arg16 : memref<!tpu.dma_semaphore, #tpu.memory_space<semaphore_mem>>) {add = true}
      %dma_wait3A_134 = arith.constant 0 : i32
      %dma_wait3A_135 = arith.constant 0 : i32
      %dma_wait3A_136 = tpu.memref_slice %arg8[%select_n3A_85, %dma_wait3A_134, %dma_wait3A_135] : memref<4x1x125xi32, #tpu.memory_space<vmem>> -> memref<1x1x125xi32, #tpu.memory_space<vmem>>
      %dma_wait3A_137 = tpu.memref_squeeze %dma_wait3A_136 : memref<1x1x125xi32, #tpu.memory_space<vmem>> -> memref<125xi32, #tpu.memory_space<vmem>>
      %dma_wait3A_138 = arith.constant 0 : i32
      %dma_wait3A_139 = arith.constant 0 : i32
      %dma_wait3A_140 = tpu.memref_slice %arg2[%dma_wait3A_138, %dma_wait3A_139] : memref<10000x128xf32, #tpu.memory_space<hbm>> -> memref<10000x128xf32, #tpu.memory_space<hbm>>
      tpu.wait_indirect_dma semaphore(%arg14 : memref<!tpu.dma_semaphore, #tpu.memory_space<semaphore_mem>>) src(%dma_wait3A_140 : memref<10000x128xf32, #tpu.memory_space<hbm>>) dst(%arg11 : memref<125x128xf32, #tpu.memory_space<vmem>>)
      %lt3A_141 = arith.constant 39 : i32
      %lt3A_142 = arith.cmpi slt, %scan3A_50, %lt3A_141 : i32
      %convert_element_type3A_143 = arith.extui %lt3A_142 : i1 to i32
      %cond3A_144 = arith.constant 0 : i32
      %cond3A_145 = arith.cmpi ne, %convert_element_type3A_143, %cond3A_144 : i32
      scf.if %cond3A_145 {
        %add3A_165 = arith.addi %mul3A_22, %mul3A_52 : i32
        %add3A_166 = arith.constant 2 : i32
        %add3A_167 = arith.addi %add3A_165, %add3A_166 : i32
        %dma_wait3A_168 = arith.constant 0 : i32
        %dma_wait3A_169 = arith.constant 0 : i32
        %dma_wait3A_170 = tpu.memref_slice %arg8[%select_n3A_103, %dma_wait3A_168, %dma_wait3A_169] : memref<4x1x125xi32, #tpu.memory_space<vmem>> -> memref<2x1x125xi32, #tpu.memory_space<vmem>>
        %dma_wait3A_171 = arith.constant 0 : i32
        %dma_wait3A_172 = arith.constant 0 : i32
        %dma_wait3A_173 = tpu.memref_slice %arg3[%add3A_167, %dma_wait3A_171, %dma_wait3A_172] : memref<2560x1x125xi32, #tpu.memory_space<hbm>> -> memref<2x1x125xi32, #tpu.memory_space<hbm>>
        %dma_wait3A_174 = arith.constant 0 : i32
        %dma_wait3A_175 = arith.constant 0 : i32
        %dma_wait3A_176 = tpu.memref_slice %arg8[%select_n3A_103, %dma_wait3A_174, %dma_wait3A_175] : memref<4x1x125xi32, #tpu.memory_space<vmem>> -> memref<2x1x125xi32, #tpu.memory_space<vmem>>
        %dma_wait3A_177 = arith.constant 0 : i32
        %dma_wait3A_178 = arith.constant 0 : i32
        %dma_wait3A_179 = tpu.memref_slice %arg3[%add3A_167, %dma_wait3A_177, %dma_wait3A_178] : memref<2560x1x125xi32, #tpu.memory_space<hbm>> -> memref<2x1x125xi32, #tpu.memory_space<hbm>>
        tpu.wait_dma2 semaphore(%arg15 : memref<!tpu.dma_semaphore, #tpu.memory_space<semaphore_mem>>) src(%dma_wait3A_179 : memref<2x1x125xi32, #tpu.memory_space<hbm>>) dst(%dma_wait3A_176 : memref<2x1x125xi32, #tpu.memory_space<vmem>>)
        %add3A_180 = arith.addi %mul3A_22, %mul3A_52 : i32
        %add3A_181 = arith.constant 2 : i32
        %add3A_182 = arith.addi %add3A_180, %add3A_181 : i32
        %dma_wait3A_183 = arith.constant 0 : i32
        %dma_wait3A_184 = arith.constant 0 : i32
        %dma_wait3A_185 = tpu.memref_slice %arg9[%select_n3A_103, %dma_wait3A_183, %dma_wait3A_184] : memref<4x1x125xi32, #tpu.memory_space<vmem>> -> memref<2x1x125xi32, #tpu.memory_space<vmem>>
        %dma_wait3A_186 = arith.constant 0 : i32
        %dma_wait3A_187 = arith.constant 0 : i32
        %dma_wait3A_188 = tpu.memref_slice %arg4[%add3A_182, %dma_wait3A_186, %dma_wait3A_187] : memref<2560x1x125xi32, #tpu.memory_space<hbm>> -> memref<2x1x125xi32, #tpu.memory_space<hbm>>
        %dma_wait3A_189 = arith.constant 0 : i32
        %dma_wait3A_190 = arith.constant 0 : i32
        %dma_wait3A_191 = tpu.memref_slice %arg9[%select_n3A_103, %dma_wait3A_189, %dma_wait3A_190] : memref<4x1x125xi32, #tpu.memory_space<vmem>> -> memref<2x1x125xi32, #tpu.memory_space<vmem>>
        %dma_wait3A_192 = arith.constant 0 : i32
        %dma_wait3A_193 = arith.constant 0 : i32
        %dma_wait3A_194 = tpu.memref_slice %arg4[%add3A_182, %dma_wait3A_192, %dma_wait3A_193] : memref<2560x1x125xi32, #tpu.memory_space<hbm>> -> memref<2x1x125xi32, #tpu.memory_space<hbm>>
        tpu.wait_dma2 semaphore(%arg15 : memref<!tpu.dma_semaphore, #tpu.memory_space<semaphore_mem>>) src(%dma_wait3A_194 : memref<2x1x125xi32, #tpu.memory_space<hbm>>) dst(%dma_wait3A_191 : memref<2x1x125xi32, #tpu.memory_space<vmem>>)
      } else {
      }
      %dma_wait3A_146 = arith.constant 0 : i32
      %dma_wait3A_147 = arith.constant 0 : i32
      %dma_wait3A_148 = tpu.memref_slice %arg9[%select_n3A_67, %dma_wait3A_146, %dma_wait3A_147] : memref<4x1x125xi32, #tpu.memory_space<vmem>> -> memref<1x1x125xi32, #tpu.memory_space<vmem>>
      %dma_wait3A_149 = tpu.memref_squeeze %dma_wait3A_148 : memref<1x1x125xi32, #tpu.memory_space<vmem>> -> memref<125xi32, #tpu.memory_space<vmem>>
      %dma_wait3A_150 = arith.constant 0 : i32
      %dma_wait3A_151 = arith.constant 0 : i32
      %dma_wait3A_152 = tpu.memref_slice %arg12[%dma_wait3A_150, %dma_wait3A_151] : memref<10000x128xf32, #tpu.memory_space<vmem_shared>> -> memref<10000x128xf32, #tpu.memory_space<vmem_shared>>
      tpu.wait_indirect_dma semaphore(%arg16 : memref<!tpu.dma_semaphore, #tpu.memory_space<semaphore_mem>>) src(%arg10 : memref<125x128xf32, #tpu.memory_space<vmem>>) dst(%dma_wait3A_152 : memref<10000x128xf32, #tpu.memory_space<vmem_shared>>)
      %lt3A_153 = arith.constant 39 : i32
      %lt3A_154 = arith.cmpi slt, %scan3A_50, %lt3A_153 : i32
      %convert_element_type3A_155 = arith.extui %lt3A_154 : i1 to i32
      %cond3A_156 = arith.constant 0 : i32
      %cond3A_157 = arith.cmpi ne, %convert_element_type3A_155, %cond3A_156 : i32
      scf.if %cond3A_157 {
        %dma_start3A_165 = arith.constant 0 : i32
        %dma_start3A_166 = arith.constant 0 : i32
        %dma_start3A_167 = tpu.memref_slice %arg8[%select_n3A_103, %dma_start3A_165, %dma_start3A_166] : memref<4x1x125xi32, #tpu.memory_space<vmem>> -> memref<1x1x125xi32, #tpu.memory_space<vmem>>
        %dma_start3A_168 = tpu.memref_squeeze %dma_start3A_167 : memref<1x1x125xi32, #tpu.memory_space<vmem>> -> memref<125xi32, #tpu.memory_space<vmem>>
        %dma_start3A_169 = arith.constant 0 : i32
        %dma_start3A_170 = arith.constant 0 : i32
        %dma_start3A_171 = tpu.memref_slice %arg2[%dma_start3A_169, %dma_start3A_170] : memref<10000x128xf32, #tpu.memory_space<hbm>> -> memref<10000x128xf32, #tpu.memory_space<hbm>>
        tpu.enqueue_indirect_dma source(%dma_start3A_171 : memref<10000x128xf32, #tpu.memory_space<hbm>>) target(%arg10 : memref<125x128xf32, #tpu.memory_space<vmem>>) offsets(%dma_start3A_168 : memref<125xi32, #tpu.memory_space<vmem>>) semaphore(%arg13 : memref<!tpu.dma_semaphore, #tpu.memory_space<semaphore_mem>>)
      } else {
      }
      %dma_start3A_158 = arith.constant 0 : i32
      %dma_start3A_159 = arith.constant 0 : i32
      %dma_start3A_160 = tpu.memref_slice %arg9[%select_n3A_85, %dma_start3A_158, %dma_start3A_159] : memref<4x1x125xi32, #tpu.memory_space<vmem>> -> memref<1x1x125xi32, #tpu.memory_space<vmem>>
      %dma_start3A_161 = tpu.memref_squeeze %dma_start3A_160 : memref<1x1x125xi32, #tpu.memory_space<vmem>> -> memref<125xi32, #tpu.memory_space<vmem>>
      %dma_start3A_162 = arith.constant 0 : i32
      %dma_start3A_163 = arith.constant 0 : i32
      %dma_start3A_164 = tpu.memref_slice %arg12[%dma_start3A_162, %dma_start3A_163] : memref<10000x128xf32, #tpu.memory_space<vmem_shared>> -> memref<10000x128xf32, #tpu.memory_space<vmem_shared>>
      tpu.enqueue_indirect_dma source(%arg11 : memref<125x128xf32, #tpu.memory_space<vmem>>) target(%dma_start3A_164 : memref<10000x128xf32, #tpu.memory_space<vmem_shared>>) offsets(%dma_start3A_161 : memref<125xi32, #tpu.memory_space<vmem>>) semaphore(%arg17 : memref<!tpu.dma_semaphore, #tpu.memory_space<semaphore_mem>>) {add = true}
    }
    %scan3A_34 = arith.constant 40 : i32
    %dma_wait3A = arith.constant 1 : i32
    %dma_wait3A_35 = arith.constant 0 : i32
    %dma_wait3A_36 = arith.constant 0 : i32
    %dma_wait3A_37 = tpu.memref_slice %arg9[%dma_wait3A, %dma_wait3A_35, %dma_wait3A_36] : memref<4x1x125xi32, #tpu.memory_space<vmem>> -> memref<1x1x125xi32, #tpu.memory_space<vmem>>
    %dma_wait3A_38 = tpu.memref_squeeze %dma_wait3A_37 : memref<1x1x125xi32, #tpu.memory_space<vmem>> -> memref<125xi32, #tpu.memory_space<vmem>>
    %dma_wait3A_39 = arith.constant 0 : i32
    %dma_wait3A_40 = arith.constant 0 : i32
    %dma_wait3A_41 = tpu.memref_slice %arg12[%dma_wait3A_39, %dma_wait3A_40] : memref<10000x128xf32, #tpu.memory_space<vmem_shared>> -> memref<10000x128xf32, #tpu.memory_space<vmem_shared>>
    tpu.wait_indirect_dma semaphore(%arg17 : memref<!tpu.dma_semaphore, #tpu.memory_space<semaphore_mem>>) src(%arg11 : memref<125x128xf32, #tpu.memory_space<vmem>>) dst(%dma_wait3A_41 : memref<10000x128xf32, #tpu.memory_space<vmem_shared>>)
    %barrier3A_42 = arith.constant 0 : index
    tpu.barrier barrier_id(%barrier3A_42)
    %eq3A = arith.constant 0 : i32
    %eq3A_43 = arith.cmpi eq, %arg0, %eq3A : i32
    %convert_element_type3A = arith.extui %eq3A_43 : i1 to i32
    %cond3A = arith.constant 0 : i32
    %cond3A_44 = arith.cmpi ne, %convert_element_type3A, %cond3A : i32
    scf.if %cond3A_44 {
      "tpu.region"() ({
        %run_scoped3A = tpu.sem_alloc : memref<!tpu.dma_semaphore, #tpu.memory_space<semaphore_mem>>
        %dma_start3A_50 = arith.constant 0 : i32
        %dma_start3A_51 = tpu.memref_slice %arg6[%multiple_of3A, %dma_start3A_50] : memref<10000x128xf32, #tpu.memory_space<hbm>> -> memref<632x128xf32, #tpu.memory_space<hbm>>
        %dma_start3A_52 = arith.constant 0 : i32
        %dma_start3A_53 = tpu.memref_slice %arg12[%multiple_of3A, %dma_start3A_52] : memref<10000x128xf32, #tpu.memory_space<vmem_shared>> -> memref<632x128xf32, #tpu.memory_space<vmem_shared>>
        tpu.enqueue_dma source(%dma_start3A_53 : memref<632x128xf32, #tpu.memory_space<vmem_shared>>) target(%dma_start3A_51 : memref<632x128xf32, #tpu.memory_space<hbm>>) target_semaphore(%run_scoped3A : memref<!tpu.dma_semaphore, #tpu.memory_space<semaphore_mem>>)
        %dma_wait3A_54 = arith.constant 0 : i32
        %dma_wait3A_55 = tpu.memref_slice %arg6[%multiple_of3A, %dma_wait3A_54] : memref<10000x128xf32, #tpu.memory_space<hbm>> -> memref<632x128xf32, #tpu.memory_space<hbm>>
        %dma_wait3A_56 = arith.constant 0 : i32
        %dma_wait3A_57 = tpu.memref_slice %arg12[%multiple_of3A, %dma_wait3A_56] : memref<10000x128xf32, #tpu.memory_space<vmem_shared>> -> memref<632x128xf32, #tpu.memory_space<vmem_shared>>
        tpu.wait_dma2 semaphore(%run_scoped3A : memref<!tpu.dma_semaphore, #tpu.memory_space<semaphore_mem>>) src(%dma_wait3A_57 : memref<632x128xf32, #tpu.memory_space<vmem_shared>>) dst(%dma_wait3A_55 : memref<632x128xf32, #tpu.memory_space<hbm>>)
        tpu.yield
      }) : () -> ()
    } else {
    }
    %eq3A_45 = arith.constant 1 : i32
    %eq3A_46 = arith.cmpi eq, %arg0, %eq3A_45 : i32
    %convert_element_type3A_47 = arith.extui %eq3A_46 : i1 to i32
    %cond3A_48 = arith.constant 0 : i32
    %cond3A_49 = arith.cmpi ne, %convert_element_type3A_47, %cond3A_48 : i32
    scf.if %cond3A_49 {
      "tpu.region"() ({
        %run_scoped3A = tpu.sem_alloc : memref<!tpu.dma_semaphore, #tpu.memory_space<semaphore_mem>>
        %dma_start3A_50 = arith.constant 0 : i32
        %dma_start3A_51 = tpu.memref_slice %arg7[%multiple_of3A, %dma_start3A_50] : memref<10000x128xf32, #tpu.memory_space<hbm>> -> memref<632x128xf32, #tpu.memory_space<hbm>>
        %dma_start3A_52 = arith.constant 0 : i32
        %dma_start3A_53 = tpu.memref_slice %arg12[%multiple_of3A, %dma_start3A_52] : memref<10000x128xf32, #tpu.memory_space<vmem_shared>> -> memref<632x128xf32, #tpu.memory_space<vmem_shared>>
        tpu.enqueue_dma source(%dma_start3A_53 : memref<632x128xf32, #tpu.memory_space<vmem_shared>>) target(%dma_start3A_51 : memref<632x128xf32, #tpu.memory_space<hbm>>) target_semaphore(%run_scoped3A : memref<!tpu.dma_semaphore, #tpu.memory_space<semaphore_mem>>)
        %dma_wait3A_54 = arith.constant 0 : i32
        %dma_wait3A_55 = tpu.memref_slice %arg7[%multiple_of3A, %dma_wait3A_54] : memref<10000x128xf32, #tpu.memory_space<hbm>> -> memref<632x128xf32, #tpu.memory_space<hbm>>
        %dma_wait3A_56 = arith.constant 0 : i32
        %dma_wait3A_57 = tpu.memref_slice %arg12[%multiple_of3A, %dma_wait3A_56] : memref<10000x128xf32, #tpu.memory_space<vmem_shared>> -> memref<632x128xf32, #tpu.memory_space<vmem_shared>>
        tpu.wait_dma2 semaphore(%run_scoped3A : memref<!tpu.dma_semaphore, #tpu.memory_space<semaphore_mem>>) src(%dma_wait3A_57 : memref<632x128xf32, #tpu.memory_space<vmem_shared>>) dst(%dma_wait3A_55 : memref<632x128xf32, #tpu.memory_space<hbm>>)
        tpu.yield
      }) : () -> ()
    } else {
    }
    return
  }
}

#map = affine_map<(d0, d1) -> (0, 0)>
#map1 = affine_map<(d0, d1) -> (0, 0, 0)>
module attributes {stable_mosaic.version = 14 : i64} {
  func.func @agg_kernel(%arg0: i32, %arg1: i32, %arg2: memref<10000x128xf32, #tpu.memory_space<hbm>>, %arg3: memref<2560x1x125xi32, #tpu.memory_space<hbm>>, %arg4: memref<2560x1x125xi32, #tpu.memory_space<hbm>>, %arg5: memref<10000x128xf32, #tpu.memory_space<hbm>>, %arg6: memref<10000x128xf32, #tpu.memory_space<hbm>>, %arg7: memref<10000x128xf32, #tpu.memory_space<hbm>>, %arg8: memref<4x1x125xi32, #tpu.memory_space<vmem>>, %arg9: memref<4x1x125xi32, #tpu.memory_space<vmem>>, %arg10: memref<125x128xf32, #tpu.memory_space<vmem>>, %arg11: memref<125x128xf32, #tpu.memory_space<vmem>>, %arg12: memref<10000x128xf32, #tpu.memory_space<vmem_shared>>, %arg13: memref<!tpu.dma_semaphore, #tpu.memory_space<semaphore_mem>>, %arg14: memref<!tpu.dma_semaphore, #tpu.memory_space<semaphore_mem>>, %arg15: memref<!tpu.dma_semaphore, #tpu.memory_space<semaphore_mem>>, %arg16: memref<!tpu.dma_semaphore, #tpu.memory_space<semaphore_mem>>, %arg17: memref<!tpu.dma_semaphore, #tpu.memory_space<semaphore_mem>>) attributes {dimension_semantics = [#tpu.dimension_semantics<core_parallel>, #tpu.dimension_semantics<subcore_parallel>], iteration_bounds = array<i64: 2, 16>, scalar_prefetch = 0 : i64, scratch_operands = 10 : i64, tpu.core_type = #tpu.core_type<sc_vector_subcore>, window_params = [{transform_indices = #map}, {transform_indices = #map1}, {transform_indices = #map1}, {transform_indices = #map}, {transform_indices = #map}, {transform_indices = #map}]} {
    %mul3A = arith.constant 625 : i32
    %mul3A_0 = arith.muli %arg1, %mul3A : i32
    %jit3A = arith.constant 8 : i32
    %div3A = arith.divsi %mul3A_0, %jit3A : i32
    %sign3A = arith.constant 0 : i32
    %sign3A_1 = arith.cmpi sgt, %mul3A_0, %sign3A : i32
    %sign3A_2 = arith.extui %sign3A_1 : i1 to i32
    %sign3A_3 = arith.constant 0 : i32
    %sign3A_4 = arith.cmpi slt, %mul3A_0, %sign3A_3 : i32
    %sign3A_5 = arith.extui %sign3A_4 : i1 to i32
    %sign3A_6 = arith.subi %sign3A_2, %sign3A_5 : i32
    %sign3A_7 = arith.constant 0 : i32
    %sign3A_8 = arith.cmpi sgt, %jit3A, %sign3A_7 : i32
    %sign3A_9 = arith.extui %sign3A_8 : i1 to i32
    %sign3A_10 = arith.constant 0 : i32
    %sign3A_11 = arith.cmpi slt, %jit3A, %sign3A_10 : i32
    %sign3A_12 = arith.extui %sign3A_11 : i1 to i32
    %sign3A_13 = arith.subi %sign3A_9, %sign3A_12 : i32
    %ne3A = arith.cmpi ne, %sign3A_6, %sign3A_13 : i32
    %rem3A = arith.remsi %mul3A_0, %jit3A : i32
    %ne3A_14 = arith.constant 0 : i32
    %ne3A_15 = arith.cmpi ne, %rem3A, %ne3A_14 : i32
    %and3A = arith.andi %ne3A, %ne3A_15 : i1
    %sub3A = arith.constant 1 : i32
    %sub3A_16 = arith.subi %div3A, %sub3A : i32
    %select_n3A = arith.select %and3A, %sub3A_16, %div3A : i32
    %mul3A_17 = arith.constant 8 : i32
    %mul3A_18 = arith.muli %select_n3A, %mul3A_17 : i32
    %multiple_of3A = tpu.assume_multiple %mul3A_18, 8 : i32
    "tpu.region"() ({
      %run_scoped3A = tpu.sem_alloc : memref<!tpu.dma_semaphore, #tpu.memory_space<semaphore_mem>>
      %dma_start3A_50 = arith.constant 0 : i32
      %dma_start3A_51 = tpu.memref_slice %arg12[%multiple_of3A, %dma_start3A_50] : memref<10000x128xf32, #tpu.memory_space<vmem_shared>> -> memref<632x128xf32, #tpu.memory_space<vmem_shared>>
      %dma_start3A_52 = arith.constant 0 : i32
      %dma_start3A_53 = tpu.memref_slice %arg5[%multiple_of3A, %dma_start3A_52] : memref<10000x128xf32, #tpu.memory_space<hbm>> -> memref<632x128xf32, #tpu.memory_space<hbm>>
      tpu.enqueue_dma source(%dma_start3A_53 : memref<632x128xf32, #tpu.memory_space<hbm>>) target(%dma_start3A_51 : memref<632x128xf32, #tpu.memory_space<vmem_shared>>) target_semaphore(%run_scoped3A : memref<!tpu.dma_semaphore, #tpu.memory_space<semaphore_mem>>)
      %dma_wait3A_54 = arith.constant 0 : i32
      %dma_wait3A_55 = tpu.memref_slice %arg12[%multiple_of3A, %dma_wait3A_54] : memref<10000x128xf32, #tpu.memory_space<vmem_shared>> -> memref<632x128xf32, #tpu.memory_space<vmem_shared>>
      %dma_wait3A_56 = arith.constant 0 : i32
      %dma_wait3A_57 = tpu.memref_slice %arg5[%multiple_of3A, %dma_wait3A_56] : memref<10000x128xf32, #tpu.memory_space<hbm>> -> memref<632x128xf32, #tpu.memory_space<hbm>>
      tpu.wait_dma2 semaphore(%run_scoped3A : memref<!tpu.dma_semaphore, #tpu.memory_space<semaphore_mem>>) src(%dma_wait3A_57 : memref<632x128xf32, #tpu.memory_space<hbm>>) dst(%dma_wait3A_55 : memref<632x128xf32, #tpu.memory_space<vmem_shared>>)
      tpu.yield
    }) : () -> ()
    %mul3A_19 = arith.constant 16 : i32
    %mul3A_20 = arith.muli %arg0, %mul3A_19 : i32
    %add3A = arith.addi %mul3A_20, %arg1 : i32
    %mul3A_21 = arith.constant 80 : i32
    %mul3A_22 = arith.muli %add3A, %mul3A_21 : i32
    "tpu.region"() ({
      %run_scoped3A = tpu.sem_alloc : memref<!tpu.dma_semaphore, #tpu.memory_space<semaphore_mem>>
      %dma_start3A_50 = arith.constant 0 : i32
      %dma_start3A_51 = arith.constant 0 : i32
      %dma_start3A_52 = arith.constant 0 : i32
      %dma_start3A_53 = tpu.memref_slice %arg8[%dma_start3A_50, %dma_start3A_51, %dma_start3A_52] : memref<4x1x125xi32, #tpu.memory_space<vmem>> -> memref<2x1x125xi32, #tpu.memory_space<vmem>>
      %dma_start3A_54 = arith.constant 0 : i32
      %dma_start3A_55 = arith.constant 0 : i32
      %dma_start3A_56 = tpu.memref_slice %arg3[%mul3A_22, %dma_start3A_54, %dma_start3A_55] : memref<2560x1x125xi32, #tpu.memory_space<hbm>> -> memref<2x1x125xi32, #tpu.memory_space<hbm>>
      %dma_start3A_57 = arith.constant 0 : i32
      %dma_start3A_58 = arith.constant 0 : i32
      %dma_start3A_59 = arith.constant 0 : i32
      %dma_start3A_60 = tpu.memref_slice %arg8[%dma_start3A_57, %dma_start3A_58, %dma_start3A_59] : memref<4x1x125xi32, #tpu.memory_space<vmem>> -> memref<2x1x125xi32, #tpu.memory_space<vmem>>
      %dma_start3A_61 = arith.constant 0 : i32
      %dma_start3A_62 = arith.constant 0 : i32
      %dma_start3A_63 = tpu.memref_slice %arg3[%mul3A_22, %dma_start3A_61, %dma_start3A_62] : memref<2560x1x125xi32, #tpu.memory_space<hbm>> -> memref<2x1x125xi32, #tpu.memory_space<hbm>>
      tpu.enqueue_dma source(%dma_start3A_63 : memref<2x1x125xi32, #tpu.memory_space<hbm>>) target(%dma_start3A_60 : memref<2x1x125xi32, #tpu.memory_space<vmem>>) target_semaphore(%run_scoped3A : memref<!tpu.dma_semaphore, #tpu.memory_space<semaphore_mem>>)
      %dma_wait3A_64 = arith.constant 0 : i32
      %dma_wait3A_65 = arith.constant 0 : i32
      %dma_wait3A_66 = arith.constant 0 : i32
      %dma_wait3A_67 = tpu.memref_slice %arg8[%dma_wait3A_64, %dma_wait3A_65, %dma_wait3A_66] : memref<4x1x125xi32, #tpu.memory_space<vmem>> -> memref<2x1x125xi32, #tpu.memory_space<vmem>>
      %dma_wait3A_68 = arith.constant 0 : i32
      %dma_wait3A_69 = arith.constant 0 : i32
      %dma_wait3A_70 = tpu.memref_slice %arg3[%mul3A_22, %dma_wait3A_68, %dma_wait3A_69] : memref<2560x1x125xi32, #tpu.memory_space<hbm>> -> memref<2x1x125xi32, #tpu.memory_space<hbm>>
      %dma_wait3A_71 = arith.constant 0 : i32
      %dma_wait3A_72 = arith.constant 0 : i32
      %dma_wait3A_73 = arith.constant 0 : i32
      %dma_wait3A_74 = tpu.memref_slice %arg8[%dma_wait3A_71, %dma_wait3A_72, %dma_wait3A_73] : memref<4x1x125xi32, #tpu.memory_space<vmem>> -> memref<2x1x125xi32, #tpu.memory_space<vmem>>
      %dma_wait3A_75 = arith.constant 0 : i32
      %dma_wait3A_76 = arith.constant 0 : i32
      %dma_wait3A_77 = tpu.memref_slice %arg3[%mul3A_22, %dma_wait3A_75, %dma_wait3A_76] : memref<2560x1x125xi32, #tpu.memory_space<hbm>> -> memref<2x1x125xi32, #tpu.memory_space<hbm>>
      tpu.wait_dma2 semaphore(%run_scoped3A : memref<!tpu.dma_semaphore, #tpu.memory_space<semaphore_mem>>) src(%dma_wait3A_77 : memref<2x1x125xi32, #tpu.memory_space<hbm>>) dst(%dma_wait3A_74 : memref<2x1x125xi32, #tpu.memory_space<vmem>>)
      tpu.yield
    }) : () -> ()
    "tpu.region"() ({
      %run_scoped3A = tpu.sem_alloc : memref<!tpu.dma_semaphore, #tpu.memory_space<semaphore_mem>>
      %dma_start3A_50 = arith.constant 0 : i32
      %dma_start3A_51 = arith.constant 0 : i32
      %dma_start3A_52 = arith.constant 0 : i32
      %dma_start3A_53 = tpu.memref_slice %arg9[%dma_start3A_50, %dma_start3A_51, %dma_start3A_52] : memref<4x1x125xi32, #tpu.memory_space<vmem>> -> memref<2x1x125xi32, #tpu.memory_space<vmem>>
      %dma_start3A_54 = arith.constant 0 : i32
      %dma_start3A_55 = arith.constant 0 : i32
      %dma_start3A_56 = tpu.memref_slice %arg4[%mul3A_22, %dma_start3A_54, %dma_start3A_55] : memref<2560x1x125xi32, #tpu.memory_space<hbm>> -> memref<2x1x125xi32, #tpu.memory_space<hbm>>
      %dma_start3A_57 = arith.constant 0 : i32
      %dma_start3A_58 = arith.constant 0 : i32
      %dma_start3A_59 = arith.constant 0 : i32
      %dma_start3A_60 = tpu.memref_slice %arg9[%dma_start3A_57, %dma_start3A_58, %dma_start3A_59] : memref<4x1x125xi32, #tpu.memory_space<vmem>> -> memref<2x1x125xi32, #tpu.memory_space<vmem>>
      %dma_start3A_61 = arith.constant 0 : i32
      %dma_start3A_62 = arith.constant 0 : i32
      %dma_start3A_63 = tpu.memref_slice %arg4[%mul3A_22, %dma_start3A_61, %dma_start3A_62] : memref<2560x1x125xi32, #tpu.memory_space<hbm>> -> memref<2x1x125xi32, #tpu.memory_space<hbm>>
      tpu.enqueue_dma source(%dma_start3A_63 : memref<2x1x125xi32, #tpu.memory_space<hbm>>) target(%dma_start3A_60 : memref<2x1x125xi32, #tpu.memory_space<vmem>>) target_semaphore(%run_scoped3A : memref<!tpu.dma_semaphore, #tpu.memory_space<semaphore_mem>>)
      %dma_wait3A_64 = arith.constant 0 : i32
      %dma_wait3A_65 = arith.constant 0 : i32
      %dma_wait3A_66 = arith.constant 0 : i32
      %dma_wait3A_67 = tpu.memref_slice %arg9[%dma_wait3A_64, %dma_wait3A_65, %dma_wait3A_66] : memref<4x1x125xi32, #tpu.memory_space<vmem>> -> memref<2x1x125xi32, #tpu.memory_space<vmem>>
      %dma_wait3A_68 = arith.constant 0 : i32
      %dma_wait3A_69 = arith.constant 0 : i32
      %dma_wait3A_70 = tpu.memref_slice %arg4[%mul3A_22, %dma_wait3A_68, %dma_wait3A_69] : memref<2560x1x125xi32, #tpu.memory_space<hbm>> -> memref<2x1x125xi32, #tpu.memory_space<hbm>>
      %dma_wait3A_71 = arith.constant 0 : i32
      %dma_wait3A_72 = arith.constant 0 : i32
      %dma_wait3A_73 = arith.constant 0 : i32
      %dma_wait3A_74 = tpu.memref_slice %arg9[%dma_wait3A_71, %dma_wait3A_72, %dma_wait3A_73] : memref<4x1x125xi32, #tpu.memory_space<vmem>> -> memref<2x1x125xi32, #tpu.memory_space<vmem>>
      %dma_wait3A_75 = arith.constant 0 : i32
      %dma_wait3A_76 = arith.constant 0 : i32
      %dma_wait3A_77 = tpu.memref_slice %arg4[%mul3A_22, %dma_wait3A_75, %dma_wait3A_76] : memref<2560x1x125xi32, #tpu.memory_space<hbm>> -> memref<2x1x125xi32, #tpu.memory_space<hbm>>
      tpu.wait_dma2 semaphore(%run_scoped3A : memref<!tpu.dma_semaphore, #tpu.memory_space<semaphore_mem>>) src(%dma_wait3A_77 : memref<2x1x125xi32, #tpu.memory_space<hbm>>) dst(%dma_wait3A_74 : memref<2x1x125xi32, #tpu.memory_space<vmem>>)
      tpu.yield
    }) : () -> ()
    %barrier3A = arith.constant 0 : index
    tpu.barrier barrier_id(%barrier3A)
    %dma_start3A = arith.constant 0 : i32
    %dma_start3A_23 = arith.constant 0 : i32
    %dma_start3A_24 = arith.constant 0 : i32
    %dma_start3A_25 = tpu.memref_slice %arg8[%dma_start3A, %dma_start3A_23, %dma_start3A_24] : memref<4x1x125xi32, #tpu.memory_space<vmem>> -> memref<1x1x125xi32, #tpu.memory_space<vmem>>
    %dma_start3A_26 = tpu.memref_squeeze %dma_start3A_25 : memref<1x1x125xi32, #tpu.memory_space<vmem>> -> memref<125xi32, #tpu.memory_space<vmem>>
    %dma_start3A_27 = arith.constant 0 : i32
    %dma_start3A_28 = arith.constant 0 : i32
    %dma_start3A_29 = tpu.memref_slice %arg2[%dma_start3A_27, %dma_start3A_28] : memref<10000x128xf32, #tpu.memory_space<hbm>> -> memref<10000x128xf32, #tpu.memory_space<hbm>>
    tpu.enqueue_indirect_dma source(%dma_start3A_29 : memref<10000x128xf32, #tpu.memory_space<hbm>>) target(%arg10 : memref<125x128xf32, #tpu.memory_space<vmem>>) offsets(%dma_start3A_26 : memref<125xi32, #tpu.memory_space<vmem>>) semaphore(%arg13 : memref<!tpu.dma_semaphore, #tpu.memory_space<semaphore_mem>>)
    %scan3A = arith.constant 0 : i32
    %scan3A_30 = arith.constant 0 : i32
    %scan3A_31 = arith.constant 40 : i32
    %scan3A_32 = arith.addi %scan3A_30, %scan3A_31 : i32
    %scan3A_33 = arith.constant 1 : i32
    scf.for %scan3A_50 = %scan3A_30 to %scan3A_32 step %scan3A_33  : i32 {
      %mul3A_51 = arith.constant 2 : i32
      %mul3A_52 = arith.muli %mul3A_51, %scan3A_50 : i32
      %jit3A_53 = arith.constant 4 : i32
      %eq3A_54 = arith.constant 0 : i32
      %eq3A_55 = arith.cmpi eq, %jit3A_53, %eq3A_54 : i32
      %jit3A_56 = arith.constant 1 : i32
      %select_n3A_57 = arith.select %eq3A_55, %jit3A_56, %jit3A_53 : i32
      %rem3A_58 = arith.remsi %mul3A_52, %select_n3A_57 : i32
      %ne3A_59 = arith.constant 0 : i32
      %ne3A_60 = arith.cmpi ne, %rem3A_58, %ne3A_59 : i32
      %lt3A = arith.constant 0 : i32
      %lt3A_61 = arith.cmpi slt, %rem3A_58, %lt3A : i32
      %lt3A_62 = arith.constant 0 : i32
      %lt3A_63 = arith.cmpi slt, %select_n3A_57, %lt3A_62 : i32
      %ne3A_64 = arith.xori %lt3A_61, %lt3A_63 : i1
      %and3A_65 = arith.andi %ne3A_64, %ne3A_60 : i1
      %add3A_66 = arith.addi %rem3A_58, %select_n3A_57 : i32
      %select_n3A_67 = arith.select %and3A_65, %add3A_66, %rem3A_58 : i32
      %add3A_68 = arith.constant 1 : i32
      %add3A_69 = arith.addi %mul3A_52, %add3A_68 : i32
      %jit3A_70 = arith.constant 4 : i32
      %eq3A_71 = arith.constant 0 : i32
      %eq3A_72 = arith.cmpi eq, %jit3A_70, %eq3A_71 : i32
      %jit3A_73 = arith.constant 1 : i32
      %select_n3A_74 = arith.select %eq3A_72, %jit3A_73, %jit3A_70 : i32
      %rem3A_75 = arith.remsi %add3A_69, %select_n3A_74 : i32
      %ne3A_76 = arith.constant 0 : i32
      %ne3A_77 = arith.cmpi ne, %rem3A_75, %ne3A_76 : i32
      %lt3A_78 = arith.constant 0 : i32
      %lt3A_79 = arith.cmpi slt, %rem3A_75, %lt3A_78 : i32
      %lt3A_80 = arith.constant 0 : i32
      %lt3A_81 = arith.cmpi slt, %select_n3A_74, %lt3A_80 : i32
      %ne3A_82 = arith.xori %lt3A_79, %lt3A_81 : i1
      %and3A_83 = arith.andi %ne3A_82, %ne3A_77 : i1
      %add3A_84 = arith.addi %rem3A_75, %select_n3A_74 : i32
      %select_n3A_85 = arith.select %and3A_83, %add3A_84, %rem3A_75 : i32
      %add3A_86 = arith.constant 2 : i32
      %add3A_87 = arith.addi %mul3A_52, %add3A_86 : i32
      %jit3A_88 = arith.constant 4 : i32
      %eq3A_89 = arith.constant 0 : i32
      %eq3A_90 = arith.cmpi eq, %jit3A_88, %eq3A_89 : i32
      %jit3A_91 = arith.constant 1 : i32
      %select_n3A_92 = arith.select %eq3A_90, %jit3A_91, %jit3A_88 : i32
      %rem3A_93 = arith.remsi %add3A_87, %select_n3A_92 : i32
      %ne3A_94 = arith.constant 0 : i32
      %ne3A_95 = arith.cmpi ne, %rem3A_93, %ne3A_94 : i32
      %lt3A_96 = arith.constant 0 : i32
      %lt3A_97 = arith.cmpi slt, %rem3A_93, %lt3A_96 : i32
      %lt3A_98 = arith.constant 0 : i32
      %lt3A_99 = arith.cmpi slt, %select_n3A_92, %lt3A_98 : i32
      %ne3A_100 = arith.xori %lt3A_97, %lt3A_99 : i1
      %and3A_101 = arith.andi %ne3A_100, %ne3A_95 : i1
      %add3A_102 = arith.addi %rem3A_93, %select_n3A_92 : i32
      %select_n3A_103 = arith.select %and3A_101, %add3A_102, %rem3A_93 : i32
      %gt3A = arith.constant 0 : i32
      %gt3A_104 = arith.cmpi sgt, %scan3A_50, %gt3A : i32
      %convert_element_type3A_105 = arith.extui %gt3A_104 : i1 to i32
      %cond3A_106 = arith.constant 0 : i32
      %cond3A_107 = arith.cmpi ne, %convert_element_type3A_105, %cond3A_106 : i32
      scf.if %cond3A_107 {
        %dma_wait3A_165 = arith.constant 0 : i32
        %dma_wait3A_166 = arith.constant 0 : i32
        %dma_wait3A_167 = tpu.memref_slice %arg9[%select_n3A_85, %dma_wait3A_165, %dma_wait3A_166] : memref<4x1x125xi32, #tpu.memory_space<vmem>> -> memref<1x1x125xi32, #tpu.memory_space<vmem>>
        %dma_wait3A_168 = tpu.memref_squeeze %dma_wait3A_167 : memref<1x1x125xi32, #tpu.memory_space<vmem>> -> memref<125xi32, #tpu.memory_space<vmem>>
        %dma_wait3A_169 = arith.constant 0 : i32
        %dma_wait3A_170 = arith.constant 0 : i32
        %dma_wait3A_171 = tpu.memref_slice %arg12[%dma_wait3A_169, %dma_wait3A_170] : memref<10000x128xf32, #tpu.memory_space<vmem_shared>> -> memref<10000x128xf32, #tpu.memory_space<vmem_shared>>
        tpu.wait_indirect_dma semaphore(%arg17 : memref<!tpu.dma_semaphore, #tpu.memory_space<semaphore_mem>>) src(%arg11 : memref<125x128xf32, #tpu.memory_space<vmem>>) dst(%dma_wait3A_171 : memref<10000x128xf32, #tpu.memory_space<vmem_shared>>)
      } else {
      }
      %dma_wait3A_108 = arith.constant 0 : i32
      %dma_wait3A_109 = arith.constant 0 : i32
      %dma_wait3A_110 = tpu.memref_slice %arg8[%select_n3A_67, %dma_wait3A_108, %dma_wait3A_109] : memref<4x1x125xi32, #tpu.memory_space<vmem>> -> memref<1x1x125xi32, #tpu.memory_space<vmem>>
      %dma_wait3A_111 = tpu.memref_squeeze %dma_wait3A_110 : memref<1x1x125xi32, #tpu.memory_space<vmem>> -> memref<125xi32, #tpu.memory_space<vmem>>
      %dma_wait3A_112 = arith.constant 0 : i32
      %dma_wait3A_113 = arith.constant 0 : i32
      %dma_wait3A_114 = tpu.memref_slice %arg2[%dma_wait3A_112, %dma_wait3A_113] : memref<10000x128xf32, #tpu.memory_space<hbm>> -> memref<10000x128xf32, #tpu.memory_space<hbm>>
      tpu.wait_indirect_dma semaphore(%arg13 : memref<!tpu.dma_semaphore, #tpu.memory_space<semaphore_mem>>) src(%dma_wait3A_114 : memref<10000x128xf32, #tpu.memory_space<hbm>>) dst(%arg10 : memref<125x128xf32, #tpu.memory_space<vmem>>)
      %dma_start3A_115 = arith.constant 0 : i32
      %dma_start3A_116 = arith.constant 0 : i32
      %dma_start3A_117 = tpu.memref_slice %arg8[%select_n3A_85, %dma_start3A_115, %dma_start3A_116] : memref<4x1x125xi32, #tpu.memory_space<vmem>> -> memref<1x1x125xi32, #tpu.memory_space<vmem>>
      %dma_start3A_118 = tpu.memref_squeeze %dma_start3A_117 : memref<1x1x125xi32, #tpu.memory_space<vmem>> -> memref<125xi32, #tpu.memory_space<vmem>>
      %dma_start3A_119 = arith.constant 0 : i32
      %dma_start3A_120 = arith.constant 0 : i32
      %dma_start3A_121 = tpu.memref_slice %arg2[%dma_start3A_119, %dma_start3A_120] : memref<10000x128xf32, #tpu.memory_space<hbm>> -> memref<10000x128xf32, #tpu.memory_space<hbm>>
      tpu.enqueue_indirect_dma source(%dma_start3A_121 : memref<10000x128xf32, #tpu.memory_space<hbm>>) target(%arg11 : memref<125x128xf32, #tpu.memory_space<vmem>>) offsets(%dma_start3A_118 : memref<125xi32, #tpu.memory_space<vmem>>) semaphore(%arg14 : memref<!tpu.dma_semaphore, #tpu.memory_space<semaphore_mem>>)
      %lt3A_122 = arith.constant 39 : i32
      %lt3A_123 = arith.cmpi slt, %scan3A_50, %lt3A_122 : i32
      %convert_element_type3A_124 = arith.extui %lt3A_123 : i1 to i32
      %cond3A_125 = arith.constant 0 : i32
      %cond3A_126 = arith.cmpi ne, %convert_element_type3A_124, %cond3A_125 : i32
      scf.if %cond3A_126 {
        %add3A_165 = arith.addi %mul3A_22, %mul3A_52 : i32
        %add3A_166 = arith.constant 2 : i32
        %add3A_167 = arith.addi %add3A_165, %add3A_166 : i32
        %dma_start3A_168 = arith.constant 0 : i32
        %dma_start3A_169 = arith.constant 0 : i32
        %dma_start3A_170 = tpu.memref_slice %arg8[%select_n3A_103, %dma_start3A_168, %dma_start3A_169] : memref<4x1x125xi32, #tpu.memory_space<vmem>> -> memref<2x1x125xi32, #tpu.memory_space<vmem>>
        %dma_start3A_171 = arith.constant 0 : i32
        %dma_start3A_172 = arith.constant 0 : i32
        %dma_start3A_173 = tpu.memref_slice %arg3[%add3A_167, %dma_start3A_171, %dma_start3A_172] : memref<2560x1x125xi32, #tpu.memory_space<hbm>> -> memref<2x1x125xi32, #tpu.memory_space<hbm>>
        %dma_start3A_174 = arith.constant 0 : i32
        %dma_start3A_175 = arith.constant 0 : i32
        %dma_start3A_176 = tpu.memref_slice %arg8[%select_n3A_103, %dma_start3A_174, %dma_start3A_175] : memref<4x1x125xi32, #tpu.memory_space<vmem>> -> memref<2x1x125xi32, #tpu.memory_space<vmem>>
        %dma_start3A_177 = arith.constant 0 : i32
        %dma_start3A_178 = arith.constant 0 : i32
        %dma_start3A_179 = tpu.memref_slice %arg3[%add3A_167, %dma_start3A_177, %dma_start3A_178] : memref<2560x1x125xi32, #tpu.memory_space<hbm>> -> memref<2x1x125xi32, #tpu.memory_space<hbm>>
        tpu.enqueue_dma source(%dma_start3A_179 : memref<2x1x125xi32, #tpu.memory_space<hbm>>) target(%dma_start3A_176 : memref<2x1x125xi32, #tpu.memory_space<vmem>>) target_semaphore(%arg15 : memref<!tpu.dma_semaphore, #tpu.memory_space<semaphore_mem>>)
        %add3A_180 = arith.addi %mul3A_22, %mul3A_52 : i32
        %add3A_181 = arith.constant 2 : i32
        %add3A_182 = arith.addi %add3A_180, %add3A_181 : i32
        %dma_start3A_183 = arith.constant 0 : i32
        %dma_start3A_184 = arith.constant 0 : i32
        %dma_start3A_185 = tpu.memref_slice %arg9[%select_n3A_103, %dma_start3A_183, %dma_start3A_184] : memref<4x1x125xi32, #tpu.memory_space<vmem>> -> memref<2x1x125xi32, #tpu.memory_space<vmem>>
        %dma_start3A_186 = arith.constant 0 : i32
        %dma_start3A_187 = arith.constant 0 : i32
        %dma_start3A_188 = tpu.memref_slice %arg4[%add3A_182, %dma_start3A_186, %dma_start3A_187] : memref<2560x1x125xi32, #tpu.memory_space<hbm>> -> memref<2x1x125xi32, #tpu.memory_space<hbm>>
        %dma_start3A_189 = arith.constant 0 : i32
        %dma_start3A_190 = arith.constant 0 : i32
        %dma_start3A_191 = tpu.memref_slice %arg9[%select_n3A_103, %dma_start3A_189, %dma_start3A_190] : memref<4x1x125xi32, #tpu.memory_space<vmem>> -> memref<2x1x125xi32, #tpu.memory_space<vmem>>
        %dma_start3A_192 = arith.constant 0 : i32
        %dma_start3A_193 = arith.constant 0 : i32
        %dma_start3A_194 = tpu.memref_slice %arg4[%add3A_182, %dma_start3A_192, %dma_start3A_193] : memref<2560x1x125xi32, #tpu.memory_space<hbm>> -> memref<2x1x125xi32, #tpu.memory_space<hbm>>
        tpu.enqueue_dma source(%dma_start3A_194 : memref<2x1x125xi32, #tpu.memory_space<hbm>>) target(%dma_start3A_191 : memref<2x1x125xi32, #tpu.memory_space<vmem>>) target_semaphore(%arg15 : memref<!tpu.dma_semaphore, #tpu.memory_space<semaphore_mem>>)
      } else {
      }
      %dma_start3A_127 = arith.constant 0 : i32
      %dma_start3A_128 = arith.constant 0 : i32
      %dma_start3A_129 = tpu.memref_slice %arg9[%select_n3A_67, %dma_start3A_127, %dma_start3A_128] : memref<4x1x125xi32, #tpu.memory_space<vmem>> -> memref<1x1x125xi32, #tpu.memory_space<vmem>>
      %dma_start3A_130 = tpu.memref_squeeze %dma_start3A_129 : memref<1x1x125xi32, #tpu.memory_space<vmem>> -> memref<125xi32, #tpu.memory_space<vmem>>
      %dma_start3A_131 = arith.constant 0 : i32
      %dma_start3A_132 = arith.constant 0 : i32
      %dma_start3A_133 = tpu.memref_slice %arg12[%dma_start3A_131, %dma_start3A_132] : memref<10000x128xf32, #tpu.memory_space<vmem_shared>> -> memref<10000x128xf32, #tpu.memory_space<vmem_shared>>
      tpu.enqueue_indirect_dma source(%arg10 : memref<125x128xf32, #tpu.memory_space<vmem>>) target(%dma_start3A_133 : memref<10000x128xf32, #tpu.memory_space<vmem_shared>>) offsets(%dma_start3A_130 : memref<125xi32, #tpu.memory_space<vmem>>) semaphore(%arg16 : memref<!tpu.dma_semaphore, #tpu.memory_space<semaphore_mem>>) {add = true}
      %dma_wait3A_134 = arith.constant 0 : i32
      %dma_wait3A_135 = arith.constant 0 : i32
      %dma_wait3A_136 = tpu.memref_slice %arg8[%select_n3A_85, %dma_wait3A_134, %dma_wait3A_135] : memref<4x1x125xi32, #tpu.memory_space<vmem>> -> memref<1x1x125xi32, #tpu.memory_space<vmem>>
      %dma_wait3A_137 = tpu.memref_squeeze %dma_wait3A_136 : memref<1x1x125xi32, #tpu.memory_space<vmem>> -> memref<125xi32, #tpu.memory_space<vmem>>
      %dma_wait3A_138 = arith.constant 0 : i32
      %dma_wait3A_139 = arith.constant 0 : i32
      %dma_wait3A_140 = tpu.memref_slice %arg2[%dma_wait3A_138, %dma_wait3A_139] : memref<10000x128xf32, #tpu.memory_space<hbm>> -> memref<10000x128xf32, #tpu.memory_space<hbm>>
      tpu.wait_indirect_dma semaphore(%arg14 : memref<!tpu.dma_semaphore, #tpu.memory_space<semaphore_mem>>) src(%dma_wait3A_140 : memref<10000x128xf32, #tpu.memory_space<hbm>>) dst(%arg11 : memref<125x128xf32, #tpu.memory_space<vmem>>)
      %lt3A_141 = arith.constant 39 : i32
      %lt3A_142 = arith.cmpi slt, %scan3A_50, %lt3A_141 : i32
      %convert_element_type3A_143 = arith.extui %lt3A_142 : i1 to i32
      %cond3A_144 = arith.constant 0 : i32
      %cond3A_145 = arith.cmpi ne, %convert_element_type3A_143, %cond3A_144 : i32
      scf.if %cond3A_145 {
        %add3A_165 = arith.addi %mul3A_22, %mul3A_52 : i32
        %add3A_166 = arith.constant 2 : i32
        %add3A_167 = arith.addi %add3A_165, %add3A_166 : i32
        %dma_wait3A_168 = arith.constant 0 : i32
        %dma_wait3A_169 = arith.constant 0 : i32
        %dma_wait3A_170 = tpu.memref_slice %arg8[%select_n3A_103, %dma_wait3A_168, %dma_wait3A_169] : memref<4x1x125xi32, #tpu.memory_space<vmem>> -> memref<2x1x125xi32, #tpu.memory_space<vmem>>
        %dma_wait3A_171 = arith.constant 0 : i32
        %dma_wait3A_172 = arith.constant 0 : i32
        %dma_wait3A_173 = tpu.memref_slice %arg3[%add3A_167, %dma_wait3A_171, %dma_wait3A_172] : memref<2560x1x125xi32, #tpu.memory_space<hbm>> -> memref<2x1x125xi32, #tpu.memory_space<hbm>>
        %dma_wait3A_174 = arith.constant 0 : i32
        %dma_wait3A_175 = arith.constant 0 : i32
        %dma_wait3A_176 = tpu.memref_slice %arg8[%select_n3A_103, %dma_wait3A_174, %dma_wait3A_175] : memref<4x1x125xi32, #tpu.memory_space<vmem>> -> memref<2x1x125xi32, #tpu.memory_space<vmem>>
        %dma_wait3A_177 = arith.constant 0 : i32
        %dma_wait3A_178 = arith.constant 0 : i32
        %dma_wait3A_179 = tpu.memref_slice %arg3[%add3A_167, %dma_wait3A_177, %dma_wait3A_178] : memref<2560x1x125xi32, #tpu.memory_space<hbm>> -> memref<2x1x125xi32, #tpu.memory_space<hbm>>
        tpu.wait_dma2 semaphore(%arg15 : memref<!tpu.dma_semaphore, #tpu.memory_space<semaphore_mem>>) src(%dma_wait3A_179 : memref<2x1x125xi32, #tpu.memory_space<hbm>>) dst(%dma_wait3A_176 : memref<2x1x125xi32, #tpu.memory_space<vmem>>)
        %add3A_180 = arith.addi %mul3A_22, %mul3A_52 : i32
        %add3A_181 = arith.constant 2 : i32
        %add3A_182 = arith.addi %add3A_180, %add3A_181 : i32
        %dma_wait3A_183 = arith.constant 0 : i32
        %dma_wait3A_184 = arith.constant 0 : i32
        %dma_wait3A_185 = tpu.memref_slice %arg9[%select_n3A_103, %dma_wait3A_183, %dma_wait3A_184] : memref<4x1x125xi32, #tpu.memory_space<vmem>> -> memref<2x1x125xi32, #tpu.memory_space<vmem>>
        %dma_wait3A_186 = arith.constant 0 : i32
        %dma_wait3A_187 = arith.constant 0 : i32
        %dma_wait3A_188 = tpu.memref_slice %arg4[%add3A_182, %dma_wait3A_186, %dma_wait3A_187] : memref<2560x1x125xi32, #tpu.memory_space<hbm>> -> memref<2x1x125xi32, #tpu.memory_space<hbm>>
        %dma_wait3A_189 = arith.constant 0 : i32
        %dma_wait3A_190 = arith.constant 0 : i32
        %dma_wait3A_191 = tpu.memref_slice %arg9[%select_n3A_103, %dma_wait3A_189, %dma_wait3A_190] : memref<4x1x125xi32, #tpu.memory_space<vmem>> -> memref<2x1x125xi32, #tpu.memory_space<vmem>>
        %dma_wait3A_192 = arith.constant 0 : i32
        %dma_wait3A_193 = arith.constant 0 : i32
        %dma_wait3A_194 = tpu.memref_slice %arg4[%add3A_182, %dma_wait3A_192, %dma_wait3A_193] : memref<2560x1x125xi32, #tpu.memory_space<hbm>> -> memref<2x1x125xi32, #tpu.memory_space<hbm>>
        tpu.wait_dma2 semaphore(%arg15 : memref<!tpu.dma_semaphore, #tpu.memory_space<semaphore_mem>>) src(%dma_wait3A_194 : memref<2x1x125xi32, #tpu.memory_space<hbm>>) dst(%dma_wait3A_191 : memref<2x1x125xi32, #tpu.memory_space<vmem>>)
      } else {
      }
      %dma_wait3A_146 = arith.constant 0 : i32
      %dma_wait3A_147 = arith.constant 0 : i32
      %dma_wait3A_148 = tpu.memref_slice %arg9[%select_n3A_67, %dma_wait3A_146, %dma_wait3A_147] : memref<4x1x125xi32, #tpu.memory_space<vmem>> -> memref<1x1x125xi32, #tpu.memory_space<vmem>>
      %dma_wait3A_149 = tpu.memref_squeeze %dma_wait3A_148 : memref<1x1x125xi32, #tpu.memory_space<vmem>> -> memref<125xi32, #tpu.memory_space<vmem>>
      %dma_wait3A_150 = arith.constant 0 : i32
      %dma_wait3A_151 = arith.constant 0 : i32
      %dma_wait3A_152 = tpu.memref_slice %arg12[%dma_wait3A_150, %dma_wait3A_151] : memref<10000x128xf32, #tpu.memory_space<vmem_shared>> -> memref<10000x128xf32, #tpu.memory_space<vmem_shared>>
      tpu.wait_indirect_dma semaphore(%arg16 : memref<!tpu.dma_semaphore, #tpu.memory_space<semaphore_mem>>) src(%arg10 : memref<125x128xf32, #tpu.memory_space<vmem>>) dst(%dma_wait3A_152 : memref<10000x128xf32, #tpu.memory_space<vmem_shared>>)
      %lt3A_153 = arith.constant 39 : i32
      %lt3A_154 = arith.cmpi slt, %scan3A_50, %lt3A_153 : i32
      %convert_element_type3A_155 = arith.extui %lt3A_154 : i1 to i32
      %cond3A_156 = arith.constant 0 : i32
      %cond3A_157 = arith.cmpi ne, %convert_element_type3A_155, %cond3A_156 : i32
      scf.if %cond3A_157 {
        %dma_start3A_165 = arith.constant 0 : i32
        %dma_start3A_166 = arith.constant 0 : i32
        %dma_start3A_167 = tpu.memref_slice %arg8[%select_n3A_103, %dma_start3A_165, %dma_start3A_166] : memref<4x1x125xi32, #tpu.memory_space<vmem>> -> memref<1x1x125xi32, #tpu.memory_space<vmem>>
        %dma_start3A_168 = tpu.memref_squeeze %dma_start3A_167 : memref<1x1x125xi32, #tpu.memory_space<vmem>> -> memref<125xi32, #tpu.memory_space<vmem>>
        %dma_start3A_169 = arith.constant 0 : i32
        %dma_start3A_170 = arith.constant 0 : i32
        %dma_start3A_171 = tpu.memref_slice %arg2[%dma_start3A_169, %dma_start3A_170] : memref<10000x128xf32, #tpu.memory_space<hbm>> -> memref<10000x128xf32, #tpu.memory_space<hbm>>
        tpu.enqueue_indirect_dma source(%dma_start3A_171 : memref<10000x128xf32, #tpu.memory_space<hbm>>) target(%arg10 : memref<125x128xf32, #tpu.memory_space<vmem>>) offsets(%dma_start3A_168 : memref<125xi32, #tpu.memory_space<vmem>>) semaphore(%arg13 : memref<!tpu.dma_semaphore, #tpu.memory_space<semaphore_mem>>)
      } else {
      }
      %dma_start3A_158 = arith.constant 0 : i32
      %dma_start3A_159 = arith.constant 0 : i32
      %dma_start3A_160 = tpu.memref_slice %arg9[%select_n3A_85, %dma_start3A_158, %dma_start3A_159] : memref<4x1x125xi32, #tpu.memory_space<vmem>> -> memref<1x1x125xi32, #tpu.memory_space<vmem>>
      %dma_start3A_161 = tpu.memref_squeeze %dma_start3A_160 : memref<1x1x125xi32, #tpu.memory_space<vmem>> -> memref<125xi32, #tpu.memory_space<vmem>>
      %dma_start3A_162 = arith.constant 0 : i32
      %dma_start3A_163 = arith.constant 0 : i32
      %dma_start3A_164 = tpu.memref_slice %arg12[%dma_start3A_162, %dma_start3A_163] : memref<10000x128xf32, #tpu.memory_space<vmem_shared>> -> memref<10000x128xf32, #tpu.memory_space<vmem_shared>>
      tpu.enqueue_indirect_dma source(%arg11 : memref<125x128xf32, #tpu.memory_space<vmem>>) target(%dma_start3A_164 : memref<10000x128xf32, #tpu.memory_space<vmem_shared>>) offsets(%dma_start3A_161 : memref<125xi32, #tpu.memory_space<vmem>>) semaphore(%arg17 : memref<!tpu.dma_semaphore, #tpu.memory_space<semaphore_mem>>) {add = true}
    }
    %scan3A_34 = arith.constant 40 : i32
    %dma_wait3A = arith.constant 1 : i32
    %dma_wait3A_35 = arith.constant 0 : i32
    %dma_wait3A_36 = arith.constant 0 : i32
    %dma_wait3A_37 = tpu.memref_slice %arg9[%dma_wait3A, %dma_wait3A_35, %dma_wait3A_36] : memref<4x1x125xi32, #tpu.memory_space<vmem>> -> memref<1x1x125xi32, #tpu.memory_space<vmem>>
    %dma_wait3A_38 = tpu.memref_squeeze %dma_wait3A_37 : memref<1x1x125xi32, #tpu.memory_space<vmem>> -> memref<125xi32, #tpu.memory_space<vmem>>
    %dma_wait3A_39 = arith.constant 0 : i32
    %dma_wait3A_40 = arith.constant 0 : i32
    %dma_wait3A_41 = tpu.memref_slice %arg12[%dma_wait3A_39, %dma_wait3A_40] : memref<10000x128xf32, #tpu.memory_space<vmem_shared>> -> memref<10000x128xf32, #tpu.memory_space<vmem_shared>>
    tpu.wait_indirect_dma semaphore(%arg17 : memref<!tpu.dma_semaphore, #tpu.memory_space<semaphore_mem>>) src(%arg11 : memref<125x128xf32, #tpu.memory_space<vmem>>) dst(%dma_wait3A_41 : memref<10000x128xf32, #tpu.memory_space<vmem_shared>>)
    %barrier3A_42 = arith.constant 0 : index
    tpu.barrier barrier_id(%barrier3A_42)
    %eq3A = arith.constant 0 : i32
    %eq3A_43 = arith.cmpi eq, %arg0, %eq3A : i32
    %convert_element_type3A = arith.extui %eq3A_43 : i1 to i32
    %cond3A = arith.constant 0 : i32
    %cond3A_44 = arith.cmpi ne, %convert_element_type3A, %cond3A : i32
    scf.if %cond3A_44 {
      "tpu.region"() ({
        %run_scoped3A = tpu.sem_alloc : memref<!tpu.dma_semaphore, #tpu.memory_space<semaphore_mem>>
        %dma_start3A_50 = arith.constant 0 : i32
        %dma_start3A_51 = tpu.memref_slice %arg6[%multiple_of3A, %dma_start3A_50] : memref<10000x128xf32, #tpu.memory_space<hbm>> -> memref<632x128xf32, #tpu.memory_space<hbm>>
        %dma_start3A_52 = arith.constant 0 : i32
        %dma_start3A_53 = tpu.memref_slice %arg12[%multiple_of3A, %dma_start3A_52] : memref<10000x128xf32, #tpu.memory_space<vmem_shared>> -> memref<632x128xf32, #tpu.memory_space<vmem_shared>>
        tpu.enqueue_dma source(%dma_start3A_53 : memref<632x128xf32, #tpu.memory_space<vmem_shared>>) target(%dma_start3A_51 : memref<632x128xf32, #tpu.memory_space<hbm>>) target_semaphore(%run_scoped3A : memref<!tpu.dma_semaphore, #tpu.memory_space<semaphore_mem>>)
        %dma_wait3A_54 = arith.constant 0 : i32
        %dma_wait3A_55 = tpu.memref_slice %arg6[%multiple_of3A, %dma_wait3A_54] : memref<10000x128xf32, #tpu.memory_space<hbm>> -> memref<632x128xf32, #tpu.memory_space<hbm>>
        %dma_wait3A_56 = arith.constant 0 : i32
        %dma_wait3A_57 = tpu.memref_slice %arg12[%multiple_of3A, %dma_wait3A_56] : memref<10000x128xf32, #tpu.memory_space<vmem_shared>> -> memref<632x128xf32, #tpu.memory_space<vmem_shared>>
        tpu.wait_dma2 semaphore(%run_scoped3A : memref<!tpu.dma_semaphore, #tpu.memory_space<semaphore_mem>>) src(%dma_wait3A_57 : memref<632x128xf32, #tpu.memory_space<vmem_shared>>) dst(%dma_wait3A_55 : memref<632x128xf32, #tpu.memory_space<hbm>>)
        tpu.yield
      }) : () -> ()
    } else {
    }
    %eq3A_45 = arith.constant 1 : i32
    %eq3A_46 = arith.cmpi eq, %arg0, %eq3A_45 : i32
    %convert_element_type3A_47 = arith.extui %eq3A_46 : i1 to i32
    %cond3A_48 = arith.constant 0 : i32
    %cond3A_49 = arith.cmpi ne, %convert_element_type3A_47, %cond3A_48 : i32
    scf.if %cond3A_49 {
      "tpu.region"() ({
        %run_scoped3A = tpu.sem_alloc : memref<!tpu.dma_semaphore, #tpu.memory_space<semaphore_mem>>
        %dma_start3A_50 = arith.constant 0 : i32
        %dma_start3A_51 = tpu.memref_slice %arg7[%multiple_of3A, %dma_start3A_50] : memref<10000x128xf32, #tpu.memory_space<hbm>> -> memref<632x128xf32, #tpu.memory_space<hbm>>
        %dma_start3A_52 = arith.constant 0 : i32
        %dma_start3A_53 = tpu.memref_slice %arg12[%multiple_of3A, %dma_start3A_52] : memref<10000x128xf32, #tpu.memory_space<vmem_shared>> -> memref<632x128xf32, #tpu.memory_space<vmem_shared>>
        tpu.enqueue_dma source(%dma_start3A_53 : memref<632x128xf32, #tpu.memory_space<vmem_shared>>) target(%dma_start3A_51 : memref<632x128xf32, #tpu.memory_space<hbm>>) target_semaphore(%run_scoped3A : memref<!tpu.dma_semaphore, #tpu.memory_space<semaphore_mem>>)
        %dma_wait3A_54 = arith.constant 0 : i32
        %dma_wait3A_55 = tpu.memref_slice %arg7[%multiple_of3A, %dma_wait3A_54] : memref<10000x128xf32, #tpu.memory_space<hbm>> -> memref<632x128xf32, #tpu.memory_space<hbm>>
        %dma_wait3A_56 = arith.constant 0 : i32
        %dma_wait3A_57 = tpu.memref_slice %arg12[%multiple_of3A, %dma_wait3A_56] : memref<10000x128xf32, #tpu.memory_space<vmem_shared>> -> memref<632x128xf32, #tpu.memory_space<vmem_shared>>
        tpu.wait_dma2 semaphore(%run_scoped3A : memref<!tpu.dma_semaphore, #tpu.memory_space<semaphore_mem>>) src(%dma_wait3A_57 : memref<632x128xf32, #tpu.memory_space<vmem_shared>>) dst(%dma_wait3A_55 : memref<632x128xf32, #tpu.memory_space<hbm>>)
        tpu.yield
      }) : () -> ()
    } else {
    }
    return
  }
}

#map = affine_map<(d0, d1) -> (0, 0)>
#map1 = affine_map<(d0, d1) -> (0, 0, 0)>
module attributes {stable_mosaic.version = 14 : i64} {
  func.func @agg_kernel(%arg0: i32, %arg1: i32, %arg2: memref<10000x128xf32, #tpu.memory_space<hbm>>, %arg3: memref<2560x1x125xi32, #tpu.memory_space<hbm>>, %arg4: memref<2560x1x125xi32, #tpu.memory_space<hbm>>, %arg5: memref<10000x128xf32, #tpu.memory_space<hbm>>, %arg6: memref<10000x128xf32, #tpu.memory_space<hbm>>, %arg7: memref<10000x128xf32, #tpu.memory_space<hbm>>, %arg8: memref<4x1x125xi32, #tpu.memory_space<vmem>>, %arg9: memref<4x1x125xi32, #tpu.memory_space<vmem>>, %arg10: memref<125x128xf32, #tpu.memory_space<vmem>>, %arg11: memref<125x128xf32, #tpu.memory_space<vmem>>, %arg12: memref<10000x128xf32, #tpu.memory_space<vmem_shared>>, %arg13: memref<!tpu.dma_semaphore, #tpu.memory_space<semaphore_mem>>, %arg14: memref<!tpu.dma_semaphore, #tpu.memory_space<semaphore_mem>>, %arg15: memref<!tpu.dma_semaphore, #tpu.memory_space<semaphore_mem>>, %arg16: memref<!tpu.dma_semaphore, #tpu.memory_space<semaphore_mem>>, %arg17: memref<!tpu.dma_semaphore, #tpu.memory_space<semaphore_mem>>) attributes {dimension_semantics = [#tpu.dimension_semantics<core_parallel>, #tpu.dimension_semantics<subcore_parallel>], iteration_bounds = array<i64: 2, 16>, scalar_prefetch = 0 : i64, scratch_operands = 10 : i64, tpu.core_type = #tpu.core_type<sc_vector_subcore>, window_params = [{transform_indices = #map}, {transform_indices = #map1}, {transform_indices = #map1}, {transform_indices = #map}, {transform_indices = #map}, {transform_indices = #map}]} {
    %mul3A = arith.constant 625 : i32
    %mul3A_0 = arith.muli %arg1, %mul3A : i32
    %jit3A = arith.constant 8 : i32
    %div3A = arith.divsi %mul3A_0, %jit3A : i32
    %sign3A = arith.constant 0 : i32
    %sign3A_1 = arith.cmpi sgt, %mul3A_0, %sign3A : i32
    %sign3A_2 = arith.extui %sign3A_1 : i1 to i32
    %sign3A_3 = arith.constant 0 : i32
    %sign3A_4 = arith.cmpi slt, %mul3A_0, %sign3A_3 : i32
    %sign3A_5 = arith.extui %sign3A_4 : i1 to i32
    %sign3A_6 = arith.subi %sign3A_2, %sign3A_5 : i32
    %sign3A_7 = arith.constant 0 : i32
    %sign3A_8 = arith.cmpi sgt, %jit3A, %sign3A_7 : i32
    %sign3A_9 = arith.extui %sign3A_8 : i1 to i32
    %sign3A_10 = arith.constant 0 : i32
    %sign3A_11 = arith.cmpi slt, %jit3A, %sign3A_10 : i32
    %sign3A_12 = arith.extui %sign3A_11 : i1 to i32
    %sign3A_13 = arith.subi %sign3A_9, %sign3A_12 : i32
    %ne3A = arith.cmpi ne, %sign3A_6, %sign3A_13 : i32
    %rem3A = arith.remsi %mul3A_0, %jit3A : i32
    %ne3A_14 = arith.constant 0 : i32
    %ne3A_15 = arith.cmpi ne, %rem3A, %ne3A_14 : i32
    %and3A = arith.andi %ne3A, %ne3A_15 : i1
    %sub3A = arith.constant 1 : i32
    %sub3A_16 = arith.subi %div3A, %sub3A : i32
    %select_n3A = arith.select %and3A, %sub3A_16, %div3A : i32
    %mul3A_17 = arith.constant 8 : i32
    %mul3A_18 = arith.muli %select_n3A, %mul3A_17 : i32
    %multiple_of3A = tpu.assume_multiple %mul3A_18, 8 : i32
    "tpu.region"() ({
      %run_scoped3A = tpu.sem_alloc : memref<!tpu.dma_semaphore, #tpu.memory_space<semaphore_mem>>
      %dma_start3A_50 = arith.constant 0 : i32
      %dma_start3A_51 = tpu.memref_slice %arg12[%multiple_of3A, %dma_start3A_50] : memref<10000x128xf32, #tpu.memory_space<vmem_shared>> -> memref<632x128xf32, #tpu.memory_space<vmem_shared>>
      %dma_start3A_52 = arith.constant 0 : i32
      %dma_start3A_53 = tpu.memref_slice %arg5[%multiple_of3A, %dma_start3A_52] : memref<10000x128xf32, #tpu.memory_space<hbm>> -> memref<632x128xf32, #tpu.memory_space<hbm>>
      tpu.enqueue_dma source(%dma_start3A_53 : memref<632x128xf32, #tpu.memory_space<hbm>>) target(%dma_start3A_51 : memref<632x128xf32, #tpu.memory_space<vmem_shared>>) target_semaphore(%run_scoped3A : memref<!tpu.dma_semaphore, #tpu.memory_space<semaphore_mem>>)
      %dma_wait3A_54 = arith.constant 0 : i32
      %dma_wait3A_55 = tpu.memref_slice %arg12[%multiple_of3A, %dma_wait3A_54] : memref<10000x128xf32, #tpu.memory_space<vmem_shared>> -> memref<632x128xf32, #tpu.memory_space<vmem_shared>>
      %dma_wait3A_56 = arith.constant 0 : i32
      %dma_wait3A_57 = tpu.memref_slice %arg5[%multiple_of3A, %dma_wait3A_56] : memref<10000x128xf32, #tpu.memory_space<hbm>> -> memref<632x128xf32, #tpu.memory_space<hbm>>
      tpu.wait_dma2 semaphore(%run_scoped3A : memref<!tpu.dma_semaphore, #tpu.memory_space<semaphore_mem>>) src(%dma_wait3A_57 : memref<632x128xf32, #tpu.memory_space<hbm>>) dst(%dma_wait3A_55 : memref<632x128xf32, #tpu.memory_space<vmem_shared>>)
      tpu.yield
    }) : () -> ()
    %mul3A_19 = arith.constant 16 : i32
    %mul3A_20 = arith.muli %arg0, %mul3A_19 : i32
    %add3A = arith.addi %mul3A_20, %arg1 : i32
    %mul3A_21 = arith.constant 80 : i32
    %mul3A_22 = arith.muli %add3A, %mul3A_21 : i32
    "tpu.region"() ({
      %run_scoped3A = tpu.sem_alloc : memref<!tpu.dma_semaphore, #tpu.memory_space<semaphore_mem>>
      %dma_start3A_50 = arith.constant 0 : i32
      %dma_start3A_51 = arith.constant 0 : i32
      %dma_start3A_52 = arith.constant 0 : i32
      %dma_start3A_53 = tpu.memref_slice %arg8[%dma_start3A_50, %dma_start3A_51, %dma_start3A_52] : memref<4x1x125xi32, #tpu.memory_space<vmem>> -> memref<2x1x125xi32, #tpu.memory_space<vmem>>
      %dma_start3A_54 = arith.constant 0 : i32
      %dma_start3A_55 = arith.constant 0 : i32
      %dma_start3A_56 = tpu.memref_slice %arg3[%mul3A_22, %dma_start3A_54, %dma_start3A_55] : memref<2560x1x125xi32, #tpu.memory_space<hbm>> -> memref<2x1x125xi32, #tpu.memory_space<hbm>>
      %dma_start3A_57 = arith.constant 0 : i32
      %dma_start3A_58 = arith.constant 0 : i32
      %dma_start3A_59 = arith.constant 0 : i32
      %dma_start3A_60 = tpu.memref_slice %arg8[%dma_start3A_57, %dma_start3A_58, %dma_start3A_59] : memref<4x1x125xi32, #tpu.memory_space<vmem>> -> memref<2x1x125xi32, #tpu.memory_space<vmem>>
      %dma_start3A_61 = arith.constant 0 : i32
      %dma_start3A_62 = arith.constant 0 : i32
      %dma_start3A_63 = tpu.memref_slice %arg3[%mul3A_22, %dma_start3A_61, %dma_start3A_62] : memref<2560x1x125xi32, #tpu.memory_space<hbm>> -> memref<2x1x125xi32, #tpu.memory_space<hbm>>
      tpu.enqueue_dma source(%dma_start3A_63 : memref<2x1x125xi32, #tpu.memory_space<hbm>>) target(%dma_start3A_60 : memref<2x1x125xi32, #tpu.memory_space<vmem>>) target_semaphore(%run_scoped3A : memref<!tpu.dma_semaphore, #tpu.memory_space<semaphore_mem>>)
      %dma_wait3A_64 = arith.constant 0 : i32
      %dma_wait3A_65 = arith.constant 0 : i32
      %dma_wait3A_66 = arith.constant 0 : i32
      %dma_wait3A_67 = tpu.memref_slice %arg8[%dma_wait3A_64, %dma_wait3A_65, %dma_wait3A_66] : memref<4x1x125xi32, #tpu.memory_space<vmem>> -> memref<2x1x125xi32, #tpu.memory_space<vmem>>
      %dma_wait3A_68 = arith.constant 0 : i32
      %dma_wait3A_69 = arith.constant 0 : i32
      %dma_wait3A_70 = tpu.memref_slice %arg3[%mul3A_22, %dma_wait3A_68, %dma_wait3A_69] : memref<2560x1x125xi32, #tpu.memory_space<hbm>> -> memref<2x1x125xi32, #tpu.memory_space<hbm>>
      %dma_wait3A_71 = arith.constant 0 : i32
      %dma_wait3A_72 = arith.constant 0 : i32
      %dma_wait3A_73 = arith.constant 0 : i32
      %dma_wait3A_74 = tpu.memref_slice %arg8[%dma_wait3A_71, %dma_wait3A_72, %dma_wait3A_73] : memref<4x1x125xi32, #tpu.memory_space<vmem>> -> memref<2x1x125xi32, #tpu.memory_space<vmem>>
      %dma_wait3A_75 = arith.constant 0 : i32
      %dma_wait3A_76 = arith.constant 0 : i32
      %dma_wait3A_77 = tpu.memref_slice %arg3[%mul3A_22, %dma_wait3A_75, %dma_wait3A_76] : memref<2560x1x125xi32, #tpu.memory_space<hbm>> -> memref<2x1x125xi32, #tpu.memory_space<hbm>>
      tpu.wait_dma2 semaphore(%run_scoped3A : memref<!tpu.dma_semaphore, #tpu.memory_space<semaphore_mem>>) src(%dma_wait3A_77 : memref<2x1x125xi32, #tpu.memory_space<hbm>>) dst(%dma_wait3A_74 : memref<2x1x125xi32, #tpu.memory_space<vmem>>)
      tpu.yield
    }) : () -> ()
    "tpu.region"() ({
      %run_scoped3A = tpu.sem_alloc : memref<!tpu.dma_semaphore, #tpu.memory_space<semaphore_mem>>
      %dma_start3A_50 = arith.constant 0 : i32
      %dma_start3A_51 = arith.constant 0 : i32
      %dma_start3A_52 = arith.constant 0 : i32
      %dma_start3A_53 = tpu.memref_slice %arg9[%dma_start3A_50, %dma_start3A_51, %dma_start3A_52] : memref<4x1x125xi32, #tpu.memory_space<vmem>> -> memref<2x1x125xi32, #tpu.memory_space<vmem>>
      %dma_start3A_54 = arith.constant 0 : i32
      %dma_start3A_55 = arith.constant 0 : i32
      %dma_start3A_56 = tpu.memref_slice %arg4[%mul3A_22, %dma_start3A_54, %dma_start3A_55] : memref<2560x1x125xi32, #tpu.memory_space<hbm>> -> memref<2x1x125xi32, #tpu.memory_space<hbm>>
      %dma_start3A_57 = arith.constant 0 : i32
      %dma_start3A_58 = arith.constant 0 : i32
      %dma_start3A_59 = arith.constant 0 : i32
      %dma_start3A_60 = tpu.memref_slice %arg9[%dma_start3A_57, %dma_start3A_58, %dma_start3A_59] : memref<4x1x125xi32, #tpu.memory_space<vmem>> -> memref<2x1x125xi32, #tpu.memory_space<vmem>>
      %dma_start3A_61 = arith.constant 0 : i32
      %dma_start3A_62 = arith.constant 0 : i32
      %dma_start3A_63 = tpu.memref_slice %arg4[%mul3A_22, %dma_start3A_61, %dma_start3A_62] : memref<2560x1x125xi32, #tpu.memory_space<hbm>> -> memref<2x1x125xi32, #tpu.memory_space<hbm>>
      tpu.enqueue_dma source(%dma_start3A_63 : memref<2x1x125xi32, #tpu.memory_space<hbm>>) target(%dma_start3A_60 : memref<2x1x125xi32, #tpu.memory_space<vmem>>) target_semaphore(%run_scoped3A : memref<!tpu.dma_semaphore, #tpu.memory_space<semaphore_mem>>)
      %dma_wait3A_64 = arith.constant 0 : i32
      %dma_wait3A_65 = arith.constant 0 : i32
      %dma_wait3A_66 = arith.constant 0 : i32
      %dma_wait3A_67 = tpu.memref_slice %arg9[%dma_wait3A_64, %dma_wait3A_65, %dma_wait3A_66] : memref<4x1x125xi32, #tpu.memory_space<vmem>> -> memref<2x1x125xi32, #tpu.memory_space<vmem>>
      %dma_wait3A_68 = arith.constant 0 : i32
      %dma_wait3A_69 = arith.constant 0 : i32
      %dma_wait3A_70 = tpu.memref_slice %arg4[%mul3A_22, %dma_wait3A_68, %dma_wait3A_69] : memref<2560x1x125xi32, #tpu.memory_space<hbm>> -> memref<2x1x125xi32, #tpu.memory_space<hbm>>
      %dma_wait3A_71 = arith.constant 0 : i32
      %dma_wait3A_72 = arith.constant 0 : i32
      %dma_wait3A_73 = arith.constant 0 : i32
      %dma_wait3A_74 = tpu.memref_slice %arg9[%dma_wait3A_71, %dma_wait3A_72, %dma_wait3A_73] : memref<4x1x125xi32, #tpu.memory_space<vmem>> -> memref<2x1x125xi32, #tpu.memory_space<vmem>>
      %dma_wait3A_75 = arith.constant 0 : i32
      %dma_wait3A_76 = arith.constant 0 : i32
      %dma_wait3A_77 = tpu.memref_slice %arg4[%mul3A_22, %dma_wait3A_75, %dma_wait3A_76] : memref<2560x1x125xi32, #tpu.memory_space<hbm>> -> memref<2x1x125xi32, #tpu.memory_space<hbm>>
      tpu.wait_dma2 semaphore(%run_scoped3A : memref<!tpu.dma_semaphore, #tpu.memory_space<semaphore_mem>>) src(%dma_wait3A_77 : memref<2x1x125xi32, #tpu.memory_space<hbm>>) dst(%dma_wait3A_74 : memref<2x1x125xi32, #tpu.memory_space<vmem>>)
      tpu.yield
    }) : () -> ()
    %barrier3A = arith.constant 0 : index
    tpu.barrier barrier_id(%barrier3A)
    %dma_start3A = arith.constant 0 : i32
    %dma_start3A_23 = arith.constant 0 : i32
    %dma_start3A_24 = arith.constant 0 : i32
    %dma_start3A_25 = tpu.memref_slice %arg8[%dma_start3A, %dma_start3A_23, %dma_start3A_24] : memref<4x1x125xi32, #tpu.memory_space<vmem>> -> memref<1x1x125xi32, #tpu.memory_space<vmem>>
    %dma_start3A_26 = tpu.memref_squeeze %dma_start3A_25 : memref<1x1x125xi32, #tpu.memory_space<vmem>> -> memref<125xi32, #tpu.memory_space<vmem>>
    %dma_start3A_27 = arith.constant 0 : i32
    %dma_start3A_28 = arith.constant 0 : i32
    %dma_start3A_29 = tpu.memref_slice %arg2[%dma_start3A_27, %dma_start3A_28] : memref<10000x128xf32, #tpu.memory_space<hbm>> -> memref<10000x128xf32, #tpu.memory_space<hbm>>
    tpu.enqueue_indirect_dma source(%dma_start3A_29 : memref<10000x128xf32, #tpu.memory_space<hbm>>) target(%arg10 : memref<125x128xf32, #tpu.memory_space<vmem>>) offsets(%dma_start3A_26 : memref<125xi32, #tpu.memory_space<vmem>>) semaphore(%arg13 : memref<!tpu.dma_semaphore, #tpu.memory_space<semaphore_mem>>)
    %scan3A = arith.constant 0 : i32
    %scan3A_30 = arith.constant 0 : i32
    %scan3A_31 = arith.constant 40 : i32
    %scan3A_32 = arith.addi %scan3A_30, %scan3A_31 : i32
    %scan3A_33 = arith.constant 1 : i32
    scf.for %scan3A_50 = %scan3A_30 to %scan3A_32 step %scan3A_33  : i32 {
      %mul3A_51 = arith.constant 2 : i32
      %mul3A_52 = arith.muli %mul3A_51, %scan3A_50 : i32
      %jit3A_53 = arith.constant 4 : i32
      %eq3A_54 = arith.constant 0 : i32
      %eq3A_55 = arith.cmpi eq, %jit3A_53, %eq3A_54 : i32
      %jit3A_56 = arith.constant 1 : i32
      %select_n3A_57 = arith.select %eq3A_55, %jit3A_56, %jit3A_53 : i32
      %rem3A_58 = arith.remsi %mul3A_52, %select_n3A_57 : i32
      %ne3A_59 = arith.constant 0 : i32
      %ne3A_60 = arith.cmpi ne, %rem3A_58, %ne3A_59 : i32
      %lt3A = arith.constant 0 : i32
      %lt3A_61 = arith.cmpi slt, %rem3A_58, %lt3A : i32
      %lt3A_62 = arith.constant 0 : i32
      %lt3A_63 = arith.cmpi slt, %select_n3A_57, %lt3A_62 : i32
      %ne3A_64 = arith.xori %lt3A_61, %lt3A_63 : i1
      %and3A_65 = arith.andi %ne3A_64, %ne3A_60 : i1
      %add3A_66 = arith.addi %rem3A_58, %select_n3A_57 : i32
      %select_n3A_67 = arith.select %and3A_65, %add3A_66, %rem3A_58 : i32
      %add3A_68 = arith.constant 1 : i32
      %add3A_69 = arith.addi %mul3A_52, %add3A_68 : i32
      %jit3A_70 = arith.constant 4 : i32
      %eq3A_71 = arith.constant 0 : i32
      %eq3A_72 = arith.cmpi eq, %jit3A_70, %eq3A_71 : i32
      %jit3A_73 = arith.constant 1 : i32
      %select_n3A_74 = arith.select %eq3A_72, %jit3A_73, %jit3A_70 : i32
      %rem3A_75 = arith.remsi %add3A_69, %select_n3A_74 : i32
      %ne3A_76 = arith.constant 0 : i32
      %ne3A_77 = arith.cmpi ne, %rem3A_75, %ne3A_76 : i32
      %lt3A_78 = arith.constant 0 : i32
      %lt3A_79 = arith.cmpi slt, %rem3A_75, %lt3A_78 : i32
      %lt3A_80 = arith.constant 0 : i32
      %lt3A_81 = arith.cmpi slt, %select_n3A_74, %lt3A_80 : i32
      %ne3A_82 = arith.xori %lt3A_79, %lt3A_81 : i1
      %and3A_83 = arith.andi %ne3A_82, %ne3A_77 : i1
      %add3A_84 = arith.addi %rem3A_75, %select_n3A_74 : i32
      %select_n3A_85 = arith.select %and3A_83, %add3A_84, %rem3A_75 : i32
      %add3A_86 = arith.constant 2 : i32
      %add3A_87 = arith.addi %mul3A_52, %add3A_86 : i32
      %jit3A_88 = arith.constant 4 : i32
      %eq3A_89 = arith.constant 0 : i32
      %eq3A_90 = arith.cmpi eq, %jit3A_88, %eq3A_89 : i32
      %jit3A_91 = arith.constant 1 : i32
      %select_n3A_92 = arith.select %eq3A_90, %jit3A_91, %jit3A_88 : i32
      %rem3A_93 = arith.remsi %add3A_87, %select_n3A_92 : i32
      %ne3A_94 = arith.constant 0 : i32
      %ne3A_95 = arith.cmpi ne, %rem3A_93, %ne3A_94 : i32
      %lt3A_96 = arith.constant 0 : i32
      %lt3A_97 = arith.cmpi slt, %rem3A_93, %lt3A_96 : i32
      %lt3A_98 = arith.constant 0 : i32
      %lt3A_99 = arith.cmpi slt, %select_n3A_92, %lt3A_98 : i32
      %ne3A_100 = arith.xori %lt3A_97, %lt3A_99 : i1
      %and3A_101 = arith.andi %ne3A_100, %ne3A_95 : i1
      %add3A_102 = arith.addi %rem3A_93, %select_n3A_92 : i32
      %select_n3A_103 = arith.select %and3A_101, %add3A_102, %rem3A_93 : i32
      %gt3A = arith.constant 0 : i32
      %gt3A_104 = arith.cmpi sgt, %scan3A_50, %gt3A : i32
      %convert_element_type3A_105 = arith.extui %gt3A_104 : i1 to i32
      %cond3A_106 = arith.constant 0 : i32
      %cond3A_107 = arith.cmpi ne, %convert_element_type3A_105, %cond3A_106 : i32
      scf.if %cond3A_107 {
        %dma_wait3A_165 = arith.constant 0 : i32
        %dma_wait3A_166 = arith.constant 0 : i32
        %dma_wait3A_167 = tpu.memref_slice %arg9[%select_n3A_85, %dma_wait3A_165, %dma_wait3A_166] : memref<4x1x125xi32, #tpu.memory_space<vmem>> -> memref<1x1x125xi32, #tpu.memory_space<vmem>>
        %dma_wait3A_168 = tpu.memref_squeeze %dma_wait3A_167 : memref<1x1x125xi32, #tpu.memory_space<vmem>> -> memref<125xi32, #tpu.memory_space<vmem>>
        %dma_wait3A_169 = arith.constant 0 : i32
        %dma_wait3A_170 = arith.constant 0 : i32
        %dma_wait3A_171 = tpu.memref_slice %arg12[%dma_wait3A_169, %dma_wait3A_170] : memref<10000x128xf32, #tpu.memory_space<vmem_shared>> -> memref<10000x128xf32, #tpu.memory_space<vmem_shared>>
        tpu.wait_indirect_dma semaphore(%arg17 : memref<!tpu.dma_semaphore, #tpu.memory_space<semaphore_mem>>) src(%arg11 : memref<125x128xf32, #tpu.memory_space<vmem>>) dst(%dma_wait3A_171 : memref<10000x128xf32, #tpu.memory_space<vmem_shared>>)
      } else {
      }
      %dma_wait3A_108 = arith.constant 0 : i32
      %dma_wait3A_109 = arith.constant 0 : i32
      %dma_wait3A_110 = tpu.memref_slice %arg8[%select_n3A_67, %dma_wait3A_108, %dma_wait3A_109] : memref<4x1x125xi32, #tpu.memory_space<vmem>> -> memref<1x1x125xi32, #tpu.memory_space<vmem>>
      %dma_wait3A_111 = tpu.memref_squeeze %dma_wait3A_110 : memref<1x1x125xi32, #tpu.memory_space<vmem>> -> memref<125xi32, #tpu.memory_space<vmem>>
      %dma_wait3A_112 = arith.constant 0 : i32
      %dma_wait3A_113 = arith.constant 0 : i32
      %dma_wait3A_114 = tpu.memref_slice %arg2[%dma_wait3A_112, %dma_wait3A_113] : memref<10000x128xf32, #tpu.memory_space<hbm>> -> memref<10000x128xf32, #tpu.memory_space<hbm>>
      tpu.wait_indirect_dma semaphore(%arg13 : memref<!tpu.dma_semaphore, #tpu.memory_space<semaphore_mem>>) src(%dma_wait3A_114 : memref<10000x128xf32, #tpu.memory_space<hbm>>) dst(%arg10 : memref<125x128xf32, #tpu.memory_space<vmem>>)
      %dma_start3A_115 = arith.constant 0 : i32
      %dma_start3A_116 = arith.constant 0 : i32
      %dma_start3A_117 = tpu.memref_slice %arg8[%select_n3A_85, %dma_start3A_115, %dma_start3A_116] : memref<4x1x125xi32, #tpu.memory_space<vmem>> -> memref<1x1x125xi32, #tpu.memory_space<vmem>>
      %dma_start3A_118 = tpu.memref_squeeze %dma_start3A_117 : memref<1x1x125xi32, #tpu.memory_space<vmem>> -> memref<125xi32, #tpu.memory_space<vmem>>
      %dma_start3A_119 = arith.constant 0 : i32
      %dma_start3A_120 = arith.constant 0 : i32
      %dma_start3A_121 = tpu.memref_slice %arg2[%dma_start3A_119, %dma_start3A_120] : memref<10000x128xf32, #tpu.memory_space<hbm>> -> memref<10000x128xf32, #tpu.memory_space<hbm>>
      tpu.enqueue_indirect_dma source(%dma_start3A_121 : memref<10000x128xf32, #tpu.memory_space<hbm>>) target(%arg11 : memref<125x128xf32, #tpu.memory_space<vmem>>) offsets(%dma_start3A_118 : memref<125xi32, #tpu.memory_space<vmem>>) semaphore(%arg14 : memref<!tpu.dma_semaphore, #tpu.memory_space<semaphore_mem>>)
      %lt3A_122 = arith.constant 39 : i32
      %lt3A_123 = arith.cmpi slt, %scan3A_50, %lt3A_122 : i32
      %convert_element_type3A_124 = arith.extui %lt3A_123 : i1 to i32
      %cond3A_125 = arith.constant 0 : i32
      %cond3A_126 = arith.cmpi ne, %convert_element_type3A_124, %cond3A_125 : i32
      scf.if %cond3A_126 {
        %add3A_165 = arith.addi %mul3A_22, %mul3A_52 : i32
        %add3A_166 = arith.constant 2 : i32
        %add3A_167 = arith.addi %add3A_165, %add3A_166 : i32
        %dma_start3A_168 = arith.constant 0 : i32
        %dma_start3A_169 = arith.constant 0 : i32
        %dma_start3A_170 = tpu.memref_slice %arg8[%select_n3A_103, %dma_start3A_168, %dma_start3A_169] : memref<4x1x125xi32, #tpu.memory_space<vmem>> -> memref<2x1x125xi32, #tpu.memory_space<vmem>>
        %dma_start3A_171 = arith.constant 0 : i32
        %dma_start3A_172 = arith.constant 0 : i32
        %dma_start3A_173 = tpu.memref_slice %arg3[%add3A_167, %dma_start3A_171, %dma_start3A_172] : memref<2560x1x125xi32, #tpu.memory_space<hbm>> -> memref<2x1x125xi32, #tpu.memory_space<hbm>>
        %dma_start3A_174 = arith.constant 0 : i32
        %dma_start3A_175 = arith.constant 0 : i32
        %dma_start3A_176 = tpu.memref_slice %arg8[%select_n3A_103, %dma_start3A_174, %dma_start3A_175] : memref<4x1x125xi32, #tpu.memory_space<vmem>> -> memref<2x1x125xi32, #tpu.memory_space<vmem>>
        %dma_start3A_177 = arith.constant 0 : i32
        %dma_start3A_178 = arith.constant 0 : i32
        %dma_start3A_179 = tpu.memref_slice %arg3[%add3A_167, %dma_start3A_177, %dma_start3A_178] : memref<2560x1x125xi32, #tpu.memory_space<hbm>> -> memref<2x1x125xi32, #tpu.memory_space<hbm>>
        tpu.enqueue_dma source(%dma_start3A_179 : memref<2x1x125xi32, #tpu.memory_space<hbm>>) target(%dma_start3A_176 : memref<2x1x125xi32, #tpu.memory_space<vmem>>) target_semaphore(%arg15 : memref<!tpu.dma_semaphore, #tpu.memory_space<semaphore_mem>>)
        %add3A_180 = arith.addi %mul3A_22, %mul3A_52 : i32
        %add3A_181 = arith.constant 2 : i32
        %add3A_182 = arith.addi %add3A_180, %add3A_181 : i32
        %dma_start3A_183 = arith.constant 0 : i32
        %dma_start3A_184 = arith.constant 0 : i32
        %dma_start3A_185 = tpu.memref_slice %arg9[%select_n3A_103, %dma_start3A_183, %dma_start3A_184] : memref<4x1x125xi32, #tpu.memory_space<vmem>> -> memref<2x1x125xi32, #tpu.memory_space<vmem>>
        %dma_start3A_186 = arith.constant 0 : i32
        %dma_start3A_187 = arith.constant 0 : i32
        %dma_start3A_188 = tpu.memref_slice %arg4[%add3A_182, %dma_start3A_186, %dma_start3A_187] : memref<2560x1x125xi32, #tpu.memory_space<hbm>> -> memref<2x1x125xi32, #tpu.memory_space<hbm>>
        %dma_start3A_189 = arith.constant 0 : i32
        %dma_start3A_190 = arith.constant 0 : i32
        %dma_start3A_191 = tpu.memref_slice %arg9[%select_n3A_103, %dma_start3A_189, %dma_start3A_190] : memref<4x1x125xi32, #tpu.memory_space<vmem>> -> memref<2x1x125xi32, #tpu.memory_space<vmem>>
        %dma_start3A_192 = arith.constant 0 : i32
        %dma_start3A_193 = arith.constant 0 : i32
        %dma_start3A_194 = tpu.memref_slice %arg4[%add3A_182, %dma_start3A_192, %dma_start3A_193] : memref<2560x1x125xi32, #tpu.memory_space<hbm>> -> memref<2x1x125xi32, #tpu.memory_space<hbm>>
        tpu.enqueue_dma source(%dma_start3A_194 : memref<2x1x125xi32, #tpu.memory_space<hbm>>) target(%dma_start3A_191 : memref<2x1x125xi32, #tpu.memory_space<vmem>>) target_semaphore(%arg15 : memref<!tpu.dma_semaphore, #tpu.memory_space<semaphore_mem>>)
      } else {
      }
      %dma_start3A_127 = arith.constant 0 : i32
      %dma_start3A_128 = arith.constant 0 : i32
      %dma_start3A_129 = tpu.memref_slice %arg9[%select_n3A_67, %dma_start3A_127, %dma_start3A_128] : memref<4x1x125xi32, #tpu.memory_space<vmem>> -> memref<1x1x125xi32, #tpu.memory_space<vmem>>
      %dma_start3A_130 = tpu.memref_squeeze %dma_start3A_129 : memref<1x1x125xi32, #tpu.memory_space<vmem>> -> memref<125xi32, #tpu.memory_space<vmem>>
      %dma_start3A_131 = arith.constant 0 : i32
      %dma_start3A_132 = arith.constant 0 : i32
      %dma_start3A_133 = tpu.memref_slice %arg12[%dma_start3A_131, %dma_start3A_132] : memref<10000x128xf32, #tpu.memory_space<vmem_shared>> -> memref<10000x128xf32, #tpu.memory_space<vmem_shared>>
      tpu.enqueue_indirect_dma source(%arg10 : memref<125x128xf32, #tpu.memory_space<vmem>>) target(%dma_start3A_133 : memref<10000x128xf32, #tpu.memory_space<vmem_shared>>) offsets(%dma_start3A_130 : memref<125xi32, #tpu.memory_space<vmem>>) semaphore(%arg16 : memref<!tpu.dma_semaphore, #tpu.memory_space<semaphore_mem>>) {add = true}
      %dma_wait3A_134 = arith.constant 0 : i32
      %dma_wait3A_135 = arith.constant 0 : i32
      %dma_wait3A_136 = tpu.memref_slice %arg8[%select_n3A_85, %dma_wait3A_134, %dma_wait3A_135] : memref<4x1x125xi32, #tpu.memory_space<vmem>> -> memref<1x1x125xi32, #tpu.memory_space<vmem>>
      %dma_wait3A_137 = tpu.memref_squeeze %dma_wait3A_136 : memref<1x1x125xi32, #tpu.memory_space<vmem>> -> memref<125xi32, #tpu.memory_space<vmem>>
      %dma_wait3A_138 = arith.constant 0 : i32
      %dma_wait3A_139 = arith.constant 0 : i32
      %dma_wait3A_140 = tpu.memref_slice %arg2[%dma_wait3A_138, %dma_wait3A_139] : memref<10000x128xf32, #tpu.memory_space<hbm>> -> memref<10000x128xf32, #tpu.memory_space<hbm>>
      tpu.wait_indirect_dma semaphore(%arg14 : memref<!tpu.dma_semaphore, #tpu.memory_space<semaphore_mem>>) src(%dma_wait3A_140 : memref<10000x128xf32, #tpu.memory_space<hbm>>) dst(%arg11 : memref<125x128xf32, #tpu.memory_space<vmem>>)
      %lt3A_141 = arith.constant 39 : i32
      %lt3A_142 = arith.cmpi slt, %scan3A_50, %lt3A_141 : i32
      %convert_element_type3A_143 = arith.extui %lt3A_142 : i1 to i32
      %cond3A_144 = arith.constant 0 : i32
      %cond3A_145 = arith.cmpi ne, %convert_element_type3A_143, %cond3A_144 : i32
      scf.if %cond3A_145 {
        %add3A_165 = arith.addi %mul3A_22, %mul3A_52 : i32
        %add3A_166 = arith.constant 2 : i32
        %add3A_167 = arith.addi %add3A_165, %add3A_166 : i32
        %dma_wait3A_168 = arith.constant 0 : i32
        %dma_wait3A_169 = arith.constant 0 : i32
        %dma_wait3A_170 = tpu.memref_slice %arg8[%select_n3A_103, %dma_wait3A_168, %dma_wait3A_169] : memref<4x1x125xi32, #tpu.memory_space<vmem>> -> memref<2x1x125xi32, #tpu.memory_space<vmem>>
        %dma_wait3A_171 = arith.constant 0 : i32
        %dma_wait3A_172 = arith.constant 0 : i32
        %dma_wait3A_173 = tpu.memref_slice %arg3[%add3A_167, %dma_wait3A_171, %dma_wait3A_172] : memref<2560x1x125xi32, #tpu.memory_space<hbm>> -> memref<2x1x125xi32, #tpu.memory_space<hbm>>
        %dma_wait3A_174 = arith.constant 0 : i32
        %dma_wait3A_175 = arith.constant 0 : i32
        %dma_wait3A_176 = tpu.memref_slice %arg8[%select_n3A_103, %dma_wait3A_174, %dma_wait3A_175] : memref<4x1x125xi32, #tpu.memory_space<vmem>> -> memref<2x1x125xi32, #tpu.memory_space<vmem>>
        %dma_wait3A_177 = arith.constant 0 : i32
        %dma_wait3A_178 = arith.constant 0 : i32
        %dma_wait3A_179 = tpu.memref_slice %arg3[%add3A_167, %dma_wait3A_177, %dma_wait3A_178] : memref<2560x1x125xi32, #tpu.memory_space<hbm>> -> memref<2x1x125xi32, #tpu.memory_space<hbm>>
        tpu.wait_dma2 semaphore(%arg15 : memref<!tpu.dma_semaphore, #tpu.memory_space<semaphore_mem>>) src(%dma_wait3A_179 : memref<2x1x125xi32, #tpu.memory_space<hbm>>) dst(%dma_wait3A_176 : memref<2x1x125xi32, #tpu.memory_space<vmem>>)
        %add3A_180 = arith.addi %mul3A_22, %mul3A_52 : i32
        %add3A_181 = arith.constant 2 : i32
        %add3A_182 = arith.addi %add3A_180, %add3A_181 : i32
        %dma_wait3A_183 = arith.constant 0 : i32
        %dma_wait3A_184 = arith.constant 0 : i32
        %dma_wait3A_185 = tpu.memref_slice %arg9[%select_n3A_103, %dma_wait3A_183, %dma_wait3A_184] : memref<4x1x125xi32, #tpu.memory_space<vmem>> -> memref<2x1x125xi32, #tpu.memory_space<vmem>>
        %dma_wait3A_186 = arith.constant 0 : i32
        %dma_wait3A_187 = arith.constant 0 : i32
        %dma_wait3A_188 = tpu.memref_slice %arg4[%add3A_182, %dma_wait3A_186, %dma_wait3A_187] : memref<2560x1x125xi32, #tpu.memory_space<hbm>> -> memref<2x1x125xi32, #tpu.memory_space<hbm>>
        %dma_wait3A_189 = arith.constant 0 : i32
        %dma_wait3A_190 = arith.constant 0 : i32
        %dma_wait3A_191 = tpu.memref_slice %arg9[%select_n3A_103, %dma_wait3A_189, %dma_wait3A_190] : memref<4x1x125xi32, #tpu.memory_space<vmem>> -> memref<2x1x125xi32, #tpu.memory_space<vmem>>
        %dma_wait3A_192 = arith.constant 0 : i32
        %dma_wait3A_193 = arith.constant 0 : i32
        %dma_wait3A_194 = tpu.memref_slice %arg4[%add3A_182, %dma_wait3A_192, %dma_wait3A_193] : memref<2560x1x125xi32, #tpu.memory_space<hbm>> -> memref<2x1x125xi32, #tpu.memory_space<hbm>>
        tpu.wait_dma2 semaphore(%arg15 : memref<!tpu.dma_semaphore, #tpu.memory_space<semaphore_mem>>) src(%dma_wait3A_194 : memref<2x1x125xi32, #tpu.memory_space<hbm>>) dst(%dma_wait3A_191 : memref<2x1x125xi32, #tpu.memory_space<vmem>>)
      } else {
      }
      %dma_wait3A_146 = arith.constant 0 : i32
      %dma_wait3A_147 = arith.constant 0 : i32
      %dma_wait3A_148 = tpu.memref_slice %arg9[%select_n3A_67, %dma_wait3A_146, %dma_wait3A_147] : memref<4x1x125xi32, #tpu.memory_space<vmem>> -> memref<1x1x125xi32, #tpu.memory_space<vmem>>
      %dma_wait3A_149 = tpu.memref_squeeze %dma_wait3A_148 : memref<1x1x125xi32, #tpu.memory_space<vmem>> -> memref<125xi32, #tpu.memory_space<vmem>>
      %dma_wait3A_150 = arith.constant 0 : i32
      %dma_wait3A_151 = arith.constant 0 : i32
      %dma_wait3A_152 = tpu.memref_slice %arg12[%dma_wait3A_150, %dma_wait3A_151] : memref<10000x128xf32, #tpu.memory_space<vmem_shared>> -> memref<10000x128xf32, #tpu.memory_space<vmem_shared>>
      tpu.wait_indirect_dma semaphore(%arg16 : memref<!tpu.dma_semaphore, #tpu.memory_space<semaphore_mem>>) src(%arg10 : memref<125x128xf32, #tpu.memory_space<vmem>>) dst(%dma_wait3A_152 : memref<10000x128xf32, #tpu.memory_space<vmem_shared>>)
      %lt3A_153 = arith.constant 39 : i32
      %lt3A_154 = arith.cmpi slt, %scan3A_50, %lt3A_153 : i32
      %convert_element_type3A_155 = arith.extui %lt3A_154 : i1 to i32
      %cond3A_156 = arith.constant 0 : i32
      %cond3A_157 = arith.cmpi ne, %convert_element_type3A_155, %cond3A_156 : i32
      scf.if %cond3A_157 {
        %dma_start3A_165 = arith.constant 0 : i32
        %dma_start3A_166 = arith.constant 0 : i32
        %dma_start3A_167 = tpu.memref_slice %arg8[%select_n3A_103, %dma_start3A_165, %dma_start3A_166] : memref<4x1x125xi32, #tpu.memory_space<vmem>> -> memref<1x1x125xi32, #tpu.memory_space<vmem>>
        %dma_start3A_168 = tpu.memref_squeeze %dma_start3A_167 : memref<1x1x125xi32, #tpu.memory_space<vmem>> -> memref<125xi32, #tpu.memory_space<vmem>>
        %dma_start3A_169 = arith.constant 0 : i32
        %dma_start3A_170 = arith.constant 0 : i32
        %dma_start3A_171 = tpu.memref_slice %arg2[%dma_start3A_169, %dma_start3A_170] : memref<10000x128xf32, #tpu.memory_space<hbm>> -> memref<10000x128xf32, #tpu.memory_space<hbm>>
        tpu.enqueue_indirect_dma source(%dma_start3A_171 : memref<10000x128xf32, #tpu.memory_space<hbm>>) target(%arg10 : memref<125x128xf32, #tpu.memory_space<vmem>>) offsets(%dma_start3A_168 : memref<125xi32, #tpu.memory_space<vmem>>) semaphore(%arg13 : memref<!tpu.dma_semaphore, #tpu.memory_space<semaphore_mem>>)
      } else {
      }
      %dma_start3A_158 = arith.constant 0 : i32
      %dma_start3A_159 = arith.constant 0 : i32
      %dma_start3A_160 = tpu.memref_slice %arg9[%select_n3A_85, %dma_start3A_158, %dma_start3A_159] : memref<4x1x125xi32, #tpu.memory_space<vmem>> -> memref<1x1x125xi32, #tpu.memory_space<vmem>>
      %dma_start3A_161 = tpu.memref_squeeze %dma_start3A_160 : memref<1x1x125xi32, #tpu.memory_space<vmem>> -> memref<125xi32, #tpu.memory_space<vmem>>
      %dma_start3A_162 = arith.constant 0 : i32
      %dma_start3A_163 = arith.constant 0 : i32
      %dma_start3A_164 = tpu.memref_slice %arg12[%dma_start3A_162, %dma_start3A_163] : memref<10000x128xf32, #tpu.memory_space<vmem_shared>> -> memref<10000x128xf32, #tpu.memory_space<vmem_shared>>
      tpu.enqueue_indirect_dma source(%arg11 : memref<125x128xf32, #tpu.memory_space<vmem>>) target(%dma_start3A_164 : memref<10000x128xf32, #tpu.memory_space<vmem_shared>>) offsets(%dma_start3A_161 : memref<125xi32, #tpu.memory_space<vmem>>) semaphore(%arg17 : memref<!tpu.dma_semaphore, #tpu.memory_space<semaphore_mem>>) {add = true}
    }
    %scan3A_34 = arith.constant 40 : i32
    %dma_wait3A = arith.constant 1 : i32
    %dma_wait3A_35 = arith.constant 0 : i32
    %dma_wait3A_36 = arith.constant 0 : i32
    %dma_wait3A_37 = tpu.memref_slice %arg9[%dma_wait3A, %dma_wait3A_35, %dma_wait3A_36] : memref<4x1x125xi32, #tpu.memory_space<vmem>> -> memref<1x1x125xi32, #tpu.memory_space<vmem>>
    %dma_wait3A_38 = tpu.memref_squeeze %dma_wait3A_37 : memref<1x1x125xi32, #tpu.memory_space<vmem>> -> memref<125xi32, #tpu.memory_space<vmem>>
    %dma_wait3A_39 = arith.constant 0 : i32
    %dma_wait3A_40 = arith.constant 0 : i32
    %dma_wait3A_41 = tpu.memref_slice %arg12[%dma_wait3A_39, %dma_wait3A_40] : memref<10000x128xf32, #tpu.memory_space<vmem_shared>> -> memref<10000x128xf32, #tpu.memory_space<vmem_shared>>
    tpu.wait_indirect_dma semaphore(%arg17 : memref<!tpu.dma_semaphore, #tpu.memory_space<semaphore_mem>>) src(%arg11 : memref<125x128xf32, #tpu.memory_space<vmem>>) dst(%dma_wait3A_41 : memref<10000x128xf32, #tpu.memory_space<vmem_shared>>)
    %barrier3A_42 = arith.constant 0 : index
    tpu.barrier barrier_id(%barrier3A_42)
    %eq3A = arith.constant 0 : i32
    %eq3A_43 = arith.cmpi eq, %arg0, %eq3A : i32
    %convert_element_type3A = arith.extui %eq3A_43 : i1 to i32
    %cond3A = arith.constant 0 : i32
    %cond3A_44 = arith.cmpi ne, %convert_element_type3A, %cond3A : i32
    scf.if %cond3A_44 {
      "tpu.region"() ({
        %run_scoped3A = tpu.sem_alloc : memref<!tpu.dma_semaphore, #tpu.memory_space<semaphore_mem>>
        %dma_start3A_50 = arith.constant 0 : i32
        %dma_start3A_51 = tpu.memref_slice %arg6[%multiple_of3A, %dma_start3A_50] : memref<10000x128xf32, #tpu.memory_space<hbm>> -> memref<632x128xf32, #tpu.memory_space<hbm>>
        %dma_start3A_52 = arith.constant 0 : i32
        %dma_start3A_53 = tpu.memref_slice %arg12[%multiple_of3A, %dma_start3A_52] : memref<10000x128xf32, #tpu.memory_space<vmem_shared>> -> memref<632x128xf32, #tpu.memory_space<vmem_shared>>
        tpu.enqueue_dma source(%dma_start3A_53 : memref<632x128xf32, #tpu.memory_space<vmem_shared>>) target(%dma_start3A_51 : memref<632x128xf32, #tpu.memory_space<hbm>>) target_semaphore(%run_scoped3A : memref<!tpu.dma_semaphore, #tpu.memory_space<semaphore_mem>>)
        %dma_wait3A_54 = arith.constant 0 : i32
        %dma_wait3A_55 = tpu.memref_slice %arg6[%multiple_of3A, %dma_wait3A_54] : memref<10000x128xf32, #tpu.memory_space<hbm>> -> memref<632x128xf32, #tpu.memory_space<hbm>>
        %dma_wait3A_56 = arith.constant 0 : i32
        %dma_wait3A_57 = tpu.memref_slice %arg12[%multiple_of3A, %dma_wait3A_56] : memref<10000x128xf32, #tpu.memory_space<vmem_shared>> -> memref<632x128xf32, #tpu.memory_space<vmem_shared>>
        tpu.wait_dma2 semaphore(%run_scoped3A : memref<!tpu.dma_semaphore, #tpu.memory_space<semaphore_mem>>) src(%dma_wait3A_57 : memref<632x128xf32, #tpu.memory_space<vmem_shared>>) dst(%dma_wait3A_55 : memref<632x128xf32, #tpu.memory_space<hbm>>)
        tpu.yield
      }) : () -> ()
    } else {
    }
    %eq3A_45 = arith.constant 1 : i32
    %eq3A_46 = arith.cmpi eq, %arg0, %eq3A_45 : i32
    %convert_element_type3A_47 = arith.extui %eq3A_46 : i1 to i32
    %cond3A_48 = arith.constant 0 : i32
    %cond3A_49 = arith.cmpi ne, %convert_element_type3A_47, %cond3A_48 : i32
    scf.if %cond3A_49 {
      "tpu.region"() ({
        %run_scoped3A = tpu.sem_alloc : memref<!tpu.dma_semaphore, #tpu.memory_space<semaphore_mem>>
        %dma_start3A_50 = arith.constant 0 : i32
        %dma_start3A_51 = tpu.memref_slice %arg7[%multiple_of3A, %dma_start3A_50] : memref<10000x128xf32, #tpu.memory_space<hbm>> -> memref<632x128xf32, #tpu.memory_space<hbm>>
        %dma_start3A_52 = arith.constant 0 : i32
        %dma_start3A_53 = tpu.memref_slice %arg12[%multiple_of3A, %dma_start3A_52] : memref<10000x128xf32, #tpu.memory_space<vmem_shared>> -> memref<632x128xf32, #tpu.memory_space<vmem_shared>>
        tpu.enqueue_dma source(%dma_start3A_53 : memref<632x128xf32, #tpu.memory_space<vmem_shared>>) target(%dma_start3A_51 : memref<632x128xf32, #tpu.memory_space<hbm>>) target_semaphore(%run_scoped3A : memref<!tpu.dma_semaphore, #tpu.memory_space<semaphore_mem>>)
        %dma_wait3A_54 = arith.constant 0 : i32
        %dma_wait3A_55 = tpu.memref_slice %arg7[%multiple_of3A, %dma_wait3A_54] : memref<10000x128xf32, #tpu.memory_space<hbm>> -> memref<632x128xf32, #tpu.memory_space<hbm>>
        %dma_wait3A_56 = arith.constant 0 : i32
        %dma_wait3A_57 = tpu.memref_slice %arg12[%multiple_of3A, %dma_wait3A_56] : memref<10000x128xf32, #tpu.memory_space<vmem_shared>> -> memref<632x128xf32, #tpu.memory_space<vmem_shared>>
        tpu.wait_dma2 semaphore(%run_scoped3A : memref<!tpu.dma_semaphore, #tpu.memory_space<semaphore_mem>>) src(%dma_wait3A_57 : memref<632x128xf32, #tpu.memory_space<vmem_shared>>) dst(%dma_wait3A_55 : memref<632x128xf32, #tpu.memory_space<hbm>>)
        tpu.yield
      }) : () -> ()
    } else {
    }
    return
  }
}

module attributes {stable_mosaic.version = 14 : i64} {
  func.func @body(%arg0: i32, %arg1: memref<2000x128xf32, #tpu.memory_space<vmem>>, %arg2: memref<1x1x2000xf32, #tpu.memory_space<vmem>>, %arg3: memref<1x1x2000xf32, #tpu.memory_space<vmem>>, %arg4: memref<128x128xf32, #tpu.memory_space<vmem>>, %arg5: memref<1x1x2000xi32, #tpu.memory_space<vmem>>, %arg6: memref<2000x128xf32, #tpu.memory_space<vmem>>, %arg7: memref<2000x1xf32, #tpu.memory_space<vmem>>, %arg8: memref<64x1xf32, #tpu.memory_space<vmem>>) attributes {dimension_semantics = [#tpu.dimension_semantics<arbitrary>], iteration_bounds = array<i64: 5>, scalar_prefetch = 0 : i64, scratch_operands = 0 : i64, tpu.core_type = #tpu.core_type<tc>, window_params = [{transform_indices = @transform_0, window_bounds = array<i64: 2000, 128>}, {transform_indices = @transform_1, window_bounds = array<i64: 1, 1, 2000>}, {transform_indices = @transform_2, window_bounds = array<i64: 1, 1, 2000>}, {pipeline_mode = #tpu.pipeline_mode<synchronous>, transform_indices = @transform_3, window_bounds = array<i64: 128, 128>}, {transform_indices = @transform_4, window_bounds = array<i64: 1, 1, 2000>}, {transform_indices = @transform_5, window_bounds = array<i64: 2000, 128>}, {transform_indices = @transform_6, window_bounds = array<i64: 2000, 1>}, {pipeline_mode = #tpu.pipeline_mode<synchronous>, transform_indices = @transform_7, window_bounds = array<i64: 64, 1>}]} {
    %get3A = arith.constant 0 : index
    %get3A_0 = arith.constant 0 : index
    %get3A_1 = arith.constant 0 : index
    %get3A_2 = vector.load %arg2[%get3A, %get3A_0, %get3A_1] : memref<1x1x2000xf32, #tpu.memory_space<vmem>>, vector<1x1x2000xf32>
    %get3A_3 = vector.shape_cast %get3A_2 : vector<1x1x2000xf32> to vector<2000xf32>
    %add3A = arith.constant 1.000000e+00 : f32
    %add3A_4 = vector.broadcast %add3A : f32 to vector<2000xf32>
    %add3A_5 = arith.addf %add3A_4, %get3A_3 : vector<2000xf32>
    %get3A_6 = arith.constant 0 : index
    %get3A_7 = arith.constant 0 : index
    %get3A_8 = arith.constant 0 : index
    %get3A_9 = vector.load %arg3[%get3A_6, %get3A_7, %get3A_8] : memref<1x1x2000xf32, #tpu.memory_space<vmem>>, vector<1x1x2000xf32>
    %get3A_10 = vector.shape_cast %get3A_9 : vector<1x1x2000xf32> to vector<2000xf32>
    %add3A_11 = arith.addf %add3A_5, %get3A_10 : vector<2000xf32>
    %rsqrt3A = math.rsqrt %add3A_11 : vector<2000xf32>
    %broadcast_in_dim3A = vector.shape_cast %rsqrt3A : vector<2000xf32> to vector<2000x1xf32>
    %swap3A = arith.constant 0 : index
    %swap3A_12 = arith.constant 0 : index
    %swap3A_13 = vector.load %arg7[%swap3A, %swap3A_12] : memref<2000x1xf32, #tpu.memory_space<vmem>>, vector<2000x1xf32>
    tpu.vector_store %arg7[%swap3A, %swap3A_12], %broadcast_in_dim3A {strides = array<i32>} : memref<2000x1xf32, #tpu.memory_space<vmem>>, vector<2000x1xf32>,
    %get3A_14 = arith.constant 0 : index
    %get3A_15 = arith.constant 0 : index
    %get3A_16 = vector.load %arg1[%get3A_14, %get3A_15] : memref<2000x128xf32, #tpu.memory_space<vmem>>, vector<2000x128xf32>
    %get3A_17 = arith.constant 0 : index
    %get3A_18 = arith.constant 0 : index
    %get3A_19 = vector.load %arg4[%get3A_17, %get3A_18] : memref<128x128xf32, #tpu.memory_space<vmem>>, vector<128x128xf32>
    %dot_general3A = arith.constant dense<0.000000e+00> : vector<2000x128xf32>
    %dot_general3A_20 = tpu.matmul %get3A_16, %get3A_19, %dot_general3A {dimension_numbers = #tpu.dot_dimension_numbers<[1], [0], [0], [1], [0, 0, 1, 1], [], []>, transpose_lhs_hint = false} : vector<2000x128xf32>, vector<128x128xf32>, vector<2000x128xf32> -> vector<2000x128xf32>
    %mul3A = vector.broadcast %broadcast_in_dim3A : vector<2000x1xf32> to vector<2000x128xf32>
    %mul3A_21 = arith.mulf %mul3A, %dot_general3A_20 : vector<2000x128xf32>
    %swap3A_22 = arith.constant 0 : index
    %swap3A_23 = arith.constant 0 : index
    %swap3A_24 = vector.load %arg6[%swap3A_22, %swap3A_23] : memref<2000x128xf32, #tpu.memory_space<vmem>>, vector<2000x128xf32>
    tpu.vector_store %arg6[%swap3A_22, %swap3A_23], %mul3A_21 {strides = array<i32>} : memref<2000x128xf32, #tpu.memory_space<vmem>>, vector<2000x128xf32>,
    %get3A_25 = arith.constant 0 : index
    %get3A_26 = arith.constant 0 : index
    %get3A_27 = arith.constant 0 : index
    %get3A_28 = vector.load %arg5[%get3A_25, %get3A_26, %get3A_27] : memref<1x1x2000xi32, #tpu.memory_space<vmem>>, vector<1x1x2000xi32>
    %get3A_29 = vector.shape_cast %get3A_28 : vector<1x1x2000xi32> to vector<2000xi32>
    %iota3A = tpu.iota {dimensions = array<i32: 0>} : vector<64x2000xi32>
    %broadcast_in_dim3A_30 = vector.shape_cast %get3A_29 : vector<2000xi32> to vector<1x2000xi32>
    %eq3A = vector.broadcast %broadcast_in_dim3A_30 : vector<1x2000xi32> to vector<64x2000xi32>
    %eq3A_31 = arith.cmpi eq, %iota3A, %eq3A : vector<64x2000xi32>
    %convert_element_type3A = arith.extui %eq3A_31 : vector<64x2000xi1> to vector<64x2000xi32>
    %convert_element_type3A_32 = arith.sitofp %convert_element_type3A : vector<64x2000xi32> to vector<64x2000xf32>
    %eq3A_33 = arith.constant 0 : i32
    %eq3A_34 = arith.cmpi eq, %arg0, %eq3A_33 : i32
    %convert_element_type3A_35 = arith.extui %eq3A_34 : i1 to i32
    %cond3A = arith.constant 0 : i32
    %cond3A_36 = arith.cmpi ne, %convert_element_type3A_35, %cond3A : i32
    scf.if %cond3A_36 {
      %broadcast_in_dim3A_46 = arith.constant 0.000000e+00 : f32
      %broadcast_in_dim3A_47 = vector.broadcast %broadcast_in_dim3A_46 : f32 to vector<64x1xf32>
      %swap3A_48 = arith.constant 0 : index
      %swap3A_49 = arith.constant 0 : index
      %swap3A_50 = vector.load %arg8[%swap3A_48, %swap3A_49] : memref<64x1xf32, #tpu.memory_space<vmem>>, vector<64x1xf32>
      tpu.vector_store %arg8[%swap3A_48, %swap3A_49], %broadcast_in_dim3A_47 {strides = array<i32>} : memref<64x1xf32, #tpu.memory_space<vmem>>, vector<64x1xf32>,
    } else {
    }
    %get3A_37 = arith.constant 0 : index
    %get3A_38 = arith.constant 0 : index
    %get3A_39 = vector.load %arg8[%get3A_37, %get3A_38] : memref<64x1xf32, #tpu.memory_space<vmem>>, vector<64x1xf32>
    %reduce_sum3A = arith.constant dense<0.000000e+00> : vector<64xf32>
    %reduce_sum3A_40 = vector.multi_reduction <add>, %convert_element_type3A_32, %reduce_sum3A [1] : vector<64x2000xf32> to vector<64xf32>
    %broadcast_in_dim3A_41 = vector.shape_cast %reduce_sum3A_40 : vector<64xf32> to vector<64x1xf32>
    %add3A_42 = arith.addf %get3A_39, %broadcast_in_dim3A_41 : vector<64x1xf32>
    %swap3A_43 = arith.constant 0 : index
    %swap3A_44 = arith.constant 0 : index
    %swap3A_45 = vector.load %arg8[%swap3A_43, %swap3A_44] : memref<64x1xf32, #tpu.memory_space<vmem>>, vector<64x1xf32>
    tpu.vector_store %arg8[%swap3A_43, %swap3A_44], %add3A_42 {strides = array<i32>} : memref<64x1xf32, #tpu.memory_space<vmem>>, vector<64x1xf32>,
    return
  }
  func.func @transform_0(%arg0: i32) -> (i32, i32) {
    %c0_i32 = arith.constant 0 : i32
    %c0_i32_0 = arith.constant 0 : i32
    return %arg0, %c0_i32 : i32, i32
  }
  func.func @transform_1(%arg0: i32) -> (i32, i32, i32) {
    %c0_i32 = arith.constant 0 : i32
    %c0_i32_0 = arith.constant 0 : i32
    %c0_i32_1 = arith.constant 0 : i32
    return %arg0, %c0_i32, %c0_i32_0 : i32, i32, i32
  }
  func.func @transform_2(%arg0: i32) -> (i32, i32, i32) {
    %c0_i32 = arith.constant 0 : i32
    %c0_i32_0 = arith.constant 0 : i32
    %c0_i32_1 = arith.constant 0 : i32
    return %arg0, %c0_i32, %c0_i32_0 : i32, i32, i32
  }
  func.func @transform_3(%arg0: i32) -> (i32, i32) {
    %c0_i32 = arith.constant 0 : i32
    %c0_i32_0 = arith.constant 0 : i32
    %c0_i32_1 = arith.constant 0 : i32
    return %c0_i32, %c0_i32_0 : i32, i32
  }
  func.func @transform_4(%arg0: i32) -> (i32, i32, i32) {
    %c0_i32 = arith.constant 0 : i32
    %c0_i32_0 = arith.constant 0 : i32
    %c0_i32_1 = arith.constant 0 : i32
    return %arg0, %c0_i32, %c0_i32_0 : i32, i32, i32
  }
  func.func @transform_5(%arg0: i32) -> (i32, i32) {
    %c0_i32 = arith.constant 0 : i32
    %c0_i32_0 = arith.constant 0 : i32
    return %arg0, %c0_i32 : i32, i32
  }
  func.func @transform_6(%arg0: i32) -> (i32, i32) {
    %c0_i32 = arith.constant 0 : i32
    %c0_i32_0 = arith.constant 0 : i32
    return %arg0, %c0_i32 : i32, i32
  }
  func.func @transform_7(%arg0: i32) -> (i32, i32) {
    %c0_i32 = arith.constant 0 : i32
    %c0_i32_0 = arith.constant 0 : i32
    %c0_i32_1 = arith.constant 0 : i32
    return %c0_i32, %c0_i32_0 : i32, i32
  }
}

module attributes {stable_mosaic.version = 14 : i64} {
  func.func @body(%arg0: i32, %arg1: memref<2000x128xf32, #tpu.memory_space<vmem>>, %arg2: memref<2000x128xf32, #tpu.memory_space<vmem>>, %arg3: memref<2000x128xf32, #tpu.memory_space<vmem>>, %arg4: memref<2000x1xf32, #tpu.memory_space<vmem>>, %arg5: memref<1x128xf32, #tpu.memory_space<vmem>>, %arg6: memref<128x128xf32, #tpu.memory_space<vmem>>, %arg7: memref<1x1x2000xi32, #tpu.memory_space<vmem>>, %arg8: memref<2000x128xf32, #tpu.memory_space<vmem>>, %arg9: memref<64x128xf32, #tpu.memory_space<vmem>>) attributes {dimension_semantics = [#tpu.dimension_semantics<arbitrary>], iteration_bounds = array<i64: 5>, scalar_prefetch = 0 : i64, scratch_operands = 0 : i64, tpu.core_type = #tpu.core_type<tc>, window_params = [{transform_indices = @transform_0, window_bounds = array<i64: 2000, 128>}, {transform_indices = @transform_1, window_bounds = array<i64: 2000, 128>}, {transform_indices = @transform_2, window_bounds = array<i64: 2000, 128>}, {transform_indices = @transform_3, window_bounds = array<i64: 2000, 1>}, {pipeline_mode = #tpu.pipeline_mode<synchronous>, transform_indices = @transform_4, window_bounds = array<i64: 1, 128>}, {pipeline_mode = #tpu.pipeline_mode<synchronous>, transform_indices = @transform_5, window_bounds = array<i64: 128, 128>}, {transform_indices = @transform_6, window_bounds = array<i64: 1, 1, 2000>}, {transform_indices = @transform_7, window_bounds = array<i64: 2000, 128>}, {pipeline_mode = #tpu.pipeline_mode<synchronous>, transform_indices = @transform_8, window_bounds = array<i64: 64, 128>}]} {
    %get3A = arith.constant 0 : index
    %get3A_0 = arith.constant 0 : index
    %get3A_1 = vector.load %arg4[%get3A, %get3A_0] : memref<2000x1xf32, #tpu.memory_space<vmem>>, vector<2000x1xf32>
    %get3A_2 = arith.constant 0 : index
    %get3A_3 = arith.constant 0 : index
    %get3A_4 = vector.load %arg1[%get3A_2, %get3A_3] : memref<2000x128xf32, #tpu.memory_space<vmem>>, vector<2000x128xf32>
    %get3A_5 = arith.constant 0 : index
    %get3A_6 = arith.constant 0 : index
    %get3A_7 = vector.load %arg2[%get3A_5, %get3A_6] : memref<2000x128xf32, #tpu.memory_space<vmem>>, vector<2000x128xf32>
    %add3A = arith.addf %get3A_4, %get3A_7 : vector<2000x128xf32>
    %get3A_8 = arith.constant 0 : index
    %get3A_9 = arith.constant 0 : index
    %get3A_10 = vector.load %arg3[%get3A_8, %get3A_9] : memref<2000x128xf32, #tpu.memory_space<vmem>>, vector<2000x128xf32>
    %add3A_11 = arith.addf %add3A, %get3A_10 : vector<2000x128xf32>
    %mul3A = vector.broadcast %get3A_1 : vector<2000x1xf32> to vector<2000x128xf32>
    %mul3A_12 = arith.mulf %mul3A, %add3A_11 : vector<2000x128xf32>
    %get3A_13 = arith.constant 0 : index
    %get3A_14 = arith.constant 0 : index
    %get3A_15 = vector.load %arg5[%get3A_13, %get3A_14] : memref<1x128xf32, #tpu.memory_space<vmem>>, vector<1x128xf32>
    %add3A_16 = vector.broadcast %get3A_15 : vector<1x128xf32> to vector<2000x128xf32>
    %add3A_17 = arith.addf %mul3A_12, %add3A_16 : vector<2000x128xf32>
    %max3A = arith.constant 0.000000e+00 : f32
    %max3A_18 = vector.broadcast %max3A : f32 to vector<2000x128xf32>
    %max3A_19 = arith.maximumf %add3A_17, %max3A_18 : vector<2000x128xf32>
    %get3A_20 = arith.constant 0 : index
    %get3A_21 = arith.constant 0 : index
    %get3A_22 = arith.constant 0 : index
    %get3A_23 = vector.load %arg7[%get3A_20, %get3A_21, %get3A_22] : memref<1x1x2000xi32, #tpu.memory_space<vmem>>, vector<1x1x2000xi32>
    %get3A_24 = vector.shape_cast %get3A_23 : vector<1x1x2000xi32> to vector<2000xi32>
    %iota3A = tpu.iota {dimensions = array<i32: 0>} : vector<64x2000xi32>
    %broadcast_in_dim3A = vector.shape_cast %get3A_24 : vector<2000xi32> to vector<1x2000xi32>
    %eq3A = vector.broadcast %broadcast_in_dim3A : vector<1x2000xi32> to vector<64x2000xi32>
    %eq3A_25 = arith.cmpi eq, %iota3A, %eq3A : vector<64x2000xi32>
    %convert_element_type3A = arith.extui %eq3A_25 : vector<64x2000xi1> to vector<64x2000xi32>
    %convert_element_type3A_26 = arith.sitofp %convert_element_type3A : vector<64x2000xi32> to vector<64x2000xf32>
    %eq3A_27 = arith.constant 0 : i32
    %eq3A_28 = arith.cmpi eq, %arg0, %eq3A_27 : i32
    %convert_element_type3A_29 = arith.extui %eq3A_28 : i1 to i32
    %cond3A = arith.constant 0 : i32
    %cond3A_30 = arith.cmpi ne, %convert_element_type3A_29, %cond3A : i32
    scf.if %cond3A_30 {
      %broadcast_in_dim3A_48 = arith.constant 0.000000e+00 : f32
      %broadcast_in_dim3A_49 = vector.broadcast %broadcast_in_dim3A_48 : f32 to vector<64x128xf32>
      %swap3A_50 = arith.constant 0 : index
      %swap3A_51 = arith.constant 0 : index
      %swap3A_52 = vector.load %arg9[%swap3A_50, %swap3A_51] : memref<64x128xf32, #tpu.memory_space<vmem>>, vector<64x128xf32>
      tpu.vector_store %arg9[%swap3A_50, %swap3A_51], %broadcast_in_dim3A_49 {strides = array<i32>} : memref<64x128xf32, #tpu.memory_space<vmem>>, vector<64x128xf32>,
    } else {
    }
    %get3A_31 = arith.constant 0 : index
    %get3A_32 = arith.constant 0 : index
    %get3A_33 = vector.load %arg9[%get3A_31, %get3A_32] : memref<64x128xf32, #tpu.memory_space<vmem>>, vector<64x128xf32>
    %dot_general3A = arith.constant dense<0.000000e+00> : vector<64x128xf32>
    %dot_general3A_34 = tpu.matmul %convert_element_type3A_26, %max3A_19, %dot_general3A {dimension_numbers = #tpu.dot_dimension_numbers<[1], [0], [0], [1], [0, 0, 1, 1], [], []>, precision = #tpu.contract_precision<fp32>, transpose_lhs_hint = false} : vector<64x2000xf32>, vector<2000x128xf32>, vector<64x128xf32> -> vector<64x128xf32>
    %add3A_35 = arith.addf %get3A_33, %dot_general3A_34 : vector<64x128xf32>
    %swap3A = arith.constant 0 : index
    %swap3A_36 = arith.constant 0 : index
    %swap3A_37 = vector.load %arg9[%swap3A, %swap3A_36] : memref<64x128xf32, #tpu.memory_space<vmem>>, vector<64x128xf32>
    tpu.vector_store %arg9[%swap3A, %swap3A_36], %add3A_35 {strides = array<i32>} : memref<64x128xf32, #tpu.memory_space<vmem>>, vector<64x128xf32>,
    %get3A_38 = arith.constant 0 : index
    %get3A_39 = arith.constant 0 : index
    %get3A_40 = vector.load %arg6[%get3A_38, %get3A_39] : memref<128x128xf32, #tpu.memory_space<vmem>>, vector<128x128xf32>
    %dot_general3A_41 = arith.constant dense<0.000000e+00> : vector<2000x128xf32>
    %dot_general3A_42 = tpu.matmul %max3A_19, %get3A_40, %dot_general3A_41 {dimension_numbers = #tpu.dot_dimension_numbers<[1], [0], [0], [1], [0, 0, 1, 1], [], []>, transpose_lhs_hint = false} : vector<2000x128xf32>, vector<128x128xf32>, vector<2000x128xf32> -> vector<2000x128xf32>
    %mul3A_43 = vector.broadcast %get3A_1 : vector<2000x1xf32> to vector<2000x128xf32>
    %mul3A_44 = arith.mulf %mul3A_43, %dot_general3A_42 : vector<2000x128xf32>
    %swap3A_45 = arith.constant 0 : index
    %swap3A_46 = arith.constant 0 : index
    %swap3A_47 = vector.load %arg8[%swap3A_45, %swap3A_46] : memref<2000x128xf32, #tpu.memory_space<vmem>>, vector<2000x128xf32>
    tpu.vector_store %arg8[%swap3A_45, %swap3A_46], %mul3A_44 {strides = array<i32>} : memref<2000x128xf32, #tpu.memory_space<vmem>>, vector<2000x128xf32>,
    return
  }
  func.func @transform_0(%arg0: i32) -> (i32, i32) {
    %c0_i32 = arith.constant 0 : i32
    %c0_i32_0 = arith.constant 0 : i32
    return %arg0, %c0_i32 : i32, i32
  }
  func.func @transform_1(%arg0: i32) -> (i32, i32) {
    %c0_i32 = arith.constant 0 : i32
    %c0_i32_0 = arith.constant 0 : i32
    return %arg0, %c0_i32 : i32, i32
  }
  func.func @transform_2(%arg0: i32) -> (i32, i32) {
    %c0_i32 = arith.constant 0 : i32
    %c0_i32_0 = arith.constant 0 : i32
    return %arg0, %c0_i32 : i32, i32
  }
  func.func @transform_3(%arg0: i32) -> (i32, i32) {
    %c0_i32 = arith.constant 0 : i32
    %c0_i32_0 = arith.constant 0 : i32
    return %arg0, %c0_i32 : i32, i32
  }
  func.func @transform_4(%arg0: i32) -> (i32, i32) {
    %c0_i32 = arith.constant 0 : i32
    %c0_i32_0 = arith.constant 0 : i32
    %c0_i32_1 = arith.constant 0 : i32
    return %c0_i32, %c0_i32_0 : i32, i32
  }
  func.func @transform_5(%arg0: i32) -> (i32, i32) {
    %c0_i32 = arith.constant 0 : i32
    %c0_i32_0 = arith.constant 0 : i32
    %c0_i32_1 = arith.constant 0 : i32
    return %c0_i32, %c0_i32_0 : i32, i32
  }
  func.func @transform_6(%arg0: i32) -> (i32, i32, i32) {
    %c0_i32 = arith.constant 0 : i32
    %c0_i32_0 = arith.constant 0 : i32
    %c0_i32_1 = arith.constant 0 : i32
    return %arg0, %c0_i32, %c0_i32_0 : i32, i32, i32
  }
  func.func @transform_7(%arg0: i32) -> (i32, i32) {
    %c0_i32 = arith.constant 0 : i32
    %c0_i32_0 = arith.constant 0 : i32
    return %arg0, %c0_i32 : i32, i32
  }
  func.func @transform_8(%arg0: i32) -> (i32, i32) {
    %c0_i32 = arith.constant 0 : i32
    %c0_i32_0 = arith.constant 0 : i32
    %c0_i32_1 = arith.constant 0 : i32
    return %c0_i32, %c0_i32_0 : i32, i32
  }
}

module attributes {stable_mosaic.version = 14 : i64} {
  func.func @body(%arg0: i32, %arg1: memref<2000x128xf32, #tpu.memory_space<vmem>>, %arg2: memref<2000x128xf32, #tpu.memory_space<vmem>>, %arg3: memref<2000x128xf32, #tpu.memory_space<vmem>>, %arg4: memref<2000x1xf32, #tpu.memory_space<vmem>>, %arg5: memref<1x128xf32, #tpu.memory_space<vmem>>, %arg6: memref<1x1x2000xi32, #tpu.memory_space<vmem>>, %arg7: memref<64x128xf32, #tpu.memory_space<vmem>>, %arg8: memref<64x128xf32, #tpu.memory_space<vmem>>, %arg9: memref<64x128xf32, #tpu.memory_space<vmem>>, %arg10: memref<64x128xf32, #tpu.memory_space<vmem>>, %arg11: memref<64x1xf32, #tpu.memory_space<vmem>>, %arg12: memref<640x640xf32, #tpu.memory_space<vmem>>, %arg13: memref<1x640xf32, #tpu.memory_space<vmem>>, %arg14: memref<640x1xf32, #tpu.memory_space<vmem>>, %arg15: memref<1x1xf32, #tpu.memory_space<vmem>>, %arg16: memref<64x1xf32, #tpu.memory_space<vmem>>, %arg17: memref<64x128xf32, #tpu.memory_space<vmem>>) attributes {dimension_semantics = [#tpu.dimension_semantics<arbitrary>], iteration_bounds = array<i64: 5>, scalar_prefetch = 0 : i64, scratch_operands = 1 : i64, tpu.core_type = #tpu.core_type<tc>, window_params = [{transform_indices = @transform_0, window_bounds = array<i64: 2000, 128>}, {transform_indices = @transform_1, window_bounds = array<i64: 2000, 128>}, {transform_indices = @transform_2, window_bounds = array<i64: 2000, 128>}, {transform_indices = @transform_3, window_bounds = array<i64: 2000, 1>}, {pipeline_mode = #tpu.pipeline_mode<synchronous>, transform_indices = @transform_4, window_bounds = array<i64: 1, 128>}, {transform_indices = @transform_5, window_bounds = array<i64: 1, 1, 2000>}, {pipeline_mode = #tpu.pipeline_mode<synchronous>, transform_indices = @transform_6, window_bounds = array<i64: 64, 128>}, {pipeline_mode = #tpu.pipeline_mode<synchronous>, transform_indices = @transform_7, window_bounds = array<i64: 64, 128>}, {pipeline_mode = #tpu.pipeline_mode<synchronous>, transform_indices = @transform_8, window_bounds = array<i64: 64, 128>}, {pipeline_mode = #tpu.pipeline_mode<synchronous>, transform_indices = @transform_9, window_bounds = array<i64: 64, 128>}, {pipeline_mode = #tpu.pipeline_mode<synchronous>, transform_indices = @transform_10, window_bounds = array<i64: 64, 1>}, {pipeline_mode = #tpu.pipeline_mode<synchronous>, transform_indices = @transform_11, window_bounds = array<i64: 640, 640>}, {pipeline_mode = #tpu.pipeline_mode<synchronous>, transform_indices = @transform_12, window_bounds = array<i64: 1, 640>}, {pipeline_mode = #tpu.pipeline_mode<synchronous>, transform_indices = @transform_13, window_bounds = array<i64: 640, 1>}, {pipeline_mode = #tpu.pipeline_mode<synchronous>, transform_indices = @transform_14, window_bounds = array<i64: 1, 1>}, {pipeline_mode = #tpu.pipeline_mode<synchronous>, transform_indices = @transform_15, window_bounds = array<i64: 64, 1>}]} {
    %get3A = arith.constant 0 : index
    %get3A_0 = arith.constant 0 : index
    %get3A_1 = vector.load %arg4[%get3A, %get3A_0] : memref<2000x1xf32, #tpu.memory_space<vmem>>, vector<2000x1xf32>
    %get3A_2 = arith.constant 0 : index
    %get3A_3 = arith.constant 0 : index
    %get3A_4 = vector.load %arg1[%get3A_2, %get3A_3] : memref<2000x128xf32, #tpu.memory_space<vmem>>, vector<2000x128xf32>
    %get3A_5 = arith.constant 0 : index
    %get3A_6 = arith.constant 0 : index
    %get3A_7 = vector.load %arg2[%get3A_5, %get3A_6] : memref<2000x128xf32, #tpu.memory_space<vmem>>, vector<2000x128xf32>
    %add3A = arith.addf %get3A_4, %get3A_7 : vector<2000x128xf32>
    %get3A_8 = arith.constant 0 : index
    %get3A_9 = arith.constant 0 : index
    %get3A_10 = vector.load %arg3[%get3A_8, %get3A_9] : memref<2000x128xf32, #tpu.memory_space<vmem>>, vector<2000x128xf32>
    %add3A_11 = arith.addf %add3A, %get3A_10 : vector<2000x128xf32>
    %mul3A = vector.broadcast %get3A_1 : vector<2000x1xf32> to vector<2000x128xf32>
    %mul3A_12 = arith.mulf %mul3A, %add3A_11 : vector<2000x128xf32>
    %get3A_13 = arith.constant 0 : index
    %get3A_14 = arith.constant 0 : index
    %get3A_15 = vector.load %arg5[%get3A_13, %get3A_14] : memref<1x128xf32, #tpu.memory_space<vmem>>, vector<1x128xf32>
    %add3A_16 = vector.broadcast %get3A_15 : vector<1x128xf32> to vector<2000x128xf32>
    %add3A_17 = arith.addf %mul3A_12, %add3A_16 : vector<2000x128xf32>
    %max3A = arith.constant 0.000000e+00 : f32
    %max3A_18 = vector.broadcast %max3A : f32 to vector<2000x128xf32>
    %max3A_19 = arith.maximumf %add3A_17, %max3A_18 : vector<2000x128xf32>
    %get3A_20 = arith.constant 0 : index
    %get3A_21 = arith.constant 0 : index
    %get3A_22 = arith.constant 0 : index
    %get3A_23 = vector.load %arg6[%get3A_20, %get3A_21, %get3A_22] : memref<1x1x2000xi32, #tpu.memory_space<vmem>>, vector<1x1x2000xi32>
    %get3A_24 = vector.shape_cast %get3A_23 : vector<1x1x2000xi32> to vector<2000xi32>
    %iota3A = tpu.iota {dimensions = array<i32: 0>} : vector<64x2000xi32>
    %broadcast_in_dim3A = vector.shape_cast %get3A_24 : vector<2000xi32> to vector<1x2000xi32>
    %eq3A = vector.broadcast %broadcast_in_dim3A : vector<1x2000xi32> to vector<64x2000xi32>
    %eq3A_25 = arith.cmpi eq, %iota3A, %eq3A : vector<64x2000xi32>
    %convert_element_type3A = arith.extui %eq3A_25 : vector<64x2000xi1> to vector<64x2000xi32>
    %convert_element_type3A_26 = arith.sitofp %convert_element_type3A : vector<64x2000xi32> to vector<64x2000xf32>
    %eq3A_27 = arith.constant 0 : i32
    %eq3A_28 = arith.cmpi eq, %arg0, %eq3A_27 : i32
    %convert_element_type3A_29 = arith.extui %eq3A_28 : i1 to i32
    %cond3A = arith.constant 0 : i32
    %cond3A_30 = arith.cmpi ne, %convert_element_type3A_29, %cond3A : i32
    scf.if %cond3A_30 {
      %broadcast_in_dim3A_43 = arith.constant 0.000000e+00 : f32
      %broadcast_in_dim3A_44 = vector.broadcast %broadcast_in_dim3A_43 : f32 to vector<64x128xf32>
      %swap3A_45 = arith.constant 0 : index
      %swap3A_46 = arith.constant 0 : index
      %swap3A_47 = vector.load %arg17[%swap3A_45, %swap3A_46] : memref<64x128xf32, #tpu.memory_space<vmem>>, vector<64x128xf32>
      tpu.vector_store %arg17[%swap3A_45, %swap3A_46], %broadcast_in_dim3A_44 {strides = array<i32>} : memref<64x128xf32, #tpu.memory_space<vmem>>, vector<64x128xf32>,
    } else {
    }
    %get3A_31 = arith.constant 0 : index
    %get3A_32 = arith.constant 0 : index
    %get3A_33 = vector.load %arg17[%get3A_31, %get3A_32] : memref<64x128xf32, #tpu.memory_space<vmem>>, vector<64x128xf32>
    %dot_general3A = arith.constant dense<0.000000e+00> : vector<64x128xf32>
    %dot_general3A_34 = tpu.matmul %convert_element_type3A_26, %max3A_19, %dot_general3A {dimension_numbers = #tpu.dot_dimension_numbers<[1], [0], [0], [1], [0, 0, 1, 1], [], []>, precision = #tpu.contract_precision<fp32>, transpose_lhs_hint = false} : vector<64x2000xf32>, vector<2000x128xf32>, vector<64x128xf32> -> vector<64x128xf32>
    %add3A_35 = arith.addf %get3A_33, %dot_general3A_34 : vector<64x128xf32>
    %swap3A = arith.constant 0 : index
    %swap3A_36 = arith.constant 0 : index
    %swap3A_37 = vector.load %arg17[%swap3A, %swap3A_36] : memref<64x128xf32, #tpu.memory_space<vmem>>, vector<64x128xf32>
    tpu.vector_store %arg17[%swap3A, %swap3A_36], %add3A_35 {strides = array<i32>} : memref<64x128xf32, #tpu.memory_space<vmem>>, vector<64x128xf32>,
    %eq3A_38 = arith.constant 4 : i32
    %eq3A_39 = arith.cmpi eq, %arg0, %eq3A_38 : i32
    %convert_element_type3A_40 = arith.extui %eq3A_39 : i1 to i32
    %cond3A_41 = arith.constant 0 : i32
    %cond3A_42 = arith.cmpi ne, %convert_element_type3A_40, %cond3A_41 : i32
    scf.if %cond3A_42 {
      %get3A_43 = arith.constant 0 : index
      %get3A_44 = arith.constant 0 : index
      %get3A_45 = vector.load %arg11[%get3A_43, %get3A_44] : memref<64x1xf32, #tpu.memory_space<vmem>>, vector<64x1xf32>
      %max3A_46 = arith.constant 1.000000e+00 : f32
      %max3A_47 = vector.broadcast %max3A_46 : f32 to vector<64x1xf32>
      %max3A_48 = arith.maximumf %get3A_45, %max3A_47 : vector<64x1xf32>
      %div3A = arith.constant 1.000000e+00 : f32
      %div3A_49 = vector.broadcast %div3A : f32 to vector<64x1xf32>
      %div3A_50 = arith.divf %div3A_49, %max3A_48 : vector<64x1xf32>
      %get3A_51 = arith.constant 0 : index
      %get3A_52 = arith.constant 0 : index
      %get3A_53 = vector.load %arg7[%get3A_51, %get3A_52] : memref<64x128xf32, #tpu.memory_space<vmem>>, vector<64x128xf32>
      %get3A_54 = arith.constant 0 : index
      %get3A_55 = arith.constant 0 : index
      %get3A_56 = vector.load %arg8[%get3A_54, %get3A_55] : memref<64x128xf32, #tpu.memory_space<vmem>>, vector<64x128xf32>
      %get3A_57 = arith.constant 0 : index
      %get3A_58 = arith.constant 0 : index
      %get3A_59 = vector.load %arg9[%get3A_57, %get3A_58] : memref<64x128xf32, #tpu.memory_space<vmem>>, vector<64x128xf32>
      %get3A_60 = arith.constant 0 : index
      %get3A_61 = arith.constant 0 : index
      %get3A_62 = vector.load %arg10[%get3A_60, %get3A_61] : memref<64x128xf32, #tpu.memory_space<vmem>>, vector<64x128xf32>
      %get3A_63 = arith.constant 0 : index
      %get3A_64 = arith.constant 0 : index
      %get3A_65 = vector.load %arg17[%get3A_63, %get3A_64] : memref<64x128xf32, #tpu.memory_space<vmem>>, vector<64x128xf32>
      %concatenate3A = tpu.concatenate %get3A_53, %get3A_56, %get3A_59, %get3A_62, %get3A_65 in 1 : vector<64x128xf32>, vector<64x128xf32>, vector<64x128xf32>, vector<64x128xf32>, vector<64x128xf32> -> vector<64x640xf32>
      %mul3A_66 = vector.broadcast %div3A_50 : vector<64x1xf32> to vector<64x640xf32>
      %mul3A_67 = arith.mulf %concatenate3A, %mul3A_66 : vector<64x640xf32>
      %get3A_68 = arith.constant 0 : index
      %get3A_69 = arith.constant 0 : index
      %get3A_70 = vector.load %arg12[%get3A_68, %get3A_69] : memref<640x640xf32, #tpu.memory_space<vmem>>, vector<640x640xf32>
      %dot_general3A_71 = arith.constant dense<0.000000e+00> : vector<64x640xf32>
      %dot_general3A_72 = tpu.matmul %mul3A_67, %get3A_70, %dot_general3A_71 {dimension_numbers = #tpu.dot_dimension_numbers<[1], [0], [0], [1], [0, 0, 1, 1], [], []>, transpose_lhs_hint = false} : vector<64x640xf32>, vector<640x640xf32>, vector<64x640xf32> -> vector<64x640xf32>
      %get3A_73 = arith.constant 0 : index
      %get3A_74 = arith.constant 0 : index
      %get3A_75 = vector.load %arg13[%get3A_73, %get3A_74] : memref<1x640xf32, #tpu.memory_space<vmem>>, vector<1x640xf32>
      %add3A_76 = vector.broadcast %get3A_75 : vector<1x640xf32> to vector<64x640xf32>
      %add3A_77 = arith.addf %dot_general3A_72, %add3A_76 : vector<64x640xf32>
      %max3A_78 = arith.constant 0.000000e+00 : f32
      %max3A_79 = vector.broadcast %max3A_78 : f32 to vector<64x640xf32>
      %max3A_80 = arith.maximumf %add3A_77, %max3A_79 : vector<64x640xf32>
      %get3A_81 = arith.constant 0 : index
      %get3A_82 = arith.constant 0 : index
      %get3A_83 = vector.load %arg14[%get3A_81, %get3A_82] : memref<640x1xf32, #tpu.memory_space<vmem>>, vector<640x1xf32>
      %dot_general3A_84 = arith.constant dense<0.000000e+00> : vector<64x1xf32>
      %dot_general3A_85 = tpu.matmul %max3A_80, %get3A_83, %dot_general3A_84 {dimension_numbers = #tpu.dot_dimension_numbers<[1], [0], [0], [1], [0, 0, 1, 1], [], []>, transpose_lhs_hint = false} : vector<64x640xf32>, vector<640x1xf32>, vector<64x1xf32> -> vector<64x1xf32>
      %get3A_86 = arith.constant 0 : index
      %get3A_87 = arith.constant 0 : index
      %get3A_88 = vector.load %arg15[%get3A_86, %get3A_87] : memref<1x1xf32, #tpu.memory_space<vmem>>, vector<1x1xf32>
      %add3A_89 = vector.broadcast %get3A_88 : vector<1x1xf32> to vector<64x1xf32>
      %add3A_90 = arith.addf %dot_general3A_85, %add3A_89 : vector<64x1xf32>
      %swap3A_91 = arith.constant 0 : index
      %swap3A_92 = arith.constant 0 : index
      %swap3A_93 = vector.load %arg16[%swap3A_91, %swap3A_92] : memref<64x1xf32, #tpu.memory_space<vmem>>, vector<64x1xf32>
      tpu.vector_store %arg16[%swap3A_91, %swap3A_92], %add3A_90 {strides = array<i32>} : memref<64x1xf32, #tpu.memory_space<vmem>>, vector<64x1xf32>,
    } else {
    }
    return
  }
  func.func @transform_0(%arg0: i32) -> (i32, i32) {
    %c0_i32 = arith.constant 0 : i32
    %c0_i32_0 = arith.constant 0 : i32
    return %arg0, %c0_i32 : i32, i32
  }
  func.func @transform_1(%arg0: i32) -> (i32, i32) {
    %c0_i32 = arith.constant 0 : i32
    %c0_i32_0 = arith.constant 0 : i32
    return %arg0, %c0_i32 : i32, i32
  }
  func.func @transform_2(%arg0: i32) -> (i32, i32) {
    %c0_i32 = arith.constant 0 : i32
    %c0_i32_0 = arith.constant 0 : i32
    return %arg0, %c0_i32 : i32, i32
  }
  func.func @transform_3(%arg0: i32) -> (i32, i32) {
    %c0_i32 = arith.constant 0 : i32
    %c0_i32_0 = arith.constant 0 : i32
    return %arg0, %c0_i32 : i32, i32
  }
  func.func @transform_4(%arg0: i32) -> (i32, i32) {
    %c0_i32 = arith.constant 0 : i32
    %c0_i32_0 = arith.constant 0 : i32
    %c0_i32_1 = arith.constant 0 : i32
    return %c0_i32, %c0_i32_0 : i32, i32
  }
  func.func @transform_5(%arg0: i32) -> (i32, i32, i32) {
    %c0_i32 = arith.constant 0 : i32
    %c0_i32_0 = arith.constant 0 : i32
    %c0_i32_1 = arith.constant 0 : i32
    return %arg0, %c0_i32, %c0_i32_0 : i32, i32, i32
  }
  func.func @transform_6(%arg0: i32) -> (i32, i32) {
    %c0_i32 = arith.constant 0 : i32
    %c0_i32_0 = arith.constant 0 : i32
    %c0_i32_1 = arith.constant 0 : i32
    return %c0_i32, %c0_i32_0 : i32, i32
  }
  func.func @transform_7(%arg0: i32) -> (i32, i32) {
    %c0_i32 = arith.constant 0 : i32
    %c0_i32_0 = arith.constant 0 : i32
    %c0_i32_1 = arith.constant 0 : i32
    return %c0_i32, %c0_i32_0 : i32, i32
  }
  func.func @transform_8(%arg0: i32) -> (i32, i32) {
    %c0_i32 = arith.constant 0 : i32
    %c0_i32_0 = arith.constant 0 : i32
    %c0_i32_1 = arith.constant 0 : i32
    return %c0_i32, %c0_i32_0 : i32, i32
  }
  func.func @transform_9(%arg0: i32) -> (i32, i32) {
    %c0_i32 = arith.constant 0 : i32
    %c0_i32_0 = arith.constant 0 : i32
    %c0_i32_1 = arith.constant 0 : i32
    return %c0_i32, %c0_i32_0 : i32, i32
  }
  func.func @transform_10(%arg0: i32) -> (i32, i32) {
    %c0_i32 = arith.constant 0 : i32
    %c0_i32_0 = arith.constant 0 : i32
    %c0_i32_1 = arith.constant 0 : i32
    return %c0_i32, %c0_i32_0 : i32, i32
  }
  func.func @transform_11(%arg0: i32) -> (i32, i32) {
    %c0_i32 = arith.constant 0 : i32
    %c0_i32_0 = arith.constant 0 : i32
    %c0_i32_1 = arith.constant 0 : i32
    return %c0_i32, %c0_i32_0 : i32, i32
  }
  func.func @transform_12(%arg0: i32) -> (i32, i32) {
    %c0_i32 = arith.constant 0 : i32
    %c0_i32_0 = arith.constant 0 : i32
    %c0_i32_1 = arith.constant 0 : i32
    return %c0_i32, %c0_i32_0 : i32, i32
  }
  func.func @transform_13(%arg0: i32) -> (i32, i32) {
    %c0_i32 = arith.constant 0 : i32
    %c0_i32_0 = arith.constant 0 : i32
    %c0_i32_1 = arith.constant 0 : i32
    return %c0_i32, %c0_i32_0 : i32, i32
  }
  func.func @transform_14(%arg0: i32) -> (i32, i32) {
    %c0_i32 = arith.constant 0 : i32
    %c0_i32_0 = arith.constant 0 : i32
    %c0_i32_1 = arith.constant 0 : i32
    return %c0_i32, %c0_i32_0 : i32, i32
  }
  func.func @transform_15(%arg0: i32) -> (i32, i32) {
    %c0_i32 = arith.constant 0 : i32
    %c0_i32_0 = arith.constant 0 : i32
    %c0_i32_1 = arith.constant 0 : i32
    return %c0_i32, %c0_i32_0 : i32, i32
  }
}

</mosaic_0001>

<sc_bundles>
// kernel: kernel.14.cloned.1.call-start
scs
__scs_entry_jumppad:
0x0: {  	(pc) =	sbr.rel $0x88, $3  }
0x1: {  	(tag) =	ssettag $0x0;
	lr =	simm.s32 $0x1  }
0x2: {  	[smem:$0x3F92] =	sst lr;
	_ =	strace $0xD0000000  }
0x3: {  	_ = 	snop  }
0x4: {  	_ = 	snop  }
0x5: {  	_ = 	snop  }
0x6: {  	_ = 	snop  }
0x7: {  	_ = 	snop  }
__scs_overlays_trampoline_lowered:
0x8: {  	[smem:$0x3FA1] =	sst s0  }
0x9: {  	[smem:$0x3FA2] =	sst s1  }
0xa: {  	[smem:$0x3FA3] =	sst s2  }
0xb: {  	[smem:$0x3FA4] =	sst s3  }
0xc: {  	[smem:$0x3FA5] =	sst s4  }
0xd: {  	[smem:$0x3FA6] =	sst s5  }
0xe: {  	[smem:$0x3FA7] =	sst s6  }
0xf: {  	[smem:$0x3FA8] =	sst s7  }
0x10: {  	[smem:$0x3FA9] =	sst s8  }
0x11: {  	[smem:$0x3FAA] =	sst s9;
	s0 =	simm.s32 @!p0 $0x0  }
0x12: {  	s1 =	sld [smem:$0x3F90];
	s0 =	simm.s32 @p0 $0x1  }
0x13: {  	[smem:$0x3FAB] =	sst s0;
	s0 =	simm.s32 @!p1 $0x0  }
0x14: {  	s2 =	sld [smem:$0x3F8F];
	s0 =	simm.s32 @p1 $0x1  }
0x15: {  	[smem:$0x3FAC] =	sst s0;
	s0 =	simm.s32 @!p2 $0x0  }
0x16: {  	s3 =	sld [smem:$0x3FDB];
	s0 =	simm.s32 @p2 $0x1  }
0x17: {  	s4 =	simm.s32 $0x1BF5;
	[smem:$0x3FAE] =	sst s0  }
0x18: {  	s0 =	sld [smem:$0x3F91];
	_ =	swait.ge [sflag:s4], $0x0  }
0x19: {  	s7 =	sld [smem:$0x3F92]  }
0x1a: {  	s8 =	sadd.s32 $0xFFFFE003, lr  }
0x1b: {  	s9 =	sadd.s32 $0xFFFFFEF7, lr;
	s5 =	simm.s32 $0xFFFFFFFF;
	p2 =	slt.u32 s8, $0xFFFFF086  }
0x1c: {  	p1 =	slt.u32 s9, $0xF7A;
	s5 =	simm.s32 @!p2 $0x0  }
0x1d: {  	s5 =	simm.s32 @p1 $0x1;
	p0 =	seq.s32 s7, s2  }
0x1e: {  	s7 =	smul.u32 @!p0 $0xF7A, s2;
	p2 =	seq.s32 @!p0 s5, $0x0  }
0x1f: {  	s9 =	smul.u32 $0xF7A, s1;
	s8 =	simm.s32 @!p0 $0x1BF5;
	p2 =	por !p2, p0  }
0x20: {  	[sflag:s8] =	ssyncset.s32 @!p0 $0xFFFFF086;
	s6 =	sadd.s32 @!p0 s3, s7;
	s7 =	simm.s32 @!p0 $0x108  }
0x21: {  	s3 =	sadd.s32 s3, s9;
	s6 =	sadd.s32 @!p0 $0x88, s6;
	s7 =	simm.s32 @p2 $0x1082  }
0x22: {  	[simem:s7], [sflag:s8] =	dma.local @!p0 [hbm:s6], $0xF7A  }
0x23: {  	s9 =	sor.u32 $0xD0000000, s2;
	s6 =	simm.s32 $0x108;
	_ =	swait.ge @!p0 [sflag:s8], $0x0  }
0x24: {  	s3 =	sadd.s32 $0x88, s3;
	s6 =	simm.s32 @!p1 $0x1082;
	[sflag:s4] =	ssyncset.s32 $0xFFFFF086  }
0x25: {  	[simem:s6], [sflag:s4] =	dma.local [hbm:s3], $0xF7A  }
0x26: {  	[smem:$0x3F92] =	sst s1;
	(tag) =	ssettag s2;
	_ =	strace s9  }
0x27: {  	s1 =	sld [smem:$0x3FA2]  }
0x28: {  	s2 =	sld [smem:$0x3FA3]  }
0x29: {  	s4 =	sld [smem:$0x3FA5]  }
0x2a: {  	p0 =	seq.s32 s5, $0x0;
	s5 =	sld [smem:$0x3FA6]  }
0x2b: {  	s6 =	sld [smem:$0x3FA7]  }
0x2c: {  	s7 =	sld [smem:$0x3FA8]  }
0x2d: {  	s3 =	simm.s32 $0x108;
	s8 =	sld [smem:$0x3FA9]  }
0x2e: {  	s3 =	simm.s32 @!p0 $0x1082;
	s9 =	sld [smem:$0x3FAA]  }
0x2f: {  	lr =	sadd.s32 s0, s3;
	s0 =	sld [smem:$0x3FA1]  }
0x30: {  	s3 =	sld [smem:$0x3FA4]  }
0x31: {  	[smem:$0x3FAD] =	sst s10  }
0x32: {  	s10 =	sld [smem:$0x3FAB];
	_ =	sdelay $0x3  }
0x33: {  	p0 =	seq.s32 s10, $0x1;
	s10 =	sld [smem:$0x3FAD];
	_ =	sdelay $0x3  }
0x34: {  	[smem:$0x3FAD] =	sst s10  }
0x35: {  	s10 =	sld [smem:$0x3FAC];
	_ =	sdelay $0x3  }
0x36: {  	p1 =	seq.s32 s10, $0x1;
	s10 =	sld [smem:$0x3FAD];
	_ =	sdelay $0x3  }
0x37: {  	[smem:$0x3FAD] =	sst s10  }
0x38: {  	s10 =	sld [smem:$0x3FAE]  }
0x39: {  	_ = 	snop;
	(pc) =	sbr.ind lr, $3  }
0x3a: {  	_ = 	snop  }
0x3b: {  	_ = 	snop  }
0x3c: {  	p2 =	seq.s32 s10, $0x1;
	s10 =	sld [smem:$0x3FAD]  }
0x3d: {  	_ =	shalt  }
0x3e: {  	_ =	shalt  }
0x3f: {  	_ =	shalt  }
0x40: {  	_ =	shalt  }
0x41: {  	_ =	shalt  }
0x42: {  	_ =	shalt  }
0x43: {  	_ =	shalt  }
0x44: {  	_ =	shalt  }
0x45: {  	_ =	shalt  }
0x46: {  	_ =	shalt  }
0x47: {  	_ =	shalt  }
0x48: {  	_ =	shalt  }
0x49: {  	_ =	shalt  }
0x4a: {  	_ =	shalt  }
0x4b: {  	_ =	shalt  }
0x4c: {  	_ =	shalt  }
0x4d: {  	_ =	shalt  }
0x4e: {  	_ =	shalt  }
0x4f: {  	_ =	shalt  }
0x50: {  	_ =	shalt  }
0x51: {  	_ =	shalt  }
0x52: {  	_ =	shalt  }
0x53: {  	_ =	shalt  }
0x54: {  	_ =	shalt  }
0x55: {  	_ =	shalt  }
0x56: {  	_ =	shalt  }
0x57: {  	_ =	shalt  }
0x58: {  	_ =	shalt  }
0x59: {  	_ =	shalt  }
0x5a: {  	_ =	shalt  }
0x5b: {  	_ =	shalt  }
0x5c: {  	_ =	shalt  }
0x5d: {  	_ =	shalt  }
0x5e: {  	_ =	shalt  }
0x5f: {  	_ =	shalt  }
0x60: {  	_ =	shalt  }
0x61: {  	_ =	shalt  }
0x62: {  	_ =	shalt  }
0x63: {  	_ =	shalt  }
0x64: {  	_ =	shalt  }
0x65: {  	_ =	shalt  }
0x66: {  	_ =	shalt  }
0x67: {  	_ =	shalt  }
0x68: {  	_ =	shalt  }
0x69: {  	_ =	shalt  }
0x6a: {  	_ =	shalt  }
0x6b: {  	_ =	shalt  }
0x6c: {  	_ =	shalt  }
0x6d: {  	_ =	shalt  }
0x6e: {  	_ =	shalt  }
0x6f: {  	_ =	shalt  }
0x70: {  	_ =	shalt  }
0x71: {  	_ =	shalt  }
0x72: {  	_ =	shalt  }
0x73: {  	_ =	shalt  }
0x74: {  	_ =	shalt  }
0x75: {  	_ =	shalt  }
0x76: {  	_ =	shalt  }
0x77: {  	_ =	shalt  }
0x78: {  	_ =	shalt  }
0x79: {  	_ =	shalt  }
0x7a: {  	_ =	shalt  }
0x7b: {  	_ =	shalt  }
0x7c: {  	_ =	shalt  }
0x7d: {  	_ =	shalt  }
0x7e: {  	_ =	shalt  }
0x7f: {  	_ =	shalt  }
0x80: {  	_ =	shalt  }
0x81: {  	_ =	shalt  }
0x82: {  	_ =	shalt  }
0x83: {  	_ =	shalt  }
0x84: {  	_ =	shalt  }
0x85: {  	_ =	shalt  }
0x86: {  	_ =	shalt  }
0x87: {  	_ =	shalt  }
.Lfunc_end0:
.L_simem_size_0:
called_computation_lowered:
.L_overlay_start_0:
0x88: {  	s2 =	sld [smem:$0x3FD9]  }
0x89: {  	s3 =	sld [smem:$0x3FFE];
	_ =	sdelay $0x1  }
0x8a: {  	s1 =	srdreg.scid  }
0x8b: {  	s0 =	sand.u32 $0x1, s1  }
0x8c: {  	s16 =	sshll.u32 s0, $0xA;
	s2 =	sadd.s32 s3, s2  }
0x8d: {  	s2 =	sadd.s32 s2, s16  }
0x8e: {  	[smem:$0x3FB9] =	sst s2  }
0x8f: {  	_ = 	snop  }
0x90: {  	(tm) =	ssettm $0x1  }
0x91: {  	s17 =	sld [smem:$0x3FFB];
	_ =	sdelay $0x3  }
0x92: {  	_ =	strace s17  }
0x93: {  	s2 =	sld [smem:$0x3FFC];
	_ =	sdelay $0x3  }
0x94: {  	_ =	strace s2  }
0x95: {  	s2 =	sld [smem:$0x3FFD];
	_ =	sdelay $0x3  }
0x96: {  	_ =	strace s2  }
0x97: {  	_ =	strace $0x8FFFFFFF  }
0x98: {  	s18 =	sld [smem:$0x3FDB];
	_ =	sdelay $0x1  }
0x99: {  	s19 =	simm.s32 $_scs_section_size  }
0x9a: {  	s4 =	simm.s32 $_size__tile_overlayer_lowered;
	s5 =	simm.s32 $_tile_overlayer_lowered  }
0x9b: {  	s22 =	simm.s32 $0x1BFF;
	s21 =	sshll.u32 s5, $0x1;
	s2 =	sadd.s32 s19, s18  }
0x9c: {  	s6 =	simm.s32 $0x0;
	s20 =	sshll.u32 s4, $0x1;
	s4 =	sadd.s32 s21, s2  }
0x9d: {  	[timem:s6], [sflag:s22] =	dma.local [hbm:s4], s20  }
0x9e: {  	_ =	swait.ge [sflag:s22], s20  }
0x9f: {  	s3 =	ssub.s32 $0x0, s20;
	[sflag:s22] =	ssyncset.done $0x0  }
0xa0: {  	[sflag:s22] =	ssyncadd.s32 s3;
	_ =	sdelay $0x1  }
0xa1: {  	s23 =	simm.s32 $0x1B8B  }
0xa2: {  	_ =	swait.ge [sflag:s23], $0x1  }
0xa3: {  	[sflag:s23] =	ssyncset.done $0x0  }
0xa4: {  	s25 =	simm.s32 $0x1B8E;
	s24 =	sld [smem:$0x3FFE];
	[sflag:s23] =	ssyncadd.s32 $0xFFFFFFFF  }
0xa5: {  	s26 =	simm.s32 $execute0_lowered;
	[smem:$0x3FD2] =	sst s25  }
0xa6: {  	s4 =	sshll.u32 s26, $0x1;
	_ =	strace $0x80000046;
	[dreg:$0x1] =	wrdreg $0xFFFFFFFF  }
0xa7: {  	s28 =	simm.s32 $_size_execute0_lowered;
	s2 =	sadd.s32 s2, s4;
	[dreg:$0x0] =	wrdreg $0x0  }
0xa8: {  	s4 =	sshll.u32 s28, $0x1;
	[dreg:$0x2] =	wrdreg s2  }
0xa9: {  	[dreg:$0x3] =	wrdreg s4  }
0xaa: {  	[dreg:$0x4] =	wrdreg $0xC0  }
0xab: {  	_ =	task [dreg:s6], $0x5FFFF  }
0xac: {  	[dreg:$0x1] =	wrdreg $0xFFFFFFFF  }
0xad: {  	[dreg:$0x0] =	wrdreg $0x60  }
0xae: {  	[dreg:$0x2] =	wrdreg s24  }
0xaf: {  	[dreg:$0x3] =	wrdreg $0x1800  }
0xb0: {  	[dreg:$0x4] =	wrdreg $0x9  }
0xb1: {  	_ =	task.clear_ibuf [dreg:s6], $0x5FFFF;
	_ =	strace $0x90000046  }
0xb2: {  	s29 =	simm.s32 $0x9;
	_ =	strace $0x80000048  }
0xb3: {  	_ =	swait.ge [sflag:s29], $0x1  }
0xb4: {  	[sflag:s29] =	ssyncadd.s32 $0xFFFFFFFF  }
0xb5: {  	_ =	strace $0x90000048  }
0xb6: {  	_ =	sfence  }
0xb7: {  	s30 =	sld [smem:$0x0];
	_ =	sdelay $0x2  }
0xb8: {  	s31 =	sshll.u32 s1, $0xD;
	s1 =	sshrl.u32 s1, $0x2  }
0xb9: {  	s3 =	sand.u32 $0x4000, s31;
	s1 =	sadd.s32 s1, s30  }
0xba: {  	s0 =	sor.u32 s3, s0;
	s1 =	sshll.u32 s1, $0x11  }
0xbb: {  	s0 =	sor.u32 s1, s0  }
0xbc: {  	s0 =	sadd.s32 $0x8F2B, s0  }
0xbd: {  	[sflag:s0] =	ssyncadd.remote.s32 $0x1  }
0xbe: {  	_ =	sfence.sel $0xFFFF  }
0xbf: {  	[dreg:$0x0] =	wrdreg $0xFFFFFFFF;
	(pc) =	sbr.abs _section_cstart, $3  }
0xc0: {  	[dreg:$0x1] =	wrdreg $0xFFFFFFFF  }
0xc1: {  	_ =	task.clear_ibuf [dreg:s6], $0x2FFFF;
	_ =	strace $0x9FFFFFFF  }
0xc2: {  	(tm) =	ssettm $0x7FFFFFFF  }
0xc3: {  	_ =	shalt  }
tec
execute0_lowered:
.L_overlay_start_1:
0x0: {  	(tag) =	ssettag $0x1  }
0x1: {  	s6 =	rddreg [dreg:$0x0]  }
0x2: {  	s1 =	rddreg [dreg:$0x1]  }
0x3: {  	s3 =	srdreg.scid;
	s0 =	rddreg [dreg:$0x2];
	s2 =	simm.s32 $0x0  }
0x4: {  	s18 =	stileid.u32;
	s14 =	simm.s32 $0x3;
	s15 =	simm.s32 $0x50  }
0x5: {  	s17 =	simm.s32 $0x1;
	s19 =	simm.s32 $0x2;
	s23 =	simm.s32 $0x0  }
0x6: {  	s9 =	sand.u32 $0x1, s3;
	[smem:$0x7FF] =	sst s2;
	s4 =	sadd.s32 $0x12200, s6  }
0x7: {  	s12 =	smul.u32 $0x2710, s18;
	p0 =	seq.s32 s18, $0x0;
	s3 =	sshll.u32 s9, $0x4  }
0x8: {  	_ =	strace $0x80000047;
	s8 =	ssub.s32 $0x2, s9;
	s11 =	smul.u32 $0x27100, s9  }
0x9: {  	p1 =	seq.s32 s9, $0x1;
	s16 =	sor.u32 s9, s18;
	s5 =	sor.u32 s18, s3  }
0xa: {  	s3 =	sadd.s32 $0x8400, s6;
	s10 =	sshrl.u32 s8, $0x1;
	p0 =	por !p0, !p1  }
0xb: {  	p2 =	sne.s32 s16, $0x0;
	s16 =	simm.s32 $0x100;
	s7 =	smul.u32 $0x2710, s5  }
0xc: {  	s5 =	sadd.s32 $0x12800, s6;
	s6 =	sadd.s32 $0x12E00, s6;
	s10 =	ssub.s32 s8, s10  }
0xd: {  	s12 =	sadd.s32 s12, s11;
	p1 =	por !p0, !p0;
	p0 =	sne.s32 s18, $0x0  }
0xe: {  	s20 =	sshll.u32 @!p2 s18, $0x6;
	s18 =	simm.s32 $0x80;
	s21 =	sshrl.u32 @!p2 s1, $0x3  }
0xf: {  	s9 =	smax.u32 s10, $0x1;
	s11 =	sadd.s32 $0xF0, s12;
	s12 =	sadd.s32 $0xA0, s12  }
0x10: {  	s13 =	sshrl.u32 @!p0 s1, $0x3;
	s20 =	sor.u32 @!p2 $0x1C03, s20;
	s7 =	sshrl.u32 s7, $0x3  }
0x11: {  	s22 =	sshrl.u32 @p1 s1, $0x3;
	s11 =	sshrl.u32 s11, $0x3;
	s7 =	sadd.s32 s3, s7  }
0x12: {  	v0 =	vimm.f32 $1.000000000e+00;
	s11 =	sadd.s32 s11, s3;
	s8 =	sadd.s32 $0xA, s7;
	s10 =	sadd.s32 $0x4D8, s7  }
.LBB2_1:
0x13: {  	[tilespmem:$0x100] =	vst v0  }
0x14: {  	[tilespmem:$0x110] =	vst v0  }
0x15: {  	[tilespmem:$0x120] =	vst v0  }
0x16: {  	[tilespmem:$0x130] =	vst v0  }
0x17: {  	[tilespmem:$0x140] =	vst v0;
	s24 =	simm.s32 @!p0 $0x1C03  }
0x18: {  	[spmem:s13], [sflag:s24] =	dma.local @!p0 [hbm:s4], $0x4F0  }
0x19: {  	s24 =	simm.s32 @!p0 $0x3  }
0x1a: {  	_ =	swait.ge @!p0 [sflag:s24], $0x4F0  }
0x1b: {  	[sflag:s24] =	ssyncset.done @!p0 $0x0  }
0x1c: {  	[sflag:s24] =	ssyncadd.s32 @!p0 $0xFFFFFB10  }
0x1d: {  	[bflag:$0x0] =	sbarrier.arrive $0xFFFF  }
0x1e: {  	[tilespmem:s2], [sflag:$0x3] =	stream.linear.gather [hbm4b:s7+s2], $0x50, $0x38;
	[tilespmem:$0x3F8] =	vst v63  }
0x1f: {  	_ =	swait.ge [sflag:s14], $0x50  }
0x20: {  	[sflag:s14] =	ssyncset.done $0x0  }
0x21: {  	[sflag:s14] =	ssyncadd.s32 $0xFFFFFFB0  }
0x22: {  	[spmem:s1] =	stream.indirect.scatter.add.f32 [tilespmem:s16], [sflag:$0x3], $0x1, s2, s15, $0xb8;
	[tilespmem:$0x3F8] =	vst v63  }
0x23: {  	_ =	swait.ge [sflag:s14], $0x50  }
0x24: {  	[sflag:s14] =	ssyncset.done $0x0  }
0x25: {  	[sflag:s14] =	ssyncadd.s32 $0xFFFFFFB0  }
0x26: {  	[tilespmem:s2], [sflag:$0x1] =	stream.linear.gather [hbm4b:s8+s2], $0x50, $0x38;
	[tilespmem:$0x3F8] =	vst v63  }
0x27: {  	_ =	swait.ge [sflag:s17], $0x50  }
0x28: {  	s30 =	sshrl.u32 s12, $0x3;
	[sflag:s17] =	ssyncset.done $0x0  }
0x29: {  	s24 =	sadd.s32 s3, s30;
	[sflag:s17] =	ssyncadd.s32 $0xFFFFFFB0  }
0x2a: {  	[tilespmem:s18], [sflag:$0x2] =	stream.linear.gather [hbm4b:s24+s2], $0x50, $0x38;
	[tilespmem:$0x3F8] =	vst v63  }
0x2b: {  	_ = 	snop  }
0x2c: {  	[spmem:s1] =	stream.indirect.scatter.add.f32 [tilespmem:s16], [sflag:$0x3], $0x1, s2, s15, $0xb8;
	[tilespmem:$0x3F8] =	vst v63  }
0x2d: {  	_ =	swait.ge [sflag:s14], $0x50  }
0x2e: {  	[sflag:s14] =	ssyncset.done $0x0  }
0x2f: {  	[sflag:s14] =	ssyncadd.s32 $0xFFFFFFB0  }
0x30: {  	_ =	swait.ge [sflag:s19], $0x50  }
0x31: {  	[sflag:s19] =	ssyncset.done $0x0  }
0x32: {  	s31 =	sadd.s32 $0x0, s11;
	[sflag:s19] =	ssyncadd.s32 $0xFFFFFFB0  }
0x33: {  	[tilespmem:s2], [sflag:$0x1] =	stream.linear.gather [hbm4b:s31+s2], $0x50, $0x38;
	[tilespmem:$0x3F8] =	vst v63  }
0x34: {  	_ = 	snop  }
0x35: {  	[spmem:s1] =	stream.indirect.scatter.add.f32 [tilespmem:s16], [sflag:$0x3], $0x1, s18, s15, $0xb8;
	[tilespmem:$0x3F8] =	vst v63  }
0x36: {  	_ =	swait.ge [sflag:s14], $0x50  }
0x37: {  	s25 =	smov.u32 s12;
	s24 =	simm.s32 $0x14;
	[sflag:s14] =	ssyncset.done $0x0  }
.LBB2_2:
0x38: {  	p3 =	sne.s32 s24, $0x4B0;
	[sflag:s14] =	ssyncadd.s32 $0xFFFFFFB0;
	s25 =	sadd.s32 $0xA0, s25  }
0x39: {  	s26 =	smov.u32 s24;
	s24 =	sadd.s32 $0x14, s24  }
0x3a: {  	_ =	swait.ge [sflag:s17], $0x50  }
0x3b: {  	s28 =	sshrl.u32 s25, $0x3;
	[sflag:s17] =	ssyncset.done $0x0  }
0x3c: {  	s28 =	sadd.s32 s3, s28;
	[sflag:s17] =	ssyncadd.s32 $0xFFFFFFB0  }
0x3d: {  	[tilespmem:s18], [sflag:$0x2] =	stream.linear.gather [hbm4b:s28+s2], $0x50, $0x38;
	[tilespmem:$0x3F8] =	vst v63  }
0x3e: {  	_ = 	snop  }
0x3f: {  	[spmem:s1] =	stream.indirect.scatter.add.f32 [tilespmem:s16], [sflag:$0x3], $0x1, s2, s15, $0xb8;
	[tilespmem:$0x3F8] =	vst v63  }
0x40: {  	_ =	swait.ge [sflag:s14], $0x50  }
0x41: {  	[sflag:s14] =	ssyncset.done $0x0  }
0x42: {  	[sflag:s14] =	ssyncadd.s32 $0xFFFFFFB0  }
0x43: {  	_ =	swait.ge [sflag:s19], $0x50  }
0x44: {  	[sflag:s19] =	ssyncset.done $0x0  }
0x45: {  	s26 =	sadd.s32 s26, s11;
	[sflag:s19] =	ssyncadd.s32 $0xFFFFFFB0  }
0x46: {  	[tilespmem:s2], [sflag:$0x1] =	stream.linear.gather [hbm4b:s26+s2], $0x50, $0x38;
	[tilespmem:$0x3F8] =	vst v63  }
.Ltmp0:
0x47: {  	_ = 	snop;
	(pc) =	sbr.rel @p3 .LBB2_2-.Ltmp0, $4  }
0x48: {  	_ = 	snop  }
0x49: {  	[spmem:s1] =	stream.indirect.scatter.add.f32 [tilespmem:s16], [sflag:$0x3], $0x1, s18, s15, $0xb8;
	[tilespmem:$0x3F8] =	vst v63  }
0x4a: {  	_ =	swait.ge [sflag:s14], $0x50  }
0x4b: {  	[sflag:s14] =	ssyncset.done $0x0  }
0x4c: {  	[sflag:s14] =	ssyncadd.s32 $0xFFFFFFB0  }
0x4d: {  	_ =	swait.ge [sflag:s17], $0x50  }
0x4e: {  	[sflag:s17] =	ssyncset.done $0x0  }
0x4f: {  	[sflag:s17] =	ssyncadd.s32 $0xFFFFFFB0  }
0x50: {  	[tilespmem:s18], [sflag:$0x2] =	stream.linear.gather [hbm4b:s10+s2], $0x50, $0x38;
	[tilespmem:$0x3F8] =	vst v63  }
0x51: {  	_ = 	snop  }
0x52: {  	[spmem:s1] =	stream.indirect.scatter.add.f32 [tilespmem:s16], [sflag:$0x3], $0x1, s2, s15, $0xb8;
	[tilespmem:$0x3F8] =	vst v63  }
0x53: {  	_ =	swait.ge [sflag:s14], $0x50  }
0x54: {  	[sflag:s14] =	ssyncset.done $0x0  }
0x55: {  	[sflag:s14] =	ssyncadd.s32 $0xFFFFFFB0  }
0x56: {  	_ =	swait.ge [sflag:s19], $0x50  }
0x57: {  	[sflag:s19] =	ssyncset.done $0x0  }
0x58: {  	[sflag:s19] =	ssyncadd.s32 $0xFFFFFFB0  }
0x59: {  	[spmem:s1] =	stream.indirect.scatter.add.f32 [tilespmem:s16], [sflag:$0x3], $0x1, s18, s15, $0xb8;
	[tilespmem:$0x3F8] =	vst v63  }
0x5a: {  	_ =	swait.ge [sflag:s14], $0x50  }
0x5b: {  	[sflag:s14] =	ssyncset.done $0x0  }
0x5c: {  	[sflag:s14] =	ssyncadd.s32 $0xFFFFFFB0  }
0x5d: {  	s24 =	simm.s32 @!p2 $0x3;
	[bflag:$0x0] =	sbarrier.arrive $0xFFFF  }
0x5e: {  	[hbm:s5], [sflag:s20] =	dma.local @!p2 [spmem:s21], $0x4F0  }
0x5f: {  	_ =	swait.ge @!p2 [sflag:s24], $0x4F0  }
0x60: {  	s23 =	sadd.s32 $0x1, s23;
	[sflag:s24] =	ssyncset.done @!p2 $0x0  }
0x61: {  	p3 =	sne.s32 s23, s9;
	[sflag:s24] =	ssyncadd.s32 @!p2 $0xFFFFFB10;
	s24 =	simm.s32 @p1 $0x1C03  }
0x62: {  	[hbm:s6], [sflag:s24] =	dma.local @p1 [spmem:s22], $0x4F0  }
.Ltmp1:
0x63: {  	_ = 	snop;
	(pc) =	sbr.rel @p3 .LBB2_1-.Ltmp1, $4  }
0x64: {  	s24 =	simm.s32 @p1 $0x3  }
0x65: {  	_ =	swait.ge @p1 [sflag:s24], $0x4F0  }
0x66: {  	[sflag:s24] =	ssyncset.done @p1 $0x0  }
0x67: {  	[sflag:s24] =	ssyncadd.s32 @p1 $0xFFFFFB10  }
0x68: {  	_ =	sfence.sel $0x180000  }
0x69: {  	[bflag:$0x0] =	sbarrier.arrive $0xFFFF  }
0x6a: {  	_ =	strace $0x90000047  }
0x6b: {  	s0 =	sadd.s32 @!p0 $0x100000, s0;
	[bflag:$0x2] =	sbarrier.arrive $0xFFFF  }
0x6c: {  	[sflag:s0] =	ssyncadd.tile.s32 @!p0 $0x1;
	_ =	shalt  }
.Lfunc_end2:
_tile_overlayer_lowered:
.L_overlay_start_2:
0x6d: {  	(tag) =	ssettag $0x2  }
0x6e: {  	s0 =	rddreg [dreg:$0x0];
	s2 =	stileid.u32  }
0x6f: {  	s1 =	rddreg [dreg:$0x1];
	p0 =	sne.s32 s2, $0x0  }
0x70: {  	s3 =	rddreg [dreg:$0x2];
	[bflag:$0x3] =	sbarrier.arrive $0xFFFF;
	s2 =	simm.s32 @!p0 $0x1C03  }
0x71: {  	[timem:s3], [sflag:s2] =	dma.local @!p0 [hbm:s0], s1  }
0x72: {  	s0 =	simm.s32 @!p0 $0x3  }
0x73: {  	_ =	swait.ge @!p0 [sflag:s0], s1  }
0x74: {  	s1 =	ssub.s32 @!p0 $0x0, s1;
	[sflag:s0] =	ssyncset.done @!p0 $0x0  }
0x75: {  	[sflag:s0] =	ssyncadd.s32 @!p0 s1  }
0x76: {  	[bflag:$0x3] =	sbarrier.arrive $0xFFFF  }
0x77: {  	_ =	shalt  }

// kernel: kernel.17.cloned.1.call-start
scs
__scs_entry_jumppad:
0x0: {  	(pc) =	sbr.rel $0x88, $3  }
0x1: {  	(tag) =	ssettag $0x0;
	lr =	simm.s32 $0x1  }
0x2: {  	[smem:$0x3F92] =	sst lr;
	_ =	strace $0xD0000000  }
0x3: {  	_ = 	snop  }
0x4: {  	_ = 	snop  }
0x5: {  	_ = 	snop  }
0x6: {  	_ = 	snop  }
0x7: {  	_ = 	snop  }
__scs_overlays_trampoline_lowered:
0x8: {  	[smem:$0x3FA1] =	sst s0  }
0x9: {  	[smem:$0x3FA2] =	sst s1  }
0xa: {  	[smem:$0x3FA3] =	sst s2  }
0xb: {  	[smem:$0x3FA4] =	sst s3  }
0xc: {  	[smem:$0x3FA5] =	sst s4  }
0xd: {  	[smem:$0x3FA6] =	sst s5  }
0xe: {  	[smem:$0x3FA7] =	sst s6  }
0xf: {  	[smem:$0x3FA8] =	sst s7  }
0x10: {  	[smem:$0x3FA9] =	sst s8  }
0x11: {  	[smem:$0x3FAA] =	sst s9;
	s0 =	simm.s32 @!p0 $0x0  }
0x12: {  	s1 =	sld [smem:$0x3F90];
	s0 =	simm.s32 @p0 $0x1  }
0x13: {  	[smem:$0x3FAB] =	sst s0;
	s0 =	simm.s32 @!p1 $0x0  }
0x14: {  	s2 =	sld [smem:$0x3F8F];
	s0 =	simm.s32 @p1 $0x1  }
0x15: {  	[smem:$0x3FAC] =	sst s0;
	s0 =	simm.s32 @!p2 $0x0  }
0x16: {  	s3 =	sld [smem:$0x3FDB];
	s0 =	simm.s32 @p2 $0x1  }
0x17: {  	s4 =	simm.s32 $0x1BF5;
	[smem:$0x3FAE] =	sst s0  }
0x18: {  	s0 =	sld [smem:$0x3F91];
	_ =	swait.ge [sflag:s4], $0x0  }
0x19: {  	s7 =	sld [smem:$0x3F92]  }
0x1a: {  	s8 =	sadd.s32 $0xFFFFE003, lr  }
0x1b: {  	s9 =	sadd.s32 $0xFFFFFEF7, lr;
	s5 =	simm.s32 $0xFFFFFFFF;
	p2 =	slt.u32 s8, $0xFFFFF086  }
0x1c: {  	p1 =	slt.u32 s9, $0xF7A;
	s5 =	simm.s32 @!p2 $0x0  }
0x1d: {  	s5 =	simm.s32 @p1 $0x1;
	p0 =	seq.s32 s7, s2  }
0x1e: {  	s7 =	smul.u32 @!p0 $0xF7A, s2;
	p2 =	seq.s32 @!p0 s5, $0x0  }
0x1f: {  	s9 =	smul.u32 $0xF7A, s1;
	s8 =	simm.s32 @!p0 $0x1BF5;
	p2 =	por !p2, p0  }
0x20: {  	[sflag:s8] =	ssyncset.s32 @!p0 $0xFFFFF086;
	s6 =	sadd.s32 @!p0 s3, s7;
	s7 =	simm.s32 @!p0 $0x108  }
0x21: {  	s3 =	sadd.s32 s3, s9;
	s6 =	sadd.s32 @!p0 $0x88, s6;
	s7 =	simm.s32 @p2 $0x1082  }
0x22: {  	[simem:s7], [sflag:s8] =	dma.local @!p0 [hbm:s6], $0xF7A  }
0x23: {  	s9 =	sor.u32 $0xD0000000, s2;
	s6 =	simm.s32 $0x108;
	_ =	swait.ge @!p0 [sflag:s8], $0x0  }
0x24: {  	s3 =	sadd.s32 $0x88, s3;
	s6 =	simm.s32 @!p1 $0x1082;
	[sflag:s4] =	ssyncset.s32 $0xFFFFF086  }
0x25: {  	[simem:s6], [sflag:s4] =	dma.local [hbm:s3], $0xF7A  }
0x26: {  	[smem:$0x3F92] =	sst s1;
	(tag) =	ssettag s2;
	_ =	strace s9  }
0x27: {  	s1 =	sld [smem:$0x3FA2]  }
0x28: {  	s2 =	sld [smem:$0x3FA3]  }
0x29: {  	s4 =	sld [smem:$0x3FA5]  }
0x2a: {  	p0 =	seq.s32 s5, $0x0;
	s5 =	sld [smem:$0x3FA6]  }
0x2b: {  	s6 =	sld [smem:$0x3FA7]  }
0x2c: {  	s7 =	sld [smem:$0x3FA8]  }
0x2d: {  	s3 =	simm.s32 $0x108;
	s8 =	sld [smem:$0x3FA9]  }
0x2e: {  	s3 =	simm.s32 @!p0 $0x1082;
	s9 =	sld [smem:$0x3FAA]  }
0x2f: {  	lr =	sadd.s32 s0, s3;
	s0 =	sld [smem:$0x3FA1]  }
0x30: {  	s3 =	sld [smem:$0x3FA4]  }
0x31: {  	[smem:$0x3FAD] =	sst s10  }
0x32: {  	s10 =	sld [smem:$0x3FAB];
	_ =	sdelay $0x3  }
0x33: {  	p0 =	seq.s32 s10, $0x1;
	s10 =	sld [smem:$0x3FAD];
	_ =	sdelay $0x3  }
0x34: {  	[smem:$0x3FAD] =	sst s10  }
0x35: {  	s10 =	sld [smem:$0x3FAC];
	_ =	sdelay $0x3  }
0x36: {  	p1 =	seq.s32 s10, $0x1;
	s10 =	sld [smem:$0x3FAD];
	_ =	sdelay $0x3  }
0x37: {  	[smem:$0x3FAD] =	sst s10  }
0x38: {  	s10 =	sld [smem:$0x3FAE]  }
0x39: {  	_ = 	snop;
	(pc) =	sbr.ind lr, $3  }
0x3a: {  	_ = 	snop  }
0x3b: {  	_ = 	snop  }
0x3c: {  	p2 =	seq.s32 s10, $0x1;
	s10 =	sld [smem:$0x3FAD]  }
0x3d: {  	_ =	shalt  }
0x3e: {  	_ =	shalt  }
0x3f: {  	_ =	shalt  }
0x40: {  	_ =	shalt  }
0x41: {  	_ =	shalt  }
0x42: {  	_ =	shalt  }
0x43: {  	_ =	shalt  }
0x44: {  	_ =	shalt  }
0x45: {  	_ =	shalt  }
0x46: {  	_ =	shalt  }
0x47: {  	_ =	shalt  }
0x48: {  	_ =	shalt  }
0x49: {  	_ =	shalt  }
0x4a: {  	_ =	shalt  }
0x4b: {  	_ =	shalt  }
0x4c: {  	_ =	shalt  }
0x4d: {  	_ =	shalt  }
0x4e: {  	_ =	shalt  }
0x4f: {  	_ =	shalt  }
0x50: {  	_ =	shalt  }
0x51: {  	_ =	shalt  }
0x52: {  	_ =	shalt  }
0x53: {  	_ =	shalt  }
0x54: {  	_ =	shalt  }
0x55: {  	_ =	shalt  }
0x56: {  	_ =	shalt  }
0x57: {  	_ =	shalt  }
0x58: {  	_ =	shalt  }
0x59: {  	_ =	shalt  }
0x5a: {  	_ =	shalt  }
0x5b: {  	_ =	shalt  }
0x5c: {  	_ =	shalt  }
0x5d: {  	_ =	shalt  }
0x5e: {  	_ =	shalt  }
0x5f: {  	_ =	shalt  }
0x60: {  	_ =	shalt  }
0x61: {  	_ =	shalt  }
0x62: {  	_ =	shalt  }
0x63: {  	_ =	shalt  }
0x64: {  	_ =	shalt  }
0x65: {  	_ =	shalt  }
0x66: {  	_ =	shalt  }
0x67: {  	_ =	shalt  }
0x68: {  	_ =	shalt  }
0x69: {  	_ =	shalt  }
0x6a: {  	_ =	shalt  }
0x6b: {  	_ =	shalt  }
0x6c: {  	_ =	shalt  }
0x6d: {  	_ =	shalt  }
0x6e: {  	_ =	shalt  }
0x6f: {  	_ =	shalt  }
0x70: {  	_ =	shalt  }
0x71: {  	_ =	shalt  }
0x72: {  	_ =	shalt  }
0x73: {  	_ =	shalt  }
0x74: {  	_ =	shalt  }
0x75: {  	_ =	shalt  }
0x76: {  	_ =	shalt  }
0x77: {  	_ =	shalt  }
0x78: {  	_ =	shalt  }
0x79: {  	_ =	shalt  }
0x7a: {  	_ =	shalt  }
0x7b: {  	_ =	shalt  }
0x7c: {  	_ =	shalt  }
0x7d: {  	_ =	shalt  }
0x7e: {  	_ =	shalt  }
0x7f: {  	_ =	shalt  }
0x80: {  	_ =	shalt  }
0x81: {  	_ =	shalt  }
0x82: {  	_ =	shalt  }
0x83: {  	_ =	shalt  }
0x84: {  	_ =	shalt  }
0x85: {  	_ =	shalt  }
0x86: {  	_ =	shalt  }
0x87: {  	_ =	shalt  }
.Lfunc_end0:
.L_simem_size_0:
called_computation.1_lowered:
.L_overlay_start_0:
0x88: {  	s2 =	sld [smem:$0x3FD9]  }
0x89: {  	s3 =	sld [smem:$0x3FFE];
	_ =	sdelay $0x1  }
0x8a: {  	s1 =	srdreg.scid  }
0x8b: {  	s0 =	sand.u32 $0x1, s1  }
0x8c: {  	s16 =	sshll.u32 s0, $0xA;
	s2 =	sadd.s32 s3, s2  }
0x8d: {  	s2 =	sadd.s32 s2, s16  }
0x8e: {  	[smem:$0x3FB9] =	sst s2  }
0x8f: {  	_ = 	snop  }
0x90: {  	(tm) =	ssettm $0x1  }
0x91: {  	s17 =	sld [smem:$0x3FFB];
	_ =	sdelay $0x3  }
0x92: {  	_ =	strace s17  }
0x93: {  	s2 =	sld [smem:$0x3FFC];
	_ =	sdelay $0x3  }
0x94: {  	_ =	strace s2  }
0x95: {  	s2 =	sld [smem:$0x3FFD];
	_ =	sdelay $0x3  }
0x96: {  	_ =	strace s2  }
0x97: {  	_ =	strace $0x8FFFFFFF  }
0x98: {  	s18 =	sld [smem:$0x3FDB];
	_ =	sdelay $0x1  }
0x99: {  	s19 =	simm.s32 $_scs_section_size  }
0x9a: {  	s4 =	simm.s32 $_size__tile_overlayer_lowered;
	s5 =	simm.s32 $_tile_overlayer_lowered  }
0x9b: {  	s22 =	simm.s32 $0x1BFF;
	s21 =	sshll.u32 s5, $0x1;
	s2 =	sadd.s32 s19, s18  }
0x9c: {  	s6 =	simm.s32 $0x0;
	s20 =	sshll.u32 s4, $0x1;
	s4 =	sadd.s32 s21, s2  }
0x9d: {  	[timem:s6], [sflag:s22] =	dma.local [hbm:s4], s20  }
0x9e: {  	_ =	swait.ge [sflag:s22], s20  }
0x9f: {  	s3 =	ssub.s32 $0x0, s20;
	[sflag:s22] =	ssyncset.done $0x0  }
0xa0: {  	[sflag:s22] =	ssyncadd.s32 s3;
	_ =	sdelay $0x1  }
0xa1: {  	s23 =	simm.s32 $0x1B8B  }
0xa2: {  	_ =	swait.ge [sflag:s23], $0x1  }
0xa3: {  	[sflag:s23] =	ssyncset.done $0x0  }
0xa4: {  	s25 =	simm.s32 $0x1B8E;
	s24 =	sld [smem:$0x3FFE];
	[sflag:s23] =	ssyncadd.s32 $0xFFFFFFFF  }
0xa5: {  	s26 =	simm.s32 $execute0_lowered;
	[smem:$0x3FD2] =	sst s25  }
0xa6: {  	s4 =	sshll.u32 s26, $0x1;
	_ =	strace $0x80000049;
	[dreg:$0x1] =	wrdreg $0xFFFFFFFF  }
0xa7: {  	s28 =	simm.s32 $_size_execute0_lowered;
	s2 =	sadd.s32 s2, s4;
	[dreg:$0x0] =	wrdreg $0x0  }
0xa8: {  	s4 =	sshll.u32 s28, $0x1;
	[dreg:$0x2] =	wrdreg s2  }
0xa9: {  	[dreg:$0x3] =	wrdreg s4  }
0xaa: {  	[dreg:$0x4] =	wrdreg $0xC0  }
0xab: {  	_ =	task [dreg:s6], $0x5FFFF  }
0xac: {  	[dreg:$0x1] =	wrdreg $0xFFFFFFFF  }
0xad: {  	[dreg:$0x0] =	wrdreg $0x60  }
0xae: {  	[dreg:$0x2] =	wrdreg s24  }
0xaf: {  	[dreg:$0x3] =	wrdreg $0x84000  }
0xb0: {  	[dreg:$0x4] =	wrdreg $0x9  }
0xb1: {  	_ =	task.clear_ibuf [dreg:s6], $0x5FFFF;
	_ =	strace $0x90000049  }
0xb2: {  	s29 =	simm.s32 $0x9;
	_ =	strace $0x8000004B  }
0xb3: {  	_ =	swait.ge [sflag:s29], $0x1  }
0xb4: {  	[sflag:s29] =	ssyncadd.s32 $0xFFFFFFFF  }
0xb5: {  	_ =	strace $0x9000004B  }
0xb6: {  	_ =	sfence  }
0xb7: {  	s30 =	sld [smem:$0x0];
	_ =	sdelay $0x2  }
0xb8: {  	s31 =	sshll.u32 s1, $0xD;
	s1 =	sshrl.u32 s1, $0x2  }
0xb9: {  	s3 =	sand.u32 $0x4000, s31;
	s1 =	sadd.s32 s1, s30  }
0xba: {  	s0 =	sor.u32 s3, s0;
	s1 =	sshll.u32 s1, $0x11  }
0xbb: {  	s0 =	sor.u32 s1, s0  }
0xbc: {  	s0 =	sadd.s32 $0x8F2B, s0  }
0xbd: {  	[sflag:s0] =	ssyncadd.remote.s32 $0x1  }
0xbe: {  	_ =	sfence.sel $0xFFFF  }
0xbf: {  	[dreg:$0x0] =	wrdreg $0xFFFFFFFF;
	(pc) =	sbr.abs _section_cstart, $3  }
0xc0: {  	[dreg:$0x1] =	wrdreg $0xFFFFFFFF  }
0xc1: {  	_ =	task.clear_ibuf [dreg:s6], $0x2FFFF;
	_ =	strace $0x9FFFFFFF  }
0xc2: {  	(tm) =	ssettm $0x7FFFFFFF  }
0xc3: {  	_ =	shalt  }
tec
execute0_lowered:
.L_overlay_start_1:
0x0: {  	(tag) =	ssettag $0x1  }
0x1: {  	s0 =	rddreg [dreg:$0x0]  }
0x2: {  	s2 =	rddreg [dreg:$0x1];
	s3 =	simm.s32 $0x0;
	s14 =	stileid.u32  }
0x3: {  	s6 =	srdreg.scid;
	s15 =	simm.s32 $0xC3C00;
	s17 =	simm.s32 $0x7D  }
0x4: {  	s18 =	simm.s32 $0x400;
	s19 =	simm.s32 $0x1;
	s21 =	simm.s32 $0x4400  }
0x5: {  	s28 =	simm.s32 $0x2;
	s29 =	simm.s32 $0x0;
	[smem:$0x7FF] =	sst s3  }
0x6: {  	s1 =	smul.u32 $0x271, s14;
	s4 =	sadd.s32 $0x27400, s0;
	s5 =	sadd.s32 $0x1D400, s0  }
0x7: {  	s12 =	sadd.s32 $0x13400, s0;
	s9 =	sand.u32 $0x1, s6;
	s25 =	sshll.u32 s14, $0x6  }
0x8: {  	_ =	strace $0x8000004A;
	s7 =	ssub.s32 $0x2, s9;
	s8 =	sshll.u32 s9, $0x4  }
0x9: {  	s6 =	sor.u32 $0x1C06, s25;
	p0 =	seq.s32 s9, $0x1;
	s13 =	smul.u32 $0x5000, s9  }
0xa: {  	s1 =	sshrl.u32 s1, $0x3;
	s23 =	sshrl.u32 s7, $0x1;
	s8 =	sor.u32 s14, s8  }
0xb: {  	s14 =	smul.u32 $0x500, s14;
	s15 =	simm.s32 @!p0 $0x9CA00;
	s22 =	sshll.u32 s1, $0x7  }
0xc: {  	s10 =	ssub.s32 s7, s23;
	s1 =	sshll.u32 s1, $0xA;
	s11 =	smul.u32 $0x500, s8  }
0xd: {  	s16 =	sadd.s32 s13, s12;
	s23 =	simm.s32 $0x3;
	s0 =	sadd.s32 s22, s0  }
0xe: {  	s1 =	sadd.s32 s1, s2;
	s9 =	smax.u32 s10, $0x1;
	s24 =	sadd.s32 $0x75800, s0  }
0xf: {  	s31 =	sadd.s32 s14, s16;
	s26 =	sadd.s32 s5, s11;
	[dreg:$0x3] =	wrdreg s24  }
0x10: {  	s30 =	sadd.s32 s12, s11;
	s11 =	sor.u32 $0x20, s11;
	[dreg:$0x4] =	wrdreg s26  }
0x11: {  	s16 =	simm.s32 $0x6;
	[dreg:$0x5] =	wrdreg s30;
	s10 =	sadd.s32 s5, s11  }
0x12: {  	s11 =	sadd.s32 s12, s11;
	s5 =	sadd.s32 s13, s5;
	s12 =	sadd.s32 s15, s0  }
0x13: {  	s15 =	sshrl.u32 s1, $0x3;
	s24 =	simm.s32 $0x4;
	s5 =	sadd.s32 s14, s5  }
0x14: {  	s26 =	simm.s32 $0x5;
	s14 =	sadd.s32 $0x40, s31;
	s13 =	sadd.s32 $0x40, s5  }
.LBB2_1:
0x15: {  	s0 =	rddreg [dreg:$0x3]  }
0x16: {  	[spmem:s15], [sflag:s6] =	dma.local [hbm:s0], $0x2780  }
0x17: {  	_ =	swait.ge [sflag:s16], $0x2780  }
0x18: {  	[sflag:s16] =	ssyncset.done $0x0  }
0x19: {  	s8 =	rddreg [dreg:$0x4];
	[sflag:s16] =	ssyncadd.s32 $0xFFFFD880  }
0x1a: {  	[tilespmem:s3], [sflag:$0x6] =	stream.linear.gather [hbm4b:s8+s3], $0x100, $0x38;
	[tilespmem:$0x1BC80] =	vst v63  }
0x1b: {  	_ =	swait.ge [sflag:s16], $0x100  }
0x1c: {  	[sflag:s16] =	ssyncset.done $0x0  }
0x1d: {  	s0 =	simm.s32 $0x200;
	s1 =	rddreg [dreg:$0x5];
	[sflag:s16] =	ssyncadd.s32 $0xFFFFFF00  }
0x1e: {  	[tilespmem:s0], [sflag:$0x6] =	stream.linear.gather [hbm4b:s1+s3], $0x100, $0x38;
	[tilespmem:$0x1BC80] =	vst v63  }
0x1f: {  	_ =	swait.ge [sflag:s16], $0x100  }
0x20: {  	[sflag:s16] =	ssyncset.done $0x0  }
0x21: {  	[sflag:s16] =	ssyncadd.s32 $0xFFFFFF00  }
0x22: {  	[bflag:$0x0] =	sbarrier.arrive $0xFFFF  }
0x23: {  	[tilespmem:s18], [sflag:$0x1] =	stream.indirect.gather [hbm4b:s4+s17], $0x80, s3, s17, $0xb8;
	[tilespmem:$0x1BC80] =	vst v63  }
0x24: {  	_ =	swait.ge [sflag:s19], $0x3E80  }
0x25: {  	[sflag:s19] =	ssyncset.done $0x0  }
0x26: {  	s20 =	simm.s32 $0x80;
	[sflag:s19] =	ssyncadd.s32 $0xFFFFC180  }
0x27: {  	[tilespmem:s21], [sflag:$0x2] =	stream.indirect.gather [hbm4b:s4+s17], $0x80, s20, s17, $0xb8;
	[tilespmem:$0x1BC80] =	vst v63  }
0x28: {  	s22 =	simm.s32 $0x100  }
0x29: {  	[tilespmem:s22], [sflag:$0x3] =	stream.linear.gather [hbm4b:s10+s3], $0x100, $0x38;
	[tilespmem:$0x1BC80] =	vst v63  }
0x2a: {  	s5 =	simm.s32 $0x300  }
0x2b: {  	[tilespmem:s5], [sflag:$0x3] =	stream.linear.gather [hbm4b:s11+s3], $0x100, $0x38;
	[tilespmem:$0x1BC80] =	vst v63  }
0x2c: {  	_ = 	snop  }
0x2d: {  	[spmem:s2] =	stream.indirect.scatter.add.f32 [tilespmem:s18], [sflag:$0x4], $0x80, s0, s17, $0xb8;
	[tilespmem:$0x1BC80] =	vst v63  }
0x2e: {  	_ =	swait.ge [sflag:s28], $0x3E80  }
0x2f: {  	[sflag:s28] =	ssyncset.done $0x0  }
0x30: {  	[sflag:s28] =	ssyncadd.s32 $0xFFFFC180  }
0x31: {  	_ =	swait.ge [sflag:s23], $0x100  }
0x32: {  	[sflag:s23] =	ssyncset.done $0x0  }
0x33: {  	[sflag:s23] =	ssyncadd.s32 $0xFFFFFF00  }
0x34: {  	_ =	swait.ge [sflag:s23], $0x100  }
0x35: {  	[sflag:s23] =	ssyncset.done $0x0  }
0x36: {  	[sflag:s23] =	ssyncadd.s32 $0xFFFFFF00  }
0x37: {  	_ =	swait.ge [sflag:s24], $0x3E80  }
0x38: {  	[sflag:s24] =	ssyncset.done $0x0  }
0x39: {  	[sflag:s24] =	ssyncadd.s32 $0xFFFFC180  }
0x3a: {  	[tilespmem:s18], [sflag:$0x1] =	stream.indirect.gather [hbm4b:s4+s17], $0x80, s22, s17, $0xb8;
	[tilespmem:$0x1BC80] =	vst v63  }
0x3b: {  	s25 =	simm.s32 $0x280  }
0x3c: {  	[spmem:s2] =	stream.indirect.scatter.add.f32 [tilespmem:s21], [sflag:$0x5], $0x80, s25, s17, $0xb8;
	[tilespmem:$0x1BC80] =	vst v63  }
0x3d: {  	_ =	swait.ge [sflag:s26], $0x3E80  }
0x3e: {  	[sflag:s26] =	ssyncset.done $0x0  }
0x3f: {  	[sflag:s26] =	ssyncadd.s32 $0xFFFFC180  }
0x40: {  	_ =	swait.ge [sflag:s19], $0x3E80  }
0x41: {  	s7 =	sxor.u32 $0xFFFFFFFF, s28;
	[sflag:s19] =	ssyncset.done $0x0  }
0x42: {  	s1 =	sand.u32 $0x2, s7;
	s5 =	simm.s32 $0x180;
	[sflag:s19] =	ssyncadd.s32 $0xFFFFC180  }
0x43: {  	[tilespmem:s21], [sflag:$0x2] =	stream.indirect.gather [hbm4b:s4+s17], $0x80, s5, s17, $0xb8;
	[tilespmem:$0x1BC80] =	vst v63  }
0x44: {  	s1 =	sshll.u32 s1, $0x7  }
0x45: {  	[tilespmem:s1], [sflag:$0x3] =	stream.linear.gather [hbm4b:s13+s3], $0x100, $0x38;
	[tilespmem:$0x1BC80] =	vst v63  }
0x46: {  	s8 =	sor.u32 $0x200, s1  }
0x47: {  	[tilespmem:s8], [sflag:$0x3] =	stream.linear.gather [hbm4b:s14+s3], $0x100, $0x38;
	[tilespmem:$0x1BC80] =	vst v63  }
0x48: {  	s20 =	simm.s32 $0x300  }
0x49: {  	[spmem:s2] =	stream.indirect.scatter.add.f32 [tilespmem:s18], [sflag:$0x4], $0x80, s20, s17, $0xb8;
	[tilespmem:$0x1BC80] =	vst v63  }
0x4a: {  	_ =	swait.ge [sflag:s28], $0x3E80  }
0x4b: {  	[sflag:s28] =	ssyncset.done $0x0  }
0x4c: {  	[sflag:s28] =	ssyncadd.s32 $0xFFFFC180  }
0x4d: {  	_ =	swait.ge [sflag:s23], $0x100  }
0x4e: {  	[sflag:s23] =	ssyncset.done $0x0  }
0x4f: {  	[sflag:s23] =	ssyncadd.s32 $0xFFFFFF00  }
0x50: {  	_ =	swait.ge [sflag:s23], $0x100  }
0x51: {  	[sflag:s23] =	ssyncset.done $0x0  }
0x52: {  	[sflag:s23] =	ssyncadd.s32 $0xFFFFFF00  }
0x53: {  	_ =	swait.ge [sflag:s24], $0x3E80  }
0x54: {  	[sflag:s24] =	ssyncset.done $0x0  }
0x55: {  	[sflag:s24] =	ssyncadd.s32 $0xFFFFC180  }
0x56: {  	[tilespmem:s18], [sflag:$0x1] =	stream.indirect.gather [hbm4b:s4+s17], $0x80, s1, s17, $0xb8;
	[tilespmem:$0x1BC80] =	vst v63  }
0x57: {  	s22 =	simm.s32 $0x380  }
0x58: {  	[spmem:s2] =	stream.indirect.scatter.add.f32 [tilespmem:s21], [sflag:$0x5], $0x80, s22, s17, $0xb8;
	[tilespmem:$0x1BC80] =	vst v63  }
0x59: {  	_ =	swait.ge [sflag:s26], $0x3E80  }
0x5a: {  	s31 =	sadd.s32 $0x20, s14;
	s25 =	simm.s32 $0x4;
	[sflag:s26] =	ssyncset.done $0x0  }
0x5b: {  	s30 =	simm.s32 $0x300;
	s5 =	sxor.u32 $0xFFFFFFFF, s25;
	[sflag:s26] =	ssyncadd.s32 $0xFFFFC180  }
0x5c: {  	s20 =	simm.s32 $0x6;
	s22 =	sand.u32 $0x100, s0;
	_ =	swait.ge [sflag:s19], $0x3E80  }
0x5d: {  	s0 =	sadd.s32 $0x20, s13;
	s1 =	sor.u32 $0x80, s22;
	[sflag:s19] =	ssyncset.done $0x0  }
.LBB2_2:
0x5e: {  	s5 =	sand.u32 $0x2, s5;
	[sflag:s19] =	ssyncadd.s32 $0xFFFFC180  }
0x5f: {  	s7 =	smov.u32 s20;
	s25 =	sadd.s32 $0x2, s20;
	s8 =	smov.u32 s30  }
0x60: {  	[tilespmem:s21], [sflag:$0x2] =	stream.indirect.gather [hbm4b:s4+s17], $0x80, s1, s17, $0xb8;
	[tilespmem:$0x1BC80] =	vst v63  }
0x61: {  	p0 =	sne.s32 s20, $0x4C;
	s5 =	sshll.u32 s5, $0x7  }
0x62: {  	[tilespmem:s5], [sflag:$0x3] =	stream.linear.gather [hbm4b:s0+s3], $0x100, $0x38;
	[tilespmem:$0x1BC80] =	vst v63  }
0x63: {  	s20 =	sor.u32 $0x200, s5  }
0x64: {  	[tilespmem:s20], [sflag:$0x3] =	stream.linear.gather [hbm4b:s31+s3], $0x100, $0x38;
	[tilespmem:$0x1BC80] =	vst v63  }
0x65: {  	s20 =	sadd.s32 $0x200, s22  }
0x66: {  	[spmem:s2] =	stream.indirect.scatter.add.f32 [tilespmem:s18], [sflag:$0x4], $0x80, s20, s17, $0xb8;
	[tilespmem:$0x1BC80] =	vst v63  }
0x67: {  	_ =	swait.ge [sflag:s28], $0x3E80  }
0x68: {  	[sflag:s28] =	ssyncset.done $0x0  }
0x69: {  	[sflag:s28] =	ssyncadd.s32 $0xFFFFC180  }
0x6a: {  	_ =	swait.ge [sflag:s23], $0x100  }
0x6b: {  	[sflag:s23] =	ssyncset.done $0x0  }
0x6c: {  	[sflag:s23] =	ssyncadd.s32 $0xFFFFFF00  }
0x6d: {  	_ =	swait.ge [sflag:s23], $0x100  }
0x6e: {  	[sflag:s23] =	ssyncset.done $0x0  }
0x6f: {  	[sflag:s23] =	ssyncadd.s32 $0xFFFFFF00  }
0x70: {  	_ =	swait.ge [sflag:s24], $0x3E80  }
0x71: {  	[sflag:s24] =	ssyncset.done $0x0  }
0x72: {  	[sflag:s24] =	ssyncadd.s32 $0xFFFFC180  }
0x73: {  	[tilespmem:s18], [sflag:$0x1] =	stream.indirect.gather [hbm4b:s4+s17], $0x80, s5, s17, $0xb8;
	[tilespmem:$0x1BC80] =	vst v63  }
0x74: {  	s1 =	sadd.s32 $0x200, s1  }
0x75: {  	[spmem:s2] =	stream.indirect.scatter.add.f32 [tilespmem:s21], [sflag:$0x5], $0x80, s1, s17, $0xb8;
	[tilespmem:$0x1BC80] =	vst v63  }
.Ltmp0:
0x76: {  	_ =	swait.ge [sflag:s26], $0x3E80;
	(pc) =	sbr.rel @p0 .LBB2_2-.Ltmp0, $4  }
0x77: {  	s30 =	sadd.s32 $0x100, s30;
	[sflag:s26] =	ssyncset.done $0x0  }
0x78: {  	s0 =	sadd.s32 $0x20, s0;
	s31 =	sadd.s32 $0x20, s31;
	[sflag:s26] =	ssyncadd.s32 $0xFFFFC180  }
0x79: {  	s22 =	sand.u32 $0x100, s8;
	s20 =	smov.u32 s25;
	_ =	swait.ge [sflag:s19], $0x3E80  }
0x7a: {  	s5 =	sxor.u32 $0xFFFFFFFF, s7;
	s1 =	sor.u32 $0x80, s22;
	[sflag:s19] =	ssyncset.done $0x0  }
0x7b: {  	s5 =	sand.u32 $0x2, s5;
	[sflag:s19] =	ssyncadd.s32 $0xFFFFC180  }
0x7c: {  	[tilespmem:s21], [sflag:$0x2] =	stream.indirect.gather [hbm4b:s4+s17], $0x80, s1, s17, $0xb8;
	[tilespmem:$0x1BC80] =	vst v63  }
0x7d: {  	s5 =	sshll.u32 s5, $0x7  }
0x7e: {  	[tilespmem:s5], [sflag:$0x3] =	stream.linear.gather [hbm4b:s0+s3], $0x100, $0x38;
	[tilespmem:$0x1BC80] =	vst v63  }
0x7f: {  	s8 =	sor.u32 $0x200, s5  }
0x80: {  	[tilespmem:s8], [sflag:$0x3] =	stream.linear.gather [hbm4b:s31+s3], $0x100, $0x38;
	[tilespmem:$0x1BC80] =	vst v63  }
0x81: {  	s20 =	sadd.s32 $0x200, s22  }
0x82: {  	[spmem:s2] =	stream.indirect.scatter.add.f32 [tilespmem:s18], [sflag:$0x4], $0x80, s20, s17, $0xb8;
	[tilespmem:$0x1BC80] =	vst v63  }
0x83: {  	_ =	swait.ge [sflag:s28], $0x3E80  }
0x84: {  	[sflag:s28] =	ssyncset.done $0x0  }
0x85: {  	[sflag:s28] =	ssyncadd.s32 $0xFFFFC180  }
0x86: {  	_ =	swait.ge [sflag:s23], $0x100  }
0x87: {  	[sflag:s23] =	ssyncset.done $0x0  }
0x88: {  	[sflag:s23] =	ssyncadd.s32 $0xFFFFFF00  }
0x89: {  	_ =	swait.ge [sflag:s23], $0x100  }
0x8a: {  	[sflag:s23] =	ssyncset.done $0x0  }
0x8b: {  	[sflag:s23] =	ssyncadd.s32 $0xFFFFFF00  }
0x8c: {  	_ =	swait.ge [sflag:s24], $0x3E80  }
0x8d: {  	[sflag:s24] =	ssyncset.done $0x0  }
0x8e: {  	[sflag:s24] =	ssyncadd.s32 $0xFFFFC180  }
0x8f: {  	[tilespmem:s18], [sflag:$0x1] =	stream.indirect.gather [hbm4b:s4+s17], $0x80, s5, s17, $0xb8;
	[tilespmem:$0x1BC80] =	vst v63  }
0x90: {  	s22 =	sadd.s32 $0x200, s1  }
0x91: {  	[spmem:s2] =	stream.indirect.scatter.add.f32 [tilespmem:s21], [sflag:$0x5], $0x80, s22, s17, $0xb8;
	[tilespmem:$0x1BC80] =	vst v63  }
0x92: {  	_ =	swait.ge [sflag:s26], $0x3E80  }
0x93: {  	[sflag:s26] =	ssyncset.done $0x0  }
0x94: {  	[sflag:s26] =	ssyncadd.s32 $0xFFFFC180  }
0x95: {  	_ =	swait.ge [sflag:s19], $0x3E80  }
0x96: {  	s25 =	sand.u32 $0x100, s30;
	[sflag:s19] =	ssyncset.done $0x0  }
0x97: {  	s30 =	sor.u32 $0x80, s25;
	[sflag:s19] =	ssyncadd.s32 $0xFFFFC180  }
0x98: {  	[tilespmem:s21], [sflag:$0x2] =	stream.indirect.gather [hbm4b:s4+s17], $0x80, s30, s17, $0xb8;
	[tilespmem:$0x1BC80] =	vst v63  }
0x99: {  	s0 =	sor.u32 $0x200, s25  }
0x9a: {  	[spmem:s2] =	stream.indirect.scatter.add.f32 [tilespmem:s18], [sflag:$0x4], $0x80, s0, s17, $0xb8;
	[tilespmem:$0x1BC80] =	vst v63  }
0x9b: {  	_ =	swait.ge [sflag:s28], $0x3E80  }
0x9c: {  	[sflag:s28] =	ssyncset.done $0x0  }
0x9d: {  	[sflag:s28] =	ssyncadd.s32 $0xFFFFC180  }
0x9e: {  	_ =	swait.ge [sflag:s24], $0x3E80  }
0x9f: {  	[sflag:s24] =	ssyncset.done $0x0  }
0xa0: {  	s31 =	sor.u32 $0x200, s30;
	[sflag:s24] =	ssyncadd.s32 $0xFFFFC180  }
0xa1: {  	[spmem:s2] =	stream.indirect.scatter.add.f32 [tilespmem:s21], [sflag:$0x5], $0x80, s31, s17, $0xb8;
	[tilespmem:$0x1BC80] =	vst v63  }
0xa2: {  	_ =	swait.ge [sflag:s26], $0x3E80  }
0xa3: {  	s29 =	sadd.s32 $0x1, s29;
	[sflag:s26] =	ssyncset.done $0x0  }
0xa4: {  	p0 =	sne.s32 s29, s9;
	[sflag:s26] =	ssyncadd.s32 $0xFFFFC180  }
.Ltmp1:
0xa5: {  	[bflag:$0x0] =	sbarrier.arrive $0xFFFF;
	(pc) =	sbr.rel @p0 .LBB2_1-.Ltmp1, $4  }
0xa6: {  	[hbm:s12], [sflag:s6] =	dma.local [spmem:s15], $0x2780  }
0xa7: {  	_ =	swait.ge [sflag:s16], $0x2780  }
0xa8: {  	[sflag:s16] =	ssyncset.done $0x0  }
0xa9: {  	[sflag:s16] =	ssyncadd.s32 $0xFFFFD880  }
0xaa: {  	_ =	sfence.sel $0x180000  }
0xab: {  	[bflag:$0x0] =	sbarrier.arrive $0xFFFF  }
0xac: {  	_ =	strace $0x9000004A  }
0xad: {  	s0 =	stileid.u32;
	[bflag:$0x2] =	sbarrier.arrive $0xFFFF  }
0xae: {  	p0 =	sne.s32 s0, $0x0;
	s0 =	rddreg [dreg:$0x2]  }
0xaf: {  	s0 =	sadd.s32 @!p0 $0x100000, s0  }
0xb0: {  	[sflag:s0] =	ssyncadd.tile.s32 @!p0 $0x1;
	_ =	shalt  }
.Lfunc_end2:
_tile_overlayer_lowered:
.L_overlay_start_2:
0xb1: {  	(tag) =	ssettag $0x2  }
0xb2: {  	s0 =	rddreg [dreg:$0x0];
	s2 =	stileid.u32  }
0xb3: {  	s1 =	rddreg [dreg:$0x1];
	p0 =	sne.s32 s2, $0x0  }
0xb4: {  	s3 =	rddreg [dreg:$0x2];
	[bflag:$0x3] =	sbarrier.arrive $0xFFFF;
	s2 =	simm.s32 @!p0 $0x1C06  }
0xb5: {  	[timem:s3], [sflag:s2] =	dma.local @!p0 [hbm:s0], s1  }
0xb6: {  	s0 =	simm.s32 @!p0 $0x6  }
0xb7: {  	_ =	swait.ge @!p0 [sflag:s0], s1  }
0xb8: {  	s1 =	ssub.s32 @!p0 $0x0, s1;
	[sflag:s0] =	ssyncset.done @!p0 $0x0  }
0xb9: {  	[sflag:s0] =	ssyncadd.s32 @!p0 s1  }
0xba: {  	[bflag:$0x3] =	sbarrier.arrive $0xFFFF  }
0xbb: {  	_ =	shalt  }

// kernel: kernel.20.cloned.1.call-start
scs
__scs_entry_jumppad:
0x0: {  	(pc) =	sbr.rel $0x88, $3  }
0x1: {  	(tag) =	ssettag $0x0;
	lr =	simm.s32 $0x1  }
0x2: {  	[smem:$0x3F92] =	sst lr;
	_ =	strace $0xD0000000  }
0x3: {  	_ = 	snop  }
0x4: {  	_ = 	snop  }
0x5: {  	_ = 	snop  }
0x6: {  	_ = 	snop  }
0x7: {  	_ = 	snop  }
__scs_overlays_trampoline_lowered:
0x8: {  	[smem:$0x3FA1] =	sst s0  }
0x9: {  	[smem:$0x3FA2] =	sst s1  }
0xa: {  	[smem:$0x3FA3] =	sst s2  }
0xb: {  	[smem:$0x3FA4] =	sst s3  }
0xc: {  	[smem:$0x3FA5] =	sst s4  }
0xd: {  	[smem:$0x3FA6] =	sst s5  }
0xe: {  	[smem:$0x3FA7] =	sst s6  }
0xf: {  	[smem:$0x3FA8] =	sst s7  }
0x10: {  	[smem:$0x3FA9] =	sst s8  }
0x11: {  	[smem:$0x3FAA] =	sst s9;
	s0 =	simm.s32 @!p0 $0x0  }
0x12: {  	s1 =	sld [smem:$0x3F90];
	s0 =	simm.s32 @p0 $0x1  }
0x13: {  	[smem:$0x3FAB] =	sst s0;
	s0 =	simm.s32 @!p1 $0x0  }
0x14: {  	s2 =	sld [smem:$0x3F8F];
	s0 =	simm.s32 @p1 $0x1  }
0x15: {  	[smem:$0x3FAC] =	sst s0;
	s0 =	simm.s32 @!p2 $0x0  }
0x16: {  	s3 =	sld [smem:$0x3FDB];
	s0 =	simm.s32 @p2 $0x1  }
0x17: {  	s4 =	simm.s32 $0x1BF5;
	[smem:$0x3FAE] =	sst s0  }
0x18: {  	s0 =	sld [smem:$0x3F91];
	_ =	swait.ge [sflag:s4], $0x0  }
0x19: {  	s7 =	sld [smem:$0x3F92]  }
0x1a: {  	s8 =	sadd.s32 $0xFFFFE003, lr  }
0x1b: {  	s9 =	sadd.s32 $0xFFFFFEF7, lr;
	s5 =	simm.s32 $0xFFFFFFFF;
	p2 =	slt.u32 s8, $0xFFFFF086  }
0x1c: {  	p1 =	slt.u32 s9, $0xF7A;
	s5 =	simm.s32 @!p2 $0x0  }
0x1d: {  	s5 =	simm.s32 @p1 $0x1;
	p0 =	seq.s32 s7, s2  }
0x1e: {  	s7 =	smul.u32 @!p0 $0xF7A, s2;
	p2 =	seq.s32 @!p0 s5, $0x0  }
0x1f: {  	s9 =	smul.u32 $0xF7A, s1;
	s8 =	simm.s32 @!p0 $0x1BF5;
	p2 =	por !p2, p0  }
0x20: {  	[sflag:s8] =	ssyncset.s32 @!p0 $0xFFFFF086;
	s6 =	sadd.s32 @!p0 s3, s7;
	s7 =	simm.s32 @!p0 $0x108  }
0x21: {  	s3 =	sadd.s32 s3, s9;
	s6 =	sadd.s32 @!p0 $0x88, s6;
	s7 =	simm.s32 @p2 $0x1082  }
0x22: {  	[simem:s7], [sflag:s8] =	dma.local @!p0 [hbm:s6], $0xF7A  }
0x23: {  	s9 =	sor.u32 $0xD0000000, s2;
	s6 =	simm.s32 $0x108;
	_ =	swait.ge @!p0 [sflag:s8], $0x0  }
0x24: {  	s3 =	sadd.s32 $0x88, s3;
	s6 =	simm.s32 @!p1 $0x1082;
	[sflag:s4] =	ssyncset.s32 $0xFFFFF086  }
0x25: {  	[simem:s6], [sflag:s4] =	dma.local [hbm:s3], $0xF7A  }
0x26: {  	[smem:$0x3F92] =	sst s1;
	(tag) =	ssettag s2;
	_ =	strace s9  }
0x27: {  	s1 =	sld [smem:$0x3FA2]  }
0x28: {  	s2 =	sld [smem:$0x3FA3]  }
0x29: {  	s4 =	sld [smem:$0x3FA5]  }
0x2a: {  	p0 =	seq.s32 s5, $0x0;
	s5 =	sld [smem:$0x3FA6]  }
0x2b: {  	s6 =	sld [smem:$0x3FA7]  }
0x2c: {  	s7 =	sld [smem:$0x3FA8]  }
0x2d: {  	s3 =	simm.s32 $0x108;
	s8 =	sld [smem:$0x3FA9]  }
0x2e: {  	s3 =	simm.s32 @!p0 $0x1082;
	s9 =	sld [smem:$0x3FAA]  }
0x2f: {  	lr =	sadd.s32 s0, s3;
	s0 =	sld [smem:$0x3FA1]  }
0x30: {  	s3 =	sld [smem:$0x3FA4]  }
0x31: {  	[smem:$0x3FAD] =	sst s10  }
0x32: {  	s10 =	sld [smem:$0x3FAB];
	_ =	sdelay $0x3  }
0x33: {  	p0 =	seq.s32 s10, $0x1;
	s10 =	sld [smem:$0x3FAD];
	_ =	sdelay $0x3  }
0x34: {  	[smem:$0x3FAD] =	sst s10  }
0x35: {  	s10 =	sld [smem:$0x3FAC];
	_ =	sdelay $0x3  }
0x36: {  	p1 =	seq.s32 s10, $0x1;
	s10 =	sld [smem:$0x3FAD];
	_ =	sdelay $0x3  }
0x37: {  	[smem:$0x3FAD] =	sst s10  }
0x38: {  	s10 =	sld [smem:$0x3FAE]  }
0x39: {  	_ = 	snop;
	(pc) =	sbr.ind lr, $3  }
0x3a: {  	_ = 	snop  }
0x3b: {  	_ = 	snop  }
0x3c: {  	p2 =	seq.s32 s10, $0x1;
	s10 =	sld [smem:$0x3FAD]  }
0x3d: {  	_ =	shalt  }
0x3e: {  	_ =	shalt  }
0x3f: {  	_ =	shalt  }
0x40: {  	_ =	shalt  }
0x41: {  	_ =	shalt  }
0x42: {  	_ =	shalt  }
0x43: {  	_ =	shalt  }
0x44: {  	_ =	shalt  }
0x45: {  	_ =	shalt  }
0x46: {  	_ =	shalt  }
0x47: {  	_ =	shalt  }
0x48: {  	_ =	shalt  }
0x49: {  	_ =	shalt  }
0x4a: {  	_ =	shalt  }
0x4b: {  	_ =	shalt  }
0x4c: {  	_ =	shalt  }
0x4d: {  	_ =	shalt  }
0x4e: {  	_ =	shalt  }
0x4f: {  	_ =	shalt  }
0x50: {  	_ =	shalt  }
0x51: {  	_ =	shalt  }
0x52: {  	_ =	shalt  }
0x53: {  	_ =	shalt  }
0x54: {  	_ =	shalt  }
0x55: {  	_ =	shalt  }
0x56: {  	_ =	shalt  }
0x57: {  	_ =	shalt  }
0x58: {  	_ =	shalt  }
0x59: {  	_ =	shalt  }
0x5a: {  	_ =	shalt  }
0x5b: {  	_ =	shalt  }
0x5c: {  	_ =	shalt  }
0x5d: {  	_ =	shalt  }
0x5e: {  	_ =	shalt  }
0x5f: {  	_ =	shalt  }
0x60: {  	_ =	shalt  }
0x61: {  	_ =	shalt  }
0x62: {  	_ =	shalt  }
0x63: {  	_ =	shalt  }
0x64: {  	_ =	shalt  }
0x65: {  	_ =	shalt  }
0x66: {  	_ =	shalt  }
0x67: {  	_ =	shalt  }
0x68: {  	_ =	shalt  }
0x69: {  	_ =	shalt  }
0x6a: {  	_ =	shalt  }
0x6b: {  	_ =	shalt  }
0x6c: {  	_ =	shalt  }
0x6d: {  	_ =	shalt  }
0x6e: {  	_ =	shalt  }
0x6f: {  	_ =	shalt  }
0x70: {  	_ =	shalt  }
0x71: {  	_ =	shalt  }
0x72: {  	_ =	shalt  }
0x73: {  	_ =	shalt  }
0x74: {  	_ =	shalt  }
0x75: {  	_ =	shalt  }
0x76: {  	_ =	shalt  }
0x77: {  	_ =	shalt  }
0x78: {  	_ =	shalt  }
0x79: {  	_ =	shalt  }
0x7a: {  	_ =	shalt  }
0x7b: {  	_ =	shalt  }
0x7c: {  	_ =	shalt  }
0x7d: {  	_ =	shalt  }
0x7e: {  	_ =	shalt  }
0x7f: {  	_ =	shalt  }
0x80: {  	_ =	shalt  }
0x81: {  	_ =	shalt  }
0x82: {  	_ =	shalt  }
0x83: {  	_ =	shalt  }
0x84: {  	_ =	shalt  }
0x85: {  	_ =	shalt  }
0x86: {  	_ =	shalt  }
0x87: {  	_ =	shalt  }
.Lfunc_end0:
.L_simem_size_0:
called_computation.2_lowered:
.L_overlay_start_0:
0x88: {  	s2 =	sld [smem:$0x3FD9]  }
0x89: {  	s3 =	sld [smem:$0x3FFE];
	_ =	sdelay $0x1  }
0x8a: {  	s1 =	srdreg.scid  }
0x8b: {  	s0 =	sand.u32 $0x1, s1  }
0x8c: {  	s16 =	sshll.u32 s0, $0xA;
	s2 =	sadd.s32 s3, s2  }
0x8d: {  	s2 =	sadd.s32 s2, s16  }
0x8e: {  	[smem:$0x3FB9] =	sst s2  }
0x8f: {  	_ = 	snop  }
0x90: {  	(tm) =	ssettm $0x1  }
0x91: {  	s17 =	sld [smem:$0x3FFB];
	_ =	sdelay $0x3  }
0x92: {  	_ =	strace s17  }
0x93: {  	s2 =	sld [smem:$0x3FFC];
	_ =	sdelay $0x3  }
0x94: {  	_ =	strace s2  }
0x95: {  	s2 =	sld [smem:$0x3FFD];
	_ =	sdelay $0x3  }
0x96: {  	_ =	strace s2  }
0x97: {  	_ =	strace $0x8FFFFFFF  }
0x98: {  	s18 =	sld [smem:$0x3FDB];
	_ =	sdelay $0x1  }
0x99: {  	s19 =	simm.s32 $_scs_section_size  }
0x9a: {  	s4 =	simm.s32 $_size__tile_overlayer_lowered;
	s5 =	simm.s32 $_tile_overlayer_lowered  }
0x9b: {  	s22 =	simm.s32 $0x1BFF;
	s21 =	sshll.u32 s5, $0x1;
	s2 =	sadd.s32 s19, s18  }
0x9c: {  	s6 =	simm.s32 $0x0;
	s20 =	sshll.u32 s4, $0x1;
	s4 =	sadd.s32 s21, s2  }
0x9d: {  	[timem:s6], [sflag:s22] =	dma.local [hbm:s4], s20  }
0x9e: {  	_ =	swait.ge [sflag:s22], s20  }
0x9f: {  	s3 =	ssub.s32 $0x0, s20;
	[sflag:s22] =	ssyncset.done $0x0  }
0xa0: {  	[sflag:s22] =	ssyncadd.s32 s3;
	_ =	sdelay $0x1  }
0xa1: {  	s23 =	simm.s32 $0x1B8B  }
0xa2: {  	_ =	swait.ge [sflag:s23], $0x1  }
0xa3: {  	[sflag:s23] =	ssyncset.done $0x0  }
0xa4: {  	s25 =	simm.s32 $0x1B8E;
	s24 =	sld [smem:$0x3FFE];
	[sflag:s23] =	ssyncadd.s32 $0xFFFFFFFF  }
0xa5: {  	s26 =	simm.s32 $execute0_lowered;
	[smem:$0x3FD2] =	sst s25  }
0xa6: {  	s4 =	sshll.u32 s26, $0x1;
	_ =	strace $0x8000004C;
	[dreg:$0x1] =	wrdreg $0xFFFFFFFF  }
0xa7: {  	s28 =	simm.s32 $_size_execute0_lowered;
	s2 =	sadd.s32 s2, s4;
	[dreg:$0x0] =	wrdreg $0x0  }
0xa8: {  	s4 =	sshll.u32 s28, $0x1;
	[dreg:$0x2] =	wrdreg s2  }
0xa9: {  	[dreg:$0x3] =	wrdreg s4  }
0xaa: {  	[dreg:$0x4] =	wrdreg $0xC0  }
0xab: {  	_ =	task [dreg:s6], $0x5FFFF  }
0xac: {  	[dreg:$0x1] =	wrdreg $0xFFFFFFFF  }
0xad: {  	[dreg:$0x0] =	wrdreg $0x60  }
0xae: {  	[dreg:$0x2] =	wrdreg s24  }
0xaf: {  	[dreg:$0x3] =	wrdreg $0x84000  }
0xb0: {  	[dreg:$0x4] =	wrdreg $0x9  }
0xb1: {  	_ =	task.clear_ibuf [dreg:s6], $0x5FFFF;
	_ =	strace $0x9000004C  }
0xb2: {  	s29 =	simm.s32 $0x9;
	_ =	strace $0x8000004E  }
0xb3: {  	_ =	swait.ge [sflag:s29], $0x1  }
0xb4: {  	[sflag:s29] =	ssyncadd.s32 $0xFFFFFFFF  }
0xb5: {  	_ =	strace $0x9000004E  }
0xb6: {  	_ =	sfence  }
0xb7: {  	s30 =	sld [smem:$0x0];
	_ =	sdelay $0x2  }
0xb8: {  	s31 =	sshll.u32 s1, $0xD;
	s1 =	sshrl.u32 s1, $0x2  }
0xb9: {  	s3 =	sand.u32 $0x4000, s31;
	s1 =	sadd.s32 s1, s30  }
0xba: {  	s0 =	sor.u32 s3, s0;
	s1 =	sshll.u32 s1, $0x11  }
0xbb: {  	s0 =	sor.u32 s1, s0  }
0xbc: {  	s0 =	sadd.s32 $0x8F2B, s0  }
0xbd: {  	[sflag:s0] =	ssyncadd.remote.s32 $0x1  }
0xbe: {  	_ =	sfence.sel $0xFFFF  }
0xbf: {  	[dreg:$0x0] =	wrdreg $0xFFFFFFFF;
	(pc) =	sbr.abs _section_cstart, $3  }
0xc0: {  	[dreg:$0x1] =	wrdreg $0xFFFFFFFF  }
0xc1: {  	_ =	task.clear_ibuf [dreg:s6], $0x2FFFF;
	_ =	strace $0x9FFFFFFF  }
0xc2: {  	(tm) =	ssettm $0x7FFFFFFF  }
0xc3: {  	_ =	shalt  }
tec
execute0_lowered:
.L_overlay_start_1:
0x0: {  	(tag) =	ssettag $0x1  }
0x1: {  	s0 =	rddreg [dreg:$0x0]  }
0x2: {  	s2 =	rddreg [dreg:$0x1];
	s3 =	simm.s32 $0x0;
	s14 =	stileid.u32  }
0x3: {  	s6 =	srdreg.scid;
	s15 =	simm.s32 $0xC3C00;
	s17 =	simm.s32 $0x7D  }
0x4: {  	s18 =	simm.s32 $0x400;
	s19 =	simm.s32 $0x1;
	s21 =	simm.s32 $0x4400  }
0x5: {  	s28 =	simm.s32 $0x2;
	s29 =	simm.s32 $0x0;
	[smem:$0x7FF] =	sst s3  }
0x6: {  	s1 =	smul.u32 $0x271, s14;
	s4 =	sadd.s32 $0x27400, s0;
	s5 =	sadd.s32 $0x1D400, s0  }
0x7: {  	s12 =	sadd.s32 $0x13400, s0;
	s9 =	sand.u32 $0x1, s6;
	s25 =	sshll.u32 s14, $0x6  }
0x8: {  	_ =	strace $0x8000004D;
	s7 =	ssub.s32 $0x2, s9;
	s8 =	sshll.u32 s9, $0x4  }
0x9: {  	s6 =	sor.u32 $0x1C06, s25;
	p0 =	seq.s32 s9, $0x1;
	s13 =	smul.u32 $0x5000, s9  }
0xa: {  	s1 =	sshrl.u32 s1, $0x3;
	s23 =	sshrl.u32 s7, $0x1;
	s8 =	sor.u32 s14, s8  }
0xb: {  	s14 =	smul.u32 $0x500, s14;
	s15 =	simm.s32 @!p0 $0x9CA00;
	s22 =	sshll.u32 s1, $0x7  }
0xc: {  	s10 =	ssub.s32 s7, s23;
	s1 =	sshll.u32 s1, $0xA;
	s11 =	smul.u32 $0x500, s8  }
0xd: {  	s16 =	sadd.s32 s13, s12;
	s23 =	simm.s32 $0x3;
	s0 =	sadd.s32 s22, s0  }
0xe: {  	s1 =	sadd.s32 s1, s2;
	s9 =	smax.u32 s10, $0x1;
	s24 =	sadd.s32 $0x75800, s0  }
0xf: {  	s31 =	sadd.s32 s14, s16;
	s26 =	sadd.s32 s5, s11;
	[dreg:$0x3] =	wrdreg s24  }
0x10: {  	s30 =	sadd.s32 s12, s11;
	s11 =	sor.u32 $0x20, s11;
	[dreg:$0x4] =	wrdreg s26  }
0x11: {  	s16 =	simm.s32 $0x6;
	[dreg:$0x5] =	wrdreg s30;
	s10 =	sadd.s32 s5, s11  }
0x12: {  	s11 =	sadd.s32 s12, s11;
	s5 =	sadd.s32 s13, s5;
	s12 =	sadd.s32 s15, s0  }
0x13: {  	s15 =	sshrl.u32 s1, $0x3;
	s24 =	simm.s32 $0x4;
	s5 =	sadd.s32 s14, s5  }
0x14: {  	s26 =	simm.s32 $0x5;
	s14 =	sadd.s32 $0x40, s31;
	s13 =	sadd.s32 $0x40, s5  }
.LBB2_1:
0x15: {  	s0 =	rddreg [dreg:$0x3]  }
0x16: {  	[spmem:s15], [sflag:s6] =	dma.local [hbm:s0], $0x2780  }
0x17: {  	_ =	swait.ge [sflag:s16], $0x2780  }
0x18: {  	[sflag:s16] =	ssyncset.done $0x0  }
0x19: {  	s8 =	rddreg [dreg:$0x4];
	[sflag:s16] =	ssyncadd.s32 $0xFFFFD880  }
0x1a: {  	[tilespmem:s3], [sflag:$0x6] =	stream.linear.gather [hbm4b:s8+s3], $0x100, $0x38;
	[tilespmem:$0x1BC80] =	vst v63  }
0x1b: {  	_ =	swait.ge [sflag:s16], $0x100  }
0x1c: {  	[sflag:s16] =	ssyncset.done $0x0  }
0x1d: {  	s0 =	simm.s32 $0x200;
	s1 =	rddreg [dreg:$0x5];
	[sflag:s16] =	ssyncadd.s32 $0xFFFFFF00  }
0x1e: {  	[tilespmem:s0], [sflag:$0x6] =	stream.linear.gather [hbm4b:s1+s3], $0x100, $0x38;
	[tilespmem:$0x1BC80] =	vst v63  }
0x1f: {  	_ =	swait.ge [sflag:s16], $0x100  }
0x20: {  	[sflag:s16] =	ssyncset.done $0x0  }
0x21: {  	[sflag:s16] =	ssyncadd.s32 $0xFFFFFF00  }
0x22: {  	[bflag:$0x0] =	sbarrier.arrive $0xFFFF  }
0x23: {  	[tilespmem:s18], [sflag:$0x1] =	stream.indirect.gather [hbm4b:s4+s17], $0x80, s3, s17, $0xb8;
	[tilespmem:$0x1BC80] =	vst v63  }
0x24: {  	_ =	swait.ge [sflag:s19], $0x3E80  }
0x25: {  	[sflag:s19] =	ssyncset.done $0x0  }
0x26: {  	s20 =	simm.s32 $0x80;
	[sflag:s19] =	ssyncadd.s32 $0xFFFFC180  }
0x27: {  	[tilespmem:s21], [sflag:$0x2] =	stream.indirect.gather [hbm4b:s4+s17], $0x80, s20, s17, $0xb8;
	[tilespmem:$0x1BC80] =	vst v63  }
0x28: {  	s22 =	simm.s32 $0x100  }
0x29: {  	[tilespmem:s22], [sflag:$0x3] =	stream.linear.gather [hbm4b:s10+s3], $0x100, $0x38;
	[tilespmem:$0x1BC80] =	vst v63  }
0x2a: {  	s5 =	simm.s32 $0x300  }
0x2b: {  	[tilespmem:s5], [sflag:$0x3] =	stream.linear.gather [hbm4b:s11+s3], $0x100, $0x38;
	[tilespmem:$0x1BC80] =	vst v63  }
0x2c: {  	_ = 	snop  }
0x2d: {  	[spmem:s2] =	stream.indirect.scatter.add.f32 [tilespmem:s18], [sflag:$0x4], $0x80, s0, s17, $0xb8;
	[tilespmem:$0x1BC80] =	vst v63  }
0x2e: {  	_ =	swait.ge [sflag:s28], $0x3E80  }
0x2f: {  	[sflag:s28] =	ssyncset.done $0x0  }
0x30: {  	[sflag:s28] =	ssyncadd.s32 $0xFFFFC180  }
0x31: {  	_ =	swait.ge [sflag:s23], $0x100  }
0x32: {  	[sflag:s23] =	ssyncset.done $0x0  }
0x33: {  	[sflag:s23] =	ssyncadd.s32 $0xFFFFFF00  }
0x34: {  	_ =	swait.ge [sflag:s23], $0x100  }
0x35: {  	[sflag:s23] =	ssyncset.done $0x0  }
0x36: {  	[sflag:s23] =	ssyncadd.s32 $0xFFFFFF00  }
0x37: {  	_ =	swait.ge [sflag:s24], $0x3E80  }
0x38: {  	[sflag:s24] =	ssyncset.done $0x0  }
0x39: {  	[sflag:s24] =	ssyncadd.s32 $0xFFFFC180  }
0x3a: {  	[tilespmem:s18], [sflag:$0x1] =	stream.indirect.gather [hbm4b:s4+s17], $0x80, s22, s17, $0xb8;
	[tilespmem:$0x1BC80] =	vst v63  }
0x3b: {  	s25 =	simm.s32 $0x280  }
0x3c: {  	[spmem:s2] =	stream.indirect.scatter.add.f32 [tilespmem:s21], [sflag:$0x5], $0x80, s25, s17, $0xb8;
	[tilespmem:$0x1BC80] =	vst v63  }
0x3d: {  	_ =	swait.ge [sflag:s26], $0x3E80  }
0x3e: {  	[sflag:s26] =	ssyncset.done $0x0  }
0x3f: {  	[sflag:s26] =	ssyncadd.s32 $0xFFFFC180  }
0x40: {  	_ =	swait.ge [sflag:s19], $0x3E80  }
0x41: {  	s7 =	sxor.u32 $0xFFFFFFFF, s28;
	[sflag:s19] =	ssyncset.done $0x0  }
0x42: {  	s1 =	sand.u32 $0x2, s7;
	s5 =	simm.s32 $0x180;
	[sflag:s19] =	ssyncadd.s32 $0xFFFFC180  }
0x43: {  	[tilespmem:s21], [sflag:$0x2] =	stream.indirect.gather [hbm4b:s4+s17], $0x80, s5, s17, $0xb8;
	[tilespmem:$0x1BC80] =	vst v63  }
0x44: {  	s1 =	sshll.u32 s1, $0x7  }
0x45: {  	[tilespmem:s1], [sflag:$0x3] =	stream.linear.gather [hbm4b:s13+s3], $0x100, $0x38;
	[tilespmem:$0x1BC80] =	vst v63  }
0x46: {  	s8 =	sor.u32 $0x200, s1  }
0x47: {  	[tilespmem:s8], [sflag:$0x3] =	stream.linear.gather [hbm4b:s14+s3], $0x100, $0x38;
	[tilespmem:$0x1BC80] =	vst v63  }
0x48: {  	s20 =	simm.s32 $0x300  }
0x49: {  	[spmem:s2] =	stream.indirect.scatter.add.f32 [tilespmem:s18], [sflag:$0x4], $0x80, s20, s17, $0xb8;
	[tilespmem:$0x1BC80] =	vst v63  }
0x4a: {  	_ =	swait.ge [sflag:s28], $0x3E80  }
0x4b: {  	[sflag:s28] =	ssyncset.done $0x0  }
0x4c: {  	[sflag:s28] =	ssyncadd.s32 $0xFFFFC180  }
0x4d: {  	_ =	swait.ge [sflag:s23], $0x100  }
0x4e: {  	[sflag:s23] =	ssyncset.done $0x0  }
0x4f: {  	[sflag:s23] =	ssyncadd.s32 $0xFFFFFF00  }
0x50: {  	_ =	swait.ge [sflag:s23], $0x100  }
0x51: {  	[sflag:s23] =	ssyncset.done $0x0  }
0x52: {  	[sflag:s23] =	ssyncadd.s32 $0xFFFFFF00  }
0x53: {  	_ =	swait.ge [sflag:s24], $0x3E80  }
0x54: {  	[sflag:s24] =	ssyncset.done $0x0  }
0x55: {  	[sflag:s24] =	ssyncadd.s32 $0xFFFFC180  }
0x56: {  	[tilespmem:s18], [sflag:$0x1] =	stream.indirect.gather [hbm4b:s4+s17], $0x80, s1, s17, $0xb8;
	[tilespmem:$0x1BC80] =	vst v63  }
0x57: {  	s22 =	simm.s32 $0x380  }
0x58: {  	[spmem:s2] =	stream.indirect.scatter.add.f32 [tilespmem:s21], [sflag:$0x5], $0x80, s22, s17, $0xb8;
	[tilespmem:$0x1BC80] =	vst v63  }
0x59: {  	_ =	swait.ge [sflag:s26], $0x3E80  }
0x5a: {  	s31 =	sadd.s32 $0x20, s14;
	s25 =	simm.s32 $0x4;
	[sflag:s26] =	ssyncset.done $0x0  }
0x5b: {  	s30 =	simm.s32 $0x300;
	s5 =	sxor.u32 $0xFFFFFFFF, s25;
	[sflag:s26] =	ssyncadd.s32 $0xFFFFC180  }
0x5c: {  	s20 =	simm.s32 $0x6;
	s22 =	sand.u32 $0x100, s0;
	_ =	swait.ge [sflag:s19], $0x3E80  }
0x5d: {  	s0 =	sadd.s32 $0x20, s13;
	s1 =	sor.u32 $0x80, s22;
	[sflag:s19] =	ssyncset.done $0x0  }
.LBB2_2:
0x5e: {  	s5 =	sand.u32 $0x2, s5;
	[sflag:s19] =	ssyncadd.s32 $0xFFFFC180  }
0x5f: {  	s7 =	smov.u32 s20;
	s25 =	sadd.s32 $0x2, s20;
	s8 =	smov.u32 s30  }
0x60: {  	[tilespmem:s21], [sflag:$0x2] =	stream.indirect.gather [hbm4b:s4+s17], $0x80, s1, s17, $0xb8;
	[tilespmem:$0x1BC80] =	vst v63  }
0x61: {  	p0 =	sne.s32 s20, $0x4C;
	s5 =	sshll.u32 s5, $0x7  }
0x62: {  	[tilespmem:s5], [sflag:$0x3] =	stream.linear.gather [hbm4b:s0+s3], $0x100, $0x38;
	[tilespmem:$0x1BC80] =	vst v63  }
0x63: {  	s20 =	sor.u32 $0x200, s5  }
0x64: {  	[tilespmem:s20], [sflag:$0x3] =	stream.linear.gather [hbm4b:s31+s3], $0x100, $0x38;
	[tilespmem:$0x1BC80] =	vst v63  }
0x65: {  	s20 =	sadd.s32 $0x200, s22  }
0x66: {  	[spmem:s2] =	stream.indirect.scatter.add.f32 [tilespmem:s18], [sflag:$0x4], $0x80, s20, s17, $0xb8;
	[tilespmem:$0x1BC80] =	vst v63  }
0x67: {  	_ =	swait.ge [sflag:s28], $0x3E80  }
0x68: {  	[sflag:s28] =	ssyncset.done $0x0  }
0x69: {  	[sflag:s28] =	ssyncadd.s32 $0xFFFFC180  }
0x6a: {  	_ =	swait.ge [sflag:s23], $0x100  }
0x6b: {  	[sflag:s23] =	ssyncset.done $0x0  }
0x6c: {  	[sflag:s23] =	ssyncadd.s32 $0xFFFFFF00  }
0x6d: {  	_ =	swait.ge [sflag:s23], $0x100  }
0x6e: {  	[sflag:s23] =	ssyncset.done $0x0  }
0x6f: {  	[sflag:s23] =	ssyncadd.s32 $0xFFFFFF00  }
0x70: {  	_ =	swait.ge [sflag:s24], $0x3E80  }
0x71: {  	[sflag:s24] =	ssyncset.done $0x0  }
0x72: {  	[sflag:s24] =	ssyncadd.s32 $0xFFFFC180  }
0x73: {  	[tilespmem:s18], [sflag:$0x1] =	stream.indirect.gather [hbm4b:s4+s17], $0x80, s5, s17, $0xb8;
	[tilespmem:$0x1BC80] =	vst v63  }
0x74: {  	s1 =	sadd.s32 $0x200, s1  }
0x75: {  	[spmem:s2] =	stream.indirect.scatter.add.f32 [tilespmem:s21], [sflag:$0x5], $0x80, s1, s17, $0xb8;
	[tilespmem:$0x1BC80] =	vst v63  }
.Ltmp0:
0x76: {  	_ =	swait.ge [sflag:s26], $0x3E80;
	(pc) =	sbr.rel @p0 .LBB2_2-.Ltmp0, $4  }
0x77: {  	s30 =	sadd.s32 $0x100, s30;
	[sflag:s26] =	ssyncset.done $0x0  }
0x78: {  	s0 =	sadd.s32 $0x20, s0;
	s31 =	sadd.s32 $0x20, s31;
	[sflag:s26] =	ssyncadd.s32 $0xFFFFC180  }
0x79: {  	s22 =	sand.u32 $0x100, s8;
	s20 =	smov.u32 s25;
	_ =	swait.ge [sflag:s19], $0x3E80  }
0x7a: {  	s5 =	sxor.u32 $0xFFFFFFFF, s7;
	s1 =	sor.u32 $0x80, s22;
	[sflag:s19] =	ssyncset.done $0x0  }
0x7b: {  	s5 =	sand.u32 $0x2, s5;
	[sflag:s19] =	ssyncadd.s32 $0xFFFFC180  }
0x7c: {  	[tilespmem:s21], [sflag:$0x2] =	stream.indirect.gather [hbm4b:s4+s17], $0x80, s1, s17, $0xb8;
	[tilespmem:$0x1BC80] =	vst v63  }
0x7d: {  	s5 =	sshll.u32 s5, $0x7  }
0x7e: {  	[tilespmem:s5], [sflag:$0x3] =	stream.linear.gather [hbm4b:s0+s3], $0x100, $0x38;
	[tilespmem:$0x1BC80] =	vst v63  }
0x7f: {  	s8 =	sor.u32 $0x200, s5  }
0x80: {  	[tilespmem:s8], [sflag:$0x3] =	stream.linear.gather [hbm4b:s31+s3], $0x100, $0x38;
	[tilespmem:$0x1BC80] =	vst v63  }
0x81: {  	s20 =	sadd.s32 $0x200, s22  }
0x82: {  	[spmem:s2] =	stream.indirect.scatter.add.f32 [tilespmem:s18], [sflag:$0x4], $0x80, s20, s17, $0xb8;
	[tilespmem:$0x1BC80] =	vst v63  }
0x83: {  	_ =	swait.ge [sflag:s28], $0x3E80  }
0x84: {  	[sflag:s28] =	ssyncset.done $0x0  }
0x85: {  	[sflag:s28] =	ssyncadd.s32 $0xFFFFC180  }
0x86: {  	_ =	swait.ge [sflag:s23], $0x100  }
0x87: {  	[sflag:s23] =	ssyncset.done $0x0  }
0x88: {  	[sflag:s23] =	ssyncadd.s32 $0xFFFFFF00  }
0x89: {  	_ =	swait.ge [sflag:s23], $0x100  }
0x8a: {  	[sflag:s23] =	ssyncset.done $0x0  }
0x8b: {  	[sflag:s23] =	ssyncadd.s32 $0xFFFFFF00  }
0x8c: {  	_ =	swait.ge [sflag:s24], $0x3E80  }
0x8d: {  	[sflag:s24] =	ssyncset.done $0x0  }
0x8e: {  	[sflag:s24] =	ssyncadd.s32 $0xFFFFC180  }
0x8f: {  	[tilespmem:s18], [sflag:$0x1] =	stream.indirect.gather [hbm4b:s4+s17], $0x80, s5, s17, $0xb8;
	[tilespmem:$0x1BC80] =	vst v63  }
0x90: {  	s22 =	sadd.s32 $0x200, s1  }
0x91: {  	[spmem:s2] =	stream.indirect.scatter.add.f32 [tilespmem:s21], [sflag:$0x5], $0x80, s22, s17, $0xb8;
	[tilespmem:$0x1BC80] =	vst v63  }
0x92: {  	_ =	swait.ge [sflag:s26], $0x3E80  }
0x93: {  	[sflag:s26] =	ssyncset.done $0x0  }
0x94: {  	[sflag:s26] =	ssyncadd.s32 $0xFFFFC180  }
0x95: {  	_ =	swait.ge [sflag:s19], $0x3E80  }
0x96: {  	s25 =	sand.u32 $0x100, s30;
	[sflag:s19] =	ssyncset.done $0x0  }
0x97: {  	s30 =	sor.u32 $0x80, s25;
	[sflag:s19] =	ssyncadd.s32 $0xFFFFC180  }
0x98: {  	[tilespmem:s21], [sflag:$0x2] =	stream.indirect.gather [hbm4b:s4+s17], $0x80, s30, s17, $0xb8;
	[tilespmem:$0x1BC80] =	vst v63  }
0x99: {  	s0 =	sor.u32 $0x200, s25  }
0x9a: {  	[spmem:s2] =	stream.indirect.scatter.add.f32 [tilespmem:s18], [sflag:$0x4], $0x80, s0, s17, $0xb8;
	[tilespmem:$0x1BC80] =	vst v63  }
0x9b: {  	_ =	swait.ge [sflag:s28], $0x3E80  }
0x9c: {  	[sflag:s28] =	ssyncset.done $0x0  }
0x9d: {  	[sflag:s28] =	ssyncadd.s32 $0xFFFFC180  }
0x9e: {  	_ =	swait.ge [sflag:s24], $0x3E80  }
0x9f: {  	[sflag:s24] =	ssyncset.done $0x0  }
0xa0: {  	s31 =	sor.u32 $0x200, s30;
	[sflag:s24] =	ssyncadd.s32 $0xFFFFC180  }
0xa1: {  	[spmem:s2] =	stream.indirect.scatter.add.f32 [tilespmem:s21], [sflag:$0x5], $0x80, s31, s17, $0xb8;
	[tilespmem:$0x1BC80] =	vst v63  }
0xa2: {  	_ =	swait.ge [sflag:s26], $0x3E80  }
0xa3: {  	s29 =	sadd.s32 $0x1, s29;
	[sflag:s26] =	ssyncset.done $0x0  }
0xa4: {  	p0 =	sne.s32 s29, s9;
	[sflag:s26] =	ssyncadd.s32 $0xFFFFC180  }
.Ltmp1:
0xa5: {  	[bflag:$0x0] =	sbarrier.arrive $0xFFFF;
	(pc) =	sbr.rel @p0 .LBB2_1-.Ltmp1, $4  }
0xa6: {  	[hbm:s12], [sflag:s6] =	dma.local [spmem:s15], $0x2780  }
0xa7: {  	_ =	swait.ge [sflag:s16], $0x2780  }
0xa8: {  	[sflag:s16] =	ssyncset.done $0x0  }
0xa9: {  	[sflag:s16] =	ssyncadd.s32 $0xFFFFD880  }
0xaa: {  	_ =	sfence.sel $0x180000  }
0xab: {  	[bflag:$0x0] =	sbarrier.arrive $0xFFFF  }
0xac: {  	_ =	strace $0x9000004D  }
0xad: {  	s0 =	stileid.u32;
	[bflag:$0x2] =	sbarrier.arrive $0xFFFF  }
0xae: {  	p0 =	sne.s32 s0, $0x0;
	s0 =	rddreg [dreg:$0x2]  }
0xaf: {  	s0 =	sadd.s32 @!p0 $0x100000, s0  }
0xb0: {  	[sflag:s0] =	ssyncadd.tile.s32 @!p0 $0x1;
	_ =	shalt  }
.Lfunc_end2:
_tile_overlayer_lowered:
.L_overlay_start_2:
0xb1: {  	(tag) =	ssettag $0x2  }
0xb2: {  	s0 =	rddreg [dreg:$0x0];
	s2 =	stileid.u32  }
0xb3: {  	s1 =	rddreg [dreg:$0x1];
	p0 =	sne.s32 s2, $0x0  }
0xb4: {  	s3 =	rddreg [dreg:$0x2];
	[bflag:$0x3] =	sbarrier.arrive $0xFFFF;
	s2 =	simm.s32 @!p0 $0x1C06  }
0xb5: {  	[timem:s3], [sflag:s2] =	dma.local @!p0 [hbm:s0], s1  }
0xb6: {  	s0 =	simm.s32 @!p0 $0x6  }
0xb7: {  	_ =	swait.ge @!p0 [sflag:s0], s1  }
0xb8: {  	s1 =	ssub.s32 @!p0 $0x0, s1;
	[sflag:s0] =	ssyncset.done @!p0 $0x0  }
0xb9: {  	[sflag:s0] =	ssyncadd.s32 @!p0 s1  }
0xba: {  	[bflag:$0x3] =	sbarrier.arrive $0xFFFF  }
0xbb: {  	_ =	shalt  }

// kernel: kernel.23.cloned.1.call-start
scs
__scs_entry_jumppad:
0x0: {  	(pc) =	sbr.rel $0x88, $3  }
0x1: {  	(tag) =	ssettag $0x0;
	lr =	simm.s32 $0x1  }
0x2: {  	[smem:$0x3F92] =	sst lr;
	_ =	strace $0xD0000000  }
0x3: {  	_ = 	snop  }
0x4: {  	_ = 	snop  }
0x5: {  	_ = 	snop  }
0x6: {  	_ = 	snop  }
0x7: {  	_ = 	snop  }
__scs_overlays_trampoline_lowered:
0x8: {  	[smem:$0x3FA1] =	sst s0  }
0x9: {  	[smem:$0x3FA2] =	sst s1  }
0xa: {  	[smem:$0x3FA3] =	sst s2  }
0xb: {  	[smem:$0x3FA4] =	sst s3  }
0xc: {  	[smem:$0x3FA5] =	sst s4  }
0xd: {  	[smem:$0x3FA6] =	sst s5  }
0xe: {  	[smem:$0x3FA7] =	sst s6  }
0xf: {  	[smem:$0x3FA8] =	sst s7  }
0x10: {  	[smem:$0x3FA9] =	sst s8  }
0x11: {  	[smem:$0x3FAA] =	sst s9;
	s0 =	simm.s32 @!p0 $0x0  }
0x12: {  	s1 =	sld [smem:$0x3F90];
	s0 =	simm.s32 @p0 $0x1  }
0x13: {  	[smem:$0x3FAB] =	sst s0;
	s0 =	simm.s32 @!p1 $0x0  }
0x14: {  	s2 =	sld [smem:$0x3F8F];
	s0 =	simm.s32 @p1 $0x1  }
0x15: {  	[smem:$0x3FAC] =	sst s0;
	s0 =	simm.s32 @!p2 $0x0  }
0x16: {  	s3 =	sld [smem:$0x3FDB];
	s0 =	simm.s32 @p2 $0x1  }
0x17: {  	s4 =	simm.s32 $0x1BF5;
	[smem:$0x3FAE] =	sst s0  }
0x18: {  	s0 =	sld [smem:$0x3F91];
	_ =	swait.ge [sflag:s4], $0x0  }
0x19: {  	s7 =	sld [smem:$0x3F92]  }
0x1a: {  	s8 =	sadd.s32 $0xFFFFE003, lr  }
0x1b: {  	s9 =	sadd.s32 $0xFFFFFEF7, lr;
	s5 =	simm.s32 $0xFFFFFFFF;
	p2 =	slt.u32 s8, $0xFFFFF086  }
0x1c: {  	p1 =	slt.u32 s9, $0xF7A;
	s5 =	simm.s32 @!p2 $0x0  }
0x1d: {  	s5 =	simm.s32 @p1 $0x1;
	p0 =	seq.s32 s7, s2  }
0x1e: {  	s7 =	smul.u32 @!p0 $0xF7A, s2;
	p2 =	seq.s32 @!p0 s5, $0x0  }
0x1f: {  	s9 =	smul.u32 $0xF7A, s1;
	s8 =	simm.s32 @!p0 $0x1BF5;
	p2 =	por !p2, p0  }
0x20: {  	[sflag:s8] =	ssyncset.s32 @!p0 $0xFFFFF086;
	s6 =	sadd.s32 @!p0 s3, s7;
	s7 =	simm.s32 @!p0 $0x108  }
0x21: {  	s3 =	sadd.s32 s3, s9;
	s6 =	sadd.s32 @!p0 $0x88, s6;
	s7 =	simm.s32 @p2 $0x1082  }
0x22: {  	[simem:s7], [sflag:s8] =	dma.local @!p0 [hbm:s6], $0xF7A  }
0x23: {  	s9 =	sor.u32 $0xD0000000, s2;
	s6 =	simm.s32 $0x108;
	_ =	swait.ge @!p0 [sflag:s8], $0x0  }
0x24: {  	s3 =	sadd.s32 $0x88, s3;
	s6 =	simm.s32 @!p1 $0x1082;
	[sflag:s4] =	ssyncset.s32 $0xFFFFF086  }
0x25: {  	[simem:s6], [sflag:s4] =	dma.local [hbm:s3], $0xF7A  }
0x26: {  	[smem:$0x3F92] =	sst s1;
	(tag) =	ssettag s2;
	_ =	strace s9  }
0x27: {  	s1 =	sld [smem:$0x3FA2]  }
0x28: {  	s2 =	sld [smem:$0x3FA3]  }
0x29: {  	s4 =	sld [smem:$0x3FA5]  }
0x2a: {  	p0 =	seq.s32 s5, $0x0;
	s5 =	sld [smem:$0x3FA6]  }
0x2b: {  	s6 =	sld [smem:$0x3FA7]  }
0x2c: {  	s7 =	sld [smem:$0x3FA8]  }
0x2d: {  	s3 =	simm.s32 $0x108;
	s8 =	sld [smem:$0x3FA9]  }
0x2e: {  	s3 =	simm.s32 @!p0 $0x1082;
	s9 =	sld [smem:$0x3FAA]  }
0x2f: {  	lr =	sadd.s32 s0, s3;
	s0 =	sld [smem:$0x3FA1]  }
0x30: {  	s3 =	sld [smem:$0x3FA4]  }
0x31: {  	[smem:$0x3FAD] =	sst s10  }
0x32: {  	s10 =	sld [smem:$0x3FAB];
	_ =	sdelay $0x3  }
0x33: {  	p0 =	seq.s32 s10, $0x1;
	s10 =	sld [smem:$0x3FAD];
	_ =	sdelay $0x3  }
0x34: {  	[smem:$0x3FAD] =	sst s10  }
0x35: {  	s10 =	sld [smem:$0x3FAC];
	_ =	sdelay $0x3  }
0x36: {  	p1 =	seq.s32 s10, $0x1;
	s10 =	sld [smem:$0x3FAD];
	_ =	sdelay $0x3  }
0x37: {  	[smem:$0x3FAD] =	sst s10  }
0x38: {  	s10 =	sld [smem:$0x3FAE]  }
0x39: {  	_ = 	snop;
	(pc) =	sbr.ind lr, $3  }
0x3a: {  	_ = 	snop  }
0x3b: {  	_ = 	snop  }
0x3c: {  	p2 =	seq.s32 s10, $0x1;
	s10 =	sld [smem:$0x3FAD]  }
0x3d: {  	_ =	shalt  }
0x3e: {  	_ =	shalt  }
0x3f: {  	_ =	shalt  }
0x40: {  	_ =	shalt  }
0x41: {  	_ =	shalt  }
0x42: {  	_ =	shalt  }
0x43: {  	_ =	shalt  }
0x44: {  	_ =	shalt  }
0x45: {  	_ =	shalt  }
0x46: {  	_ =	shalt  }
0x47: {  	_ =	shalt  }
0x48: {  	_ =	shalt  }
0x49: {  	_ =	shalt  }
0x4a: {  	_ =	shalt  }
0x4b: {  	_ =	shalt  }
0x4c: {  	_ =	shalt  }
0x4d: {  	_ =	shalt  }
0x4e: {  	_ =	shalt  }
0x4f: {  	_ =	shalt  }
0x50: {  	_ =	shalt  }
0x51: {  	_ =	shalt  }
0x52: {  	_ =	shalt  }
0x53: {  	_ =	shalt  }
0x54: {  	_ =	shalt  }
0x55: {  	_ =	shalt  }
0x56: {  	_ =	shalt  }
0x57: {  	_ =	shalt  }
0x58: {  	_ =	shalt  }
0x59: {  	_ =	shalt  }
0x5a: {  	_ =	shalt  }
0x5b: {  	_ =	shalt  }
0x5c: {  	_ =	shalt  }
0x5d: {  	_ =	shalt  }
0x5e: {  	_ =	shalt  }
0x5f: {  	_ =	shalt  }
0x60: {  	_ =	shalt  }
0x61: {  	_ =	shalt  }
0x62: {  	_ =	shalt  }
0x63: {  	_ =	shalt  }
0x64: {  	_ =	shalt  }
0x65: {  	_ =	shalt  }
0x66: {  	_ =	shalt  }
0x67: {  	_ =	shalt  }
0x68: {  	_ =	shalt  }
0x69: {  	_ =	shalt  }
0x6a: {  	_ =	shalt  }
0x6b: {  	_ =	shalt  }
0x6c: {  	_ =	shalt  }
0x6d: {  	_ =	shalt  }
0x6e: {  	_ =	shalt  }
0x6f: {  	_ =	shalt  }
0x70: {  	_ =	shalt  }
0x71: {  	_ =	shalt  }
0x72: {  	_ =	shalt  }
0x73: {  	_ =	shalt  }
0x74: {  	_ =	shalt  }
0x75: {  	_ =	shalt  }
0x76: {  	_ =	shalt  }
0x77: {  	_ =	shalt  }
0x78: {  	_ =	shalt  }
0x79: {  	_ =	shalt  }
0x7a: {  	_ =	shalt  }
0x7b: {  	_ =	shalt  }
0x7c: {  	_ =	shalt  }
0x7d: {  	_ =	shalt  }
0x7e: {  	_ =	shalt  }
0x7f: {  	_ =	shalt  }
0x80: {  	_ =	shalt  }
0x81: {  	_ =	shalt  }
0x82: {  	_ =	shalt  }
0x83: {  	_ =	shalt  }
0x84: {  	_ =	shalt  }
0x85: {  	_ =	shalt  }
0x86: {  	_ =	shalt  }
0x87: {  	_ =	shalt  }
.Lfunc_end0:
.L_simem_size_0:
called_computation.3_lowered:
.L_overlay_start_0:
0x88: {  	s2 =	sld [smem:$0x3FD9]  }
0x89: {  	s3 =	sld [smem:$0x3FFE];
	_ =	sdelay $0x1  }
0x8a: {  	s1 =	srdreg.scid  }
0x8b: {  	s0 =	sand.u32 $0x1, s1  }
0x8c: {  	s16 =	sshll.u32 s0, $0xA;
	s2 =	sadd.s32 s3, s2  }
0x8d: {  	s2 =	sadd.s32 s2, s16  }
0x8e: {  	[smem:$0x3FB9] =	sst s2  }
0x8f: {  	_ = 	snop  }
0x90: {  	(tm) =	ssettm $0x1  }
0x91: {  	s17 =	sld [smem:$0x3FFB];
	_ =	sdelay $0x3  }
0x92: {  	_ =	strace s17  }
0x93: {  	s2 =	sld [smem:$0x3FFC];
	_ =	sdelay $0x3  }
0x94: {  	_ =	strace s2  }
0x95: {  	s2 =	sld [smem:$0x3FFD];
	_ =	sdelay $0x3  }
0x96: {  	_ =	strace s2  }
0x97: {  	_ =	strace $0x8FFFFFFF  }
0x98: {  	s18 =	sld [smem:$0x3FDB];
	_ =	sdelay $0x1  }
0x99: {  	s19 =	simm.s32 $_scs_section_size  }
0x9a: {  	s4 =	simm.s32 $_size__tile_overlayer_lowered;
	s5 =	simm.s32 $_tile_overlayer_lowered  }
0x9b: {  	s22 =	simm.s32 $0x1BFF;
	s21 =	sshll.u32 s5, $0x1;
	s2 =	sadd.s32 s19, s18  }
0x9c: {  	s6 =	simm.s32 $0x0;
	s20 =	sshll.u32 s4, $0x1;
	s4 =	sadd.s32 s21, s2  }
0x9d: {  	[timem:s6], [sflag:s22] =	dma.local [hbm:s4], s20  }
0x9e: {  	_ =	swait.ge [sflag:s22], s20  }
0x9f: {  	s3 =	ssub.s32 $0x0, s20;
	[sflag:s22] =	ssyncset.done $0x0  }
0xa0: {  	[sflag:s22] =	ssyncadd.s32 s3;
	_ =	sdelay $0x1  }
0xa1: {  	s23 =	simm.s32 $0x1B8B  }
0xa2: {  	_ =	swait.ge [sflag:s23], $0x1  }
0xa3: {  	[sflag:s23] =	ssyncset.done $0x0  }
0xa4: {  	s25 =	simm.s32 $0x1B8E;
	s24 =	sld [smem:$0x3FFE];
	[sflag:s23] =	ssyncadd.s32 $0xFFFFFFFF  }
0xa5: {  	s26 =	simm.s32 $execute0_lowered;
	[smem:$0x3FD2] =	sst s25  }
0xa6: {  	s4 =	sshll.u32 s26, $0x1;
	_ =	strace $0x8000004F;
	[dreg:$0x1] =	wrdreg $0xFFFFFFFF  }
0xa7: {  	s28 =	simm.s32 $_size_execute0_lowered;
	s2 =	sadd.s32 s2, s4;
	[dreg:$0x0] =	wrdreg $0x0  }
0xa8: {  	s4 =	sshll.u32 s28, $0x1;
	[dreg:$0x2] =	wrdreg s2  }
0xa9: {  	[dreg:$0x3] =	wrdreg s4  }
0xaa: {  	[dreg:$0x4] =	wrdreg $0xC0  }
0xab: {  	_ =	task [dreg:s6], $0x5FFFF  }
0xac: {  	[dreg:$0x1] =	wrdreg $0xFFFFFFFF  }
0xad: {  	[dreg:$0x0] =	wrdreg $0x60  }
0xae: {  	[dreg:$0x2] =	wrdreg s24  }
0xaf: {  	[dreg:$0x3] =	wrdreg $0x84000  }
0xb0: {  	[dreg:$0x4] =	wrdreg $0x9  }
0xb1: {  	_ =	task.clear_ibuf [dreg:s6], $0x5FFFF;
	_ =	strace $0x9000004F  }
0xb2: {  	s29 =	simm.s32 $0x9;
	_ =	strace $0x80000051  }
0xb3: {  	_ =	swait.ge [sflag:s29], $0x1  }
0xb4: {  	[sflag:s29] =	ssyncadd.s32 $0xFFFFFFFF  }
0xb5: {  	_ =	strace $0x90000051  }
0xb6: {  	_ =	sfence  }
0xb7: {  	s30 =	sld [smem:$0x0];
	_ =	sdelay $0x2  }
0xb8: {  	s31 =	sshll.u32 s1, $0xD;
	s1 =	sshrl.u32 s1, $0x2  }
0xb9: {  	s3 =	sand.u32 $0x4000, s31;
	s1 =	sadd.s32 s1, s30  }
0xba: {  	s0 =	sor.u32 s3, s0;
	s1 =	sshll.u32 s1, $0x11  }
0xbb: {  	s0 =	sor.u32 s1, s0  }
0xbc: {  	s0 =	sadd.s32 $0x8F2B, s0  }
0xbd: {  	[sflag:s0] =	ssyncadd.remote.s32 $0x1  }
0xbe: {  	_ =	sfence.sel $0xFFFF  }
0xbf: {  	[dreg:$0x0] =	wrdreg $0xFFFFFFFF;
	(pc) =	sbr.abs _section_cstart, $3  }
0xc0: {  	[dreg:$0x1] =	wrdreg $0xFFFFFFFF  }
0xc1: {  	_ =	task.clear_ibuf [dreg:s6], $0x2FFFF;
	_ =	strace $0x9FFFFFFF  }
0xc2: {  	(tm) =	ssettm $0x7FFFFFFF  }
0xc3: {  	_ =	shalt  }
tec
execute0_lowered:
.L_overlay_start_1:
0x0: {  	(tag) =	ssettag $0x1  }
0x1: {  	s0 =	rddreg [dreg:$0x0]  }
0x2: {  	s2 =	rddreg [dreg:$0x1];
	s3 =	simm.s32 $0x0;
	s14 =	stileid.u32  }
0x3: {  	s6 =	srdreg.scid;
	s15 =	simm.s32 $0xC3C00;
	s17 =	simm.s32 $0x7D  }
0x4: {  	s18 =	simm.s32 $0x400;
	s19 =	simm.s32 $0x1;
	s21 =	simm.s32 $0x4400  }
0x5: {  	s28 =	simm.s32 $0x2;
	s29 =	simm.s32 $0x0;
	[smem:$0x7FF] =	sst s3  }
0x6: {  	s1 =	smul.u32 $0x271, s14;
	s4 =	sadd.s32 $0x27400, s0;
	s5 =	sadd.s32 $0x1D400, s0  }
0x7: {  	s12 =	sadd.s32 $0x13400, s0;
	s9 =	sand.u32 $0x1, s6;
	s25 =	sshll.u32 s14, $0x6  }
0x8: {  	_ =	strace $0x80000050;
	s7 =	ssub.s32 $0x2, s9;
	s8 =	sshll.u32 s9, $0x4  }
0x9: {  	s6 =	sor.u32 $0x1C06, s25;
	p0 =	seq.s32 s9, $0x1;
	s13 =	smul.u32 $0x5000, s9  }
0xa: {  	s1 =	sshrl.u32 s1, $0x3;
	s23 =	sshrl.u32 s7, $0x1;
	s8 =	sor.u32 s14, s8  }
0xb: {  	s14 =	smul.u32 $0x500, s14;
	s15 =	simm.s32 @!p0 $0x9CA00;
	s22 =	sshll.u32 s1, $0x7  }
0xc: {  	s10 =	ssub.s32 s7, s23;
	s1 =	sshll.u32 s1, $0xA;
	s11 =	smul.u32 $0x500, s8  }
0xd: {  	s16 =	sadd.s32 s13, s12;
	s23 =	simm.s32 $0x3;
	s0 =	sadd.s32 s22, s0  }
0xe: {  	s1 =	sadd.s32 s1, s2;
	s9 =	smax.u32 s10, $0x1;
	s24 =	sadd.s32 $0x75800, s0  }
0xf: {  	s31 =	sadd.s32 s14, s16;
	s26 =	sadd.s32 s5, s11;
	[dreg:$0x3] =	wrdreg s24  }
0x10: {  	s30 =	sadd.s32 s12, s11;
	s11 =	sor.u32 $0x20, s11;
	[dreg:$0x4] =	wrdreg s26  }
0x11: {  	s16 =	simm.s32 $0x6;
	[dreg:$0x5] =	wrdreg s30;
	s10 =	sadd.s32 s5, s11  }
0x12: {  	s11 =	sadd.s32 s12, s11;
	s5 =	sadd.s32 s13, s5;
	s12 =	sadd.s32 s15, s0  }
0x13: {  	s15 =	sshrl.u32 s1, $0x3;
	s24 =	simm.s32 $0x4;
	s5 =	sadd.s32 s14, s5  }
0x14: {  	s26 =	simm.s32 $0x5;
	s14 =	sadd.s32 $0x40, s31;
	s13 =	sadd.s32 $0x40, s5  }
.LBB2_1:
0x15: {  	s0 =	rddreg [dreg:$0x3]  }
0x16: {  	[spmem:s15], [sflag:s6] =	dma.local [hbm:s0], $0x2780  }
0x17: {  	_ =	swait.ge [sflag:s16], $0x2780  }
0x18: {  	[sflag:s16] =	ssyncset.done $0x0  }
0x19: {  	s8 =	rddreg [dreg:$0x4];
	[sflag:s16] =	ssyncadd.s32 $0xFFFFD880  }
0x1a: {  	[tilespmem:s3], [sflag:$0x6] =	stream.linear.gather [hbm4b:s8+s3], $0x100, $0x38;
	[tilespmem:$0x1BC80] =	vst v63  }
0x1b: {  	_ =	swait.ge [sflag:s16], $0x100  }
0x1c: {  	[sflag:s16] =	ssyncset.done $0x0  }
0x1d: {  	s0 =	simm.s32 $0x200;
	s1 =	rddreg [dreg:$0x5];
	[sflag:s16] =	ssyncadd.s32 $0xFFFFFF00  }
0x1e: {  	[tilespmem:s0], [sflag:$0x6] =	stream.linear.gather [hbm4b:s1+s3], $0x100, $0x38;
	[tilespmem:$0x1BC80] =	vst v63  }
0x1f: {  	_ =	swait.ge [sflag:s16], $0x100  }
0x20: {  	[sflag:s16] =	ssyncset.done $0x0  }
0x21: {  	[sflag:s16] =	ssyncadd.s32 $0xFFFFFF00  }
0x22: {  	[bflag:$0x0] =	sbarrier.arrive $0xFFFF  }
0x23: {  	[tilespmem:s18], [sflag:$0x1] =	stream.indirect.gather [hbm4b:s4+s17], $0x80, s3, s17, $0xb8;
	[tilespmem:$0x1BC80] =	vst v63  }
0x24: {  	_ =	swait.ge [sflag:s19], $0x3E80  }
0x25: {  	[sflag:s19] =	ssyncset.done $0x0  }
0x26: {  	s20 =	simm.s32 $0x80;
	[sflag:s19] =	ssyncadd.s32 $0xFFFFC180  }
0x27: {  	[tilespmem:s21], [sflag:$0x2] =	stream.indirect.gather [hbm4b:s4+s17], $0x80, s20, s17, $0xb8;
	[tilespmem:$0x1BC80] =	vst v63  }
0x28: {  	s22 =	simm.s32 $0x100  }
0x29: {  	[tilespmem:s22], [sflag:$0x3] =	stream.linear.gather [hbm4b:s10+s3], $0x100, $0x38;
	[tilespmem:$0x1BC80] =	vst v63  }
0x2a: {  	s5 =	simm.s32 $0x300  }
0x2b: {  	[tilespmem:s5], [sflag:$0x3] =	stream.linear.gather [hbm4b:s11+s3], $0x100, $0x38;
	[tilespmem:$0x1BC80] =	vst v63  }
0x2c: {  	_ = 	snop  }
0x2d: {  	[spmem:s2] =	stream.indirect.scatter.add.f32 [tilespmem:s18], [sflag:$0x4], $0x80, s0, s17, $0xb8;
	[tilespmem:$0x1BC80] =	vst v63  }
0x2e: {  	_ =	swait.ge [sflag:s28], $0x3E80  }
0x2f: {  	[sflag:s28] =	ssyncset.done $0x0  }
0x30: {  	[sflag:s28] =	ssyncadd.s32 $0xFFFFC180  }
0x31: {  	_ =	swait.ge [sflag:s23], $0x100  }
0x32: {  	[sflag:s23] =	ssyncset.done $0x0  }
0x33: {  	[sflag:s23] =	ssyncadd.s32 $0xFFFFFF00  }
0x34: {  	_ =	swait.ge [sflag:s23], $0x100  }
0x35: {  	[sflag:s23] =	ssyncset.done $0x0  }
0x36: {  	[sflag:s23] =	ssyncadd.s32 $0xFFFFFF00  }
0x37: {  	_ =	swait.ge [sflag:s24], $0x3E80  }
0x38: {  	[sflag:s24] =	ssyncset.done $0x0  }
0x39: {  	[sflag:s24] =	ssyncadd.s32 $0xFFFFC180  }
0x3a: {  	[tilespmem:s18], [sflag:$0x1] =	stream.indirect.gather [hbm4b:s4+s17], $0x80, s22, s17, $0xb8;
	[tilespmem:$0x1BC80] =	vst v63  }
0x3b: {  	s25 =	simm.s32 $0x280  }
0x3c: {  	[spmem:s2] =	stream.indirect.scatter.add.f32 [tilespmem:s21], [sflag:$0x5], $0x80, s25, s17, $0xb8;
	[tilespmem:$0x1BC80] =	vst v63  }
0x3d: {  	_ =	swait.ge [sflag:s26], $0x3E80  }
0x3e: {  	[sflag:s26] =	ssyncset.done $0x0  }
0x3f: {  	[sflag:s26] =	ssyncadd.s32 $0xFFFFC180  }
0x40: {  	_ =	swait.ge [sflag:s19], $0x3E80  }
0x41: {  	s7 =	sxor.u32 $0xFFFFFFFF, s28;
	[sflag:s19] =	ssyncset.done $0x0  }
0x42: {  	s1 =	sand.u32 $0x2, s7;
	s5 =	simm.s32 $0x180;
	[sflag:s19] =	ssyncadd.s32 $0xFFFFC180  }
0x43: {  	[tilespmem:s21], [sflag:$0x2] =	stream.indirect.gather [hbm4b:s4+s17], $0x80, s5, s17, $0xb8;
	[tilespmem:$0x1BC80] =	vst v63  }
0x44: {  	s1 =	sshll.u32 s1, $0x7  }
0x45: {  	[tilespmem:s1], [sflag:$0x3] =	stream.linear.gather [hbm4b:s13+s3], $0x100, $0x38;
	[tilespmem:$0x1BC80] =	vst v63  }
0x46: {  	s8 =	sor.u32 $0x200, s1  }
0x47: {  	[tilespmem:s8], [sflag:$0x3] =	stream.linear.gather [hbm4b:s14+s3], $0x100, $0x38;
	[tilespmem:$0x1BC80] =	vst v63  }
0x48: {  	s20 =	simm.s32 $0x300  }
0x49: {  	[spmem:s2] =	stream.indirect.scatter.add.f32 [tilespmem:s18], [sflag:$0x4], $0x80, s20, s17, $0xb8;
	[tilespmem:$0x1BC80] =	vst v63  }
0x4a: {  	_ =	swait.ge [sflag:s28], $0x3E80  }
0x4b: {  	[sflag:s28] =	ssyncset.done $0x0  }
0x4c: {  	[sflag:s28] =	ssyncadd.s32 $0xFFFFC180  }
0x4d: {  	_ =	swait.ge [sflag:s23], $0x100  }
0x4e: {  	[sflag:s23] =	ssyncset.done $0x0  }
0x4f: {  	[sflag:s23] =	ssyncadd.s32 $0xFFFFFF00  }
0x50: {  	_ =	swait.ge [sflag:s23], $0x100  }
0x51: {  	[sflag:s23] =	ssyncset.done $0x0  }
0x52: {  	[sflag:s23] =	ssyncadd.s32 $0xFFFFFF00  }
0x53: {  	_ =	swait.ge [sflag:s24], $0x3E80  }
0x54: {  	[sflag:s24] =	ssyncset.done $0x0  }
0x55: {  	[sflag:s24] =	ssyncadd.s32 $0xFFFFC180  }
0x56: {  	[tilespmem:s18], [sflag:$0x1] =	stream.indirect.gather [hbm4b:s4+s17], $0x80, s1, s17, $0xb8;
	[tilespmem:$0x1BC80] =	vst v63  }
0x57: {  	s22 =	simm.s32 $0x380  }
0x58: {  	[spmem:s2] =	stream.indirect.scatter.add.f32 [tilespmem:s21], [sflag:$0x5], $0x80, s22, s17, $0xb8;
	[tilespmem:$0x1BC80] =	vst v63  }
0x59: {  	_ =	swait.ge [sflag:s26], $0x3E80  }
0x5a: {  	s31 =	sadd.s32 $0x20, s14;
	s25 =	simm.s32 $0x4;
	[sflag:s26] =	ssyncset.done $0x0  }
0x5b: {  	s30 =	simm.s32 $0x300;
	s5 =	sxor.u32 $0xFFFFFFFF, s25;
	[sflag:s26] =	ssyncadd.s32 $0xFFFFC180  }
0x5c: {  	s20 =	simm.s32 $0x6;
	s22 =	sand.u32 $0x100, s0;
	_ =	swait.ge [sflag:s19], $0x3E80  }
0x5d: {  	s0 =	sadd.s32 $0x20, s13;
	s1 =	sor.u32 $0x80, s22;
	[sflag:s19] =	ssyncset.done $0x0  }
.LBB2_2:
0x5e: {  	s5 =	sand.u32 $0x2, s5;
	[sflag:s19] =	ssyncadd.s32 $0xFFFFC180  }
0x5f: {  	s7 =	smov.u32 s20;
	s25 =	sadd.s32 $0x2, s20;
	s8 =	smov.u32 s30  }
0x60: {  	[tilespmem:s21], [sflag:$0x2] =	stream.indirect.gather [hbm4b:s4+s17], $0x80, s1, s17, $0xb8;
	[tilespmem:$0x1BC80] =	vst v63  }
0x61: {  	p0 =	sne.s32 s20, $0x4C;
	s5 =	sshll.u32 s5, $0x7  }
0x62: {  	[tilespmem:s5], [sflag:$0x3] =	stream.linear.gather [hbm4b:s0+s3], $0x100, $0x38;
	[tilespmem:$0x1BC80] =	vst v63  }
0x63: {  	s20 =	sor.u32 $0x200, s5  }
0x64: {  	[tilespmem:s20], [sflag:$0x3] =	stream.linear.gather [hbm4b:s31+s3], $0x100, $0x38;
	[tilespmem:$0x1BC80] =	vst v63  }
0x65: {  	s20 =	sadd.s32 $0x200, s22  }
0x66: {  	[spmem:s2] =	stream.indirect.scatter.add.f32 [tilespmem:s18], [sflag:$0x4], $0x80, s20, s17, $0xb8;
	[tilespmem:$0x1BC80] =	vst v63  }
0x67: {  	_ =	swait.ge [sflag:s28], $0x3E80  }
0x68: {  	[sflag:s28] =	ssyncset.done $0x0  }
0x69: {  	[sflag:s28] =	ssyncadd.s32 $0xFFFFC180  }
0x6a: {  	_ =	swait.ge [sflag:s23], $0x100  }
0x6b: {  	[sflag:s23] =	ssyncset.done $0x0  }
0x6c: {  	[sflag:s23] =	ssyncadd.s32 $0xFFFFFF00  }
0x6d: {  	_ =	swait.ge [sflag:s23], $0x100  }
0x6e: {  	[sflag:s23] =	ssyncset.done $0x0  }
0x6f: {  	[sflag:s23] =	ssyncadd.s32 $0xFFFFFF00  }
0x70: {  	_ =	swait.ge [sflag:s24], $0x3E80  }
0x71: {  	[sflag:s24] =	ssyncset.done $0x0  }
0x72: {  	[sflag:s24] =	ssyncadd.s32 $0xFFFFC180  }
0x73: {  	[tilespmem:s18], [sflag:$0x1] =	stream.indirect.gather [hbm4b:s4+s17], $0x80, s5, s17, $0xb8;
	[tilespmem:$0x1BC80] =	vst v63  }
0x74: {  	s1 =	sadd.s32 $0x200, s1  }
0x75: {  	[spmem:s2] =	stream.indirect.scatter.add.f32 [tilespmem:s21], [sflag:$0x5], $0x80, s1, s17, $0xb8;
	[tilespmem:$0x1BC80] =	vst v63  }
.Ltmp0:
0x76: {  	_ =	swait.ge [sflag:s26], $0x3E80;
	(pc) =	sbr.rel @p0 .LBB2_2-.Ltmp0, $4  }
0x77: {  	s30 =	sadd.s32 $0x100, s30;
	[sflag:s26] =	ssyncset.done $0x0  }
0x78: {  	s0 =	sadd.s32 $0x20, s0;
	s31 =	sadd.s32 $0x20, s31;
	[sflag:s26] =	ssyncadd.s32 $0xFFFFC180  }
0x79: {  	s22 =	sand.u32 $0x100, s8;
	s20 =	smov.u32 s25;
	_ =	swait.ge [sflag:s19], $0x3E80  }
0x7a: {  	s5 =	sxor.u32 $0xFFFFFFFF, s7;
	s1 =	sor.u32 $0x80, s22;
	[sflag:s19] =	ssyncset.done $0x0  }
0x7b: {  	s5 =	sand.u32 $0x2, s5;
	[sflag:s19] =	ssyncadd.s32 $0xFFFFC180  }
0x7c: {  	[tilespmem:s21], [sflag:$0x2] =	stream.indirect.gather [hbm4b:s4+s17], $0x80, s1, s17, $0xb8;
	[tilespmem:$0x1BC80] =	vst v63  }
0x7d: {  	s5 =	sshll.u32 s5, $0x7  }
0x7e: {  	[tilespmem:s5], [sflag:$0x3] =	stream.linear.gather [hbm4b:s0+s3], $0x100, $0x38;
	[tilespmem:$0x1BC80] =	vst v63  }
0x7f: {  	s8 =	sor.u32 $0x200, s5  }
0x80: {  	[tilespmem:s8], [sflag:$0x3] =	stream.linear.gather [hbm4b:s31+s3], $0x100, $0x38;
	[tilespmem:$0x1BC80] =	vst v63  }
0x81: {  	s20 =	sadd.s32 $0x200, s22  }
0x82: {  	[spmem:s2] =	stream.indirect.scatter.add.f32 [tilespmem:s18], [sflag:$0x4], $0x80, s20, s17, $0xb8;
	[tilespmem:$0x1BC80] =	vst v63  }
0x83: {  	_ =	swait.ge [sflag:s28], $0x3E80  }
0x84: {  	[sflag:s28] =	ssyncset.done $0x0  }
0x85: {  	[sflag:s28] =	ssyncadd.s32 $0xFFFFC180  }
0x86: {  	_ =	swait.ge [sflag:s23], $0x100  }
0x87: {  	[sflag:s23] =	ssyncset.done $0x0  }
0x88: {  	[sflag:s23] =	ssyncadd.s32 $0xFFFFFF00  }
0x89: {  	_ =	swait.ge [sflag:s23], $0x100  }
0x8a: {  	[sflag:s23] =	ssyncset.done $0x0  }
0x8b: {  	[sflag:s23] =	ssyncadd.s32 $0xFFFFFF00  }
0x8c: {  	_ =	swait.ge [sflag:s24], $0x3E80  }
0x8d: {  	[sflag:s24] =	ssyncset.done $0x0  }
0x8e: {  	[sflag:s24] =	ssyncadd.s32 $0xFFFFC180  }
0x8f: {  	[tilespmem:s18], [sflag:$0x1] =	stream.indirect.gather [hbm4b:s4+s17], $0x80, s5, s17, $0xb8;
	[tilespmem:$0x1BC80] =	vst v63  }
0x90: {  	s22 =	sadd.s32 $0x200, s1  }
0x91: {  	[spmem:s2] =	stream.indirect.scatter.add.f32 [tilespmem:s21], [sflag:$0x5], $0x80, s22, s17, $0xb8;
	[tilespmem:$0x1BC80] =	vst v63  }
0x92: {  	_ =	swait.ge [sflag:s26], $0x3E80  }
0x93: {  	[sflag:s26] =	ssyncset.done $0x0  }
0x94: {  	[sflag:s26] =	ssyncadd.s32 $0xFFFFC180  }
0x95: {  	_ =	swait.ge [sflag:s19], $0x3E80  }
0x96: {  	s25 =	sand.u32 $0x100, s30;
	[sflag:s19] =	ssyncset.done $0x0  }
0x97: {  	s30 =	sor.u32 $0x80, s25;
	[sflag:s19] =	ssyncadd.s32 $0xFFFFC180  }
0x98: {  	[tilespmem:s21], [sflag:$0x2] =	stream.indirect.gather [hbm4b:s4+s17], $0x80, s30, s17, $0xb8;
	[tilespmem:$0x1BC80] =	vst v63  }
0x99: {  	s0 =	sor.u32 $0x200, s25  }
0x9a: {  	[spmem:s2] =	stream.indirect.scatter.add.f32 [tilespmem:s18], [sflag:$0x4], $0x80, s0, s17, $0xb8;
	[tilespmem:$0x1BC80] =	vst v63  }
0x9b: {  	_ =	swait.ge [sflag:s28], $0x3E80  }
0x9c: {  	[sflag:s28] =	ssyncset.done $0x0  }
0x9d: {  	[sflag:s28] =	ssyncadd.s32 $0xFFFFC180  }
0x9e: {  	_ =	swait.ge [sflag:s24], $0x3E80  }
0x9f: {  	[sflag:s24] =	ssyncset.done $0x0  }
0xa0: {  	s31 =	sor.u32 $0x200, s30;
	[sflag:s24] =	ssyncadd.s32 $0xFFFFC180  }
0xa1: {  	[spmem:s2] =	stream.indirect.scatter.add.f32 [tilespmem:s21], [sflag:$0x5], $0x80, s31, s17, $0xb8;
	[tilespmem:$0x1BC80] =	vst v63  }
0xa2: {  	_ =	swait.ge [sflag:s26], $0x3E80  }
0xa3: {  	s29 =	sadd.s32 $0x1, s29;
	[sflag:s26] =	ssyncset.done $0x0  }
0xa4: {  	p0 =	sne.s32 s29, s9;
	[sflag:s26] =	ssyncadd.s32 $0xFFFFC180  }
.Ltmp1:
0xa5: {  	[bflag:$0x0] =	sbarrier.arrive $0xFFFF;
	(pc) =	sbr.rel @p0 .LBB2_1-.Ltmp1, $4  }
0xa6: {  	[hbm:s12], [sflag:s6] =	dma.local [spmem:s15], $0x2780  }
0xa7: {  	_ =	swait.ge [sflag:s16], $0x2780  }
0xa8: {  	[sflag:s16] =	ssyncset.done $0x0  }
0xa9: {  	[sflag:s16] =	ssyncadd.s32 $0xFFFFD880  }
0xaa: {  	_ =	sfence.sel $0x180000  }
0xab: {  	[bflag:$0x0] =	sbarrier.arrive $0xFFFF  }
0xac: {  	_ =	strace $0x90000050  }
0xad: {  	s0 =	stileid.u32;
	[bflag:$0x2] =	sbarrier.arrive $0xFFFF  }
0xae: {  	p0 =	sne.s32 s0, $0x0;
	s0 =	rddreg [dreg:$0x2]  }
0xaf: {  	s0 =	sadd.s32 @!p0 $0x100000, s0  }
0xb0: {  	[sflag:s0] =	ssyncadd.tile.s32 @!p0 $0x1;
	_ =	shalt  }
.Lfunc_end2:
_tile_overlayer_lowered:
.L_overlay_start_2:
0xb1: {  	(tag) =	ssettag $0x2  }
0xb2: {  	s0 =	rddreg [dreg:$0x0];
	s2 =	stileid.u32  }
0xb3: {  	s1 =	rddreg [dreg:$0x1];
	p0 =	sne.s32 s2, $0x0  }
0xb4: {  	s3 =	rddreg [dreg:$0x2];
	[bflag:$0x3] =	sbarrier.arrive $0xFFFF;
	s2 =	simm.s32 @!p0 $0x1C06  }
0xb5: {  	[timem:s3], [sflag:s2] =	dma.local @!p0 [hbm:s0], s1  }
0xb6: {  	s0 =	simm.s32 @!p0 $0x6  }
0xb7: {  	_ =	swait.ge @!p0 [sflag:s0], s1  }
0xb8: {  	s1 =	ssub.s32 @!p0 $0x0, s1;
	[sflag:s0] =	ssyncset.done @!p0 $0x0  }
0xb9: {  	[sflag:s0] =	ssyncadd.s32 @!p0 s1  }
0xba: {  	[bflag:$0x3] =	sbarrier.arrive $0xFFFF  }
0xbb: {  	_ =	shalt  }

// kernel: kernel.26.cloned.1.call-start
scs
__scs_entry_jumppad:
0x0: {  	(pc) =	sbr.rel $0x88, $3  }
0x1: {  	(tag) =	ssettag $0x0;
	lr =	simm.s32 $0x1  }
0x2: {  	[smem:$0x3F92] =	sst lr;
	_ =	strace $0xD0000000  }
0x3: {  	_ = 	snop  }
0x4: {  	_ = 	snop  }
0x5: {  	_ = 	snop  }
0x6: {  	_ = 	snop  }
0x7: {  	_ = 	snop  }
__scs_overlays_trampoline_lowered:
0x8: {  	[smem:$0x3FA1] =	sst s0  }
0x9: {  	[smem:$0x3FA2] =	sst s1  }
0xa: {  	[smem:$0x3FA3] =	sst s2  }
0xb: {  	[smem:$0x3FA4] =	sst s3  }
0xc: {  	[smem:$0x3FA5] =	sst s4  }
0xd: {  	[smem:$0x3FA6] =	sst s5  }
0xe: {  	[smem:$0x3FA7] =	sst s6  }
0xf: {  	[smem:$0x3FA8] =	sst s7  }
0x10: {  	[smem:$0x3FA9] =	sst s8  }
0x11: {  	[smem:$0x3FAA] =	sst s9;
	s0 =	simm.s32 @!p0 $0x0  }
0x12: {  	s1 =	sld [smem:$0x3F90];
	s0 =	simm.s32 @p0 $0x1  }
0x13: {  	[smem:$0x3FAB] =	sst s0;
	s0 =	simm.s32 @!p1 $0x0  }
0x14: {  	s2 =	sld [smem:$0x3F8F];
	s0 =	simm.s32 @p1 $0x1  }
0x15: {  	[smem:$0x3FAC] =	sst s0;
	s0 =	simm.s32 @!p2 $0x0  }
0x16: {  	s3 =	sld [smem:$0x3FDB];
	s0 =	simm.s32 @p2 $0x1  }
0x17: {  	s4 =	simm.s32 $0x1BF5;
	[smem:$0x3FAE] =	sst s0  }
0x18: {  	s0 =	sld [smem:$0x3F91];
	_ =	swait.ge [sflag:s4], $0x0  }
0x19: {  	s7 =	sld [smem:$0x3F92]  }
0x1a: {  	s8 =	sadd.s32 $0xFFFFE003, lr  }
0x1b: {  	s9 =	sadd.s32 $0xFFFFFEF7, lr;
	s5 =	simm.s32 $0xFFFFFFFF;
	p2 =	slt.u32 s8, $0xFFFFF086  }
0x1c: {  	p1 =	slt.u32 s9, $0xF7A;
	s5 =	simm.s32 @!p2 $0x0  }
0x1d: {  	s5 =	simm.s32 @p1 $0x1;
	p0 =	seq.s32 s7, s2  }
0x1e: {  	s7 =	smul.u32 @!p0 $0xF7A, s2;
	p2 =	seq.s32 @!p0 s5, $0x0  }
0x1f: {  	s9 =	smul.u32 $0xF7A, s1;
	s8 =	simm.s32 @!p0 $0x1BF5;
	p2 =	por !p2, p0  }
0x20: {  	[sflag:s8] =	ssyncset.s32 @!p0 $0xFFFFF086;
	s6 =	sadd.s32 @!p0 s3, s7;
	s7 =	simm.s32 @!p0 $0x108  }
0x21: {  	s3 =	sadd.s32 s3, s9;
	s6 =	sadd.s32 @!p0 $0x88, s6;
	s7 =	simm.s32 @p2 $0x1082  }
0x22: {  	[simem:s7], [sflag:s8] =	dma.local @!p0 [hbm:s6], $0xF7A  }
0x23: {  	s9 =	sor.u32 $0xD0000000, s2;
	s6 =	simm.s32 $0x108;
	_ =	swait.ge @!p0 [sflag:s8], $0x0  }
0x24: {  	s3 =	sadd.s32 $0x88, s3;
	s6 =	simm.s32 @!p1 $0x1082;
	[sflag:s4] =	ssyncset.s32 $0xFFFFF086  }
0x25: {  	[simem:s6], [sflag:s4] =	dma.local [hbm:s3], $0xF7A  }
0x26: {  	[smem:$0x3F92] =	sst s1;
	(tag) =	ssettag s2;
	_ =	strace s9  }
0x27: {  	s1 =	sld [smem:$0x3FA2]  }
0x28: {  	s2 =	sld [smem:$0x3FA3]  }
0x29: {  	s4 =	sld [smem:$0x3FA5]  }
0x2a: {  	p0 =	seq.s32 s5, $0x0;
	s5 =	sld [smem:$0x3FA6]  }
0x2b: {  	s6 =	sld [smem:$0x3FA7]  }
0x2c: {  	s7 =	sld [smem:$0x3FA8]  }
0x2d: {  	s3 =	simm.s32 $0x108;
	s8 =	sld [smem:$0x3FA9]  }
0x2e: {  	s3 =	simm.s32 @!p0 $0x1082;
	s9 =	sld [smem:$0x3FAA]  }
0x2f: {  	lr =	sadd.s32 s0, s3;
	s0 =	sld [smem:$0x3FA1]  }
0x30: {  	s3 =	sld [smem:$0x3FA4]  }
0x31: {  	[smem:$0x3FAD] =	sst s10  }
0x32: {  	s10 =	sld [smem:$0x3FAB];
	_ =	sdelay $0x3  }
0x33: {  	p0 =	seq.s32 s10, $0x1;
	s10 =	sld [smem:$0x3FAD];
	_ =	sdelay $0x3  }
0x34: {  	[smem:$0x3FAD] =	sst s10  }
0x35: {  	s10 =	sld [smem:$0x3FAC];
	_ =	sdelay $0x3  }
0x36: {  	p1 =	seq.s32 s10, $0x1;
	s10 =	sld [smem:$0x3FAD];
	_ =	sdelay $0x3  }
0x37: {  	[smem:$0x3FAD] =	sst s10  }
0x38: {  	s10 =	sld [smem:$0x3FAE]  }
0x39: {  	_ = 	snop;
	(pc) =	sbr.ind lr, $3  }
0x3a: {  	_ = 	snop  }
0x3b: {  	_ = 	snop  }
0x3c: {  	p2 =	seq.s32 s10, $0x1;
	s10 =	sld [smem:$0x3FAD]  }
0x3d: {  	_ =	shalt  }
0x3e: {  	_ =	shalt  }
0x3f: {  	_ =	shalt  }
0x40: {  	_ =	shalt  }
0x41: {  	_ =	shalt  }
0x42: {  	_ =	shalt  }
0x43: {  	_ =	shalt  }
0x44: {  	_ =	shalt  }
0x45: {  	_ =	shalt  }
0x46: {  	_ =	shalt  }
0x47: {  	_ =	shalt  }
0x48: {  	_ =	shalt  }
0x49: {  	_ =	shalt  }
0x4a: {  	_ =	shalt  }
0x4b: {  	_ =	shalt  }
0x4c: {  	_ =	shalt  }
0x4d: {  	_ =	shalt  }
0x4e: {  	_ =	shalt  }
0x4f: {  	_ =	shalt  }
0x50: {  	_ =	shalt  }
0x51: {  	_ =	shalt  }
0x52: {  	_ =	shalt  }
0x53: {  	_ =	shalt  }
0x54: {  	_ =	shalt  }
0x55: {  	_ =	shalt  }
0x56: {  	_ =	shalt  }
0x57: {  	_ =	shalt  }
0x58: {  	_ =	shalt  }
0x59: {  	_ =	shalt  }
0x5a: {  	_ =	shalt  }
0x5b: {  	_ =	shalt  }
0x5c: {  	_ =	shalt  }
0x5d: {  	_ =	shalt  }
0x5e: {  	_ =	shalt  }
0x5f: {  	_ =	shalt  }
0x60: {  	_ =	shalt  }
0x61: {  	_ =	shalt  }
0x62: {  	_ =	shalt  }
0x63: {  	_ =	shalt  }
0x64: {  	_ =	shalt  }
0x65: {  	_ =	shalt  }
0x66: {  	_ =	shalt  }
0x67: {  	_ =	shalt  }
0x68: {  	_ =	shalt  }
0x69: {  	_ =	shalt  }
0x6a: {  	_ =	shalt  }
0x6b: {  	_ =	shalt  }
0x6c: {  	_ =	shalt  }
0x6d: {  	_ =	shalt  }
0x6e: {  	_ =	shalt  }
0x6f: {  	_ =	shalt  }
0x70: {  	_ =	shalt  }
0x71: {  	_ =	shalt  }
0x72: {  	_ =	shalt  }
0x73: {  	_ =	shalt  }
0x74: {  	_ =	shalt  }
0x75: {  	_ =	shalt  }
0x76: {  	_ =	shalt  }
0x77: {  	_ =	shalt  }
0x78: {  	_ =	shalt  }
0x79: {  	_ =	shalt  }
0x7a: {  	_ =	shalt  }
0x7b: {  	_ =	shalt  }
0x7c: {  	_ =	shalt  }
0x7d: {  	_ =	shalt  }
0x7e: {  	_ =	shalt  }
0x7f: {  	_ =	shalt  }
0x80: {  	_ =	shalt  }
0x81: {  	_ =	shalt  }
0x82: {  	_ =	shalt  }
0x83: {  	_ =	shalt  }
0x84: {  	_ =	shalt  }
0x85: {  	_ =	shalt  }
0x86: {  	_ =	shalt  }
0x87: {  	_ =	shalt  }
.Lfunc_end0:
.L_simem_size_0:
called_computation.4_lowered:
.L_overlay_start_0:
0x88: {  	s2 =	sld [smem:$0x3FD9]  }
0x89: {  	s3 =	sld [smem:$0x3FFE];
	_ =	sdelay $0x1  }
0x8a: {  	s1 =	srdreg.scid  }
0x8b: {  	s0 =	sand.u32 $0x1, s1  }
0x8c: {  	s16 =	sshll.u32 s0, $0xA;
	s2 =	sadd.s32 s3, s2  }
0x8d: {  	s2 =	sadd.s32 s2, s16  }
0x8e: {  	[smem:$0x3FB9] =	sst s2  }
0x8f: {  	_ = 	snop  }
0x90: {  	(tm) =	ssettm $0x1  }
0x91: {  	s17 =	sld [smem:$0x3FFB];
	_ =	sdelay $0x3  }
0x92: {  	_ =	strace s17  }
0x93: {  	s2 =	sld [smem:$0x3FFC];
	_ =	sdelay $0x3  }
0x94: {  	_ =	strace s2  }
0x95: {  	s2 =	sld [smem:$0x3FFD];
	_ =	sdelay $0x3  }
0x96: {  	_ =	strace s2  }
0x97: {  	_ =	strace $0x8FFFFFFF  }
0x98: {  	s18 =	sld [smem:$0x3FDB];
	_ =	sdelay $0x1  }
0x99: {  	s19 =	simm.s32 $_scs_section_size  }
0x9a: {  	s4 =	simm.s32 $_size__tile_overlayer_lowered;
	s5 =	simm.s32 $_tile_overlayer_lowered  }
0x9b: {  	s22 =	simm.s32 $0x1BFF;
	s21 =	sshll.u32 s5, $0x1;
	s2 =	sadd.s32 s19, s18  }
0x9c: {  	s6 =	simm.s32 $0x0;
	s20 =	sshll.u32 s4, $0x1;
	s4 =	sadd.s32 s21, s2  }
0x9d: {  	[timem:s6], [sflag:s22] =	dma.local [hbm:s4], s20  }
0x9e: {  	_ =	swait.ge [sflag:s22], s20  }
0x9f: {  	s3 =	ssub.s32 $0x0, s20;
	[sflag:s22] =	ssyncset.done $0x0  }
0xa0: {  	[sflag:s22] =	ssyncadd.s32 s3;
	_ =	sdelay $0x1  }
0xa1: {  	s23 =	simm.s32 $0x1B8B  }
0xa2: {  	_ =	swait.ge [sflag:s23], $0x1  }
0xa3: {  	[sflag:s23] =	ssyncset.done $0x0  }
0xa4: {  	s25 =	simm.s32 $0x1B8E;
	s24 =	sld [smem:$0x3FFE];
	[sflag:s23] =	ssyncadd.s32 $0xFFFFFFFF  }
0xa5: {  	s26 =	simm.s32 $execute0_lowered;
	[smem:$0x3FD2] =	sst s25  }
0xa6: {  	s4 =	sshll.u32 s26, $0x1;
	_ =	strace $0x80000052;
	[dreg:$0x1] =	wrdreg $0xFFFFFFFF  }
0xa7: {  	s28 =	simm.s32 $_size_execute0_lowered;
	s2 =	sadd.s32 s2, s4;
	[dreg:$0x0] =	wrdreg $0x0  }
0xa8: {  	s4 =	sshll.u32 s28, $0x1;
	[dreg:$0x2] =	wrdreg s2  }
0xa9: {  	[dreg:$0x3] =	wrdreg s4  }
0xaa: {  	[dreg:$0x4] =	wrdreg $0xC0  }
0xab: {  	_ =	task [dreg:s6], $0x5FFFF  }
0xac: {  	[dreg:$0x1] =	wrdreg $0xFFFFFFFF  }
0xad: {  	[dreg:$0x0] =	wrdreg $0x60  }
0xae: {  	[dreg:$0x2] =	wrdreg s24  }
0xaf: {  	[dreg:$0x3] =	wrdreg $0x84000  }
0xb0: {  	[dreg:$0x4] =	wrdreg $0x9  }
0xb1: {  	_ =	task.clear_ibuf [dreg:s6], $0x5FFFF;
	_ =	strace $0x90000052  }
0xb2: {  	s29 =	simm.s32 $0x9;
	_ =	strace $0x80000054  }
0xb3: {  	_ =	swait.ge [sflag:s29], $0x1  }
0xb4: {  	[sflag:s29] =	ssyncadd.s32 $0xFFFFFFFF  }
0xb5: {  	_ =	strace $0x90000054  }
0xb6: {  	_ =	sfence  }
0xb7: {  	s30 =	sld [smem:$0x0];
	_ =	sdelay $0x2  }
0xb8: {  	s31 =	sshll.u32 s1, $0xD;
	s1 =	sshrl.u32 s1, $0x2  }
0xb9: {  	s3 =	sand.u32 $0x4000, s31;
	s1 =	sadd.s32 s1, s30  }
0xba: {  	s0 =	sor.u32 s3, s0;
	s1 =	sshll.u32 s1, $0x11  }
0xbb: {  	s0 =	sor.u32 s1, s0  }
0xbc: {  	s0 =	sadd.s32 $0x8F2B, s0  }
0xbd: {  	[sflag:s0] =	ssyncadd.remote.s32 $0x1  }
0xbe: {  	_ =	sfence.sel $0xFFFF  }
0xbf: {  	[dreg:$0x0] =	wrdreg $0xFFFFFFFF;
	(pc) =	sbr.abs _section_cstart, $3  }
0xc0: {  	[dreg:$0x1] =	wrdreg $0xFFFFFFFF  }
0xc1: {  	_ =	task.clear_ibuf [dreg:s6], $0x2FFFF;
	_ =	strace $0x9FFFFFFF  }
0xc2: {  	(tm) =	ssettm $0x7FFFFFFF  }
0xc3: {  	_ =	shalt  }
tec
execute0_lowered:
.L_overlay_start_1:
0x0: {  	(tag) =	ssettag $0x1  }
0x1: {  	s0 =	rddreg [dreg:$0x0]  }
0x2: {  	s2 =	rddreg [dreg:$0x1];
	s3 =	simm.s32 $0x0;
	s14 =	stileid.u32  }
0x3: {  	s6 =	srdreg.scid;
	s15 =	simm.s32 $0xC3C00;
	s17 =	simm.s32 $0x7D  }
0x4: {  	s18 =	simm.s32 $0x400;
	s19 =	simm.s32 $0x1;
	s21 =	simm.s32 $0x4400  }
0x5: {  	s28 =	simm.s32 $0x2;
	s29 =	simm.s32 $0x0;
	[smem:$0x7FF] =	sst s3  }
0x6: {  	s1 =	smul.u32 $0x271, s14;
	s4 =	sadd.s32 $0x27400, s0;
	s5 =	sadd.s32 $0x1D400, s0  }
0x7: {  	s12 =	sadd.s32 $0x13400, s0;
	s9 =	sand.u32 $0x1, s6;
	s25 =	sshll.u32 s14, $0x6  }
0x8: {  	_ =	strace $0x80000053;
	s7 =	ssub.s32 $0x2, s9;
	s8 =	sshll.u32 s9, $0x4  }
0x9: {  	s6 =	sor.u32 $0x1C06, s25;
	p0 =	seq.s32 s9, $0x1;
	s13 =	smul.u32 $0x5000, s9  }
0xa: {  	s1 =	sshrl.u32 s1, $0x3;
	s23 =	sshrl.u32 s7, $0x1;
	s8 =	sor.u32 s14, s8  }
0xb: {  	s14 =	smul.u32 $0x500, s14;
	s15 =	simm.s32 @!p0 $0x9CA00;
	s22 =	sshll.u32 s1, $0x7  }
0xc: {  	s10 =	ssub.s32 s7, s23;
	s1 =	sshll.u32 s1, $0xA;
	s11 =	smul.u32 $0x500, s8  }
0xd: {  	s16 =	sadd.s32 s13, s12;
	s23 =	simm.s32 $0x3;
	s0 =	sadd.s32 s22, s0  }
0xe: {  	s1 =	sadd.s32 s1, s2;
	s9 =	smax.u32 s10, $0x1;
	s24 =	sadd.s32 $0x75800, s0  }
0xf: {  	s31 =	sadd.s32 s14, s16;
	s26 =	sadd.s32 s5, s11;
	[dreg:$0x3] =	wrdreg s24  }
0x10: {  	s30 =	sadd.s32 s12, s11;
	s11 =	sor.u32 $0x20, s11;
	[dreg:$0x4] =	wrdreg s26  }
0x11: {  	s16 =	simm.s32 $0x6;
	[dreg:$0x5] =	wrdreg s30;
	s10 =	sadd.s32 s5, s11  }
0x12: {  	s11 =	sadd.s32 s12, s11;
	s5 =	sadd.s32 s13, s5;
	s12 =	sadd.s32 s15, s0  }
0x13: {  	s15 =	sshrl.u32 s1, $0x3;
	s24 =	simm.s32 $0x4;
	s5 =	sadd.s32 s14, s5  }
0x14: {  	s26 =	simm.s32 $0x5;
	s14 =	sadd.s32 $0x40, s31;
	s13 =	sadd.s32 $0x40, s5  }
.LBB2_1:
0x15: {  	s0 =	rddreg [dreg:$0x3]  }
0x16: {  	[spmem:s15], [sflag:s6] =	dma.local [hbm:s0], $0x2780  }
0x17: {  	_ =	swait.ge [sflag:s16], $0x2780  }
0x18: {  	[sflag:s16] =	ssyncset.done $0x0  }
0x19: {  	s8 =	rddreg [dreg:$0x4];
	[sflag:s16] =	ssyncadd.s32 $0xFFFFD880  }
0x1a: {  	[tilespmem:s3], [sflag:$0x6] =	stream.linear.gather [hbm4b:s8+s3], $0x100, $0x38;
	[tilespmem:$0x1BC80] =	vst v63  }
0x1b: {  	_ =	swait.ge [sflag:s16], $0x100  }
0x1c: {  	[sflag:s16] =	ssyncset.done $0x0  }
0x1d: {  	s0 =	simm.s32 $0x200;
	s1 =	rddreg [dreg:$0x5];
	[sflag:s16] =	ssyncadd.s32 $0xFFFFFF00  }
0x1e: {  	[tilespmem:s0], [sflag:$0x6] =	stream.linear.gather [hbm4b:s1+s3], $0x100, $0x38;
	[tilespmem:$0x1BC80] =	vst v63  }
0x1f: {  	_ =	swait.ge [sflag:s16], $0x100  }
0x20: {  	[sflag:s16] =	ssyncset.done $0x0  }
0x21: {  	[sflag:s16] =	ssyncadd.s32 $0xFFFFFF00  }
0x22: {  	[bflag:$0x0] =	sbarrier.arrive $0xFFFF  }
0x23: {  	[tilespmem:s18], [sflag:$0x1] =	stream.indirect.gather [hbm4b:s4+s17], $0x80, s3, s17, $0xb8;
	[tilespmem:$0x1BC80] =	vst v63  }
0x24: {  	_ =	swait.ge [sflag:s19], $0x3E80  }
0x25: {  	[sflag:s19] =	ssyncset.done $0x0  }
0x26: {  	s20 =	simm.s32 $0x80;
	[sflag:s19] =	ssyncadd.s32 $0xFFFFC180  }
0x27: {  	[tilespmem:s21], [sflag:$0x2] =	stream.indirect.gather [hbm4b:s4+s17], $0x80, s20, s17, $0xb8;
	[tilespmem:$0x1BC80] =	vst v63  }
0x28: {  	s22 =	simm.s32 $0x100  }
0x29: {  	[tilespmem:s22], [sflag:$0x3] =	stream.linear.gather [hbm4b:s10+s3], $0x100, $0x38;
	[tilespmem:$0x1BC80] =	vst v63  }
0x2a: {  	s5 =	simm.s32 $0x300  }
0x2b: {  	[tilespmem:s5], [sflag:$0x3] =	stream.linear.gather [hbm4b:s11+s3], $0x100, $0x38;
	[tilespmem:$0x1BC80] =	vst v63  }
0x2c: {  	_ = 	snop  }
0x2d: {  	[spmem:s2] =	stream.indirect.scatter.add.f32 [tilespmem:s18], [sflag:$0x4], $0x80, s0, s17, $0xb8;
	[tilespmem:$0x1BC80] =	vst v63  }
0x2e: {  	_ =	swait.ge [sflag:s28], $0x3E80  }
0x2f: {  	[sflag:s28] =	ssyncset.done $0x0  }
0x30: {  	[sflag:s28] =	ssyncadd.s32 $0xFFFFC180  }
0x31: {  	_ =	swait.ge [sflag:s23], $0x100  }
0x32: {  	[sflag:s23] =	ssyncset.done $0x0  }
0x33: {  	[sflag:s23] =	ssyncadd.s32 $0xFFFFFF00  }
0x34: {  	_ =	swait.ge [sflag:s23], $0x100  }
0x35: {  	[sflag:s23] =	ssyncset.done $0x0  }
0x36: {  	[sflag:s23] =	ssyncadd.s32 $0xFFFFFF00  }
0x37: {  	_ =	swait.ge [sflag:s24], $0x3E80  }
0x38: {  	[sflag:s24] =	ssyncset.done $0x0  }
0x39: {  	[sflag:s24] =	ssyncadd.s32 $0xFFFFC180  }
0x3a: {  	[tilespmem:s18], [sflag:$0x1] =	stream.indirect.gather [hbm4b:s4+s17], $0x80, s22, s17, $0xb8;
	[tilespmem:$0x1BC80] =	vst v63  }
0x3b: {  	s25 =	simm.s32 $0x280  }
0x3c: {  	[spmem:s2] =	stream.indirect.scatter.add.f32 [tilespmem:s21], [sflag:$0x5], $0x80, s25, s17, $0xb8;
	[tilespmem:$0x1BC80] =	vst v63  }
0x3d: {  	_ =	swait.ge [sflag:s26], $0x3E80  }
0x3e: {  	[sflag:s26] =	ssyncset.done $0x0  }
0x3f: {  	[sflag:s26] =	ssyncadd.s32 $0xFFFFC180  }
0x40: {  	_ =	swait.ge [sflag:s19], $0x3E80  }
0x41: {  	s7 =	sxor.u32 $0xFFFFFFFF, s28;
	[sflag:s19] =	ssyncset.done $0x0  }
0x42: {  	s1 =	sand.u32 $0x2, s7;
	s5 =	simm.s32 $0x180;
	[sflag:s19] =	ssyncadd.s32 $0xFFFFC180  }
0x43: {  	[tilespmem:s21], [sflag:$0x2] =	stream.indirect.gather [hbm4b:s4+s17], $0x80, s5, s17, $0xb8;
	[tilespmem:$0x1BC80] =	vst v63  }
0x44: {  	s1 =	sshll.u32 s1, $0x7  }
0x45: {  	[tilespmem:s1], [sflag:$0x3] =	stream.linear.gather [hbm4b:s13+s3], $0x100, $0x38;
	[tilespmem:$0x1BC80] =	vst v63  }
0x46: {  	s8 =	sor.u32 $0x200, s1  }
0x47: {  	[tilespmem:s8], [sflag:$0x3] =	stream.linear.gather [hbm4b:s14+s3], $0x100, $0x38;
	[tilespmem:$0x1BC80] =	vst v63  }
0x48: {  	s20 =	simm.s32 $0x300  }
0x49: {  	[spmem:s2] =	stream.indirect.scatter.add.f32 [tilespmem:s18], [sflag:$0x4], $0x80, s20, s17, $0xb8;
	[tilespmem:$0x1BC80] =	vst v63  }
0x4a: {  	_ =	swait.ge [sflag:s28], $0x3E80  }
0x4b: {  	[sflag:s28] =	ssyncset.done $0x0  }
0x4c: {  	[sflag:s28] =	ssyncadd.s32 $0xFFFFC180  }
0x4d: {  	_ =	swait.ge [sflag:s23], $0x100  }
0x4e: {  	[sflag:s23] =	ssyncset.done $0x0  }
0x4f: {  	[sflag:s23] =	ssyncadd.s32 $0xFFFFFF00  }
0x50: {  	_ =	swait.ge [sflag:s23], $0x100  }
0x51: {  	[sflag:s23] =	ssyncset.done $0x0  }
0x52: {  	[sflag:s23] =	ssyncadd.s32 $0xFFFFFF00  }
0x53: {  	_ =	swait.ge [sflag:s24], $0x3E80  }
0x54: {  	[sflag:s24] =	ssyncset.done $0x0  }
0x55: {  	[sflag:s24] =	ssyncadd.s32 $0xFFFFC180  }
0x56: {  	[tilespmem:s18], [sflag:$0x1] =	stream.indirect.gather [hbm4b:s4+s17], $0x80, s1, s17, $0xb8;
	[tilespmem:$0x1BC80] =	vst v63  }
0x57: {  	s22 =	simm.s32 $0x380  }
0x58: {  	[spmem:s2] =	stream.indirect.scatter.add.f32 [tilespmem:s21], [sflag:$0x5], $0x80, s22, s17, $0xb8;
	[tilespmem:$0x1BC80] =	vst v63  }
0x59: {  	_ =	swait.ge [sflag:s26], $0x3E80  }
0x5a: {  	s31 =	sadd.s32 $0x20, s14;
	s25 =	simm.s32 $0x4;
	[sflag:s26] =	ssyncset.done $0x0  }
0x5b: {  	s30 =	simm.s32 $0x300;
	s5 =	sxor.u32 $0xFFFFFFFF, s25;
	[sflag:s26] =	ssyncadd.s32 $0xFFFFC180  }
0x5c: {  	s20 =	simm.s32 $0x6;
	s22 =	sand.u32 $0x100, s0;
	_ =	swait.ge [sflag:s19], $0x3E80  }
0x5d: {  	s0 =	sadd.s32 $0x20, s13;
	s1 =	sor.u32 $0x80, s22;
	[sflag:s19] =	ssyncset.done $0x0  }
.LBB2_2:
0x5e: {  	s5 =	sand.u32 $0x2, s5;
	[sflag:s19] =	ssyncadd.s32 $0xFFFFC180  }
0x5f: {  	s7 =	smov.u32 s20;
	s25 =	sadd.s32 $0x2, s20;
	s8 =	smov.u32 s30  }
0x60: {  	[tilespmem:s21], [sflag:$0x2] =	stream.indirect.gather [hbm4b:s4+s17], $0x80, s1, s17, $0xb8;
	[tilespmem:$0x1BC80] =	vst v63  }
0x61: {  	p0 =	sne.s32 s20, $0x4C;
	s5 =	sshll.u32 s5, $0x7  }
0x62: {  	[tilespmem:s5], [sflag:$0x3] =	stream.linear.gather [hbm4b:s0+s3], $0x100, $0x38;
	[tilespmem:$0x1BC80] =	vst v63  }
0x63: {  	s20 =	sor.u32 $0x200, s5  }
0x64: {  	[tilespmem:s20], [sflag:$0x3] =	stream.linear.gather [hbm4b:s31+s3], $0x100, $0x38;
	[tilespmem:$0x1BC80] =	vst v63  }
0x65: {  	s20 =	sadd.s32 $0x200, s22  }
0x66: {  	[spmem:s2] =	stream.indirect.scatter.add.f32 [tilespmem:s18], [sflag:$0x4], $0x80, s20, s17, $0xb8;
	[tilespmem:$0x1BC80] =	vst v63  }
0x67: {  	_ =	swait.ge [sflag:s28], $0x3E80  }
0x68: {  	[sflag:s28] =	ssyncset.done $0x0  }
0x69: {  	[sflag:s28] =	ssyncadd.s32 $0xFFFFC180  }
0x6a: {  	_ =	swait.ge [sflag:s23], $0x100  }
0x6b: {  	[sflag:s23] =	ssyncset.done $0x0  }
0x6c: {  	[sflag:s23] =	ssyncadd.s32 $0xFFFFFF00  }
0x6d: {  	_ =	swait.ge [sflag:s23], $0x100  }
0x6e: {  	[sflag:s23] =	ssyncset.done $0x0  }
0x6f: {  	[sflag:s23] =	ssyncadd.s32 $0xFFFFFF00  }
0x70: {  	_ =	swait.ge [sflag:s24], $0x3E80  }
0x71: {  	[sflag:s24] =	ssyncset.done $0x0  }
0x72: {  	[sflag:s24] =	ssyncadd.s32 $0xFFFFC180  }
0x73: {  	[tilespmem:s18], [sflag:$0x1] =	stream.indirect.gather [hbm4b:s4+s17], $0x80, s5, s17, $0xb8;
	[tilespmem:$0x1BC80] =	vst v63  }
0x74: {  	s1 =	sadd.s32 $0x200, s1  }
0x75: {  	[spmem:s2] =	stream.indirect.scatter.add.f32 [tilespmem:s21], [sflag:$0x5], $0x80, s1, s17, $0xb8;
	[tilespmem:$0x1BC80] =	vst v63  }
.Ltmp0:
0x76: {  	_ =	swait.ge [sflag:s26], $0x3E80;
	(pc) =	sbr.rel @p0 .LBB2_2-.Ltmp0, $4  }
0x77: {  	s30 =	sadd.s32 $0x100, s30;
	[sflag:s26] =	ssyncset.done $0x0  }
0x78: {  	s0 =	sadd.s32 $0x20, s0;
	s31 =	sadd.s32 $0x20, s31;
	[sflag:s26] =	ssyncadd.s32 $0xFFFFC180  }
0x79: {  	s22 =	sand.u32 $0x100, s8;
	s20 =	smov.u32 s25;
	_ =	swait.ge [sflag:s19], $0x3E80  }
0x7a: {  	s5 =	sxor.u32 $0xFFFFFFFF, s7;
	s1 =	sor.u32 $0x80, s22;
	[sflag:s19] =	ssyncset.done $0x0  }
0x7b: {  	s5 =	sand.u32 $0x2, s5;
	[sflag:s19] =	ssyncadd.s32 $0xFFFFC180  }
0x7c: {  	[tilespmem:s21], [sflag:$0x2] =	stream.indirect.gather [hbm4b:s4+s17], $0x80, s1, s17, $0xb8;
	[tilespmem:$0x1BC80] =	vst v63  }
0x7d: {  	s5 =	sshll.u32 s5, $0x7  }
0x7e: {  	[tilespmem:s5], [sflag:$0x3] =	stream.linear.gather [hbm4b:s0+s3], $0x100, $0x38;
	[tilespmem:$0x1BC80] =	vst v63  }
0x7f: {  	s8 =	sor.u32 $0x200, s5  }
0x80: {  	[tilespmem:s8], [sflag:$0x3] =	stream.linear.gather [hbm4b:s31+s3], $0x100, $0x38;
	[tilespmem:$0x1BC80] =	vst v63  }
0x81: {  	s20 =	sadd.s32 $0x200, s22  }
0x82: {  	[spmem:s2] =	stream.indirect.scatter.add.f32 [tilespmem:s18], [sflag:$0x4], $0x80, s20, s17, $0xb8;
	[tilespmem:$0x1BC80] =	vst v63  }
0x83: {  	_ =	swait.ge [sflag:s28], $0x3E80  }
0x84: {  	[sflag:s28] =	ssyncset.done $0x0  }
0x85: {  	[sflag:s28] =	ssyncadd.s32 $0xFFFFC180  }
0x86: {  	_ =	swait.ge [sflag:s23], $0x100  }
0x87: {  	[sflag:s23] =	ssyncset.done $0x0  }
0x88: {  	[sflag:s23] =	ssyncadd.s32 $0xFFFFFF00  }
0x89: {  	_ =	swait.ge [sflag:s23], $0x100  }
0x8a: {  	[sflag:s23] =	ssyncset.done $0x0  }
0x8b: {  	[sflag:s23] =	ssyncadd.s32 $0xFFFFFF00  }
0x8c: {  	_ =	swait.ge [sflag:s24], $0x3E80  }
0x8d: {  	[sflag:s24] =	ssyncset.done $0x0  }
0x8e: {  	[sflag:s24] =	ssyncadd.s32 $0xFFFFC180  }
0x8f: {  	[tilespmem:s18], [sflag:$0x1] =	stream.indirect.gather [hbm4b:s4+s17], $0x80, s5, s17, $0xb8;
	[tilespmem:$0x1BC80] =	vst v63  }
0x90: {  	s22 =	sadd.s32 $0x200, s1  }
0x91: {  	[spmem:s2] =	stream.indirect.scatter.add.f32 [tilespmem:s21], [sflag:$0x5], $0x80, s22, s17, $0xb8;
	[tilespmem:$0x1BC80] =	vst v63  }
0x92: {  	_ =	swait.ge [sflag:s26], $0x3E80  }
0x93: {  	[sflag:s26] =	ssyncset.done $0x0  }
0x94: {  	[sflag:s26] =	ssyncadd.s32 $0xFFFFC180  }
0x95: {  	_ =	swait.ge [sflag:s19], $0x3E80  }
0x96: {  	s25 =	sand.u32 $0x100, s30;
	[sflag:s19] =	ssyncset.done $0x0  }
0x97: {  	s30 =	sor.u32 $0x80, s25;
	[sflag:s19] =	ssyncadd.s32 $0xFFFFC180  }
0x98: {  	[tilespmem:s21], [sflag:$0x2] =	stream.indirect.gather [hbm4b:s4+s17], $0x80, s30, s17, $0xb8;
	[tilespmem:$0x1BC80] =	vst v63  }
0x99: {  	s0 =	sor.u32 $0x200, s25  }
0x9a: {  	[spmem:s2] =	stream.indirect.scatter.add.f32 [tilespmem:s18], [sflag:$0x4], $0x80, s0, s17, $0xb8;
	[tilespmem:$0x1BC80] =	vst v63  }
0x9b: {  	_ =	swait.ge [sflag:s28], $0x3E80  }
0x9c: {  	[sflag:s28] =	ssyncset.done $0x0  }
0x9d: {  	[sflag:s28] =	ssyncadd.s32 $0xFFFFC180  }
0x9e: {  	_ =	swait.ge [sflag:s24], $0x3E80  }
0x9f: {  	[sflag:s24] =	ssyncset.done $0x0  }
0xa0: {  	s31 =	sor.u32 $0x200, s30;
	[sflag:s24] =	ssyncadd.s32 $0xFFFFC180  }
0xa1: {  	[spmem:s2] =	stream.indirect.scatter.add.f32 [tilespmem:s21], [sflag:$0x5], $0x80, s31, s17, $0xb8;
	[tilespmem:$0x1BC80] =	vst v63  }
0xa2: {  	_ =	swait.ge [sflag:s26], $0x3E80  }
0xa3: {  	s29 =	sadd.s32 $0x1, s29;
	[sflag:s26] =	ssyncset.done $0x0  }
0xa4: {  	p0 =	sne.s32 s29, s9;
	[sflag:s26] =	ssyncadd.s32 $0xFFFFC180  }
.Ltmp1:
0xa5: {  	[bflag:$0x0] =	sbarrier.arrive $0xFFFF;
	(pc) =	sbr.rel @p0 .LBB2_1-.Ltmp1, $4  }
0xa6: {  	[hbm:s12], [sflag:s6] =	dma.local [spmem:s15], $0x2780  }
0xa7: {  	_ =	swait.ge [sflag:s16], $0x2780  }
0xa8: {  	[sflag:s16] =	ssyncset.done $0x0  }
0xa9: {  	[sflag:s16] =	ssyncadd.s32 $0xFFFFD880  }
0xaa: {  	_ =	sfence.sel $0x180000  }
0xab: {  	[bflag:$0x0] =	sbarrier.arrive $0xFFFF  }
0xac: {  	_ =	strace $0x90000053  }
0xad: {  	s0 =	stileid.u32;
	[bflag:$0x2] =	sbarrier.arrive $0xFFFF  }
0xae: {  	p0 =	sne.s32 s0, $0x0;
	s0 =	rddreg [dreg:$0x2]  }
0xaf: {  	s0 =	sadd.s32 @!p0 $0x100000, s0  }
0xb0: {  	[sflag:s0] =	ssyncadd.tile.s32 @!p0 $0x1;
	_ =	shalt  }
.Lfunc_end2:
_tile_overlayer_lowered:
.L_overlay_start_2:
0xb1: {  	(tag) =	ssettag $0x2  }
0xb2: {  	s0 =	rddreg [dreg:$0x0];
	s2 =	stileid.u32  }
0xb3: {  	s1 =	rddreg [dreg:$0x1];
	p0 =	sne.s32 s2, $0x0  }
0xb4: {  	s3 =	rddreg [dreg:$0x2];
	[bflag:$0x3] =	sbarrier.arrive $0xFFFF;
	s2 =	simm.s32 @!p0 $0x1C06  }
0xb5: {  	[timem:s3], [sflag:s2] =	dma.local @!p0 [hbm:s0], s1  }
0xb6: {  	s0 =	simm.s32 @!p0 $0x6  }
0xb7: {  	_ =	swait.ge @!p0 [sflag:s0], s1  }
0xb8: {  	s1 =	ssub.s32 @!p0 $0x0, s1;
	[sflag:s0] =	ssyncset.done @!p0 $0x0  }
0xb9: {  	[sflag:s0] =	ssyncadd.s32 @!p0 s1  }
0xba: {  	[bflag:$0x3] =	sbarrier.arrive $0xFFFF  }
0xbb: {  	_ =	shalt  }

// kernel: kernel.29.cloned.1.call-start
scs
__scs_entry_jumppad:
0x0: {  	(pc) =	sbr.rel $0x88, $3  }
0x1: {  	(tag) =	ssettag $0x0;
	lr =	simm.s32 $0x1  }
0x2: {  	[smem:$0x3F92] =	sst lr;
	_ =	strace $0xD0000000  }
0x3: {  	_ = 	snop  }
0x4: {  	_ = 	snop  }
0x5: {  	_ = 	snop  }
0x6: {  	_ = 	snop  }
0x7: {  	_ = 	snop  }
__scs_overlays_trampoline_lowered:
0x8: {  	[smem:$0x3FA1] =	sst s0  }
0x9: {  	[smem:$0x3FA2] =	sst s1  }
0xa: {  	[smem:$0x3FA3] =	sst s2  }
0xb: {  	[smem:$0x3FA4] =	sst s3  }
0xc: {  	[smem:$0x3FA5] =	sst s4  }
0xd: {  	[smem:$0x3FA6] =	sst s5  }
0xe: {  	[smem:$0x3FA7] =	sst s6  }
0xf: {  	[smem:$0x3FA8] =	sst s7  }
0x10: {  	[smem:$0x3FA9] =	sst s8  }
0x11: {  	[smem:$0x3FAA] =	sst s9;
	s0 =	simm.s32 @!p0 $0x0  }
0x12: {  	s1 =	sld [smem:$0x3F90];
	s0 =	simm.s32 @p0 $0x1  }
0x13: {  	[smem:$0x3FAB] =	sst s0;
	s0 =	simm.s32 @!p1 $0x0  }
0x14: {  	s2 =	sld [smem:$0x3F8F];
	s0 =	simm.s32 @p1 $0x1  }
0x15: {  	[smem:$0x3FAC] =	sst s0;
	s0 =	simm.s32 @!p2 $0x0  }
0x16: {  	s3 =	sld [smem:$0x3FDB];
	s0 =	simm.s32 @p2 $0x1  }
0x17: {  	s4 =	simm.s32 $0x1BF5;
	[smem:$0x3FAE] =	sst s0  }
0x18: {  	s0 =	sld [smem:$0x3F91];
	_ =	swait.ge [sflag:s4], $0x0  }
0x19: {  	s7 =	sld [smem:$0x3F92]  }
0x1a: {  	s8 =	sadd.s32 $0xFFFFE003, lr  }
0x1b: {  	s9 =	sadd.s32 $0xFFFFFEF7, lr;
	s5 =	simm.s32 $0xFFFFFFFF;
	p2 =	slt.u32 s8, $0xFFFFF086  }
0x1c: {  	p1 =	slt.u32 s9, $0xF7A;
	s5 =	simm.s32 @!p2 $0x0  }
0x1d: {  	s5 =	simm.s32 @p1 $0x1;
	p0 =	seq.s32 s7, s2  }
0x1e: {  	s7 =	smul.u32 @!p0 $0xF7A, s2;
	p2 =	seq.s32 @!p0 s5, $0x0  }
0x1f: {  	s9 =	smul.u32 $0xF7A, s1;
	s8 =	simm.s32 @!p0 $0x1BF5;
	p2 =	por !p2, p0  }
0x20: {  	[sflag:s8] =	ssyncset.s32 @!p0 $0xFFFFF086;
	s6 =	sadd.s32 @!p0 s3, s7;
	s7 =	simm.s32 @!p0 $0x108  }
0x21: {  	s3 =	sadd.s32 s3, s9;
	s6 =	sadd.s32 @!p0 $0x88, s6;
	s7 =	simm.s32 @p2 $0x1082  }
0x22: {  	[simem:s7], [sflag:s8] =	dma.local @!p0 [hbm:s6], $0xF7A  }
0x23: {  	s9 =	sor.u32 $0xD0000000, s2;
	s6 =	simm.s32 $0x108;
	_ =	swait.ge @!p0 [sflag:s8], $0x0  }
0x24: {  	s3 =	sadd.s32 $0x88, s3;
	s6 =	simm.s32 @!p1 $0x1082;
	[sflag:s4] =	ssyncset.s32 $0xFFFFF086  }
0x25: {  	[simem:s6], [sflag:s4] =	dma.local [hbm:s3], $0xF7A  }
0x26: {  	[smem:$0x3F92] =	sst s1;
	(tag) =	ssettag s2;
	_ =	strace s9  }
0x27: {  	s1 =	sld [smem:$0x3FA2]  }
0x28: {  	s2 =	sld [smem:$0x3FA3]  }
0x29: {  	s4 =	sld [smem:$0x3FA5]  }
0x2a: {  	p0 =	seq.s32 s5, $0x0;
	s5 =	sld [smem:$0x3FA6]  }
0x2b: {  	s6 =	sld [smem:$0x3FA7]  }
0x2c: {  	s7 =	sld [smem:$0x3FA8]  }
0x2d: {  	s3 =	simm.s32 $0x108;
	s8 =	sld [smem:$0x3FA9]  }
0x2e: {  	s3 =	simm.s32 @!p0 $0x1082;
	s9 =	sld [smem:$0x3FAA]  }
0x2f: {  	lr =	sadd.s32 s0, s3;
	s0 =	sld [smem:$0x3FA1]  }
0x30: {  	s3 =	sld [smem:$0x3FA4]  }
0x31: {  	[smem:$0x3FAD] =	sst s10  }
0x32: {  	s10 =	sld [smem:$0x3FAB];
	_ =	sdelay $0x3  }
0x33: {  	p0 =	seq.s32 s10, $0x1;
	s10 =	sld [smem:$0x3FAD];
	_ =	sdelay $0x3  }
0x34: {  	[smem:$0x3FAD] =	sst s10  }
0x35: {  	s10 =	sld [smem:$0x3FAC];
	_ =	sdelay $0x3  }
0x36: {  	p1 =	seq.s32 s10, $0x1;
	s10 =	sld [smem:$0x3FAD];
	_ =	sdelay $0x3  }
0x37: {  	[smem:$0x3FAD] =	sst s10  }
0x38: {  	s10 =	sld [smem:$0x3FAE]  }
0x39: {  	_ = 	snop;
	(pc) =	sbr.ind lr, $3  }
0x3a: {  	_ = 	snop  }
0x3b: {  	_ = 	snop  }
0x3c: {  	p2 =	seq.s32 s10, $0x1;
	s10 =	sld [smem:$0x3FAD]  }
0x3d: {  	_ =	shalt  }
0x3e: {  	_ =	shalt  }
0x3f: {  	_ =	shalt  }
0x40: {  	_ =	shalt  }
0x41: {  	_ =	shalt  }
0x42: {  	_ =	shalt  }
0x43: {  	_ =	shalt  }
0x44: {  	_ =	shalt  }
0x45: {  	_ =	shalt  }
0x46: {  	_ =	shalt  }
0x47: {  	_ =	shalt  }
0x48: {  	_ =	shalt  }
0x49: {  	_ =	shalt  }
0x4a: {  	_ =	shalt  }
0x4b: {  	_ =	shalt  }
0x4c: {  	_ =	shalt  }
0x4d: {  	_ =	shalt  }
0x4e: {  	_ =	shalt  }
0x4f: {  	_ =	shalt  }
0x50: {  	_ =	shalt  }
0x51: {  	_ =	shalt  }
0x52: {  	_ =	shalt  }
0x53: {  	_ =	shalt  }
0x54: {  	_ =	shalt  }
0x55: {  	_ =	shalt  }
0x56: {  	_ =	shalt  }
0x57: {  	_ =	shalt  }
0x58: {  	_ =	shalt  }
0x59: {  	_ =	shalt  }
0x5a: {  	_ =	shalt  }
0x5b: {  	_ =	shalt  }
0x5c: {  	_ =	shalt  }
0x5d: {  	_ =	shalt  }
0x5e: {  	_ =	shalt  }
0x5f: {  	_ =	shalt  }
0x60: {  	_ =	shalt  }
0x61: {  	_ =	shalt  }
0x62: {  	_ =	shalt  }
0x63: {  	_ =	shalt  }
0x64: {  	_ =	shalt  }
0x65: {  	_ =	shalt  }
0x66: {  	_ =	shalt  }
0x67: {  	_ =	shalt  }
0x68: {  	_ =	shalt  }
0x69: {  	_ =	shalt  }
0x6a: {  	_ =	shalt  }
0x6b: {  	_ =	shalt  }
0x6c: {  	_ =	shalt  }
0x6d: {  	_ =	shalt  }
0x6e: {  	_ =	shalt  }
0x6f: {  	_ =	shalt  }
0x70: {  	_ =	shalt  }
0x71: {  	_ =	shalt  }
0x72: {  	_ =	shalt  }
0x73: {  	_ =	shalt  }
0x74: {  	_ =	shalt  }
0x75: {  	_ =	shalt  }
0x76: {  	_ =	shalt  }
0x77: {  	_ =	shalt  }
0x78: {  	_ =	shalt  }
0x79: {  	_ =	shalt  }
0x7a: {  	_ =	shalt  }
0x7b: {  	_ =	shalt  }
0x7c: {  	_ =	shalt  }
0x7d: {  	_ =	shalt  }
0x7e: {  	_ =	shalt  }
0x7f: {  	_ =	shalt  }
0x80: {  	_ =	shalt  }
0x81: {  	_ =	shalt  }
0x82: {  	_ =	shalt  }
0x83: {  	_ =	shalt  }
0x84: {  	_ =	shalt  }
0x85: {  	_ =	shalt  }
0x86: {  	_ =	shalt  }
0x87: {  	_ =	shalt  }
.Lfunc_end0:
.L_simem_size_0:
called_computation.5_lowered:
.L_overlay_start_0:
0x88: {  	s2 =	sld [smem:$0x3FD9]  }
0x89: {  	s3 =	sld [smem:$0x3FFE];
	_ =	sdelay $0x1  }
0x8a: {  	s1 =	srdreg.scid  }
0x8b: {  	s0 =	sand.u32 $0x1, s1  }
0x8c: {  	s16 =	sshll.u32 s0, $0xA;
	s2 =	sadd.s32 s3, s2  }
0x8d: {  	s2 =	sadd.s32 s2, s16  }
0x8e: {  	[smem:$0x3FB9] =	sst s2  }
0x8f: {  	_ = 	snop  }
0x90: {  	(tm) =	ssettm $0x1  }
0x91: {  	s17 =	sld [smem:$0x3FFB];
	_ =	sdelay $0x3  }
0x92: {  	_ =	strace s17  }
0x93: {  	s2 =	sld [smem:$0x3FFC];
	_ =	sdelay $0x3  }
0x94: {  	_ =	strace s2  }
0x95: {  	s2 =	sld [smem:$0x3FFD];
	_ =	sdelay $0x3  }
0x96: {  	_ =	strace s2  }
0x97: {  	_ =	strace $0x8FFFFFFF  }
0x98: {  	s18 =	sld [smem:$0x3FDB];
	_ =	sdelay $0x1  }
0x99: {  	s19 =	simm.s32 $_scs_section_size  }
0x9a: {  	s4 =	simm.s32 $_size__tile_overlayer_lowered;
	s5 =	simm.s32 $_tile_overlayer_lowered  }
0x9b: {  	s22 =	simm.s32 $0x1BFF;
	s21 =	sshll.u32 s5, $0x1;
	s2 =	sadd.s32 s19, s18  }
0x9c: {  	s6 =	simm.s32 $0x0;
	s20 =	sshll.u32 s4, $0x1;
	s4 =	sadd.s32 s21, s2  }
0x9d: {  	[timem:s6], [sflag:s22] =	dma.local [hbm:s4], s20  }
0x9e: {  	_ =	swait.ge [sflag:s22], s20  }
0x9f: {  	s3 =	ssub.s32 $0x0, s20;
	[sflag:s22] =	ssyncset.done $0x0  }
0xa0: {  	[sflag:s22] =	ssyncadd.s32 s3;
	_ =	sdelay $0x1  }
0xa1: {  	s23 =	simm.s32 $0x1B8B  }
0xa2: {  	_ =	swait.ge [sflag:s23], $0x1  }
0xa3: {  	[sflag:s23] =	ssyncset.done $0x0  }
0xa4: {  	s25 =	simm.s32 $0x1B8E;
	s24 =	sld [smem:$0x3FFE];
	[sflag:s23] =	ssyncadd.s32 $0xFFFFFFFF  }
0xa5: {  	s26 =	simm.s32 $execute0_lowered;
	[smem:$0x3FD2] =	sst s25  }
0xa6: {  	s4 =	sshll.u32 s26, $0x1;
	_ =	strace $0x80000055;
	[dreg:$0x1] =	wrdreg $0xFFFFFFFF  }
0xa7: {  	s28 =	simm.s32 $_size_execute0_lowered;
	s2 =	sadd.s32 s2, s4;
	[dreg:$0x0] =	wrdreg $0x0  }
0xa8: {  	s4 =	sshll.u32 s28, $0x1;
	[dreg:$0x2] =	wrdreg s2  }
0xa9: {  	[dreg:$0x3] =	wrdreg s4  }
0xaa: {  	[dreg:$0x4] =	wrdreg $0xC0  }
0xab: {  	_ =	task [dreg:s6], $0x5FFFF  }
0xac: {  	[dreg:$0x1] =	wrdreg $0xFFFFFFFF  }
0xad: {  	[dreg:$0x0] =	wrdreg $0x60  }
0xae: {  	[dreg:$0x2] =	wrdreg s24  }
0xaf: {  	[dreg:$0x3] =	wrdreg $0x84000  }
0xb0: {  	[dreg:$0x4] =	wrdreg $0x9  }
0xb1: {  	_ =	task.clear_ibuf [dreg:s6], $0x5FFFF;
	_ =	strace $0x90000055  }
0xb2: {  	s29 =	simm.s32 $0x9;
	_ =	strace $0x80000057  }
0xb3: {  	_ =	swait.ge [sflag:s29], $0x1  }
0xb4: {  	[sflag:s29] =	ssyncadd.s32 $0xFFFFFFFF  }
0xb5: {  	_ =	strace $0x90000057  }
0xb6: {  	_ =	sfence  }
0xb7: {  	s30 =	sld [smem:$0x0];
	_ =	sdelay $0x2  }
0xb8: {  	s31 =	sshll.u32 s1, $0xD;
	s1 =	sshrl.u32 s1, $0x2  }
0xb9: {  	s3 =	sand.u32 $0x4000, s31;
	s1 =	sadd.s32 s1, s30  }
0xba: {  	s0 =	sor.u32 s3, s0;
	s1 =	sshll.u32 s1, $0x11  }
0xbb: {  	s0 =	sor.u32 s1, s0  }
0xbc: {  	s0 =	sadd.s32 $0x8F2B, s0  }
0xbd: {  	[sflag:s0] =	ssyncadd.remote.s32 $0x1  }
0xbe: {  	_ =	sfence.sel $0xFFFF  }
0xbf: {  	[dreg:$0x0] =	wrdreg $0xFFFFFFFF;
	(pc) =	sbr.abs _section_cstart, $3  }
0xc0: {  	[dreg:$0x1] =	wrdreg $0xFFFFFFFF  }
0xc1: {  	_ =	task.clear_ibuf [dreg:s6], $0x2FFFF;
	_ =	strace $0x9FFFFFFF  }
0xc2: {  	(tm) =	ssettm $0x7FFFFFFF  }
0xc3: {  	_ =	shalt  }
tec
execute0_lowered:
.L_overlay_start_1:
0x0: {  	(tag) =	ssettag $0x1  }
0x1: {  	s0 =	rddreg [dreg:$0x0]  }
0x2: {  	s2 =	rddreg [dreg:$0x1];
	s3 =	simm.s32 $0x0;
	s14 =	stileid.u32  }
0x3: {  	s6 =	srdreg.scid;
	s15 =	simm.s32 $0xC3C00;
	s17 =	simm.s32 $0x7D  }
0x4: {  	s18 =	simm.s32 $0x400;
	s19 =	simm.s32 $0x1;
	s21 =	simm.s32 $0x4400  }
0x5: {  	s28 =	simm.s32 $0x2;
	s29 =	simm.s32 $0x0;
	[smem:$0x7FF] =	sst s3  }
0x6: {  	s1 =	smul.u32 $0x271, s14;
	s4 =	sadd.s32 $0x27400, s0;
	s5 =	sadd.s32 $0x1D400, s0  }
0x7: {  	s12 =	sadd.s32 $0x13400, s0;
	s9 =	sand.u32 $0x1, s6;
	s25 =	sshll.u32 s14, $0x6  }
0x8: {  	_ =	strace $0x80000056;
	s7 =	ssub.s32 $0x2, s9;
	s8 =	sshll.u32 s9, $0x4  }
0x9: {  	s6 =	sor.u32 $0x1C06, s25;
	p0 =	seq.s32 s9, $0x1;
	s13 =	smul.u32 $0x5000, s9  }
0xa: {  	s1 =	sshrl.u32 s1, $0x3;
	s23 =	sshrl.u32 s7, $0x1;
	s8 =	sor.u32 s14, s8  }
0xb: {  	s14 =	smul.u32 $0x500, s14;
	s15 =	simm.s32 @!p0 $0x9CA00;
	s22 =	sshll.u32 s1, $0x7  }
0xc: {  	s10 =	ssub.s32 s7, s23;
	s1 =	sshll.u32 s1, $0xA;
	s11 =	smul.u32 $0x500, s8  }
0xd: {  	s16 =	sadd.s32 s13, s12;
	s23 =	simm.s32 $0x3;
	s0 =	sadd.s32 s22, s0  }
0xe: {  	s1 =	sadd.s32 s1, s2;
	s9 =	smax.u32 s10, $0x1;
	s24 =	sadd.s32 $0x75800, s0  }
0xf: {  	s31 =	sadd.s32 s14, s16;
	s26 =	sadd.s32 s5, s11;
	[dreg:$0x3] =	wrdreg s24  }
0x10: {  	s30 =	sadd.s32 s12, s11;
	s11 =	sor.u32 $0x20, s11;
	[dreg:$0x4] =	wrdreg s26  }
0x11: {  	s16 =	simm.s32 $0x6;
	[dreg:$0x5] =	wrdreg s30;
	s10 =	sadd.s32 s5, s11  }
0x12: {  	s11 =	sadd.s32 s12, s11;
	s5 =	sadd.s32 s13, s5;
	s12 =	sadd.s32 s15, s0  }
0x13: {  	s15 =	sshrl.u32 s1, $0x3;
	s24 =	simm.s32 $0x4;
	s5 =	sadd.s32 s14, s5  }
0x14: {  	s26 =	simm.s32 $0x5;
	s14 =	sadd.s32 $0x40, s31;
	s13 =	sadd.s32 $0x40, s5  }
.LBB2_1:
0x15: {  	s0 =	rddreg [dreg:$0x3]  }
0x16: {  	[spmem:s15], [sflag:s6] =	dma.local [hbm:s0], $0x2780  }
0x17: {  	_ =	swait.ge [sflag:s16], $0x2780  }
0x18: {  	[sflag:s16] =	ssyncset.done $0x0  }
0x19: {  	s8 =	rddreg [dreg:$0x4];
	[sflag:s16] =	ssyncadd.s32 $0xFFFFD880  }
0x1a: {  	[tilespmem:s3], [sflag:$0x6] =	stream.linear.gather [hbm4b:s8+s3], $0x100, $0x38;
	[tilespmem:$0x1BC80] =	vst v63  }
0x1b: {  	_ =	swait.ge [sflag:s16], $0x100  }
0x1c: {  	[sflag:s16] =	ssyncset.done $0x0  }
0x1d: {  	s0 =	simm.s32 $0x200;
	s1 =	rddreg [dreg:$0x5];
	[sflag:s16] =	ssyncadd.s32 $0xFFFFFF00  }
0x1e: {  	[tilespmem:s0], [sflag:$0x6] =	stream.linear.gather [hbm4b:s1+s3], $0x100, $0x38;
	[tilespmem:$0x1BC80] =	vst v63  }
0x1f: {  	_ =	swait.ge [sflag:s16], $0x100  }
0x20: {  	[sflag:s16] =	ssyncset.done $0x0  }
0x21: {  	[sflag:s16] =	ssyncadd.s32 $0xFFFFFF00  }
0x22: {  	[bflag:$0x0] =	sbarrier.arrive $0xFFFF  }
0x23: {  	[tilespmem:s18], [sflag:$0x1] =	stream.indirect.gather [hbm4b:s4+s17], $0x80, s3, s17, $0xb8;
	[tilespmem:$0x1BC80] =	vst v63  }
0x24: {  	_ =	swait.ge [sflag:s19], $0x3E80  }
0x25: {  	[sflag:s19] =	ssyncset.done $0x0  }
0x26: {  	s20 =	simm.s32 $0x80;
	[sflag:s19] =	ssyncadd.s32 $0xFFFFC180  }
0x27: {  	[tilespmem:s21], [sflag:$0x2] =	stream.indirect.gather [hbm4b:s4+s17], $0x80, s20, s17, $0xb8;
	[tilespmem:$0x1BC80] =	vst v63  }
0x28: {  	s22 =	simm.s32 $0x100  }
0x29: {  	[tilespmem:s22], [sflag:$0x3] =	stream.linear.gather [hbm4b:s10+s3], $0x100, $0x38;
	[tilespmem:$0x1BC80] =	vst v63  }
0x2a: {  	s5 =	simm.s32 $0x300  }
0x2b: {  	[tilespmem:s5], [sflag:$0x3] =	stream.linear.gather [hbm4b:s11+s3], $0x100, $0x38;
	[tilespmem:$0x1BC80] =	vst v63  }
0x2c: {  	_ = 	snop  }
0x2d: {  	[spmem:s2] =	stream.indirect.scatter.add.f32 [tilespmem:s18], [sflag:$0x4], $0x80, s0, s17, $0xb8;
	[tilespmem:$0x1BC80] =	vst v63  }
0x2e: {  	_ =	swait.ge [sflag:s28], $0x3E80  }
0x2f: {  	[sflag:s28] =	ssyncset.done $0x0  }
0x30: {  	[sflag:s28] =	ssyncadd.s32 $0xFFFFC180  }
0x31: {  	_ =	swait.ge [sflag:s23], $0x100  }
0x32: {  	[sflag:s23] =	ssyncset.done $0x0  }
0x33: {  	[sflag:s23] =	ssyncadd.s32 $0xFFFFFF00  }
0x34: {  	_ =	swait.ge [sflag:s23], $0x100  }
0x35: {  	[sflag:s23] =	ssyncset.done $0x0  }
0x36: {  	[sflag:s23] =	ssyncadd.s32 $0xFFFFFF00  }
0x37: {  	_ =	swait.ge [sflag:s24], $0x3E80  }
0x38: {  	[sflag:s24] =	ssyncset.done $0x0  }
0x39: {  	[sflag:s24] =	ssyncadd.s32 $0xFFFFC180  }
0x3a: {  	[tilespmem:s18], [sflag:$0x1] =	stream.indirect.gather [hbm4b:s4+s17], $0x80, s22, s17, $0xb8;
	[tilespmem:$0x1BC80] =	vst v63  }
0x3b: {  	s25 =	simm.s32 $0x280  }
0x3c: {  	[spmem:s2] =	stream.indirect.scatter.add.f32 [tilespmem:s21], [sflag:$0x5], $0x80, s25, s17, $0xb8;
	[tilespmem:$0x1BC80] =	vst v63  }
0x3d: {  	_ =	swait.ge [sflag:s26], $0x3E80  }
0x3e: {  	[sflag:s26] =	ssyncset.done $0x0  }
0x3f: {  	[sflag:s26] =	ssyncadd.s32 $0xFFFFC180  }
0x40: {  	_ =	swait.ge [sflag:s19], $0x3E80  }
0x41: {  	s7 =	sxor.u32 $0xFFFFFFFF, s28;
	[sflag:s19] =	ssyncset.done $0x0  }
0x42: {  	s1 =	sand.u32 $0x2, s7;
	s5 =	simm.s32 $0x180;
	[sflag:s19] =	ssyncadd.s32 $0xFFFFC180  }
0x43: {  	[tilespmem:s21], [sflag:$0x2] =	stream.indirect.gather [hbm4b:s4+s17], $0x80, s5, s17, $0xb8;
	[tilespmem:$0x1BC80] =	vst v63  }
0x44: {  	s1 =	sshll.u32 s1, $0x7  }
0x45: {  	[tilespmem:s1], [sflag:$0x3] =	stream.linear.gather [hbm4b:s13+s3], $0x100, $0x38;
	[tilespmem:$0x1BC80] =	vst v63  }
0x46: {  	s8 =	sor.u32 $0x200, s1  }
0x47: {  	[tilespmem:s8], [sflag:$0x3] =	stream.linear.gather [hbm4b:s14+s3], $0x100, $0x38;
	[tilespmem:$0x1BC80] =	vst v63  }
0x48: {  	s20 =	simm.s32 $0x300  }
0x49: {  	[spmem:s2] =	stream.indirect.scatter.add.f32 [tilespmem:s18], [sflag:$0x4], $0x80, s20, s17, $0xb8;
	[tilespmem:$0x1BC80] =	vst v63  }
0x4a: {  	_ =	swait.ge [sflag:s28], $0x3E80  }
0x4b: {  	[sflag:s28] =	ssyncset.done $0x0  }
0x4c: {  	[sflag:s28] =	ssyncadd.s32 $0xFFFFC180  }
0x4d: {  	_ =	swait.ge [sflag:s23], $0x100  }
0x4e: {  	[sflag:s23] =	ssyncset.done $0x0  }
0x4f: {  	[sflag:s23] =	ssyncadd.s32 $0xFFFFFF00  }
0x50: {  	_ =	swait.ge [sflag:s23], $0x100  }
0x51: {  	[sflag:s23] =	ssyncset.done $0x0  }
0x52: {  	[sflag:s23] =	ssyncadd.s32 $0xFFFFFF00  }
0x53: {  	_ =	swait.ge [sflag:s24], $0x3E80  }
0x54: {  	[sflag:s24] =	ssyncset.done $0x0  }
0x55: {  	[sflag:s24] =	ssyncadd.s32 $0xFFFFC180  }
0x56: {  	[tilespmem:s18], [sflag:$0x1] =	stream.indirect.gather [hbm4b:s4+s17], $0x80, s1, s17, $0xb8;
	[tilespmem:$0x1BC80] =	vst v63  }
0x57: {  	s22 =	simm.s32 $0x380  }
0x58: {  	[spmem:s2] =	stream.indirect.scatter.add.f32 [tilespmem:s21], [sflag:$0x5], $0x80, s22, s17, $0xb8;
	[tilespmem:$0x1BC80] =	vst v63  }
0x59: {  	_ =	swait.ge [sflag:s26], $0x3E80  }
0x5a: {  	s31 =	sadd.s32 $0x20, s14;
	s25 =	simm.s32 $0x4;
	[sflag:s26] =	ssyncset.done $0x0  }
0x5b: {  	s30 =	simm.s32 $0x300;
	s5 =	sxor.u32 $0xFFFFFFFF, s25;
	[sflag:s26] =	ssyncadd.s32 $0xFFFFC180  }
0x5c: {  	s20 =	simm.s32 $0x6;
	s22 =	sand.u32 $0x100, s0;
	_ =	swait.ge [sflag:s19], $0x3E80  }
0x5d: {  	s0 =	sadd.s32 $0x20, s13;
	s1 =	sor.u32 $0x80, s22;
	[sflag:s19] =	ssyncset.done $0x0  }
.LBB2_2:
0x5e: {  	s5 =	sand.u32 $0x2, s5;
	[sflag:s19] =	ssyncadd.s32 $0xFFFFC180  }
0x5f: {  	s7 =	smov.u32 s20;
	s25 =	sadd.s32 $0x2, s20;
	s8 =	smov.u32 s30  }
0x60: {  	[tilespmem:s21], [sflag:$0x2] =	stream.indirect.gather [hbm4b:s4+s17], $0x80, s1, s17, $0xb8;
	[tilespmem:$0x1BC80] =	vst v63  }
0x61: {  	p0 =	sne.s32 s20, $0x4C;
	s5 =	sshll.u32 s5, $0x7  }
0x62: {  	[tilespmem:s5], [sflag:$0x3] =	stream.linear.gather [hbm4b:s0+s3], $0x100, $0x38;
	[tilespmem:$0x1BC80] =	vst v63  }
0x63: {  	s20 =	sor.u32 $0x200, s5  }
0x64: {  	[tilespmem:s20], [sflag:$0x3] =	stream.linear.gather [hbm4b:s31+s3], $0x100, $0x38;
	[tilespmem:$0x1BC80] =	vst v63  }
0x65: {  	s20 =	sadd.s32 $0x200, s22  }
0x66: {  	[spmem:s2] =	stream.indirect.scatter.add.f32 [tilespmem:s18], [sflag:$0x4], $0x80, s20, s17, $0xb8;
	[tilespmem:$0x1BC80] =	vst v63  }
0x67: {  	_ =	swait.ge [sflag:s28], $0x3E80  }
0x68: {  	[sflag:s28] =	ssyncset.done $0x0  }
0x69: {  	[sflag:s28] =	ssyncadd.s32 $0xFFFFC180  }
0x6a: {  	_ =	swait.ge [sflag:s23], $0x100  }
0x6b: {  	[sflag:s23] =	ssyncset.done $0x0  }
0x6c: {  	[sflag:s23] =	ssyncadd.s32 $0xFFFFFF00  }
0x6d: {  	_ =	swait.ge [sflag:s23], $0x100  }
0x6e: {  	[sflag:s23] =	ssyncset.done $0x0  }
0x6f: {  	[sflag:s23] =	ssyncadd.s32 $0xFFFFFF00  }
0x70: {  	_ =	swait.ge [sflag:s24], $0x3E80  }
0x71: {  	[sflag:s24] =	ssyncset.done $0x0  }
0x72: {  	[sflag:s24] =	ssyncadd.s32 $0xFFFFC180  }
0x73: {  	[tilespmem:s18], [sflag:$0x1] =	stream.indirect.gather [hbm4b:s4+s17], $0x80, s5, s17, $0xb8;
	[tilespmem:$0x1BC80] =	vst v63  }
0x74: {  	s1 =	sadd.s32 $0x200, s1  }
0x75: {  	[spmem:s2] =	stream.indirect.scatter.add.f32 [tilespmem:s21], [sflag:$0x5], $0x80, s1, s17, $0xb8;
	[tilespmem:$0x1BC80] =	vst v63  }
.Ltmp0:
0x76: {  	_ =	swait.ge [sflag:s26], $0x3E80;
	(pc) =	sbr.rel @p0 .LBB2_2-.Ltmp0, $4  }
0x77: {  	s30 =	sadd.s32 $0x100, s30;
	[sflag:s26] =	ssyncset.done $0x0  }
0x78: {  	s0 =	sadd.s32 $0x20, s0;
	s31 =	sadd.s32 $0x20, s31;
	[sflag:s26] =	ssyncadd.s32 $0xFFFFC180  }
0x79: {  	s22 =	sand.u32 $0x100, s8;
	s20 =	smov.u32 s25;
	_ =	swait.ge [sflag:s19], $0x3E80  }
0x7a: {  	s5 =	sxor.u32 $0xFFFFFFFF, s7;
	s1 =	sor.u32 $0x80, s22;
	[sflag:s19] =	ssyncset.done $0x0  }
0x7b: {  	s5 =	sand.u32 $0x2, s5;
	[sflag:s19] =	ssyncadd.s32 $0xFFFFC180  }
0x7c: {  	[tilespmem:s21], [sflag:$0x2] =	stream.indirect.gather [hbm4b:s4+s17], $0x80, s1, s17, $0xb8;
	[tilespmem:$0x1BC80] =	vst v63  }
0x7d: {  	s5 =	sshll.u32 s5, $0x7  }
0x7e: {  	[tilespmem:s5], [sflag:$0x3] =	stream.linear.gather [hbm4b:s0+s3], $0x100, $0x38;
	[tilespmem:$0x1BC80] =	vst v63  }
0x7f: {  	s8 =	sor.u32 $0x200, s5  }
0x80: {  	[tilespmem:s8], [sflag:$0x3] =	stream.linear.gather [hbm4b:s31+s3], $0x100, $0x38;
	[tilespmem:$0x1BC80] =	vst v63  }
0x81: {  	s20 =	sadd.s32 $0x200, s22  }
0x82: {  	[spmem:s2] =	stream.indirect.scatter.add.f32 [tilespmem:s18], [sflag:$0x4], $0x80, s20, s17, $0xb8;
	[tilespmem:$0x1BC80] =	vst v63  }
0x83: {  	_ =	swait.ge [sflag:s28], $0x3E80  }
0x84: {  	[sflag:s28] =	ssyncset.done $0x0  }
0x85: {  	[sflag:s28] =	ssyncadd.s32 $0xFFFFC180  }
0x86: {  	_ =	swait.ge [sflag:s23], $0x100  }
0x87: {  	[sflag:s23] =	ssyncset.done $0x0  }
0x88: {  	[sflag:s23] =	ssyncadd.s32 $0xFFFFFF00  }
0x89: {  	_ =	swait.ge [sflag:s23], $0x100  }
0x8a: {  	[sflag:s23] =	ssyncset.done $0x0  }
0x8b: {  	[sflag:s23] =	ssyncadd.s32 $0xFFFFFF00  }
0x8c: {  	_ =	swait.ge [sflag:s24], $0x3E80  }
0x8d: {  	[sflag:s24] =	ssyncset.done $0x0  }
0x8e: {  	[sflag:s24] =	ssyncadd.s32 $0xFFFFC180  }
0x8f: {  	[tilespmem:s18], [sflag:$0x1] =	stream.indirect.gather [hbm4b:s4+s17], $0x80, s5, s17, $0xb8;
	[tilespmem:$0x1BC80] =	vst v63  }
0x90: {  	s22 =	sadd.s32 $0x200, s1  }
0x91: {  	[spmem:s2] =	stream.indirect.scatter.add.f32 [tilespmem:s21], [sflag:$0x5], $0x80, s22, s17, $0xb8;
	[tilespmem:$0x1BC80] =	vst v63  }
0x92: {  	_ =	swait.ge [sflag:s26], $0x3E80  }
0x93: {  	[sflag:s26] =	ssyncset.done $0x0  }
0x94: {  	[sflag:s26] =	ssyncadd.s32 $0xFFFFC180  }
0x95: {  	_ =	swait.ge [sflag:s19], $0x3E80  }
0x96: {  	s25 =	sand.u32 $0x100, s30;
	[sflag:s19] =	ssyncset.done $0x0  }
0x97: {  	s30 =	sor.u32 $0x80, s25;
	[sflag:s19] =	ssyncadd.s32 $0xFFFFC180  }
0x98: {  	[tilespmem:s21], [sflag:$0x2] =	stream.indirect.gather [hbm4b:s4+s17], $0x80, s30, s17, $0xb8;
	[tilespmem:$0x1BC80] =	vst v63  }
0x99: {  	s0 =	sor.u32 $0x200, s25  }
0x9a: {  	[spmem:s2] =	stream.indirect.scatter.add.f32 [tilespmem:s18], [sflag:$0x4], $0x80, s0, s17, $0xb8;
	[tilespmem:$0x1BC80] =	vst v63  }
0x9b: {  	_ =	swait.ge [sflag:s28], $0x3E80  }
0x9c: {  	[sflag:s28] =	ssyncset.done $0x0  }
0x9d: {  	[sflag:s28] =	ssyncadd.s32 $0xFFFFC180  }
0x9e: {  	_ =	swait.ge [sflag:s24], $0x3E80  }
0x9f: {  	[sflag:s24] =	ssyncset.done $0x0  }
0xa0: {  	s31 =	sor.u32 $0x200, s30;
	[sflag:s24] =	ssyncadd.s32 $0xFFFFC180  }
0xa1: {  	[spmem:s2] =	stream.indirect.scatter.add.f32 [tilespmem:s21], [sflag:$0x5], $0x80, s31, s17, $0xb8;
	[tilespmem:$0x1BC80] =	vst v63  }
0xa2: {  	_ =	swait.ge [sflag:s26], $0x3E80  }
0xa3: {  	s29 =	sadd.s32 $0x1, s29;
	[sflag:s26] =	ssyncset.done $0x0  }
0xa4: {  	p0 =	sne.s32 s29, s9;
	[sflag:s26] =	ssyncadd.s32 $0xFFFFC180  }
.Ltmp1:
0xa5: {  	[bflag:$0x0] =	sbarrier.arrive $0xFFFF;
	(pc) =	sbr.rel @p0 .LBB2_1-.Ltmp1, $4  }
0xa6: {  	[hbm:s12], [sflag:s6] =	dma.local [spmem:s15], $0x2780  }
0xa7: {  	_ =	swait.ge [sflag:s16], $0x2780  }
0xa8: {  	[sflag:s16] =	ssyncset.done $0x0  }
0xa9: {  	[sflag:s16] =	ssyncadd.s32 $0xFFFFD880  }
0xaa: {  	_ =	sfence.sel $0x180000  }
0xab: {  	[bflag:$0x0] =	sbarrier.arrive $0xFFFF  }
0xac: {  	_ =	strace $0x90000056  }
0xad: {  	s0 =	stileid.u32;
	[bflag:$0x2] =	sbarrier.arrive $0xFFFF  }
0xae: {  	p0 =	sne.s32 s0, $0x0;
	s0 =	rddreg [dreg:$0x2]  }
0xaf: {  	s0 =	sadd.s32 @!p0 $0x100000, s0  }
0xb0: {  	[sflag:s0] =	ssyncadd.tile.s32 @!p0 $0x1;
	_ =	shalt  }
.Lfunc_end2:
_tile_overlayer_lowered:
.L_overlay_start_2:
0xb1: {  	(tag) =	ssettag $0x2  }
0xb2: {  	s0 =	rddreg [dreg:$0x0];
	s2 =	stileid.u32  }
0xb3: {  	s1 =	rddreg [dreg:$0x1];
	p0 =	sne.s32 s2, $0x0  }
0xb4: {  	s3 =	rddreg [dreg:$0x2];
	[bflag:$0x3] =	sbarrier.arrive $0xFFFF;
	s2 =	simm.s32 @!p0 $0x1C06  }
0xb5: {  	[timem:s3], [sflag:s2] =	dma.local @!p0 [hbm:s0], s1  }
0xb6: {  	s0 =	simm.s32 @!p0 $0x6  }
0xb7: {  	_ =	swait.ge @!p0 [sflag:s0], s1  }
0xb8: {  	s1 =	ssub.s32 @!p0 $0x0, s1;
	[sflag:s0] =	ssyncset.done @!p0 $0x0  }
0xb9: {  	[sflag:s0] =	ssyncadd.s32 @!p0 s1  }
0xba: {  	[bflag:$0x3] =	sbarrier.arrive $0xFFFF  }
0xbb: {  	_ =	shalt  }

</sc_bundles>
